<compile_context>
chip_gen: v7x
topology: tpu7x:2x2x1
jax: 0.10.2.dev20260603
libtpu: 0.0.44.dev20260713+nightly
codegen_flags: <defaults>
</compile_context>

<pallas_src>
import jax
import jax.numpy as jnp
from jax import lax
from jax.experimental import pallas as pl
from jax.experimental.pallas import tpu as pltpu
from jax.experimental.pallas import tpu_sc as plsc

NC = 2
NS = 16
L = 16
NW = NC * NS
B = 16384
D = 64
V = 1000000
BLK = 128
BPW = B // NW
NBUF = 8
NB_I = 4


def _body(user_hbm, item_hbm, ut_hbm, it_hbm, w_hbm, out_hbm,
          uidx_v, iidx_v, w_v, out_v, ubuf, slv, sbuf, *sems):
    wid = lax.axis_index("s") * NC + lax.axis_index("c")
    sid = lax.axis_index("s")
    base = wid * BPW

    pltpu.sync_copy(user_hbm.at[pl.ds(base, BPW)],
                    uidx_v.at[pl.ds(0, BPW)])
    pltpu.sync_copy(item_hbm.at[pl.ds(base, BPW)],
                    iidx_v.at[pl.ds(0, BPW)])
    pltpu.sync_copy(w_hbm, w_v)

    sems_u = sems[:NBUF]
    sems_i = sems[NBUF:]
    lane = lax.iota(jnp.int32, L)
    wvecs = [w_v[pl.ds(c * L, L)] for c in range(D // L)]

    def get_scalar(ref, j):
        return ref[pl.ds(j, L)][0]

    def start_u(j, slot):
        u = get_scalar(uidx_v, j)
        ub = (u // BLK) * BLK
        pltpu.async_copy(ut_hbm.at[pl.ds(0, D), pl.ds(ub, BLK)],
                         ubuf.at[slot], sems_u[slot])

    def start_i(j, slot):
        i = get_scalar(iidx_v, j)
        ib = (i // BLK) * BLK
        pltpu.async_copy(it_hbm.at[pl.ds(0, D), pl.ds(ib, BLK)],
                         sbuf.at[sid, slot], sems_i[slot])

    def wait_u(slot):
        pltpu.make_async_copy(ut_hbm.at[pl.ds(0, D), pl.ds(0, BLK)],
                              ubuf.at[slot], sems_u[slot]).wait()

    def wait_i(slot):
        pltpu.make_async_copy(it_hbm.at[pl.ds(0, D), pl.ds(0, BLK)],
                              sbuf.at[sid, slot], sems_i[slot]).wait()

    def compute(j, slot, islot, vec):
        u = get_scalar(uidx_v, j)
        i = get_scalar(iidx_v, j)
        c16 = (i % BLK) // L * L
        pltpu.sync_copy(sbuf.at[sid, islot, pl.ds(0, D), pl.ds(c16, L)],
                        slv.at[pl.ds(0, D), pl.ds(slot * L, L)])
        ucol = jnp.zeros((L,), jnp.int32) + (u % BLK)
        icol = jnp.zeros((L,), jnp.int32) + (slot * L + (i % L))
        sl = jnp.full((L,), slot, jnp.int32)
        acc = jnp.zeros((L,), jnp.float32)
        for c in range(D // L):
            rows = c * L + lane
            uv = plsc.load_gather(ubuf, [sl, rows, ucol])
            iv = plsc.load_gather(slv, [rows, icol])
            acc = acc + uv * iv * wvecs[c]
        s_val = jnp.sum(acc)
        return jnp.where(lane == (j % L), s_val, vec)

    for j in range(NBUF - 1):
        start_u(j, j)
    for j in range(NB_I - 1):
        start_i(j, j)

    def outer(k, vec):
        for s in range(NBUF):
            j = k * NBUF + s
            jju = j + NBUF - 1
            jji = j + NB_I - 1

            @pl.when(jju < BPW)
            def _():
                start_u(jju, (s + NBUF - 1) % NBUF)

            @pl.when(jji < BPW)
            def _():
                start_i(jji, (s + NB_I - 1) % NB_I)

            wait_u(s)
            wait_i(s % NB_I)
            vec = compute(j, s, s % NB_I, vec)

            @pl.when(j % L == L - 1)
            def _():
                out_v[pl.ds((j // L) * L, L)] = vec
        return vec

    lax.fori_loop(0, BPW // NBUF, outer, jnp.zeros((L,), jnp.float32))
    pltpu.sync_copy(out_v, out_hbm.at[pl.ds(base, BPW)])


@jax.jit
def _run(user, item, ut, it, w):
    mesh = plsc.VectorSubcoreMesh(core_axis_name="c", subcore_axis_name="s",
                                  num_cores=NC, num_subcores=NS)
    f = pl.kernel(
        _body,
        out_type=jax.ShapeDtypeStruct((B,), jnp.float32),
        mesh=mesh,
        scratch_types=[
            pltpu.VMEM((BPW + L,), jnp.int32),
            pltpu.VMEM((BPW + L,), jnp.int32),
            pltpu.VMEM((D,), jnp.float32),
            pltpu.VMEM((BPW,), jnp.float32),
            pltpu.VMEM((NBUF, D, BLK), jnp.float32),
            pltpu.VMEM((D, NBUF * L), jnp.float32),
            pltpu.VMEM_SHARED((NS, NB_I, D, BLK), jnp.float32),
        ] + [pltpu.SemaphoreType.DMA] * (NBUF + NB_I),
        compiler_params=pltpu.CompilerParams(needs_layout_passes=False,
                                             use_tc_tiling_on_sc=True),
    )
    return f(user, item, ut, it, w)


def kernel(user, item, embed_user_weight, embed_item_weight, predict_layer):
    user = user.astype(jnp.int32)
    item = item.astype(jnp.int32)
    ut = embed_user_weight.T
    it = embed_item_weight.T
    w = predict_layer.reshape(-1).astype(jnp.float32)
    return _run(user, item, ut, it, w)

# --- scband reference (transcript-rebuilt; emitter-appended) ---
"""Pipeline reference for scband-model-class-54434415509849 (READ-ONLY COPY).

The authoritative reference and input builder live on the scoring server;
editing this copy changes nothing except your own understanding.
"""

import jax, jax.numpy as jnp
import numpy as np

USER_NUM = 1000000
ITEM_NUM = 1000000
FACTOR_NUM = 64
BATCH = 16384

def setup_inputs(seed: int = 0) -> dict:
    key = jax.random.key(seed)
    k_user, k_item, k_eu, k_ei = jax.random.split(key, 4)
    user = jax.random.randint(k_user, (BATCH,), 0, USER_NUM, dtype=jnp.int64 if jax.config.jax_enable_x64 else jnp.int32)
    item = jax.random.randint(k_item, (BATCH,), 0, ITEM_NUM, dtype=jnp.int64 if jax.config.jax_enable_x64 else jnp.int32)
    embed_user_weight = 0.01 * jax.random.normal(k_eu, (USER_NUM, FACTOR_NUM), dtype=jnp.float32)
    embed_item_weight = 0.01 * jax.random.normal(k_ei, (ITEM_NUM, FACTOR_NUM), dtype=jnp.float32)
    predict_layer = jnp.ones((FACTOR_NUM, 1), dtype=jnp.float32)
    return {
        "user": user,
        "item": item,
        "embed_user_weight": embed_user_weight,
        "embed_item_weight": embed_item_weight,
        "predict_layer": predict_layer,
    }

def reference(user, item, embed_user_weight, embed_item_weight, predict_layer):
    # embedding lookups (gather)
    embed_user = jnp.take(embed_user_weight, user, axis=0)   # [B, F]
    embed_item = jnp.take(embed_item_weight, item, axis=0)   # [B, F]
    output_GMF = embed_user * embed_item                     # [B, F]
    prediction = jnp.matmul(output_GMF, predict_layer)       # [B, 1]
    return prediction.reshape(-1)                            # [B]

if __name__ == "__main__":
    import jax
    _d = setup_inputs()
    print(jax.jit(kernel)(*tuple(_d.values())))

</pallas_src>

<mosaic_0001>
#map = affine_map<(d0, d1) -> (0)>
#map1 = affine_map<(d0, d1) -> (0, 0)>
module attributes {stable_mosaic.version = 14 : i64} {
  func.func @_body(%arg0: i32, %arg1: i32, %arg2: memref<16384xi32, #tpu.memory_space<hbm>>, %arg3: memref<16384xi32, #tpu.memory_space<hbm>>, %arg4: memref<64x1000000xf32, #tpu.memory_space<hbm>>, %arg5: memref<64x1000000xf32, #tpu.memory_space<hbm>>, %arg6: memref<64xf32, #tpu.memory_space<hbm>>, %arg7: memref<16384xf32, #tpu.memory_space<hbm>>, %arg8: memref<528xi32, #tpu.memory_space<vmem>>, %arg9: memref<528xi32, #tpu.memory_space<vmem>>, %arg10: memref<64xf32, #tpu.memory_space<vmem>>, %arg11: memref<512xf32, #tpu.memory_space<vmem>>, %arg12: memref<8x64x128xf32, #tpu.memory_space<vmem>>, %arg13: memref<64x128xf32, #tpu.memory_space<vmem>>, %arg14: memref<16x4x64x128xf32, #tpu.memory_space<vmem_shared>>, %arg15: memref<!tpu.dma_semaphore, #tpu.memory_space<semaphore_mem>>, %arg16: memref<!tpu.dma_semaphore, #tpu.memory_space<semaphore_mem>>, %arg17: memref<!tpu.dma_semaphore, #tpu.memory_space<semaphore_mem>>, %arg18: memref<!tpu.dma_semaphore, #tpu.memory_space<semaphore_mem>>, %arg19: memref<!tpu.dma_semaphore, #tpu.memory_space<semaphore_mem>>, %arg20: memref<!tpu.dma_semaphore, #tpu.memory_space<semaphore_mem>>, %arg21: memref<!tpu.dma_semaphore, #tpu.memory_space<semaphore_mem>>, %arg22: memref<!tpu.dma_semaphore, #tpu.memory_space<semaphore_mem>>, %arg23: memref<!tpu.dma_semaphore, #tpu.memory_space<semaphore_mem>>, %arg24: memref<!tpu.dma_semaphore, #tpu.memory_space<semaphore_mem>>, %arg25: memref<!tpu.dma_semaphore, #tpu.memory_space<semaphore_mem>>, %arg26: memref<!tpu.dma_semaphore, #tpu.memory_space<semaphore_mem>>) attributes {dimension_semantics = [#tpu.dimension_semantics<core_parallel>, #tpu.dimension_semantics<subcore_parallel>], iteration_bounds = array<i64: 2, 16>, scalar_prefetch = 0 : i64, scratch_operands = 19 : i64, tpu.core_type = #tpu.core_type<sc_vector_subcore>, window_params = [{transform_indices = #map}, {transform_indices = #map}, {transform_indices = #map1}, {transform_indices = #map1}, {transform_indices = #map}, {transform_indices = #map}]} {
    %mul3A = arith.constant 2 : i32
    %mul3A_0 = arith.muli %arg1, %mul3A : i32
    %add3A = arith.addi %mul3A_0, %arg0 : i32
    %mul3A_1 = arith.constant 512 : i32
    %mul3A_2 = arith.muli %add3A, %mul3A_1 : i32
    "tpu.region"() ({
      %run_scoped3A = tpu.sem_alloc : memref<!tpu.dma_semaphore, #tpu.memory_space<semaphore_mem>>
      %dma_start3A_417 = arith.constant 0 : i32
      %dma_start3A_418 = tpu.memref_slice %arg8[%dma_start3A_417] : memref<528xi32, #tpu.memory_space<vmem>> -> memref<512xi32, #tpu.memory_space<vmem>>
      %dma_start3A_419 = tpu.memref_slice %arg2[%mul3A_2] : memref<16384xi32, #tpu.memory_space<hbm>> -> memref<512xi32, #tpu.memory_space<hbm>>
      %dma_start3A_420 = arith.constant 0 : i32
      %dma_start3A_421 = tpu.memref_slice %arg8[%dma_start3A_420] : memref<528xi32, #tpu.memory_space<vmem>> -> memref<512xi32, #tpu.memory_space<vmem>>
      %dma_start3A_422 = tpu.memref_slice %arg2[%mul3A_2] : memref<16384xi32, #tpu.memory_space<hbm>> -> memref<512xi32, #tpu.memory_space<hbm>>
      tpu.enqueue_dma source(%dma_start3A_422 : memref<512xi32, #tpu.memory_space<hbm>>) target(%dma_start3A_421 : memref<512xi32, #tpu.memory_space<vmem>>) target_semaphore(%run_scoped3A : memref<!tpu.dma_semaphore, #tpu.memory_space<semaphore_mem>>)
      %dma_wait3A = arith.constant 0 : i32
      %dma_wait3A_423 = tpu.memref_slice %arg8[%dma_wait3A] : memref<528xi32, #tpu.memory_space<vmem>> -> memref<512xi32, #tpu.memory_space<vmem>>
      %dma_wait3A_424 = tpu.memref_slice %arg2[%mul3A_2] : memref<16384xi32, #tpu.memory_space<hbm>> -> memref<512xi32, #tpu.memory_space<hbm>>
      %dma_wait3A_425 = arith.constant 0 : i32
      %dma_wait3A_426 = tpu.memref_slice %arg8[%dma_wait3A_425] : memref<528xi32, #tpu.memory_space<vmem>> -> memref<512xi32, #tpu.memory_space<vmem>>
      %dma_wait3A_427 = tpu.memref_slice %arg2[%mul3A_2] : memref<16384xi32, #tpu.memory_space<hbm>> -> memref<512xi32, #tpu.memory_space<hbm>>
      tpu.wait_dma2 semaphore(%run_scoped3A : memref<!tpu.dma_semaphore, #tpu.memory_space<semaphore_mem>>) src(%dma_wait3A_427 : memref<512xi32, #tpu.memory_space<hbm>>) dst(%dma_wait3A_426 : memref<512xi32, #tpu.memory_space<vmem>>)
      tpu.yield
    }) : () -> ()
    "tpu.region"() ({
      %run_scoped3A = tpu.sem_alloc : memref<!tpu.dma_semaphore, #tpu.memory_space<semaphore_mem>>
      %dma_start3A_417 = arith.constant 0 : i32
      %dma_start3A_418 = tpu.memref_slice %arg9[%dma_start3A_417] : memref<528xi32, #tpu.memory_space<vmem>> -> memref<512xi32, #tpu.memory_space<vmem>>
      %dma_start3A_419 = tpu.memref_slice %arg3[%mul3A_2] : memref<16384xi32, #tpu.memory_space<hbm>> -> memref<512xi32, #tpu.memory_space<hbm>>
      %dma_start3A_420 = arith.constant 0 : i32
      %dma_start3A_421 = tpu.memref_slice %arg9[%dma_start3A_420] : memref<528xi32, #tpu.memory_space<vmem>> -> memref<512xi32, #tpu.memory_space<vmem>>
      %dma_start3A_422 = tpu.memref_slice %arg3[%mul3A_2] : memref<16384xi32, #tpu.memory_space<hbm>> -> memref<512xi32, #tpu.memory_space<hbm>>
      tpu.enqueue_dma source(%dma_start3A_422 : memref<512xi32, #tpu.memory_space<hbm>>) target(%dma_start3A_421 : memref<512xi32, #tpu.memory_space<vmem>>) target_semaphore(%run_scoped3A : memref<!tpu.dma_semaphore, #tpu.memory_space<semaphore_mem>>)
      %dma_wait3A = arith.constant 0 : i32
      %dma_wait3A_423 = tpu.memref_slice %arg9[%dma_wait3A] : memref<528xi32, #tpu.memory_space<vmem>> -> memref<512xi32, #tpu.memory_space<vmem>>
      %dma_wait3A_424 = tpu.memref_slice %arg3[%mul3A_2] : memref<16384xi32, #tpu.memory_space<hbm>> -> memref<512xi32, #tpu.memory_space<hbm>>
      %dma_wait3A_425 = arith.constant 0 : i32
      %dma_wait3A_426 = tpu.memref_slice %arg9[%dma_wait3A_425] : memref<528xi32, #tpu.memory_space<vmem>> -> memref<512xi32, #tpu.memory_space<vmem>>
      %dma_wait3A_427 = tpu.memref_slice %arg3[%mul3A_2] : memref<16384xi32, #tpu.memory_space<hbm>> -> memref<512xi32, #tpu.memory_space<hbm>>
      tpu.wait_dma2 semaphore(%run_scoped3A : memref<!tpu.dma_semaphore, #tpu.memory_space<semaphore_mem>>) src(%dma_wait3A_427 : memref<512xi32, #tpu.memory_space<hbm>>) dst(%dma_wait3A_426 : memref<512xi32, #tpu.memory_space<vmem>>)
      tpu.yield
    }) : () -> ()
    "tpu.region"() ({
      %run_scoped3A = tpu.sem_alloc : memref<!tpu.dma_semaphore, #tpu.memory_space<semaphore_mem>>
      tpu.enqueue_dma source(%arg6 : memref<64xf32, #tpu.memory_space<hbm>>) target(%arg10 : memref<64xf32, #tpu.memory_space<vmem>>) target_semaphore(%run_scoped3A : memref<!tpu.dma_semaphore, #tpu.memory_space<semaphore_mem>>)
      tpu.wait_dma2 semaphore(%run_scoped3A : memref<!tpu.dma_semaphore, #tpu.memory_space<semaphore_mem>>) src(%arg6 : memref<64xf32, #tpu.memory_space<hbm>>) dst(%arg10 : memref<64xf32, #tpu.memory_space<vmem>>)
      tpu.yield
    }) : () -> ()
    %iota3A = tpu.iota {dimensions = array<i32: 0>} : vector<16xi32>
    %get3A = arith.constant 0 : index
    %get3A_3 = tpu.vector_load %arg10[%get3A] {strides = array<i32>} : memref<64xf32, #tpu.memory_space<vmem>>, vector<16xf32>,
    %get3A_4 = arith.constant 16 : index
    %get3A_5 = tpu.vector_load %arg10[%get3A_4] {strides = array<i32>} : memref<64xf32, #tpu.memory_space<vmem>>, vector<16xf32>,
    %get3A_6 = arith.constant 32 : index
    %get3A_7 = tpu.vector_load %arg10[%get3A_6] {strides = array<i32>} : memref<64xf32, #tpu.memory_space<vmem>>, vector<16xf32>,
    %get3A_8 = arith.constant 48 : index
    %get3A_9 = tpu.vector_load %arg10[%get3A_8] {strides = array<i32>} : memref<64xf32, #tpu.memory_space<vmem>>, vector<16xf32>,
    %get3A_10 = arith.constant 0 : index
    %get3A_11 = tpu.vector_load %arg8[%get3A_10] {strides = array<i32>} : memref<528xi32, #tpu.memory_space<vmem>>, vector<16xi32>,
    %slice3A = vector.extract_strided_slice %get3A_11 {offsets = [0], sizes = [1], strides = [1]} : vector<16xi32> to vector<1xi32>
    %squeeze3A = vector.extract %slice3A[0] : i32 from vector<1xi32>
    %jit3A = arith.constant 128 : i32
    %div3A = arith.divsi %squeeze3A, %jit3A : i32
    %sign3A = arith.constant 0 : i32
    %sign3A_12 = arith.cmpi sgt, %squeeze3A, %sign3A : i32
    %sign3A_13 = arith.extui %sign3A_12 : i1 to i32
    %sign3A_14 = arith.constant 0 : i32
    %sign3A_15 = arith.cmpi slt, %squeeze3A, %sign3A_14 : i32
    %sign3A_16 = arith.extui %sign3A_15 : i1 to i32
    %sign3A_17 = arith.subi %sign3A_13, %sign3A_16 : i32
    %sign3A_18 = arith.constant 0 : i32
    %sign3A_19 = arith.cmpi sgt, %jit3A, %sign3A_18 : i32
    %sign3A_20 = arith.extui %sign3A_19 : i1 to i32
    %sign3A_21 = arith.constant 0 : i32
    %sign3A_22 = arith.cmpi slt, %jit3A, %sign3A_21 : i32
    %sign3A_23 = arith.extui %sign3A_22 : i1 to i32
    %sign3A_24 = arith.subi %sign3A_20, %sign3A_23 : i32
    %ne3A = arith.cmpi ne, %sign3A_17, %sign3A_24 : i32
    %rem3A = arith.remsi %squeeze3A, %jit3A : i32
    %ne3A_25 = arith.constant 0 : i32
    %ne3A_26 = arith.cmpi ne, %rem3A, %ne3A_25 : i32
    %and3A = arith.andi %ne3A, %ne3A_26 : i1
    %sub3A = arith.constant 1 : i32
    %sub3A_27 = arith.subi %div3A, %sub3A : i32
    %select_n3A = arith.select %and3A, %sub3A_27, %div3A : i32
    %mul3A_28 = arith.constant 128 : i32
    %mul3A_29 = arith.muli %select_n3A, %mul3A_28 : i32
    %dma_start3A = arith.constant 0 : i32
    %dma_start3A_30 = arith.constant 0 : i32
    %dma_start3A_31 = arith.constant 0 : i32
    %dma_start3A_32 = tpu.memref_slice %arg12[%dma_start3A, %dma_start3A_30, %dma_start3A_31] : memref<8x64x128xf32, #tpu.memory_space<vmem>> -> memref<1x64x128xf32, #tpu.memory_space<vmem>>
    %dma_start3A_33 = tpu.memref_squeeze %dma_start3A_32 : memref<1x64x128xf32, #tpu.memory_space<vmem>> -> memref<64x128xf32, #tpu.memory_space<vmem>>
    %dma_start3A_34 = arith.constant 0 : i32
    %dma_start3A_35 = tpu.memref_slice %arg4[%dma_start3A_34, %mul3A_29] : memref<64x1000000xf32, #tpu.memory_space<hbm>> -> memref<64x128xf32, #tpu.memory_space<hbm>>
    %dma_start3A_36 = arith.constant 0 : i32
    %dma_start3A_37 = arith.constant 0 : i32
    %dma_start3A_38 = tpu.memref_slice %arg12[%dma_start3A, %dma_start3A_36, %dma_start3A_37] : memref<8x64x128xf32, #tpu.memory_space<vmem>> -> memref<1x64x128xf32, #tpu.memory_space<vmem>>
    %dma_start3A_39 = tpu.memref_squeeze %dma_start3A_38 : memref<1x64x128xf32, #tpu.memory_space<vmem>> -> memref<64x128xf32, #tpu.memory_space<vmem>>
    %dma_start3A_40 = arith.constant 0 : i32
    %dma_start3A_41 = tpu.memref_slice %arg4[%dma_start3A_40, %mul3A_29] : memref<64x1000000xf32, #tpu.memory_space<hbm>> -> memref<64x128xf32, #tpu.memory_space<hbm>>
    tpu.enqueue_dma source(%dma_start3A_41 : memref<64x128xf32, #tpu.memory_space<hbm>>) target(%dma_start3A_39 : memref<64x128xf32, #tpu.memory_space<vmem>>) target_semaphore(%arg15 : memref<!tpu.dma_semaphore, #tpu.memory_space<semaphore_mem>>)
    %get3A_42 = arith.constant 1 : index
    %get3A_43 = tpu.vector_load %arg8[%get3A_42] {strides = array<i32>} : memref<528xi32, #tpu.memory_space<vmem>>, vector<16xi32>,
    %slice3A_44 = vector.extract_strided_slice %get3A_43 {offsets = [0], sizes = [1], strides = [1]} : vector<16xi32> to vector<1xi32>
    %squeeze3A_45 = vector.extract %slice3A_44[0] : i32 from vector<1xi32>
    %jit3A_46 = arith.constant 128 : i32
    %div3A_47 = arith.divsi %squeeze3A_45, %jit3A_46 : i32
    %sign3A_48 = arith.constant 0 : i32
    %sign3A_49 = arith.cmpi sgt, %squeeze3A_45, %sign3A_48 : i32
    %sign3A_50 = arith.extui %sign3A_49 : i1 to i32
    %sign3A_51 = arith.constant 0 : i32
    %sign3A_52 = arith.cmpi slt, %squeeze3A_45, %sign3A_51 : i32
    %sign3A_53 = arith.extui %sign3A_52 : i1 to i32
    %sign3A_54 = arith.subi %sign3A_50, %sign3A_53 : i32
    %sign3A_55 = arith.constant 0 : i32
    %sign3A_56 = arith.cmpi sgt, %jit3A_46, %sign3A_55 : i32
    %sign3A_57 = arith.extui %sign3A_56 : i1 to i32
    %sign3A_58 = arith.constant 0 : i32
    %sign3A_59 = arith.cmpi slt, %jit3A_46, %sign3A_58 : i32
    %sign3A_60 = arith.extui %sign3A_59 : i1 to i32
    %sign3A_61 = arith.subi %sign3A_57, %sign3A_60 : i32
    %ne3A_62 = arith.cmpi ne, %sign3A_54, %sign3A_61 : i32
    %rem3A_63 = arith.remsi %squeeze3A_45, %jit3A_46 : i32
    %ne3A_64 = arith.constant 0 : i32
    %ne3A_65 = arith.cmpi ne, %rem3A_63, %ne3A_64 : i32
    %and3A_66 = arith.andi %ne3A_62, %ne3A_65 : i1
    %sub3A_67 = arith.constant 1 : i32
    %sub3A_68 = arith.subi %div3A_47, %sub3A_67 : i32
    %select_n3A_69 = arith.select %and3A_66, %sub3A_68, %div3A_47 : i32
    %mul3A_70 = arith.constant 128 : i32
    %mul3A_71 = arith.muli %select_n3A_69, %mul3A_70 : i32
    %dma_start3A_72 = arith.constant 1 : i32
    %dma_start3A_73 = arith.constant 0 : i32
    %dma_start3A_74 = arith.constant 0 : i32
    %dma_start3A_75 = tpu.memref_slice %arg12[%dma_start3A_72, %dma_start3A_73, %dma_start3A_74] : memref<8x64x128xf32, #tpu.memory_space<vmem>> -> memref<1x64x128xf32, #tpu.memory_space<vmem>>
    %dma_start3A_76 = tpu.memref_squeeze %dma_start3A_75 : memref<1x64x128xf32, #tpu.memory_space<vmem>> -> memref<64x128xf32, #tpu.memory_space<vmem>>
    %dma_start3A_77 = arith.constant 0 : i32
    %dma_start3A_78 = tpu.memref_slice %arg4[%dma_start3A_77, %mul3A_71] : memref<64x1000000xf32, #tpu.memory_space<hbm>> -> memref<64x128xf32, #tpu.memory_space<hbm>>
    %dma_start3A_79 = arith.constant 0 : i32
    %dma_start3A_80 = arith.constant 0 : i32
    %dma_start3A_81 = tpu.memref_slice %arg12[%dma_start3A_72, %dma_start3A_79, %dma_start3A_80] : memref<8x64x128xf32, #tpu.memory_space<vmem>> -> memref<1x64x128xf32, #tpu.memory_space<vmem>>
    %dma_start3A_82 = tpu.memref_squeeze %dma_start3A_81 : memref<1x64x128xf32, #tpu.memory_space<vmem>> -> memref<64x128xf32, #tpu.memory_space<vmem>>
    %dma_start3A_83 = arith.constant 0 : i32
    %dma_start3A_84 = tpu.memref_slice %arg4[%dma_start3A_83, %mul3A_71] : memref<64x1000000xf32, #tpu.memory_space<hbm>> -> memref<64x128xf32, #tpu.memory_space<hbm>>
    tpu.enqueue_dma source(%dma_start3A_84 : memref<64x128xf32, #tpu.memory_space<hbm>>) target(%dma_start3A_82 : memref<64x128xf32, #tpu.memory_space<vmem>>) target_semaphore(%arg16 : memref<!tpu.dma_semaphore, #tpu.memory_space<semaphore_mem>>)
    %get3A_85 = arith.constant 2 : index
    %get3A_86 = tpu.vector_load %arg8[%get3A_85] {strides = array<i32>} : memref<528xi32, #tpu.memory_space<vmem>>, vector<16xi32>,
    %slice3A_87 = vector.extract_strided_slice %get3A_86 {offsets = [0], sizes = [1], strides = [1]} : vector<16xi32> to vector<1xi32>
    %squeeze3A_88 = vector.extract %slice3A_87[0] : i32 from vector<1xi32>
    %jit3A_89 = arith.constant 128 : i32
    %div3A_90 = arith.divsi %squeeze3A_88, %jit3A_89 : i32
    %sign3A_91 = arith.constant 0 : i32
    %sign3A_92 = arith.cmpi sgt, %squeeze3A_88, %sign3A_91 : i32
    %sign3A_93 = arith.extui %sign3A_92 : i1 to i32
    %sign3A_94 = arith.constant 0 : i32
    %sign3A_95 = arith.cmpi slt, %squeeze3A_88, %sign3A_94 : i32
    %sign3A_96 = arith.extui %sign3A_95 : i1 to i32
    %sign3A_97 = arith.subi %sign3A_93, %sign3A_96 : i32
    %sign3A_98 = arith.constant 0 : i32
    %sign3A_99 = arith.cmpi sgt, %jit3A_89, %sign3A_98 : i32
    %sign3A_100 = arith.extui %sign3A_99 : i1 to i32
    %sign3A_101 = arith.constant 0 : i32
    %sign3A_102 = arith.cmpi slt, %jit3A_89, %sign3A_101 : i32
    %sign3A_103 = arith.extui %sign3A_102 : i1 to i32
    %sign3A_104 = arith.subi %sign3A_100, %sign3A_103 : i32
    %ne3A_105 = arith.cmpi ne, %sign3A_97, %sign3A_104 : i32
    %rem3A_106 = arith.remsi %squeeze3A_88, %jit3A_89 : i32
    %ne3A_107 = arith.constant 0 : i32
    %ne3A_108 = arith.cmpi ne, %rem3A_106, %ne3A_107 : i32
    %and3A_109 = arith.andi %ne3A_105, %ne3A_108 : i1
    %sub3A_110 = arith.constant 1 : i32
    %sub3A_111 = arith.subi %div3A_90, %sub3A_110 : i32
    %select_n3A_112 = arith.select %and3A_109, %sub3A_111, %div3A_90 : i32
    %mul3A_113 = arith.constant 128 : i32
    %mul3A_114 = arith.muli %select_n3A_112, %mul3A_113 : i32
    %dma_start3A_115 = arith.constant 2 : i32
    %dma_start3A_116 = arith.constant 0 : i32
    %dma_start3A_117 = arith.constant 0 : i32
    %dma_start3A_118 = tpu.memref_slice %arg12[%dma_start3A_115, %dma_start3A_116, %dma_start3A_117] : memref<8x64x128xf32, #tpu.memory_space<vmem>> -> memref<1x64x128xf32, #tpu.memory_space<vmem>>
    %dma_start3A_119 = tpu.memref_squeeze %dma_start3A_118 : memref<1x64x128xf32, #tpu.memory_space<vmem>> -> memref<64x128xf32, #tpu.memory_space<vmem>>
    %dma_start3A_120 = arith.constant 0 : i32
    %dma_start3A_121 = tpu.memref_slice %arg4[%dma_start3A_120, %mul3A_114] : memref<64x1000000xf32, #tpu.memory_space<hbm>> -> memref<64x128xf32, #tpu.memory_space<hbm>>
    %dma_start3A_122 = arith.constant 0 : i32
    %dma_start3A_123 = arith.constant 0 : i32
    %dma_start3A_124 = tpu.memref_slice %arg12[%dma_start3A_115, %dma_start3A_122, %dma_start3A_123] : memref<8x64x128xf32, #tpu.memory_space<vmem>> -> memref<1x64x128xf32, #tpu.memory_space<vmem>>
    %dma_start3A_125 = tpu.memref_squeeze %dma_start3A_124 : memref<1x64x128xf32, #tpu.memory_space<vmem>> -> memref<64x128xf32, #tpu.memory_space<vmem>>
    %dma_start3A_126 = arith.constant 0 : i32
    %dma_start3A_127 = tpu.memref_slice %arg4[%dma_start3A_126, %mul3A_114] : memref<64x1000000xf32, #tpu.memory_space<hbm>> -> memref<64x128xf32, #tpu.memory_space<hbm>>
    tpu.enqueue_dma source(%dma_start3A_127 : memref<64x128xf32, #tpu.memory_space<hbm>>) target(%dma_start3A_125 : memref<64x128xf32, #tpu.memory_space<vmem>>) target_semaphore(%arg17 : memref<!tpu.dma_semaphore, #tpu.memory_space<semaphore_mem>>)
    %get3A_128 = arith.constant 3 : index
    %get3A_129 = tpu.vector_load %arg8[%get3A_128] {strides = array<i32>} : memref<528xi32, #tpu.memory_space<vmem>>, vector<16xi32>,
    %slice3A_130 = vector.extract_strided_slice %get3A_129 {offsets = [0], sizes = [1], strides = [1]} : vector<16xi32> to vector<1xi32>
    %squeeze3A_131 = vector.extract %slice3A_130[0] : i32 from vector<1xi32>
    %jit3A_132 = arith.constant 128 : i32
    %div3A_133 = arith.divsi %squeeze3A_131, %jit3A_132 : i32
    %sign3A_134 = arith.constant 0 : i32
    %sign3A_135 = arith.cmpi sgt, %squeeze3A_131, %sign3A_134 : i32
    %sign3A_136 = arith.extui %sign3A_135 : i1 to i32
    %sign3A_137 = arith.constant 0 : i32
    %sign3A_138 = arith.cmpi slt, %squeeze3A_131, %sign3A_137 : i32
    %sign3A_139 = arith.extui %sign3A_138 : i1 to i32
    %sign3A_140 = arith.subi %sign3A_136, %sign3A_139 : i32
    %sign3A_141 = arith.constant 0 : i32
    %sign3A_142 = arith.cmpi sgt, %jit3A_132, %sign3A_141 : i32
    %sign3A_143 = arith.extui %sign3A_142 : i1 to i32
    %sign3A_144 = arith.constant 0 : i32
    %sign3A_145 = arith.cmpi slt, %jit3A_132, %sign3A_144 : i32
    %sign3A_146 = arith.extui %sign3A_145 : i1 to i32
    %sign3A_147 = arith.subi %sign3A_143, %sign3A_146 : i32
    %ne3A_148 = arith.cmpi ne, %sign3A_140, %sign3A_147 : i32
    %rem3A_149 = arith.remsi %squeeze3A_131, %jit3A_132 : i32
    %ne3A_150 = arith.constant 0 : i32
    %ne3A_151 = arith.cmpi ne, %rem3A_149, %ne3A_150 : i32
    %and3A_152 = arith.andi %ne3A_148, %ne3A_151 : i1
    %sub3A_153 = arith.constant 1 : i32
    %sub3A_154 = arith.subi %div3A_133, %sub3A_153 : i32
    %select_n3A_155 = arith.select %and3A_152, %sub3A_154, %div3A_133 : i32
    %mul3A_156 = arith.constant 128 : i32
    %mul3A_157 = arith.muli %select_n3A_155, %mul3A_156 : i32
    %dma_start3A_158 = arith.constant 3 : i32
    %dma_start3A_159 = arith.constant 0 : i32
    %dma_start3A_160 = arith.constant 0 : i32
    %dma_start3A_161 = tpu.memref_slice %arg12[%dma_start3A_158, %dma_start3A_159, %dma_start3A_160] : memref<8x64x128xf32, #tpu.memory_space<vmem>> -> memref<1x64x128xf32, #tpu.memory_space<vmem>>
    %dma_start3A_162 = tpu.memref_squeeze %dma_start3A_161 : memref<1x64x128xf32, #tpu.memory_space<vmem>> -> memref<64x128xf32, #tpu.memory_space<vmem>>
    %dma_start3A_163 = arith.constant 0 : i32
    %dma_start3A_164 = tpu.memref_slice %arg4[%dma_start3A_163, %mul3A_157] : memref<64x1000000xf32, #tpu.memory_space<hbm>> -> memref<64x128xf32, #tpu.memory_space<hbm>>
    %dma_start3A_165 = arith.constant 0 : i32
    %dma_start3A_166 = arith.constant 0 : i32
    %dma_start3A_167 = tpu.memref_slice %arg12[%dma_start3A_158, %dma_start3A_165, %dma_start3A_166] : memref<8x64x128xf32, #tpu.memory_space<vmem>> -> memref<1x64x128xf32, #tpu.memory_space<vmem>>
    %dma_start3A_168 = tpu.memref_squeeze %dma_start3A_167 : memref<1x64x128xf32, #tpu.memory_space<vmem>> -> memref<64x128xf32, #tpu.memory_space<vmem>>
    %dma_start3A_169 = arith.constant 0 : i32
    %dma_start3A_170 = tpu.memref_slice %arg4[%dma_start3A_169, %mul3A_157] : memref<64x1000000xf32, #tpu.memory_space<hbm>> -> memref<64x128xf32, #tpu.memory_space<hbm>>
    tpu.enqueue_dma source(%dma_start3A_170 : memref<64x128xf32, #tpu.memory_space<hbm>>) target(%dma_start3A_168 : memref<64x128xf32, #tpu.memory_space<vmem>>) target_semaphore(%arg18 : memref<!tpu.dma_semaphore, #tpu.memory_space<semaphore_mem>>)
    %get3A_171 = arith.constant 4 : index
    %get3A_172 = tpu.vector_load %arg8[%get3A_171] {strides = array<i32>} : memref<528xi32, #tpu.memory_space<vmem>>, vector<16xi32>,
    %slice3A_173 = vector.extract_strided_slice %get3A_172 {offsets = [0], sizes = [1], strides = [1]} : vector<16xi32> to vector<1xi32>
    %squeeze3A_174 = vector.extract %slice3A_173[0] : i32 from vector<1xi32>
    %jit3A_175 = arith.constant 128 : i32
    %div3A_176 = arith.divsi %squeeze3A_174, %jit3A_175 : i32
    %sign3A_177 = arith.constant 0 : i32
    %sign3A_178 = arith.cmpi sgt, %squeeze3A_174, %sign3A_177 : i32
    %sign3A_179 = arith.extui %sign3A_178 : i1 to i32
    %sign3A_180 = arith.constant 0 : i32
    %sign3A_181 = arith.cmpi slt, %squeeze3A_174, %sign3A_180 : i32
    %sign3A_182 = arith.extui %sign3A_181 : i1 to i32
    %sign3A_183 = arith.subi %sign3A_179, %sign3A_182 : i32
    %sign3A_184 = arith.constant 0 : i32
    %sign3A_185 = arith.cmpi sgt, %jit3A_175, %sign3A_184 : i32
    %sign3A_186 = arith.extui %sign3A_185 : i1 to i32
    %sign3A_187 = arith.constant 0 : i32
    %sign3A_188 = arith.cmpi slt, %jit3A_175, %sign3A_187 : i32
    %sign3A_189 = arith.extui %sign3A_188 : i1 to i32
    %sign3A_190 = arith.subi %sign3A_186, %sign3A_189 : i32
    %ne3A_191 = arith.cmpi ne, %sign3A_183, %sign3A_190 : i32
    %rem3A_192 = arith.remsi %squeeze3A_174, %jit3A_175 : i32
    %ne3A_193 = arith.constant 0 : i32
    %ne3A_194 = arith.cmpi ne, %rem3A_192, %ne3A_193 : i32
    %and3A_195 = arith.andi %ne3A_191, %ne3A_194 : i1
    %sub3A_196 = arith.constant 1 : i32
    %sub3A_197 = arith.subi %div3A_176, %sub3A_196 : i32
    %select_n3A_198 = arith.select %and3A_195, %sub3A_197, %div3A_176 : i32
    %mul3A_199 = arith.constant 128 : i32
    %mul3A_200 = arith.muli %select_n3A_198, %mul3A_199 : i32
    %dma_start3A_201 = arith.constant 4 : i32
    %dma_start3A_202 = arith.constant 0 : i32
    %dma_start3A_203 = arith.constant 0 : i32
    %dma_start3A_204 = tpu.memref_slice %arg12[%dma_start3A_201, %dma_start3A_202, %dma_start3A_203] : memref<8x64x128xf32, #tpu.memory_space<vmem>> -> memref<1x64x128xf32, #tpu.memory_space<vmem>>
    %dma_start3A_205 = tpu.memref_squeeze %dma_start3A_204 : memref<1x64x128xf32, #tpu.memory_space<vmem>> -> memref<64x128xf32, #tpu.memory_space<vmem>>
    %dma_start3A_206 = arith.constant 0 : i32
    %dma_start3A_207 = tpu.memref_slice %arg4[%dma_start3A_206, %mul3A_200] : memref<64x1000000xf32, #tpu.memory_space<hbm>> -> memref<64x128xf32, #tpu.memory_space<hbm>>
    %dma_start3A_208 = arith.constant 0 : i32
    %dma_start3A_209 = arith.constant 0 : i32
    %dma_start3A_210 = tpu.memref_slice %arg12[%dma_start3A_201, %dma_start3A_208, %dma_start3A_209] : memref<8x64x128xf32, #tpu.memory_space<vmem>> -> memref<1x64x128xf32, #tpu.memory_space<vmem>>
    %dma_start3A_211 = tpu.memref_squeeze %dma_start3A_210 : memref<1x64x128xf32, #tpu.memory_space<vmem>> -> memref<64x128xf32, #tpu.memory_space<vmem>>
    %dma_start3A_212 = arith.constant 0 : i32
    %dma_start3A_213 = tpu.memref_slice %arg4[%dma_start3A_212, %mul3A_200] : memref<64x1000000xf32, #tpu.memory_space<hbm>> -> memref<64x128xf32, #tpu.memory_space<hbm>>
    tpu.enqueue_dma source(%dma_start3A_213 : memref<64x128xf32, #tpu.memory_space<hbm>>) target(%dma_start3A_211 : memref<64x128xf32, #tpu.memory_space<vmem>>) target_semaphore(%arg19 : memref<!tpu.dma_semaphore, #tpu.memory_space<semaphore_mem>>)
    %get3A_214 = arith.constant 5 : index
    %get3A_215 = tpu.vector_load %arg8[%get3A_214] {strides = array<i32>} : memref<528xi32, #tpu.memory_space<vmem>>, vector<16xi32>,
    %slice3A_216 = vector.extract_strided_slice %get3A_215 {offsets = [0], sizes = [1], strides = [1]} : vector<16xi32> to vector<1xi32>
    %squeeze3A_217 = vector.extract %slice3A_216[0] : i32 from vector<1xi32>
    %jit3A_218 = arith.constant 128 : i32
    %div3A_219 = arith.divsi %squeeze3A_217, %jit3A_218 : i32
    %sign3A_220 = arith.constant 0 : i32
    %sign3A_221 = arith.cmpi sgt, %squeeze3A_217, %sign3A_220 : i32
    %sign3A_222 = arith.extui %sign3A_221 : i1 to i32
    %sign3A_223 = arith.constant 0 : i32
    %sign3A_224 = arith.cmpi slt, %squeeze3A_217, %sign3A_223 : i32
    %sign3A_225 = arith.extui %sign3A_224 : i1 to i32
    %sign3A_226 = arith.subi %sign3A_222, %sign3A_225 : i32
    %sign3A_227 = arith.constant 0 : i32
    %sign3A_228 = arith.cmpi sgt, %jit3A_218, %sign3A_227 : i32
    %sign3A_229 = arith.extui %sign3A_228 : i1 to i32
    %sign3A_230 = arith.constant 0 : i32
    %sign3A_231 = arith.cmpi slt, %jit3A_218, %sign3A_230 : i32
    %sign3A_232 = arith.extui %sign3A_231 : i1 to i32
    %sign3A_233 = arith.subi %sign3A_229, %sign3A_232 : i32
    %ne3A_234 = arith.cmpi ne, %sign3A_226, %sign3A_233 : i32
    %rem3A_235 = arith.remsi %squeeze3A_217, %jit3A_218 : i32
    %ne3A_236 = arith.constant 0 : i32
    %ne3A_237 = arith.cmpi ne, %rem3A_235, %ne3A_236 : i32
    %and3A_238 = arith.andi %ne3A_234, %ne3A_237 : i1
    %sub3A_239 = arith.constant 1 : i32
    %sub3A_240 = arith.subi %div3A_219, %sub3A_239 : i32
    %select_n3A_241 = arith.select %and3A_238, %sub3A_240, %div3A_219 : i32
    %mul3A_242 = arith.constant 128 : i32
    %mul3A_243 = arith.muli %select_n3A_241, %mul3A_242 : i32
    %dma_start3A_244 = arith.constant 5 : i32
    %dma_start3A_245 = arith.constant 0 : i32
    %dma_start3A_246 = arith.constant 0 : i32
    %dma_start3A_247 = tpu.memref_slice %arg12[%dma_start3A_244, %dma_start3A_245, %dma_start3A_246] : memref<8x64x128xf32, #tpu.memory_space<vmem>> -> memref<1x64x128xf32, #tpu.memory_space<vmem>>
    %dma_start3A_248 = tpu.memref_squeeze %dma_start3A_247 : memref<1x64x128xf32, #tpu.memory_space<vmem>> -> memref<64x128xf32, #tpu.memory_space<vmem>>
    %dma_start3A_249 = arith.constant 0 : i32
    %dma_start3A_250 = tpu.memref_slice %arg4[%dma_start3A_249, %mul3A_243] : memref<64x1000000xf32, #tpu.memory_space<hbm>> -> memref<64x128xf32, #tpu.memory_space<hbm>>
    %dma_start3A_251 = arith.constant 0 : i32
    %dma_start3A_252 = arith.constant 0 : i32
    %dma_start3A_253 = tpu.memref_slice %arg12[%dma_start3A_244, %dma_start3A_251, %dma_start3A_252] : memref<8x64x128xf32, #tpu.memory_space<vmem>> -> memref<1x64x128xf32, #tpu.memory_space<vmem>>
    %dma_start3A_254 = tpu.memref_squeeze %dma_start3A_253 : memref<1x64x128xf32, #tpu.memory_space<vmem>> -> memref<64x128xf32, #tpu.memory_space<vmem>>
    %dma_start3A_255 = arith.constant 0 : i32
    %dma_start3A_256 = tpu.memref_slice %arg4[%dma_start3A_255, %mul3A_243] : memref<64x1000000xf32, #tpu.memory_space<hbm>> -> memref<64x128xf32, #tpu.memory_space<hbm>>
    tpu.enqueue_dma source(%dma_start3A_256 : memref<64x128xf32, #tpu.memory_space<hbm>>) target(%dma_start3A_254 : memref<64x128xf32, #tpu.memory_space<vmem>>) target_semaphore(%arg20 : memref<!tpu.dma_semaphore, #tpu.memory_space<semaphore_mem>>)
    %get3A_257 = arith.constant 6 : index
    %get3A_258 = tpu.vector_load %arg8[%get3A_257] {strides = array<i32>} : memref<528xi32, #tpu.memory_space<vmem>>, vector<16xi32>,
    %slice3A_259 = vector.extract_strided_slice %get3A_258 {offsets = [0], sizes = [1], strides = [1]} : vector<16xi32> to vector<1xi32>
    %squeeze3A_260 = vector.extract %slice3A_259[0] : i32 from vector<1xi32>
    %jit3A_261 = arith.constant 128 : i32
    %div3A_262 = arith.divsi %squeeze3A_260, %jit3A_261 : i32
    %sign3A_263 = arith.constant 0 : i32
    %sign3A_264 = arith.cmpi sgt, %squeeze3A_260, %sign3A_263 : i32
    %sign3A_265 = arith.extui %sign3A_264 : i1 to i32
    %sign3A_266 = arith.constant 0 : i32
    %sign3A_267 = arith.cmpi slt, %squeeze3A_260, %sign3A_266 : i32
    %sign3A_268 = arith.extui %sign3A_267 : i1 to i32
    %sign3A_269 = arith.subi %sign3A_265, %sign3A_268 : i32
    %sign3A_270 = arith.constant 0 : i32
    %sign3A_271 = arith.cmpi sgt, %jit3A_261, %sign3A_270 : i32
    %sign3A_272 = arith.extui %sign3A_271 : i1 to i32
    %sign3A_273 = arith.constant 0 : i32
    %sign3A_274 = arith.cmpi slt, %jit3A_261, %sign3A_273 : i32
    %sign3A_275 = arith.extui %sign3A_274 : i1 to i32
    %sign3A_276 = arith.subi %sign3A_272, %sign3A_275 : i32
    %ne3A_277 = arith.cmpi ne, %sign3A_269, %sign3A_276 : i32
    %rem3A_278 = arith.remsi %squeeze3A_260, %jit3A_261 : i32
    %ne3A_279 = arith.constant 0 : i32
    %ne3A_280 = arith.cmpi ne, %rem3A_278, %ne3A_279 : i32
    %and3A_281 = arith.andi %ne3A_277, %ne3A_280 : i1
    %sub3A_282 = arith.constant 1 : i32
    %sub3A_283 = arith.subi %div3A_262, %sub3A_282 : i32
    %select_n3A_284 = arith.select %and3A_281, %sub3A_283, %div3A_262 : i32
    %mul3A_285 = arith.constant 128 : i32
    %mul3A_286 = arith.muli %select_n3A_284, %mul3A_285 : i32
    %dma_start3A_287 = arith.constant 6 : i32
    %dma_start3A_288 = arith.constant 0 : i32
    %dma_start3A_289 = arith.constant 0 : i32
    %dma_start3A_290 = tpu.memref_slice %arg12[%dma_start3A_287, %dma_start3A_288, %dma_start3A_289] : memref<8x64x128xf32, #tpu.memory_space<vmem>> -> memref<1x64x128xf32, #tpu.memory_space<vmem>>
    %dma_start3A_291 = tpu.memref_squeeze %dma_start3A_290 : memref<1x64x128xf32, #tpu.memory_space<vmem>> -> memref<64x128xf32, #tpu.memory_space<vmem>>
    %dma_start3A_292 = arith.constant 0 : i32
    %dma_start3A_293 = tpu.memref_slice %arg4[%dma_start3A_292, %mul3A_286] : memref<64x1000000xf32, #tpu.memory_space<hbm>> -> memref<64x128xf32, #tpu.memory_space<hbm>>
    %dma_start3A_294 = arith.constant 0 : i32
    %dma_start3A_295 = arith.constant 0 : i32
    %dma_start3A_296 = tpu.memref_slice %arg12[%dma_start3A_287, %dma_start3A_294, %dma_start3A_295] : memref<8x64x128xf32, #tpu.memory_space<vmem>> -> memref<1x64x128xf32, #tpu.memory_space<vmem>>
    %dma_start3A_297 = tpu.memref_squeeze %dma_start3A_296 : memref<1x64x128xf32, #tpu.memory_space<vmem>> -> memref<64x128xf32, #tpu.memory_space<vmem>>
    %dma_start3A_298 = arith.constant 0 : i32
    %dma_start3A_299 = tpu.memref_slice %arg4[%dma_start3A_298, %mul3A_286] : memref<64x1000000xf32, #tpu.memory_space<hbm>> -> memref<64x128xf32, #tpu.memory_space<hbm>>
    tpu.enqueue_dma source(%dma_start3A_299 : memref<64x128xf32, #tpu.memory_space<hbm>>) target(%dma_start3A_297 : memref<64x128xf32, #tpu.memory_space<vmem>>) target_semaphore(%arg21 : memref<!tpu.dma_semaphore, #tpu.memory_space<semaphore_mem>>)
    %get3A_300 = arith.constant 0 : index
    %get3A_301 = tpu.vector_load %arg9[%get3A_300] {strides = array<i32>} : memref<528xi32, #tpu.memory_space<vmem>>, vector<16xi32>,
    %slice3A_302 = vector.extract_strided_slice %get3A_301 {offsets = [0], sizes = [1], strides = [1]} : vector<16xi32> to vector<1xi32>
    %squeeze3A_303 = vector.extract %slice3A_302[0] : i32 from vector<1xi32>
    %jit3A_304 = arith.constant 128 : i32
    %div3A_305 = arith.divsi %squeeze3A_303, %jit3A_304 : i32
    %sign3A_306 = arith.constant 0 : i32
    %sign3A_307 = arith.cmpi sgt, %squeeze3A_303, %sign3A_306 : i32
    %sign3A_308 = arith.extui %sign3A_307 : i1 to i32
    %sign3A_309 = arith.constant 0 : i32
    %sign3A_310 = arith.cmpi slt, %squeeze3A_303, %sign3A_309 : i32
    %sign3A_311 = arith.extui %sign3A_310 : i1 to i32
    %sign3A_312 = arith.subi %sign3A_308, %sign3A_311 : i32
    %sign3A_313 = arith.constant 0 : i32
    %sign3A_314 = arith.cmpi sgt, %jit3A_304, %sign3A_313 : i32
    %sign3A_315 = arith.extui %sign3A_314 : i1 to i32
    %sign3A_316 = arith.constant 0 : i32
    %sign3A_317 = arith.cmpi slt, %jit3A_304, %sign3A_316 : i32
    %sign3A_318 = arith.extui %sign3A_317 : i1 to i32
    %sign3A_319 = arith.subi %sign3A_315, %sign3A_318 : i32
    %ne3A_320 = arith.cmpi ne, %sign3A_312, %sign3A_319 : i32
    %rem3A_321 = arith.remsi %squeeze3A_303, %jit3A_304 : i32
    %ne3A_322 = arith.constant 0 : i32
    %ne3A_323 = arith.cmpi ne, %rem3A_321, %ne3A_322 : i32
    %and3A_324 = arith.andi %ne3A_320, %ne3A_323 : i1
    %sub3A_325 = arith.constant 1 : i32
    %sub3A_326 = arith.subi %div3A_305, %sub3A_325 : i32
    %select_n3A_327 = arith.select %and3A_324, %sub3A_326, %div3A_305 : i32
    %mul3A_328 = arith.constant 128 : i32
    %mul3A_329 = arith.muli %select_n3A_327, %mul3A_328 : i32
    %dma_start3A_330 = arith.constant 0 : i32
    %dma_start3A_331 = arith.constant 0 : i32
    %dma_start3A_332 = arith.constant 0 : i32
    %dma_start3A_333 = tpu.memref_slice %arg14[%arg1, %dma_start3A_330, %dma_start3A_331, %dma_start3A_332] : memref<16x4x64x128xf32, #tpu.memory_space<vmem_shared>> -> memref<1x1x64x128xf32, #tpu.memory_space<vmem_shared>>
    %dma_start3A_334 = tpu.memref_squeeze %dma_start3A_333 : memref<1x1x64x128xf32, #tpu.memory_space<vmem_shared>> -> memref<64x128xf32, #tpu.memory_space<vmem_shared>>
    %dma_start3A_335 = arith.constant 0 : i32
    %dma_start3A_336 = tpu.memref_slice %arg5[%dma_start3A_335, %mul3A_329] : memref<64x1000000xf32, #tpu.memory_space<hbm>> -> memref<64x128xf32, #tpu.memory_space<hbm>>
    tpu.enqueue_dma source(%dma_start3A_336 : memref<64x128xf32, #tpu.memory_space<hbm>>) target(%dma_start3A_334 : memref<64x128xf32, #tpu.memory_space<vmem_shared>>) target_semaphore(%arg23 : memref<!tpu.dma_semaphore, #tpu.memory_space<semaphore_mem>>)
    %get3A_337 = arith.constant 1 : index
    %get3A_338 = tpu.vector_load %arg9[%get3A_337] {strides = array<i32>} : memref<528xi32, #tpu.memory_space<vmem>>, vector<16xi32>,
    %slice3A_339 = vector.extract_strided_slice %get3A_338 {offsets = [0], sizes = [1], strides = [1]} : vector<16xi32> to vector<1xi32>
    %squeeze3A_340 = vector.extract %slice3A_339[0] : i32 from vector<1xi32>
    %jit3A_341 = arith.constant 128 : i32
    %div3A_342 = arith.divsi %squeeze3A_340, %jit3A_341 : i32
    %sign3A_343 = arith.constant 0 : i32
    %sign3A_344 = arith.cmpi sgt, %squeeze3A_340, %sign3A_343 : i32
    %sign3A_345 = arith.extui %sign3A_344 : i1 to i32
    %sign3A_346 = arith.constant 0 : i32
    %sign3A_347 = arith.cmpi slt, %squeeze3A_340, %sign3A_346 : i32
    %sign3A_348 = arith.extui %sign3A_347 : i1 to i32
    %sign3A_349 = arith.subi %sign3A_345, %sign3A_348 : i32
    %sign3A_350 = arith.constant 0 : i32
    %sign3A_351 = arith.cmpi sgt, %jit3A_341, %sign3A_350 : i32
    %sign3A_352 = arith.extui %sign3A_351 : i1 to i32
    %sign3A_353 = arith.constant 0 : i32
    %sign3A_354 = arith.cmpi slt, %jit3A_341, %sign3A_353 : i32
    %sign3A_355 = arith.extui %sign3A_354 : i1 to i32
    %sign3A_356 = arith.subi %sign3A_352, %sign3A_355 : i32
    %ne3A_357 = arith.cmpi ne, %sign3A_349, %sign3A_356 : i32
    %rem3A_358 = arith.remsi %squeeze3A_340, %jit3A_341 : i32
    %ne3A_359 = arith.constant 0 : i32
    %ne3A_360 = arith.cmpi ne, %rem3A_358, %ne3A_359 : i32
    %and3A_361 = arith.andi %ne3A_357, %ne3A_360 : i1
    %sub3A_362 = arith.constant 1 : i32
    %sub3A_363 = arith.subi %div3A_342, %sub3A_362 : i32
    %select_n3A_364 = arith.select %and3A_361, %sub3A_363, %div3A_342 : i32
    %mul3A_365 = arith.constant 128 : i32
    %mul3A_366 = arith.muli %select_n3A_364, %mul3A_365 : i32
    %dma_start3A_367 = arith.constant 1 : i32
    %dma_start3A_368 = arith.constant 0 : i32
    %dma_start3A_369 = arith.constant 0 : i32
    %dma_start3A_370 = tpu.memref_slice %arg14[%arg1, %dma_start3A_367, %dma_start3A_368, %dma_start3A_369] : memref<16x4x64x128xf32, #tpu.memory_space<vmem_shared>> -> memref<1x1x64x128xf32, #tpu.memory_space<vmem_shared>>
    %dma_start3A_371 = tpu.memref_squeeze %dma_start3A_370 : memref<1x1x64x128xf32, #tpu.memory_space<vmem_shared>> -> memref<64x128xf32, #tpu.memory_space<vmem_shared>>
    %dma_start3A_372 = arith.constant 0 : i32
    %dma_start3A_373 = tpu.memref_slice %arg5[%dma_start3A_372, %mul3A_366] : memref<64x1000000xf32, #tpu.memory_space<hbm>> -> memref<64x128xf32, #tpu.memory_space<hbm>>
    tpu.enqueue_dma source(%dma_start3A_373 : memref<64x128xf32, #tpu.memory_space<hbm>>) target(%dma_start3A_371 : memref<64x128xf32, #tpu.memory_space<vmem_shared>>) target_semaphore(%arg24 : memref<!tpu.dma_semaphore, #tpu.memory_space<semaphore_mem>>)
    %get3A_374 = arith.constant 2 : index
    %get3A_375 = tpu.vector_load %arg9[%get3A_374] {strides = array<i32>} : memref<528xi32, #tpu.memory_space<vmem>>, vector<16xi32>,
    %slice3A_376 = vector.extract_strided_slice %get3A_375 {offsets = [0], sizes = [1], strides = [1]} : vector<16xi32> to vector<1xi32>
    %squeeze3A_377 = vector.extract %slice3A_376[0] : i32 from vector<1xi32>
    %jit3A_378 = arith.constant 128 : i32
    %div3A_379 = arith.divsi %squeeze3A_377, %jit3A_378 : i32
    %sign3A_380 = arith.constant 0 : i32
    %sign3A_381 = arith.cmpi sgt, %squeeze3A_377, %sign3A_380 : i32
    %sign3A_382 = arith.extui %sign3A_381 : i1 to i32
    %sign3A_383 = arith.constant 0 : i32
    %sign3A_384 = arith.cmpi slt, %squeeze3A_377, %sign3A_383 : i32
    %sign3A_385 = arith.extui %sign3A_384 : i1 to i32
    %sign3A_386 = arith.subi %sign3A_382, %sign3A_385 : i32
    %sign3A_387 = arith.constant 0 : i32
    %sign3A_388 = arith.cmpi sgt, %jit3A_378, %sign3A_387 : i32
    %sign3A_389 = arith.extui %sign3A_388 : i1 to i32
    %sign3A_390 = arith.constant 0 : i32
    %sign3A_391 = arith.cmpi slt, %jit3A_378, %sign3A_390 : i32
    %sign3A_392 = arith.extui %sign3A_391 : i1 to i32
    %sign3A_393 = arith.subi %sign3A_389, %sign3A_392 : i32
    %ne3A_394 = arith.cmpi ne, %sign3A_386, %sign3A_393 : i32
    %rem3A_395 = arith.remsi %squeeze3A_377, %jit3A_378 : i32
    %ne3A_396 = arith.constant 0 : i32
    %ne3A_397 = arith.cmpi ne, %rem3A_395, %ne3A_396 : i32
    %and3A_398 = arith.andi %ne3A_394, %ne3A_397 : i1
    %sub3A_399 = arith.constant 1 : i32
    %sub3A_400 = arith.subi %div3A_379, %sub3A_399 : i32
    %select_n3A_401 = arith.select %and3A_398, %sub3A_400, %div3A_379 : i32
    %mul3A_402 = arith.constant 128 : i32
    %mul3A_403 = arith.muli %select_n3A_401, %mul3A_402 : i32
    %dma_start3A_404 = arith.constant 2 : i32
    %dma_start3A_405 = arith.constant 0 : i32
    %dma_start3A_406 = arith.constant 0 : i32
    %dma_start3A_407 = tpu.memref_slice %arg14[%arg1, %dma_start3A_404, %dma_start3A_405, %dma_start3A_406] : memref<16x4x64x128xf32, #tpu.memory_space<vmem_shared>> -> memref<1x1x64x128xf32, #tpu.memory_space<vmem_shared>>
    %dma_start3A_408 = tpu.memref_squeeze %dma_start3A_407 : memref<1x1x64x128xf32, #tpu.memory_space<vmem_shared>> -> memref<64x128xf32, #tpu.memory_space<vmem_shared>>
    %dma_start3A_409 = arith.constant 0 : i32
    %dma_start3A_410 = tpu.memref_slice %arg5[%dma_start3A_409, %mul3A_403] : memref<64x1000000xf32, #tpu.memory_space<hbm>> -> memref<64x128xf32, #tpu.memory_space<hbm>>
    tpu.enqueue_dma source(%dma_start3A_410 : memref<64x128xf32, #tpu.memory_space<hbm>>) target(%dma_start3A_408 : memref<64x128xf32, #tpu.memory_space<vmem_shared>>) target_semaphore(%arg25 : memref<!tpu.dma_semaphore, #tpu.memory_space<semaphore_mem>>)
    %broadcast_in_dim3A = arith.constant 0.000000e+00 : f32
    %broadcast_in_dim3A_411 = vector.broadcast %broadcast_in_dim3A : f32 to vector<16xf32>
    %scan3A = arith.constant 0 : i32
    %scan3A_412 = arith.constant 64 : i32
    %scan3A_413 = arith.addi %scan3A, %scan3A_412 : i32
    %scan3A_414 = arith.constant 1 : i32
    %scan3A_415 = scf.for %scan3A_417 = %scan3A to %scan3A_413 step %scan3A_414 iter_args(%scan3A_418 = %broadcast_in_dim3A_411) -> (vector<16xf32>)  : i32 {
      %mul3A_419 = arith.constant 8 : i32
      %mul3A_420 = arith.muli %scan3A_417, %mul3A_419 : i32
      %add3A_421 = arith.constant 0 : i32
      %add3A_422 = arith.addi %mul3A_420, %add3A_421 : i32
      %add3A_423 = arith.constant 8 : i32
      %add3A_424 = arith.addi %add3A_422, %add3A_423 : i32
      %sub3A_425 = arith.constant 1 : i32
      %sub3A_426 = arith.subi %add3A_424, %sub3A_425 : i32
      %add3A_427 = arith.constant 4 : i32
      %add3A_428 = arith.addi %add3A_422, %add3A_427 : i32
      %sub3A_429 = arith.constant 1 : i32
      %sub3A_430 = arith.subi %add3A_428, %sub3A_429 : i32
      %lt3A = arith.constant 512 : i32
      %lt3A_431 = arith.cmpi slt, %sub3A_426, %lt3A : i32
      %convert_element_type3A = arith.extui %lt3A_431 : i1 to i32
      %cond3A = arith.constant 0 : i32
      %cond3A_432 = arith.cmpi ne, %convert_element_type3A, %cond3A : i32
      scf.if %cond3A_432 {
        %get3A_2163 = arith.index_cast %sub3A_426 : i32 to index
        %get3A_2164 = tpu.vector_load %arg8[%get3A_2163] {strides = array<i32>} : memref<528xi32, #tpu.memory_space<vmem>>, vector<16xi32>,
        %slice3A_2165 = vector.extract_strided_slice %get3A_2164 {offsets = [0], sizes = [1], strides = [1]} : vector<16xi32> to vector<1xi32>
        %squeeze3A_2166 = vector.extract %slice3A_2165[0] : i32 from vector<1xi32>
        %jit3A_2167 = arith.constant 128 : i32
        %div3A_2168 = arith.divsi %squeeze3A_2166, %jit3A_2167 : i32
        %sign3A_2169 = arith.constant 0 : i32
        %sign3A_2170 = arith.cmpi sgt, %squeeze3A_2166, %sign3A_2169 : i32
        %sign3A_2171 = arith.extui %sign3A_2170 : i1 to i32
        %sign3A_2172 = arith.constant 0 : i32
        %sign3A_2173 = arith.cmpi slt, %squeeze3A_2166, %sign3A_2172 : i32
        %sign3A_2174 = arith.extui %sign3A_2173 : i1 to i32
        %sign3A_2175 = arith.subi %sign3A_2171, %sign3A_2174 : i32
        %sign3A_2176 = arith.constant 0 : i32
        %sign3A_2177 = arith.cmpi sgt, %jit3A_2167, %sign3A_2176 : i32
        %sign3A_2178 = arith.extui %sign3A_2177 : i1 to i32
        %sign3A_2179 = arith.constant 0 : i32
        %sign3A_2180 = arith.cmpi slt, %jit3A_2167, %sign3A_2179 : i32
        %sign3A_2181 = arith.extui %sign3A_2180 : i1 to i32
        %sign3A_2182 = arith.subi %sign3A_2178, %sign3A_2181 : i32
        %ne3A_2183 = arith.cmpi ne, %sign3A_2175, %sign3A_2182 : i32
        %rem3A_2184 = arith.remsi %squeeze3A_2166, %jit3A_2167 : i32
        %ne3A_2185 = arith.constant 0 : i32
        %ne3A_2186 = arith.cmpi ne, %rem3A_2184, %ne3A_2185 : i32
        %and3A_2187 = arith.andi %ne3A_2183, %ne3A_2186 : i1
        %sub3A_2188 = arith.constant 1 : i32
        %sub3A_2189 = arith.subi %div3A_2168, %sub3A_2188 : i32
        %select_n3A_2190 = arith.select %and3A_2187, %sub3A_2189, %div3A_2168 : i32
        %mul3A_2191 = arith.constant 128 : i32
        %mul3A_2192 = arith.muli %select_n3A_2190, %mul3A_2191 : i32
        %dma_start3A_2193 = arith.constant 7 : i32
        %dma_start3A_2194 = arith.constant 0 : i32
        %dma_start3A_2195 = arith.constant 0 : i32
        %dma_start3A_2196 = tpu.memref_slice %arg12[%dma_start3A_2193, %dma_start3A_2194, %dma_start3A_2195] : memref<8x64x128xf32, #tpu.memory_space<vmem>> -> memref<1x64x128xf32, #tpu.memory_space<vmem>>
        %dma_start3A_2197 = tpu.memref_squeeze %dma_start3A_2196 : memref<1x64x128xf32, #tpu.memory_space<vmem>> -> memref<64x128xf32, #tpu.memory_space<vmem>>
        %dma_start3A_2198 = arith.constant 0 : i32
        %dma_start3A_2199 = tpu.memref_slice %arg4[%dma_start3A_2198, %mul3A_2192] : memref<64x1000000xf32, #tpu.memory_space<hbm>> -> memref<64x128xf32, #tpu.memory_space<hbm>>
        %dma_start3A_2200 = arith.constant 0 : i32
        %dma_start3A_2201 = arith.constant 0 : i32
        %dma_start3A_2202 = tpu.memref_slice %arg12[%dma_start3A_2193, %dma_start3A_2200, %dma_start3A_2201] : memref<8x64x128xf32, #tpu.memory_space<vmem>> -> memref<1x64x128xf32, #tpu.memory_space<vmem>>
        %dma_start3A_2203 = tpu.memref_squeeze %dma_start3A_2202 : memref<1x64x128xf32, #tpu.memory_space<vmem>> -> memref<64x128xf32, #tpu.memory_space<vmem>>
        %dma_start3A_2204 = arith.constant 0 : i32
        %dma_start3A_2205 = tpu.memref_slice %arg4[%dma_start3A_2204, %mul3A_2192] : memref<64x1000000xf32, #tpu.memory_space<hbm>> -> memref<64x128xf32, #tpu.memory_space<hbm>>
        tpu.enqueue_dma source(%dma_start3A_2205 : memref<64x128xf32, #tpu.memory_space<hbm>>) target(%dma_start3A_2203 : memref<64x128xf32, #tpu.memory_space<vmem>>) target_semaphore(%arg22 : memref<!tpu.dma_semaphore, #tpu.memory_space<semaphore_mem>>)
      } else {
      }
      %lt3A_433 = arith.constant 512 : i32
      %lt3A_434 = arith.cmpi slt, %sub3A_430, %lt3A_433 : i32
      %convert_element_type3A_435 = arith.extui %lt3A_434 : i1 to i32
      %cond3A_436 = arith.constant 0 : i32
      %cond3A_437 = arith.cmpi ne, %convert_element_type3A_435, %cond3A_436 : i32
      scf.if %cond3A_437 {
        %get3A_2163 = arith.index_cast %sub3A_430 : i32 to index
        %get3A_2164 = tpu.vector_load %arg9[%get3A_2163] {strides = array<i32>} : memref<528xi32, #tpu.memory_space<vmem>>, vector<16xi32>,
        %slice3A_2165 = vector.extract_strided_slice %get3A_2164 {offsets = [0], sizes = [1], strides = [1]} : vector<16xi32> to vector<1xi32>
        %squeeze3A_2166 = vector.extract %slice3A_2165[0] : i32 from vector<1xi32>
        %jit3A_2167 = arith.constant 128 : i32
        %div3A_2168 = arith.divsi %squeeze3A_2166, %jit3A_2167 : i32
        %sign3A_2169 = arith.constant 0 : i32
        %sign3A_2170 = arith.cmpi sgt, %squeeze3A_2166, %sign3A_2169 : i32
        %sign3A_2171 = arith.extui %sign3A_2170 : i1 to i32
        %sign3A_2172 = arith.constant 0 : i32
        %sign3A_2173 = arith.cmpi slt, %squeeze3A_2166, %sign3A_2172 : i32
        %sign3A_2174 = arith.extui %sign3A_2173 : i1 to i32
        %sign3A_2175 = arith.subi %sign3A_2171, %sign3A_2174 : i32
        %sign3A_2176 = arith.constant 0 : i32
        %sign3A_2177 = arith.cmpi sgt, %jit3A_2167, %sign3A_2176 : i32
        %sign3A_2178 = arith.extui %sign3A_2177 : i1 to i32
        %sign3A_2179 = arith.constant 0 : i32
        %sign3A_2180 = arith.cmpi slt, %jit3A_2167, %sign3A_2179 : i32
        %sign3A_2181 = arith.extui %sign3A_2180 : i1 to i32
        %sign3A_2182 = arith.subi %sign3A_2178, %sign3A_2181 : i32
        %ne3A_2183 = arith.cmpi ne, %sign3A_2175, %sign3A_2182 : i32
        %rem3A_2184 = arith.remsi %squeeze3A_2166, %jit3A_2167 : i32
        %ne3A_2185 = arith.constant 0 : i32
        %ne3A_2186 = arith.cmpi ne, %rem3A_2184, %ne3A_2185 : i32
        %and3A_2187 = arith.andi %ne3A_2183, %ne3A_2186 : i1
        %sub3A_2188 = arith.constant 1 : i32
        %sub3A_2189 = arith.subi %div3A_2168, %sub3A_2188 : i32
        %select_n3A_2190 = arith.select %and3A_2187, %sub3A_2189, %div3A_2168 : i32
        %mul3A_2191 = arith.constant 128 : i32
        %mul3A_2192 = arith.muli %select_n3A_2190, %mul3A_2191 : i32
        %dma_start3A_2193 = arith.constant 3 : i32
        %dma_start3A_2194 = arith.constant 0 : i32
        %dma_start3A_2195 = arith.constant 0 : i32
        %dma_start3A_2196 = tpu.memref_slice %arg14[%arg1, %dma_start3A_2193, %dma_start3A_2194, %dma_start3A_2195] : memref<16x4x64x128xf32, #tpu.memory_space<vmem_shared>> -> memref<1x1x64x128xf32, #tpu.memory_space<vmem_shared>>
        %dma_start3A_2197 = tpu.memref_squeeze %dma_start3A_2196 : memref<1x1x64x128xf32, #tpu.memory_space<vmem_shared>> -> memref<64x128xf32, #tpu.memory_space<vmem_shared>>
        %dma_start3A_2198 = arith.constant 0 : i32
        %dma_start3A_2199 = tpu.memref_slice %arg5[%dma_start3A_2198, %mul3A_2192] : memref<64x1000000xf32, #tpu.memory_space<hbm>> -> memref<64x128xf32, #tpu.memory_space<hbm>>
        tpu.enqueue_dma source(%dma_start3A_2199 : memref<64x128xf32, #tpu.memory_space<hbm>>) target(%dma_start3A_2197 : memref<64x128xf32, #tpu.memory_space<vmem_shared>>) target_semaphore(%arg26 : memref<!tpu.dma_semaphore, #tpu.memory_space<semaphore_mem>>)
      } else {
      }
      %dma_wait3A = arith.constant 0 : i32
      %dma_wait3A_438 = arith.constant 0 : i32
      %dma_wait3A_439 = arith.constant 0 : i32
      %dma_wait3A_440 = tpu.memref_slice %arg12[%dma_wait3A, %dma_wait3A_438, %dma_wait3A_439] : memref<8x64x128xf32, #tpu.memory_space<vmem>> -> memref<1x64x128xf32, #tpu.memory_space<vmem>>
      %dma_wait3A_441 = tpu.memref_squeeze %dma_wait3A_440 : memref<1x64x128xf32, #tpu.memory_space<vmem>> -> memref<64x128xf32, #tpu.memory_space<vmem>>
      %dma_wait3A_442 = arith.constant 0 : i32
      %dma_wait3A_443 = arith.constant 0 : i32
      %dma_wait3A_444 = tpu.memref_slice %arg4[%dma_wait3A_442, %dma_wait3A_443] : memref<64x1000000xf32, #tpu.memory_space<hbm>> -> memref<64x128xf32, #tpu.memory_space<hbm>>
      %dma_wait3A_445 = arith.constant 0 : i32
      %dma_wait3A_446 = arith.constant 0 : i32
      %dma_wait3A_447 = tpu.memref_slice %arg12[%dma_wait3A, %dma_wait3A_445, %dma_wait3A_446] : memref<8x64x128xf32, #tpu.memory_space<vmem>> -> memref<1x64x128xf32, #tpu.memory_space<vmem>>
      %dma_wait3A_448 = tpu.memref_squeeze %dma_wait3A_447 : memref<1x64x128xf32, #tpu.memory_space<vmem>> -> memref<64x128xf32, #tpu.memory_space<vmem>>
      %dma_wait3A_449 = arith.constant 0 : i32
      %dma_wait3A_450 = arith.constant 0 : i32
      %dma_wait3A_451 = tpu.memref_slice %arg4[%dma_wait3A_449, %dma_wait3A_450] : memref<64x1000000xf32, #tpu.memory_space<hbm>> -> memref<64x128xf32, #tpu.memory_space<hbm>>
      tpu.wait_dma2 semaphore(%arg15 : memref<!tpu.dma_semaphore, #tpu.memory_space<semaphore_mem>>) src(%dma_wait3A_451 : memref<64x128xf32, #tpu.memory_space<hbm>>) dst(%dma_wait3A_448 : memref<64x128xf32, #tpu.memory_space<vmem>>)
      %dma_wait3A_452 = arith.constant 0 : i32
      %dma_wait3A_453 = arith.constant 0 : i32
      %dma_wait3A_454 = arith.constant 0 : i32
      %dma_wait3A_455 = tpu.memref_slice %arg14[%arg1, %dma_wait3A_452, %dma_wait3A_453, %dma_wait3A_454] : memref<16x4x64x128xf32, #tpu.memory_space<vmem_shared>> -> memref<1x1x64x128xf32, #tpu.memory_space<vmem_shared>>
      %dma_wait3A_456 = tpu.memref_squeeze %dma_wait3A_455 : memref<1x1x64x128xf32, #tpu.memory_space<vmem_shared>> -> memref<64x128xf32, #tpu.memory_space<vmem_shared>>
      %dma_wait3A_457 = arith.constant 0 : i32
      %dma_wait3A_458 = arith.constant 0 : i32
      %dma_wait3A_459 = tpu.memref_slice %arg5[%dma_wait3A_457, %dma_wait3A_458] : memref<64x1000000xf32, #tpu.memory_space<hbm>> -> memref<64x128xf32, #tpu.memory_space<hbm>>
      tpu.wait_dma2 semaphore(%arg23 : memref<!tpu.dma_semaphore, #tpu.memory_space<semaphore_mem>>) src(%dma_wait3A_459 : memref<64x128xf32, #tpu.memory_space<hbm>>) dst(%dma_wait3A_456 : memref<64x128xf32, #tpu.memory_space<vmem_shared>>)
      %get3A_460 = arith.index_cast %add3A_422 : i32 to index
      %get3A_461 = tpu.vector_load %arg8[%get3A_460] {strides = array<i32>} : memref<528xi32, #tpu.memory_space<vmem>>, vector<16xi32>,
      %slice3A_462 = vector.extract_strided_slice %get3A_461 {offsets = [0], sizes = [1], strides = [1]} : vector<16xi32> to vector<1xi32>
      %squeeze3A_463 = vector.extract %slice3A_462[0] : i32 from vector<1xi32>
      %get3A_464 = arith.index_cast %add3A_422 : i32 to index
      %get3A_465 = tpu.vector_load %arg9[%get3A_464] {strides = array<i32>} : memref<528xi32, #tpu.memory_space<vmem>>, vector<16xi32>,
      %slice3A_466 = vector.extract_strided_slice %get3A_465 {offsets = [0], sizes = [1], strides = [1]} : vector<16xi32> to vector<1xi32>
      %squeeze3A_467 = vector.extract %slice3A_466[0] : i32 from vector<1xi32>
      %jit3A_468 = arith.constant 128 : i32
      %eq3A = arith.constant 0 : i32
      %eq3A_469 = arith.cmpi eq, %jit3A_468, %eq3A : i32
      %jit3A_470 = arith.constant 1 : i32
      %select_n3A_471 = arith.select %eq3A_469, %jit3A_470, %jit3A_468 : i32
      %rem3A_472 = arith.remsi %squeeze3A_467, %select_n3A_471 : i32
      %ne3A_473 = arith.constant 0 : i32
      %ne3A_474 = arith.cmpi ne, %rem3A_472, %ne3A_473 : i32
      %lt3A_475 = arith.constant 0 : i32
      %lt3A_476 = arith.cmpi slt, %rem3A_472, %lt3A_475 : i32
      %lt3A_477 = arith.constant 0 : i32
      %lt3A_478 = arith.cmpi slt, %select_n3A_471, %lt3A_477 : i32
      %ne3A_479 = arith.xori %lt3A_476, %lt3A_478 : i1
      %and3A_480 = arith.andi %ne3A_479, %ne3A_474 : i1
      %add3A_481 = arith.addi %rem3A_472, %select_n3A_471 : i32
      %select_n3A_482 = arith.select %and3A_480, %add3A_481, %rem3A_472 : i32
      %jit3A_483 = arith.constant 16 : i32
      %div3A_484 = arith.divsi %select_n3A_482, %jit3A_483 : i32
      %sign3A_485 = arith.constant 0 : i32
      %sign3A_486 = arith.cmpi sgt, %select_n3A_482, %sign3A_485 : i32
      %sign3A_487 = arith.extui %sign3A_486 : i1 to i32
      %sign3A_488 = arith.constant 0 : i32
      %sign3A_489 = arith.cmpi slt, %select_n3A_482, %sign3A_488 : i32
      %sign3A_490 = arith.extui %sign3A_489 : i1 to i32
      %sign3A_491 = arith.subi %sign3A_487, %sign3A_490 : i32
      %sign3A_492 = arith.constant 0 : i32
      %sign3A_493 = arith.cmpi sgt, %jit3A_483, %sign3A_492 : i32
      %sign3A_494 = arith.extui %sign3A_493 : i1 to i32
      %sign3A_495 = arith.constant 0 : i32
      %sign3A_496 = arith.cmpi slt, %jit3A_483, %sign3A_495 : i32
      %sign3A_497 = arith.extui %sign3A_496 : i1 to i32
      %sign3A_498 = arith.subi %sign3A_494, %sign3A_497 : i32
      %ne3A_499 = arith.cmpi ne, %sign3A_491, %sign3A_498 : i32
      %rem3A_500 = arith.remsi %select_n3A_482, %jit3A_483 : i32
      %ne3A_501 = arith.constant 0 : i32
      %ne3A_502 = arith.cmpi ne, %rem3A_500, %ne3A_501 : i32
      %and3A_503 = arith.andi %ne3A_499, %ne3A_502 : i1
      %sub3A_504 = arith.constant 1 : i32
      %sub3A_505 = arith.subi %div3A_484, %sub3A_504 : i32
      %select_n3A_506 = arith.select %and3A_503, %sub3A_505, %div3A_484 : i32
      %mul3A_507 = arith.constant 16 : i32
      %mul3A_508 = arith.muli %select_n3A_506, %mul3A_507 : i32
      %run_scoped3A = arith.constant 0 : i32
      "tpu.region"() ({
        %run_scoped3A_2163 = tpu.sem_alloc : memref<!tpu.dma_semaphore, #tpu.memory_space<semaphore_mem>>
        %dma_start3A_2164 = arith.constant 0 : i32
        %dma_start3A_2165 = arith.constant 0 : i32
        %dma_start3A_2166 = tpu.memref_slice %arg13[%dma_start3A_2164, %dma_start3A_2165] : memref<64x128xf32, #tpu.memory_space<vmem>> -> memref<64x16xf32, #tpu.memory_space<vmem>>
        %dma_start3A_2167 = arith.constant 0 : i32
        %dma_start3A_2168 = tpu.memref_slice %arg14[%arg1, %run_scoped3A, %dma_start3A_2167, %mul3A_508] : memref<16x4x64x128xf32, #tpu.memory_space<vmem_shared>> -> memref<1x1x64x16xf32, #tpu.memory_space<vmem_shared>>
        %dma_start3A_2169 = tpu.memref_squeeze %dma_start3A_2168 : memref<1x1x64x16xf32, #tpu.memory_space<vmem_shared>> -> memref<64x16xf32, #tpu.memory_space<vmem_shared>>
        %dma_start3A_2170 = arith.constant 0 : i32
        %dma_start3A_2171 = arith.constant 0 : i32
        %dma_start3A_2172 = tpu.memref_slice %arg13[%dma_start3A_2170, %dma_start3A_2171] : memref<64x128xf32, #tpu.memory_space<vmem>> -> memref<64x16xf32, #tpu.memory_space<vmem>>
        %dma_start3A_2173 = arith.constant 0 : i32
        %dma_start3A_2174 = tpu.memref_slice %arg14[%arg1, %run_scoped3A, %dma_start3A_2173, %mul3A_508] : memref<16x4x64x128xf32, #tpu.memory_space<vmem_shared>> -> memref<1x1x64x16xf32, #tpu.memory_space<vmem_shared>>
        %dma_start3A_2175 = tpu.memref_squeeze %dma_start3A_2174 : memref<1x1x64x16xf32, #tpu.memory_space<vmem_shared>> -> memref<64x16xf32, #tpu.memory_space<vmem_shared>>
        tpu.enqueue_dma source(%dma_start3A_2175 : memref<64x16xf32, #tpu.memory_space<vmem_shared>>) target(%dma_start3A_2172 : memref<64x16xf32, #tpu.memory_space<vmem>>) target_semaphore(%run_scoped3A_2163 : memref<!tpu.dma_semaphore, #tpu.memory_space<semaphore_mem>>)
        %dma_wait3A_2176 = arith.constant 0 : i32
        %dma_wait3A_2177 = arith.constant 0 : i32
        %dma_wait3A_2178 = tpu.memref_slice %arg13[%dma_wait3A_2176, %dma_wait3A_2177] : memref<64x128xf32, #tpu.memory_space<vmem>> -> memref<64x16xf32, #tpu.memory_space<vmem>>
        %dma_wait3A_2179 = arith.constant 0 : i32
        %dma_wait3A_2180 = tpu.memref_slice %arg14[%arg1, %run_scoped3A, %dma_wait3A_2179, %mul3A_508] : memref<16x4x64x128xf32, #tpu.memory_space<vmem_shared>> -> memref<1x1x64x16xf32, #tpu.memory_space<vmem_shared>>
        %dma_wait3A_2181 = tpu.memref_squeeze %dma_wait3A_2180 : memref<1x1x64x16xf32, #tpu.memory_space<vmem_shared>> -> memref<64x16xf32, #tpu.memory_space<vmem_shared>>
        %dma_wait3A_2182 = arith.constant 0 : i32
        %dma_wait3A_2183 = arith.constant 0 : i32
        %dma_wait3A_2184 = tpu.memref_slice %arg13[%dma_wait3A_2182, %dma_wait3A_2183] : memref<64x128xf32, #tpu.memory_space<vmem>> -> memref<64x16xf32, #tpu.memory_space<vmem>>
        %dma_wait3A_2185 = arith.constant 0 : i32
        %dma_wait3A_2186 = tpu.memref_slice %arg14[%arg1, %run_scoped3A, %dma_wait3A_2185, %mul3A_508] : memref<16x4x64x128xf32, #tpu.memory_space<vmem_shared>> -> memref<1x1x64x16xf32, #tpu.memory_space<vmem_shared>>
        %dma_wait3A_2187 = tpu.memref_squeeze %dma_wait3A_2186 : memref<1x1x64x16xf32, #tpu.memory_space<vmem_shared>> -> memref<64x16xf32, #tpu.memory_space<vmem_shared>>
        tpu.wait_dma2 semaphore(%run_scoped3A_2163 : memref<!tpu.dma_semaphore, #tpu.memory_space<semaphore_mem>>) src(%dma_wait3A_2187 : memref<64x16xf32, #tpu.memory_space<vmem_shared>>) dst(%dma_wait3A_2184 : memref<64x16xf32, #tpu.memory_space<vmem>>)
        tpu.yield
      }) : () -> ()
      %broadcast_in_dim3A_509 = arith.constant 0 : i32
      %broadcast_in_dim3A_510 = vector.broadcast %broadcast_in_dim3A_509 : i32 to vector<16xi32>
      %jit3A_511 = arith.constant 128 : i32
      %eq3A_512 = arith.constant 0 : i32
      %eq3A_513 = arith.cmpi eq, %jit3A_511, %eq3A_512 : i32
      %jit3A_514 = arith.constant 1 : i32
      %select_n3A_515 = arith.select %eq3A_513, %jit3A_514, %jit3A_511 : i32
      %rem3A_516 = arith.remsi %squeeze3A_463, %select_n3A_515 : i32
      %ne3A_517 = arith.constant 0 : i32
      %ne3A_518 = arith.cmpi ne, %rem3A_516, %ne3A_517 : i32
      %lt3A_519 = arith.constant 0 : i32
      %lt3A_520 = arith.cmpi slt, %rem3A_516, %lt3A_519 : i32
      %lt3A_521 = arith.constant 0 : i32
      %lt3A_522 = arith.cmpi slt, %select_n3A_515, %lt3A_521 : i32
      %ne3A_523 = arith.xori %lt3A_520, %lt3A_522 : i1
      %and3A_524 = arith.andi %ne3A_523, %ne3A_518 : i1
      %add3A_525 = arith.addi %rem3A_516, %select_n3A_515 : i32
      %select_n3A_526 = arith.select %and3A_524, %add3A_525, %rem3A_516 : i32
      %add3A_527 = vector.broadcast %select_n3A_526 : i32 to vector<16xi32>
      %add3A_528 = arith.addi %broadcast_in_dim3A_510, %add3A_527 : vector<16xi32>
      %broadcast_in_dim3A_529 = arith.constant 0 : i32
      %broadcast_in_dim3A_530 = vector.broadcast %broadcast_in_dim3A_529 : i32 to vector<16xi32>
      %jit3A_531 = arith.constant 16 : i32
      %eq3A_532 = arith.constant 0 : i32
      %eq3A_533 = arith.cmpi eq, %jit3A_531, %eq3A_532 : i32
      %jit3A_534 = arith.constant 1 : i32
      %select_n3A_535 = arith.select %eq3A_533, %jit3A_534, %jit3A_531 : i32
      %rem3A_536 = arith.remsi %squeeze3A_467, %select_n3A_535 : i32
      %ne3A_537 = arith.constant 0 : i32
      %ne3A_538 = arith.cmpi ne, %rem3A_536, %ne3A_537 : i32
      %lt3A_539 = arith.constant 0 : i32
      %lt3A_540 = arith.cmpi slt, %rem3A_536, %lt3A_539 : i32
      %lt3A_541 = arith.constant 0 : i32
      %lt3A_542 = arith.cmpi slt, %select_n3A_535, %lt3A_541 : i32
      %ne3A_543 = arith.xori %lt3A_540, %lt3A_542 : i1
      %and3A_544 = arith.andi %ne3A_543, %ne3A_538 : i1
      %add3A_545 = arith.addi %rem3A_536, %select_n3A_535 : i32
      %select_n3A_546 = arith.select %and3A_544, %add3A_545, %rem3A_536 : i32
      %add3A_547 = arith.constant 0 : i32
      %add3A_548 = arith.addi %add3A_547, %select_n3A_546 : i32
      %add3A_549 = vector.broadcast %add3A_548 : i32 to vector<16xi32>
      %add3A_550 = arith.addi %broadcast_in_dim3A_530, %add3A_549 : vector<16xi32>
      %broadcast_in_dim3A_551 = arith.constant 0 : i32
      %broadcast_in_dim3A_552 = vector.broadcast %broadcast_in_dim3A_551 : i32 to vector<16xi32>
      %broadcast_in_dim3A_553 = arith.constant 0.000000e+00 : f32
      %broadcast_in_dim3A_554 = vector.broadcast %broadcast_in_dim3A_553 : f32 to vector<16xf32>
      %add3A_555 = arith.constant 0 : i32
      %add3A_556 = vector.broadcast %add3A_555 : i32 to vector<16xi32>
      %add3A_557 = arith.addi %add3A_556, %iota3A : vector<16xi32>
      %gather3A = tpu.vector_load_idx %arg12[%broadcast_in_dim3A_552, %add3A_557, %add3A_528] : memref<8x64x128xf32, #tpu.memory_space<vmem>>[vector<16xi32>, vector<16xi32>, vector<16xi32>], vector<16xf32>,
      %gather3A_558 = tpu.vector_load_idx %arg13[%add3A_557, %add3A_550] : memref<64x128xf32, #tpu.memory_space<vmem>>[vector<16xi32>, vector<16xi32>], vector<16xf32>,
      %mul3A_559 = arith.mulf %gather3A, %gather3A_558 : vector<16xf32>
      %mul3A_560 = arith.mulf %mul3A_559, %get3A_3 : vector<16xf32>
      %add3A_561 = arith.addf %broadcast_in_dim3A_554, %mul3A_560 : vector<16xf32>
      %add3A_562 = arith.constant 16 : i32
      %add3A_563 = vector.broadcast %add3A_562 : i32 to vector<16xi32>
      %add3A_564 = arith.addi %add3A_563, %iota3A : vector<16xi32>
      %gather3A_565 = tpu.vector_load_idx %arg12[%broadcast_in_dim3A_552, %add3A_564, %add3A_528] : memref<8x64x128xf32, #tpu.memory_space<vmem>>[vector<16xi32>, vector<16xi32>, vector<16xi32>], vector<16xf32>,
      %gather3A_566 = tpu.vector_load_idx %arg13[%add3A_564, %add3A_550] : memref<64x128xf32, #tpu.memory_space<vmem>>[vector<16xi32>, vector<16xi32>], vector<16xf32>,
      %mul3A_567 = arith.mulf %gather3A_565, %gather3A_566 : vector<16xf32>
      %mul3A_568 = arith.mulf %mul3A_567, %get3A_5 : vector<16xf32>
      %add3A_569 = arith.addf %add3A_561, %mul3A_568 : vector<16xf32>
      %add3A_570 = arith.constant 32 : i32
      %add3A_571 = vector.broadcast %add3A_570 : i32 to vector<16xi32>
      %add3A_572 = arith.addi %add3A_571, %iota3A : vector<16xi32>
      %gather3A_573 = tpu.vector_load_idx %arg12[%broadcast_in_dim3A_552, %add3A_572, %add3A_528] : memref<8x64x128xf32, #tpu.memory_space<vmem>>[vector<16xi32>, vector<16xi32>, vector<16xi32>], vector<16xf32>,
      %gather3A_574 = tpu.vector_load_idx %arg13[%add3A_572, %add3A_550] : memref<64x128xf32, #tpu.memory_space<vmem>>[vector<16xi32>, vector<16xi32>], vector<16xf32>,
      %mul3A_575 = arith.mulf %gather3A_573, %gather3A_574 : vector<16xf32>
      %mul3A_576 = arith.mulf %mul3A_575, %get3A_7 : vector<16xf32>
      %add3A_577 = arith.addf %add3A_569, %mul3A_576 : vector<16xf32>
      %add3A_578 = arith.constant 48 : i32
      %add3A_579 = vector.broadcast %add3A_578 : i32 to vector<16xi32>
      %add3A_580 = arith.addi %add3A_579, %iota3A : vector<16xi32>
      %gather3A_581 = tpu.vector_load_idx %arg12[%broadcast_in_dim3A_552, %add3A_580, %add3A_528] : memref<8x64x128xf32, #tpu.memory_space<vmem>>[vector<16xi32>, vector<16xi32>, vector<16xi32>], vector<16xf32>,
      %gather3A_582 = tpu.vector_load_idx %arg13[%add3A_580, %add3A_550] : memref<64x128xf32, #tpu.memory_space<vmem>>[vector<16xi32>, vector<16xi32>], vector<16xf32>,
      %mul3A_583 = arith.mulf %gather3A_581, %gather3A_582 : vector<16xf32>
      %mul3A_584 = arith.mulf %mul3A_583, %get3A_9 : vector<16xf32>
      %add3A_585 = arith.addf %add3A_577, %mul3A_584 : vector<16xf32>
      %reduce_sum3A = arith.constant true
      %reduce_sum3A_586 = vector.broadcast %reduce_sum3A : i1 to vector<16xi1>
      %reduce_sum3A_587 = tpu.scan <sum>, %add3A_585 masked %reduce_sum3A_586 : vector<16xf32>, vector<16xi1> -> vector<16xf32>
      %reduce_sum3A_588 = vector.extract %reduce_sum3A_587[15] : f32 from vector<16xf32>
      %jit3A_589 = arith.constant 16 : i32
      %eq3A_590 = arith.constant 0 : i32
      %eq3A_591 = arith.cmpi eq, %jit3A_589, %eq3A_590 : i32
      %jit3A_592 = arith.constant 1 : i32
      %select_n3A_593 = arith.select %eq3A_591, %jit3A_592, %jit3A_589 : i32
      %rem3A_594 = arith.remsi %add3A_422, %select_n3A_593 : i32
      %ne3A_595 = arith.constant 0 : i32
      %ne3A_596 = arith.cmpi ne, %rem3A_594, %ne3A_595 : i32
      %lt3A_597 = arith.constant 0 : i32
      %lt3A_598 = arith.cmpi slt, %rem3A_594, %lt3A_597 : i32
      %lt3A_599 = arith.constant 0 : i32
      %lt3A_600 = arith.cmpi slt, %select_n3A_593, %lt3A_599 : i32
      %ne3A_601 = arith.xori %lt3A_598, %lt3A_600 : i1
      %and3A_602 = arith.andi %ne3A_601, %ne3A_596 : i1
      %add3A_603 = arith.addi %rem3A_594, %select_n3A_593 : i32
      %select_n3A_604 = arith.select %and3A_602, %add3A_603, %rem3A_594 : i32
      %eq3A_605 = vector.broadcast %select_n3A_604 : i32 to vector<16xi32>
      %eq3A_606 = arith.cmpi eq, %iota3A, %eq3A_605 : vector<16xi32>
      %broadcast_in_dim3A_607 = vector.broadcast %reduce_sum3A_588 : f32 to vector<16xf32>
      %select_n3A_608 = arith.select %eq3A_606, %broadcast_in_dim3A_607, %scan3A_418 : vector<16xi1>, vector<16xf32>
      %jit3A_609 = arith.constant 16 : i32
      %eq3A_610 = arith.constant 0 : i32
      %eq3A_611 = arith.cmpi eq, %jit3A_609, %eq3A_610 : i32
      %jit3A_612 = arith.constant 1 : i32
      %select_n3A_613 = arith.select %eq3A_611, %jit3A_612, %jit3A_609 : i32
      %rem3A_614 = arith.remsi %add3A_422, %select_n3A_613 : i32
      %ne3A_615 = arith.constant 0 : i32
      %ne3A_616 = arith.cmpi ne, %rem3A_614, %ne3A_615 : i32
      %lt3A_617 = arith.constant 0 : i32
      %lt3A_618 = arith.cmpi slt, %rem3A_614, %lt3A_617 : i32
      %lt3A_619 = arith.constant 0 : i32
      %lt3A_620 = arith.cmpi slt, %select_n3A_613, %lt3A_619 : i32
      %ne3A_621 = arith.xori %lt3A_618, %lt3A_620 : i1
      %and3A_622 = arith.andi %ne3A_621, %ne3A_616 : i1
      %add3A_623 = arith.addi %rem3A_614, %select_n3A_613 : i32
      %select_n3A_624 = arith.select %and3A_622, %add3A_623, %rem3A_614 : i32
      %eq3A_625 = arith.constant 15 : i32
      %eq3A_626 = arith.cmpi eq, %select_n3A_624, %eq3A_625 : i32
      %convert_element_type3A_627 = arith.extui %eq3A_626 : i1 to i32
      %cond3A_628 = arith.constant 0 : i32
      %cond3A_629 = arith.cmpi ne, %convert_element_type3A_627, %cond3A_628 : i32
      scf.if %cond3A_629 {
        %jit3A_2163 = arith.constant 16 : i32
        %div3A_2164 = arith.divsi %add3A_422, %jit3A_2163 : i32
        %sign3A_2165 = arith.constant 0 : i32
        %sign3A_2166 = arith.cmpi sgt, %add3A_422, %sign3A_2165 : i32
        %sign3A_2167 = arith.extui %sign3A_2166 : i1 to i32
        %sign3A_2168 = arith.constant 0 : i32
        %sign3A_2169 = arith.cmpi slt, %add3A_422, %sign3A_2168 : i32
        %sign3A_2170 = arith.extui %sign3A_2169 : i1 to i32
        %sign3A_2171 = arith.subi %sign3A_2167, %sign3A_2170 : i32
        %sign3A_2172 = arith.constant 0 : i32
        %sign3A_2173 = arith.cmpi sgt, %jit3A_2163, %sign3A_2172 : i32
        %sign3A_2174 = arith.extui %sign3A_2173 : i1 to i32
        %sign3A_2175 = arith.constant 0 : i32
        %sign3A_2176 = arith.cmpi slt, %jit3A_2163, %sign3A_2175 : i32
        %sign3A_2177 = arith.extui %sign3A_2176 : i1 to i32
        %sign3A_2178 = arith.subi %sign3A_2174, %sign3A_2177 : i32
        %ne3A_2179 = arith.cmpi ne, %sign3A_2171, %sign3A_2178 : i32
        %rem3A_2180 = arith.remsi %add3A_422, %jit3A_2163 : i32
        %ne3A_2181 = arith.constant 0 : i32
        %ne3A_2182 = arith.cmpi ne, %rem3A_2180, %ne3A_2181 : i32
        %and3A_2183 = arith.andi %ne3A_2179, %ne3A_2182 : i1
        %sub3A_2184 = arith.constant 1 : i32
        %sub3A_2185 = arith.subi %div3A_2164, %sub3A_2184 : i32
        %select_n3A_2186 = arith.select %and3A_2183, %sub3A_2185, %div3A_2164 : i32
        %mul3A_2187 = arith.constant 16 : i32
        %mul3A_2188 = arith.muli %select_n3A_2186, %mul3A_2187 : i32
        %swap3A = arith.index_cast %mul3A_2188 : i32 to index
        %swap3A_2189 = tpu.vector_load %arg11[%swap3A] {strides = array<i32>} : memref<512xf32, #tpu.memory_space<vmem>>, vector<16xf32>,
        tpu.vector_store %arg11[%swap3A], %select_n3A_608 {strides = array<i32>} : memref<512xf32, #tpu.memory_space<vmem>>, vector<16xf32>,
      } else {
      }
      %mul3A_630 = arith.constant 8 : i32
      %mul3A_631 = arith.muli %scan3A_417, %mul3A_630 : i32
      %add3A_632 = arith.constant 1 : i32
      %add3A_633 = arith.addi %mul3A_631, %add3A_632 : i32
      %add3A_634 = arith.constant 8 : i32
      %add3A_635 = arith.addi %add3A_633, %add3A_634 : i32
      %sub3A_636 = arith.constant 1 : i32
      %sub3A_637 = arith.subi %add3A_635, %sub3A_636 : i32
      %add3A_638 = arith.constant 4 : i32
      %add3A_639 = arith.addi %add3A_633, %add3A_638 : i32
      %sub3A_640 = arith.constant 1 : i32
      %sub3A_641 = arith.subi %add3A_639, %sub3A_640 : i32
      %lt3A_642 = arith.constant 512 : i32
      %lt3A_643 = arith.cmpi slt, %sub3A_637, %lt3A_642 : i32
      %convert_element_type3A_644 = arith.extui %lt3A_643 : i1 to i32
      %cond3A_645 = arith.constant 0 : i32
      %cond3A_646 = arith.cmpi ne, %convert_element_type3A_644, %cond3A_645 : i32
      scf.if %cond3A_646 {
        %get3A_2163 = arith.index_cast %sub3A_637 : i32 to index
        %get3A_2164 = tpu.vector_load %arg8[%get3A_2163] {strides = array<i32>} : memref<528xi32, #tpu.memory_space<vmem>>, vector<16xi32>,
        %slice3A_2165 = vector.extract_strided_slice %get3A_2164 {offsets = [0], sizes = [1], strides = [1]} : vector<16xi32> to vector<1xi32>
        %squeeze3A_2166 = vector.extract %slice3A_2165[0] : i32 from vector<1xi32>
        %jit3A_2167 = arith.constant 128 : i32
        %div3A_2168 = arith.divsi %squeeze3A_2166, %jit3A_2167 : i32
        %sign3A_2169 = arith.constant 0 : i32
        %sign3A_2170 = arith.cmpi sgt, %squeeze3A_2166, %sign3A_2169 : i32
        %sign3A_2171 = arith.extui %sign3A_2170 : i1 to i32
        %sign3A_2172 = arith.constant 0 : i32
        %sign3A_2173 = arith.cmpi slt, %squeeze3A_2166, %sign3A_2172 : i32
        %sign3A_2174 = arith.extui %sign3A_2173 : i1 to i32
        %sign3A_2175 = arith.subi %sign3A_2171, %sign3A_2174 : i32
        %sign3A_2176 = arith.constant 0 : i32
        %sign3A_2177 = arith.cmpi sgt, %jit3A_2167, %sign3A_2176 : i32
        %sign3A_2178 = arith.extui %sign3A_2177 : i1 to i32
        %sign3A_2179 = arith.constant 0 : i32
        %sign3A_2180 = arith.cmpi slt, %jit3A_2167, %sign3A_2179 : i32
        %sign3A_2181 = arith.extui %sign3A_2180 : i1 to i32
        %sign3A_2182 = arith.subi %sign3A_2178, %sign3A_2181 : i32
        %ne3A_2183 = arith.cmpi ne, %sign3A_2175, %sign3A_2182 : i32
        %rem3A_2184 = arith.remsi %squeeze3A_2166, %jit3A_2167 : i32
        %ne3A_2185 = arith.constant 0 : i32
        %ne3A_2186 = arith.cmpi ne, %rem3A_2184, %ne3A_2185 : i32
        %and3A_2187 = arith.andi %ne3A_2183, %ne3A_2186 : i1
        %sub3A_2188 = arith.constant 1 : i32
        %sub3A_2189 = arith.subi %div3A_2168, %sub3A_2188 : i32
        %select_n3A_2190 = arith.select %and3A_2187, %sub3A_2189, %div3A_2168 : i32
        %mul3A_2191 = arith.constant 128 : i32
        %mul3A_2192 = arith.muli %select_n3A_2190, %mul3A_2191 : i32
        %dma_start3A_2193 = arith.constant 0 : i32
        %dma_start3A_2194 = arith.constant 0 : i32
        %dma_start3A_2195 = arith.constant 0 : i32
        %dma_start3A_2196 = tpu.memref_slice %arg12[%dma_start3A_2193, %dma_start3A_2194, %dma_start3A_2195] : memref<8x64x128xf32, #tpu.memory_space<vmem>> -> memref<1x64x128xf32, #tpu.memory_space<vmem>>
        %dma_start3A_2197 = tpu.memref_squeeze %dma_start3A_2196 : memref<1x64x128xf32, #tpu.memory_space<vmem>> -> memref<64x128xf32, #tpu.memory_space<vmem>>
        %dma_start3A_2198 = arith.constant 0 : i32
        %dma_start3A_2199 = tpu.memref_slice %arg4[%dma_start3A_2198, %mul3A_2192] : memref<64x1000000xf32, #tpu.memory_space<hbm>> -> memref<64x128xf32, #tpu.memory_space<hbm>>
        %dma_start3A_2200 = arith.constant 0 : i32
        %dma_start3A_2201 = arith.constant 0 : i32
        %dma_start3A_2202 = tpu.memref_slice %arg12[%dma_start3A_2193, %dma_start3A_2200, %dma_start3A_2201] : memref<8x64x128xf32, #tpu.memory_space<vmem>> -> memref<1x64x128xf32, #tpu.memory_space<vmem>>
        %dma_start3A_2203 = tpu.memref_squeeze %dma_start3A_2202 : memref<1x64x128xf32, #tpu.memory_space<vmem>> -> memref<64x128xf32, #tpu.memory_space<vmem>>
        %dma_start3A_2204 = arith.constant 0 : i32
        %dma_start3A_2205 = tpu.memref_slice %arg4[%dma_start3A_2204, %mul3A_2192] : memref<64x1000000xf32, #tpu.memory_space<hbm>> -> memref<64x128xf32, #tpu.memory_space<hbm>>
        tpu.enqueue_dma source(%dma_start3A_2205 : memref<64x128xf32, #tpu.memory_space<hbm>>) target(%dma_start3A_2203 : memref<64x128xf32, #tpu.memory_space<vmem>>) target_semaphore(%arg15 : memref<!tpu.dma_semaphore, #tpu.memory_space<semaphore_mem>>)
      } else {
      }
      %lt3A_647 = arith.constant 512 : i32
      %lt3A_648 = arith.cmpi slt, %sub3A_641, %lt3A_647 : i32
      %convert_element_type3A_649 = arith.extui %lt3A_648 : i1 to i32
      %cond3A_650 = arith.constant 0 : i32
      %cond3A_651 = arith.cmpi ne, %convert_element_type3A_649, %cond3A_650 : i32
      scf.if %cond3A_651 {
        %get3A_2163 = arith.index_cast %sub3A_641 : i32 to index
        %get3A_2164 = tpu.vector_load %arg9[%get3A_2163] {strides = array<i32>} : memref<528xi32, #tpu.memory_space<vmem>>, vector<16xi32>,
        %slice3A_2165 = vector.extract_strided_slice %get3A_2164 {offsets = [0], sizes = [1], strides = [1]} : vector<16xi32> to vector<1xi32>
        %squeeze3A_2166 = vector.extract %slice3A_2165[0] : i32 from vector<1xi32>
        %jit3A_2167 = arith.constant 128 : i32
        %div3A_2168 = arith.divsi %squeeze3A_2166, %jit3A_2167 : i32
        %sign3A_2169 = arith.constant 0 : i32
        %sign3A_2170 = arith.cmpi sgt, %squeeze3A_2166, %sign3A_2169 : i32
        %sign3A_2171 = arith.extui %sign3A_2170 : i1 to i32
        %sign3A_2172 = arith.constant 0 : i32
        %sign3A_2173 = arith.cmpi slt, %squeeze3A_2166, %sign3A_2172 : i32
        %sign3A_2174 = arith.extui %sign3A_2173 : i1 to i32
        %sign3A_2175 = arith.subi %sign3A_2171, %sign3A_2174 : i32
        %sign3A_2176 = arith.constant 0 : i32
        %sign3A_2177 = arith.cmpi sgt, %jit3A_2167, %sign3A_2176 : i32
        %sign3A_2178 = arith.extui %sign3A_2177 : i1 to i32
        %sign3A_2179 = arith.constant 0 : i32
        %sign3A_2180 = arith.cmpi slt, %jit3A_2167, %sign3A_2179 : i32
        %sign3A_2181 = arith.extui %sign3A_2180 : i1 to i32
        %sign3A_2182 = arith.subi %sign3A_2178, %sign3A_2181 : i32
        %ne3A_2183 = arith.cmpi ne, %sign3A_2175, %sign3A_2182 : i32
        %rem3A_2184 = arith.remsi %squeeze3A_2166, %jit3A_2167 : i32
        %ne3A_2185 = arith.constant 0 : i32
        %ne3A_2186 = arith.cmpi ne, %rem3A_2184, %ne3A_2185 : i32
        %and3A_2187 = arith.andi %ne3A_2183, %ne3A_2186 : i1
        %sub3A_2188 = arith.constant 1 : i32
        %sub3A_2189 = arith.subi %div3A_2168, %sub3A_2188 : i32
        %select_n3A_2190 = arith.select %and3A_2187, %sub3A_2189, %div3A_2168 : i32
        %mul3A_2191 = arith.constant 128 : i32
        %mul3A_2192 = arith.muli %select_n3A_2190, %mul3A_2191 : i32
        %dma_start3A_2193 = arith.constant 0 : i32
        %dma_start3A_2194 = arith.constant 0 : i32
        %dma_start3A_2195 = arith.constant 0 : i32
        %dma_start3A_2196 = tpu.memref_slice %arg14[%arg1, %dma_start3A_2193, %dma_start3A_2194, %dma_start3A_2195] : memref<16x4x64x128xf32, #tpu.memory_space<vmem_shared>> -> memref<1x1x64x128xf32, #tpu.memory_space<vmem_shared>>
        %dma_start3A_2197 = tpu.memref_squeeze %dma_start3A_2196 : memref<1x1x64x128xf32, #tpu.memory_space<vmem_shared>> -> memref<64x128xf32, #tpu.memory_space<vmem_shared>>
        %dma_start3A_2198 = arith.constant 0 : i32
        %dma_start3A_2199 = tpu.memref_slice %arg5[%dma_start3A_2198, %mul3A_2192] : memref<64x1000000xf32, #tpu.memory_space<hbm>> -> memref<64x128xf32, #tpu.memory_space<hbm>>
        tpu.enqueue_dma source(%dma_start3A_2199 : memref<64x128xf32, #tpu.memory_space<hbm>>) target(%dma_start3A_2197 : memref<64x128xf32, #tpu.memory_space<vmem_shared>>) target_semaphore(%arg23 : memref<!tpu.dma_semaphore, #tpu.memory_space<semaphore_mem>>)
      } else {
      }
      %dma_wait3A_652 = arith.constant 1 : i32
      %dma_wait3A_653 = arith.constant 0 : i32
      %dma_wait3A_654 = arith.constant 0 : i32
      %dma_wait3A_655 = tpu.memref_slice %arg12[%dma_wait3A_652, %dma_wait3A_653, %dma_wait3A_654] : memref<8x64x128xf32, #tpu.memory_space<vmem>> -> memref<1x64x128xf32, #tpu.memory_space<vmem>>
      %dma_wait3A_656 = tpu.memref_squeeze %dma_wait3A_655 : memref<1x64x128xf32, #tpu.memory_space<vmem>> -> memref<64x128xf32, #tpu.memory_space<vmem>>
      %dma_wait3A_657 = arith.constant 0 : i32
      %dma_wait3A_658 = arith.constant 0 : i32
      %dma_wait3A_659 = tpu.memref_slice %arg4[%dma_wait3A_657, %dma_wait3A_658] : memref<64x1000000xf32, #tpu.memory_space<hbm>> -> memref<64x128xf32, #tpu.memory_space<hbm>>
      %dma_wait3A_660 = arith.constant 0 : i32
      %dma_wait3A_661 = arith.constant 0 : i32
      %dma_wait3A_662 = tpu.memref_slice %arg12[%dma_wait3A_652, %dma_wait3A_660, %dma_wait3A_661] : memref<8x64x128xf32, #tpu.memory_space<vmem>> -> memref<1x64x128xf32, #tpu.memory_space<vmem>>
      %dma_wait3A_663 = tpu.memref_squeeze %dma_wait3A_662 : memref<1x64x128xf32, #tpu.memory_space<vmem>> -> memref<64x128xf32, #tpu.memory_space<vmem>>
      %dma_wait3A_664 = arith.constant 0 : i32
      %dma_wait3A_665 = arith.constant 0 : i32
      %dma_wait3A_666 = tpu.memref_slice %arg4[%dma_wait3A_664, %dma_wait3A_665] : memref<64x1000000xf32, #tpu.memory_space<hbm>> -> memref<64x128xf32, #tpu.memory_space<hbm>>
      tpu.wait_dma2 semaphore(%arg16 : memref<!tpu.dma_semaphore, #tpu.memory_space<semaphore_mem>>) src(%dma_wait3A_666 : memref<64x128xf32, #tpu.memory_space<hbm>>) dst(%dma_wait3A_663 : memref<64x128xf32, #tpu.memory_space<vmem>>)
      %dma_wait3A_667 = arith.constant 1 : i32
      %dma_wait3A_668 = arith.constant 0 : i32
      %dma_wait3A_669 = arith.constant 0 : i32
      %dma_wait3A_670 = tpu.memref_slice %arg14[%arg1, %dma_wait3A_667, %dma_wait3A_668, %dma_wait3A_669] : memref<16x4x64x128xf32, #tpu.memory_space<vmem_shared>> -> memref<1x1x64x128xf32, #tpu.memory_space<vmem_shared>>
      %dma_wait3A_671 = tpu.memref_squeeze %dma_wait3A_670 : memref<1x1x64x128xf32, #tpu.memory_space<vmem_shared>> -> memref<64x128xf32, #tpu.memory_space<vmem_shared>>
      %dma_wait3A_672 = arith.constant 0 : i32
      %dma_wait3A_673 = arith.constant 0 : i32
      %dma_wait3A_674 = tpu.memref_slice %arg5[%dma_wait3A_672, %dma_wait3A_673] : memref<64x1000000xf32, #tpu.memory_space<hbm>> -> memref<64x128xf32, #tpu.memory_space<hbm>>
      tpu.wait_dma2 semaphore(%arg24 : memref<!tpu.dma_semaphore, #tpu.memory_space<semaphore_mem>>) src(%dma_wait3A_674 : memref<64x128xf32, #tpu.memory_space<hbm>>) dst(%dma_wait3A_671 : memref<64x128xf32, #tpu.memory_space<vmem_shared>>)
      %get3A_675 = arith.index_cast %add3A_633 : i32 to index
      %get3A_676 = tpu.vector_load %arg8[%get3A_675] {strides = array<i32>} : memref<528xi32, #tpu.memory_space<vmem>>, vector<16xi32>,
      %slice3A_677 = vector.extract_strided_slice %get3A_676 {offsets = [0], sizes = [1], strides = [1]} : vector<16xi32> to vector<1xi32>
      %squeeze3A_678 = vector.extract %slice3A_677[0] : i32 from vector<1xi32>
      %get3A_679 = arith.index_cast %add3A_633 : i32 to index
      %get3A_680 = tpu.vector_load %arg9[%get3A_679] {strides = array<i32>} : memref<528xi32, #tpu.memory_space<vmem>>, vector<16xi32>,
      %slice3A_681 = vector.extract_strided_slice %get3A_680 {offsets = [0], sizes = [1], strides = [1]} : vector<16xi32> to vector<1xi32>
      %squeeze3A_682 = vector.extract %slice3A_681[0] : i32 from vector<1xi32>
      %jit3A_683 = arith.constant 128 : i32
      %eq3A_684 = arith.constant 0 : i32
      %eq3A_685 = arith.cmpi eq, %jit3A_683, %eq3A_684 : i32
      %jit3A_686 = arith.constant 1 : i32
      %select_n3A_687 = arith.select %eq3A_685, %jit3A_686, %jit3A_683 : i32
      %rem3A_688 = arith.remsi %squeeze3A_682, %select_n3A_687 : i32
      %ne3A_689 = arith.constant 0 : i32
      %ne3A_690 = arith.cmpi ne, %rem3A_688, %ne3A_689 : i32
      %lt3A_691 = arith.constant 0 : i32
      %lt3A_692 = arith.cmpi slt, %rem3A_688, %lt3A_691 : i32
      %lt3A_693 = arith.constant 0 : i32
      %lt3A_694 = arith.cmpi slt, %select_n3A_687, %lt3A_693 : i32
      %ne3A_695 = arith.xori %lt3A_692, %lt3A_694 : i1
      %and3A_696 = arith.andi %ne3A_695, %ne3A_690 : i1
      %add3A_697 = arith.addi %rem3A_688, %select_n3A_687 : i32
      %select_n3A_698 = arith.select %and3A_696, %add3A_697, %rem3A_688 : i32
      %jit3A_699 = arith.constant 16 : i32
      %div3A_700 = arith.divsi %select_n3A_698, %jit3A_699 : i32
      %sign3A_701 = arith.constant 0 : i32
      %sign3A_702 = arith.cmpi sgt, %select_n3A_698, %sign3A_701 : i32
      %sign3A_703 = arith.extui %sign3A_702 : i1 to i32
      %sign3A_704 = arith.constant 0 : i32
      %sign3A_705 = arith.cmpi slt, %select_n3A_698, %sign3A_704 : i32
      %sign3A_706 = arith.extui %sign3A_705 : i1 to i32
      %sign3A_707 = arith.subi %sign3A_703, %sign3A_706 : i32
      %sign3A_708 = arith.constant 0 : i32
      %sign3A_709 = arith.cmpi sgt, %jit3A_699, %sign3A_708 : i32
      %sign3A_710 = arith.extui %sign3A_709 : i1 to i32
      %sign3A_711 = arith.constant 0 : i32
      %sign3A_712 = arith.cmpi slt, %jit3A_699, %sign3A_711 : i32
      %sign3A_713 = arith.extui %sign3A_712 : i1 to i32
      %sign3A_714 = arith.subi %sign3A_710, %sign3A_713 : i32
      %ne3A_715 = arith.cmpi ne, %sign3A_707, %sign3A_714 : i32
      %rem3A_716 = arith.remsi %select_n3A_698, %jit3A_699 : i32
      %ne3A_717 = arith.constant 0 : i32
      %ne3A_718 = arith.cmpi ne, %rem3A_716, %ne3A_717 : i32
      %and3A_719 = arith.andi %ne3A_715, %ne3A_718 : i1
      %sub3A_720 = arith.constant 1 : i32
      %sub3A_721 = arith.subi %div3A_700, %sub3A_720 : i32
      %select_n3A_722 = arith.select %and3A_719, %sub3A_721, %div3A_700 : i32
      %mul3A_723 = arith.constant 16 : i32
      %mul3A_724 = arith.muli %select_n3A_722, %mul3A_723 : i32
      %run_scoped3A_725 = arith.constant 1 : i32
      "tpu.region"() ({
        %run_scoped3A_2163 = tpu.sem_alloc : memref<!tpu.dma_semaphore, #tpu.memory_space<semaphore_mem>>
        %dma_start3A_2164 = arith.constant 0 : i32
        %dma_start3A_2165 = arith.constant 16 : i32
        %dma_start3A_2166 = tpu.memref_slice %arg13[%dma_start3A_2164, %dma_start3A_2165] : memref<64x128xf32, #tpu.memory_space<vmem>> -> memref<64x16xf32, #tpu.memory_space<vmem>>
        %dma_start3A_2167 = arith.constant 0 : i32
        %dma_start3A_2168 = tpu.memref_slice %arg14[%arg1, %run_scoped3A_725, %dma_start3A_2167, %mul3A_724] : memref<16x4x64x128xf32, #tpu.memory_space<vmem_shared>> -> memref<1x1x64x16xf32, #tpu.memory_space<vmem_shared>>
        %dma_start3A_2169 = tpu.memref_squeeze %dma_start3A_2168 : memref<1x1x64x16xf32, #tpu.memory_space<vmem_shared>> -> memref<64x16xf32, #tpu.memory_space<vmem_shared>>
        %dma_start3A_2170 = arith.constant 0 : i32
        %dma_start3A_2171 = arith.constant 16 : i32
        %dma_start3A_2172 = tpu.memref_slice %arg13[%dma_start3A_2170, %dma_start3A_2171] : memref<64x128xf32, #tpu.memory_space<vmem>> -> memref<64x16xf32, #tpu.memory_space<vmem>>
        %dma_start3A_2173 = arith.constant 0 : i32
        %dma_start3A_2174 = tpu.memref_slice %arg14[%arg1, %run_scoped3A_725, %dma_start3A_2173, %mul3A_724] : memref<16x4x64x128xf32, #tpu.memory_space<vmem_shared>> -> memref<1x1x64x16xf32, #tpu.memory_space<vmem_shared>>
        %dma_start3A_2175 = tpu.memref_squeeze %dma_start3A_2174 : memref<1x1x64x16xf32, #tpu.memory_space<vmem_shared>> -> memref<64x16xf32, #tpu.memory_space<vmem_shared>>
        tpu.enqueue_dma source(%dma_start3A_2175 : memref<64x16xf32, #tpu.memory_space<vmem_shared>>) target(%dma_start3A_2172 : memref<64x16xf32, #tpu.memory_space<vmem>>) target_semaphore(%run_scoped3A_2163 : memref<!tpu.dma_semaphore, #tpu.memory_space<semaphore_mem>>)
        %dma_wait3A_2176 = arith.constant 0 : i32
        %dma_wait3A_2177 = arith.constant 16 : i32
        %dma_wait3A_2178 = tpu.memref_slice %arg13[%dma_wait3A_2176, %dma_wait3A_2177] : memref<64x128xf32, #tpu.memory_space<vmem>> -> memref<64x16xf32, #tpu.memory_space<vmem>>
        %dma_wait3A_2179 = arith.constant 0 : i32
        %dma_wait3A_2180 = tpu.memref_slice %arg14[%arg1, %run_scoped3A_725, %dma_wait3A_2179, %mul3A_724] : memref<16x4x64x128xf32, #tpu.memory_space<vmem_shared>> -> memref<1x1x64x16xf32, #tpu.memory_space<vmem_shared>>
        %dma_wait3A_2181 = tpu.memref_squeeze %dma_wait3A_2180 : memref<1x1x64x16xf32, #tpu.memory_space<vmem_shared>> -> memref<64x16xf32, #tpu.memory_space<vmem_shared>>
        %dma_wait3A_2182 = arith.constant 0 : i32
        %dma_wait3A_2183 = arith.constant 16 : i32
        %dma_wait3A_2184 = tpu.memref_slice %arg13[%dma_wait3A_2182, %dma_wait3A_2183] : memref<64x128xf32, #tpu.memory_space<vmem>> -> memref<64x16xf32, #tpu.memory_space<vmem>>
        %dma_wait3A_2185 = arith.constant 0 : i32
        %dma_wait3A_2186 = tpu.memref_slice %arg14[%arg1, %run_scoped3A_725, %dma_wait3A_2185, %mul3A_724] : memref<16x4x64x128xf32, #tpu.memory_space<vmem_shared>> -> memref<1x1x64x16xf32, #tpu.memory_space<vmem_shared>>
        %dma_wait3A_2187 = tpu.memref_squeeze %dma_wait3A_2186 : memref<1x1x64x16xf32, #tpu.memory_space<vmem_shared>> -> memref<64x16xf32, #tpu.memory_space<vmem_shared>>
        tpu.wait_dma2 semaphore(%run_scoped3A_2163 : memref<!tpu.dma_semaphore, #tpu.memory_space<semaphore_mem>>) src(%dma_wait3A_2187 : memref<64x16xf32, #tpu.memory_space<vmem_shared>>) dst(%dma_wait3A_2184 : memref<64x16xf32, #tpu.memory_space<vmem>>)
        tpu.yield
      }) : () -> ()
      %broadcast_in_dim3A_726 = arith.constant 0 : i32
      %broadcast_in_dim3A_727 = vector.broadcast %broadcast_in_dim3A_726 : i32 to vector<16xi32>
      %jit3A_728 = arith.constant 128 : i32
      %eq3A_729 = arith.constant 0 : i32
      %eq3A_730 = arith.cmpi eq, %jit3A_728, %eq3A_729 : i32
      %jit3A_731 = arith.constant 1 : i32
      %select_n3A_732 = arith.select %eq3A_730, %jit3A_731, %jit3A_728 : i32
      %rem3A_733 = arith.remsi %squeeze3A_678, %select_n3A_732 : i32
      %ne3A_734 = arith.constant 0 : i32
      %ne3A_735 = arith.cmpi ne, %rem3A_733, %ne3A_734 : i32
      %lt3A_736 = arith.constant 0 : i32
      %lt3A_737 = arith.cmpi slt, %rem3A_733, %lt3A_736 : i32
      %lt3A_738 = arith.constant 0 : i32
      %lt3A_739 = arith.cmpi slt, %select_n3A_732, %lt3A_738 : i32
      %ne3A_740 = arith.xori %lt3A_737, %lt3A_739 : i1
      %and3A_741 = arith.andi %ne3A_740, %ne3A_735 : i1
      %add3A_742 = arith.addi %rem3A_733, %select_n3A_732 : i32
      %select_n3A_743 = arith.select %and3A_741, %add3A_742, %rem3A_733 : i32
      %add3A_744 = vector.broadcast %select_n3A_743 : i32 to vector<16xi32>
      %add3A_745 = arith.addi %broadcast_in_dim3A_727, %add3A_744 : vector<16xi32>
      %broadcast_in_dim3A_746 = arith.constant 0 : i32
      %broadcast_in_dim3A_747 = vector.broadcast %broadcast_in_dim3A_746 : i32 to vector<16xi32>
      %jit3A_748 = arith.constant 16 : i32
      %eq3A_749 = arith.constant 0 : i32
      %eq3A_750 = arith.cmpi eq, %jit3A_748, %eq3A_749 : i32
      %jit3A_751 = arith.constant 1 : i32
      %select_n3A_752 = arith.select %eq3A_750, %jit3A_751, %jit3A_748 : i32
      %rem3A_753 = arith.remsi %squeeze3A_682, %select_n3A_752 : i32
      %ne3A_754 = arith.constant 0 : i32
      %ne3A_755 = arith.cmpi ne, %rem3A_753, %ne3A_754 : i32
      %lt3A_756 = arith.constant 0 : i32
      %lt3A_757 = arith.cmpi slt, %rem3A_753, %lt3A_756 : i32
      %lt3A_758 = arith.constant 0 : i32
      %lt3A_759 = arith.cmpi slt, %select_n3A_752, %lt3A_758 : i32
      %ne3A_760 = arith.xori %lt3A_757, %lt3A_759 : i1
      %and3A_761 = arith.andi %ne3A_760, %ne3A_755 : i1
      %add3A_762 = arith.addi %rem3A_753, %select_n3A_752 : i32
      %select_n3A_763 = arith.select %and3A_761, %add3A_762, %rem3A_753 : i32
      %add3A_764 = arith.constant 16 : i32
      %add3A_765 = arith.addi %add3A_764, %select_n3A_763 : i32
      %add3A_766 = vector.broadcast %add3A_765 : i32 to vector<16xi32>
      %add3A_767 = arith.addi %broadcast_in_dim3A_747, %add3A_766 : vector<16xi32>
      %broadcast_in_dim3A_768 = arith.constant 1 : i32
      %broadcast_in_dim3A_769 = vector.broadcast %broadcast_in_dim3A_768 : i32 to vector<16xi32>
      %broadcast_in_dim3A_770 = arith.constant 0.000000e+00 : f32
      %broadcast_in_dim3A_771 = vector.broadcast %broadcast_in_dim3A_770 : f32 to vector<16xf32>
      %add3A_772 = arith.constant 0 : i32
      %add3A_773 = vector.broadcast %add3A_772 : i32 to vector<16xi32>
      %add3A_774 = arith.addi %add3A_773, %iota3A : vector<16xi32>
      %gather3A_775 = tpu.vector_load_idx %arg12[%broadcast_in_dim3A_769, %add3A_774, %add3A_745] : memref<8x64x128xf32, #tpu.memory_space<vmem>>[vector<16xi32>, vector<16xi32>, vector<16xi32>], vector<16xf32>,
      %gather3A_776 = tpu.vector_load_idx %arg13[%add3A_774, %add3A_767] : memref<64x128xf32, #tpu.memory_space<vmem>>[vector<16xi32>, vector<16xi32>], vector<16xf32>,
      %mul3A_777 = arith.mulf %gather3A_775, %gather3A_776 : vector<16xf32>
      %mul3A_778 = arith.mulf %mul3A_777, %get3A_3 : vector<16xf32>
      %add3A_779 = arith.addf %broadcast_in_dim3A_771, %mul3A_778 : vector<16xf32>
      %add3A_780 = arith.constant 16 : i32
      %add3A_781 = vector.broadcast %add3A_780 : i32 to vector<16xi32>
      %add3A_782 = arith.addi %add3A_781, %iota3A : vector<16xi32>
      %gather3A_783 = tpu.vector_load_idx %arg12[%broadcast_in_dim3A_769, %add3A_782, %add3A_745] : memref<8x64x128xf32, #tpu.memory_space<vmem>>[vector<16xi32>, vector<16xi32>, vector<16xi32>], vector<16xf32>,
      %gather3A_784 = tpu.vector_load_idx %arg13[%add3A_782, %add3A_767] : memref<64x128xf32, #tpu.memory_space<vmem>>[vector<16xi32>, vector<16xi32>], vector<16xf32>,
      %mul3A_785 = arith.mulf %gather3A_783, %gather3A_784 : vector<16xf32>
      %mul3A_786 = arith.mulf %mul3A_785, %get3A_5 : vector<16xf32>
      %add3A_787 = arith.addf %add3A_779, %mul3A_786 : vector<16xf32>
      %add3A_788 = arith.constant 32 : i32
      %add3A_789 = vector.broadcast %add3A_788 : i32 to vector<16xi32>
      %add3A_790 = arith.addi %add3A_789, %iota3A : vector<16xi32>
      %gather3A_791 = tpu.vector_load_idx %arg12[%broadcast_in_dim3A_769, %add3A_790, %add3A_745] : memref<8x64x128xf32, #tpu.memory_space<vmem>>[vector<16xi32>, vector<16xi32>, vector<16xi32>], vector<16xf32>,
      %gather3A_792 = tpu.vector_load_idx %arg13[%add3A_790, %add3A_767] : memref<64x128xf32, #tpu.memory_space<vmem>>[vector<16xi32>, vector<16xi32>], vector<16xf32>,
      %mul3A_793 = arith.mulf %gather3A_791, %gather3A_792 : vector<16xf32>
      %mul3A_794 = arith.mulf %mul3A_793, %get3A_7 : vector<16xf32>
      %add3A_795 = arith.addf %add3A_787, %mul3A_794 : vector<16xf32>
      %add3A_796 = arith.constant 48 : i32
      %add3A_797 = vector.broadcast %add3A_796 : i32 to vector<16xi32>
      %add3A_798 = arith.addi %add3A_797, %iota3A : vector<16xi32>
      %gather3A_799 = tpu.vector_load_idx %arg12[%broadcast_in_dim3A_769, %add3A_798, %add3A_745] : memref<8x64x128xf32, #tpu.memory_space<vmem>>[vector<16xi32>, vector<16xi32>, vector<16xi32>], vector<16xf32>,
      %gather3A_800 = tpu.vector_load_idx %arg13[%add3A_798, %add3A_767] : memref<64x128xf32, #tpu.memory_space<vmem>>[vector<16xi32>, vector<16xi32>], vector<16xf32>,
      %mul3A_801 = arith.mulf %gather3A_799, %gather3A_800 : vector<16xf32>
      %mul3A_802 = arith.mulf %mul3A_801, %get3A_9 : vector<16xf32>
      %add3A_803 = arith.addf %add3A_795, %mul3A_802 : vector<16xf32>
      %reduce_sum3A_804 = arith.constant true
      %reduce_sum3A_805 = vector.broadcast %reduce_sum3A_804 : i1 to vector<16xi1>
      %reduce_sum3A_806 = tpu.scan <sum>, %add3A_803 masked %reduce_sum3A_805 : vector<16xf32>, vector<16xi1> -> vector<16xf32>
      %reduce_sum3A_807 = vector.extract %reduce_sum3A_806[15] : f32 from vector<16xf32>
      %jit3A_808 = arith.constant 16 : i32
      %eq3A_809 = arith.constant 0 : i32
      %eq3A_810 = arith.cmpi eq, %jit3A_808, %eq3A_809 : i32
      %jit3A_811 = arith.constant 1 : i32
      %select_n3A_812 = arith.select %eq3A_810, %jit3A_811, %jit3A_808 : i32
      %rem3A_813 = arith.remsi %add3A_633, %select_n3A_812 : i32
      %ne3A_814 = arith.constant 0 : i32
      %ne3A_815 = arith.cmpi ne, %rem3A_813, %ne3A_814 : i32
      %lt3A_816 = arith.constant 0 : i32
      %lt3A_817 = arith.cmpi slt, %rem3A_813, %lt3A_816 : i32
      %lt3A_818 = arith.constant 0 : i32
      %lt3A_819 = arith.cmpi slt, %select_n3A_812, %lt3A_818 : i32
      %ne3A_820 = arith.xori %lt3A_817, %lt3A_819 : i1
      %and3A_821 = arith.andi %ne3A_820, %ne3A_815 : i1
      %add3A_822 = arith.addi %rem3A_813, %select_n3A_812 : i32
      %select_n3A_823 = arith.select %and3A_821, %add3A_822, %rem3A_813 : i32
      %eq3A_824 = vector.broadcast %select_n3A_823 : i32 to vector<16xi32>
      %eq3A_825 = arith.cmpi eq, %iota3A, %eq3A_824 : vector<16xi32>
      %broadcast_in_dim3A_826 = vector.broadcast %reduce_sum3A_807 : f32 to vector<16xf32>
      %select_n3A_827 = arith.select %eq3A_825, %broadcast_in_dim3A_826, %select_n3A_608 : vector<16xi1>, vector<16xf32>
      %jit3A_828 = arith.constant 16 : i32
      %eq3A_829 = arith.constant 0 : i32
      %eq3A_830 = arith.cmpi eq, %jit3A_828, %eq3A_829 : i32
      %jit3A_831 = arith.constant 1 : i32
      %select_n3A_832 = arith.select %eq3A_830, %jit3A_831, %jit3A_828 : i32
      %rem3A_833 = arith.remsi %add3A_633, %select_n3A_832 : i32
      %ne3A_834 = arith.constant 0 : i32
      %ne3A_835 = arith.cmpi ne, %rem3A_833, %ne3A_834 : i32
      %lt3A_836 = arith.constant 0 : i32
      %lt3A_837 = arith.cmpi slt, %rem3A_833, %lt3A_836 : i32
      %lt3A_838 = arith.constant 0 : i32
      %lt3A_839 = arith.cmpi slt, %select_n3A_832, %lt3A_838 : i32
      %ne3A_840 = arith.xori %lt3A_837, %lt3A_839 : i1
      %and3A_841 = arith.andi %ne3A_840, %ne3A_835 : i1
      %add3A_842 = arith.addi %rem3A_833, %select_n3A_832 : i32
      %select_n3A_843 = arith.select %and3A_841, %add3A_842, %rem3A_833 : i32
      %eq3A_844 = arith.constant 15 : i32
      %eq3A_845 = arith.cmpi eq, %select_n3A_843, %eq3A_844 : i32
      %convert_element_type3A_846 = arith.extui %eq3A_845 : i1 to i32
      %cond3A_847 = arith.constant 0 : i32
      %cond3A_848 = arith.cmpi ne, %convert_element_type3A_846, %cond3A_847 : i32
      scf.if %cond3A_848 {
        %jit3A_2163 = arith.constant 16 : i32
        %div3A_2164 = arith.divsi %add3A_633, %jit3A_2163 : i32
        %sign3A_2165 = arith.constant 0 : i32
        %sign3A_2166 = arith.cmpi sgt, %add3A_633, %sign3A_2165 : i32
        %sign3A_2167 = arith.extui %sign3A_2166 : i1 to i32
        %sign3A_2168 = arith.constant 0 : i32
        %sign3A_2169 = arith.cmpi slt, %add3A_633, %sign3A_2168 : i32
        %sign3A_2170 = arith.extui %sign3A_2169 : i1 to i32
        %sign3A_2171 = arith.subi %sign3A_2167, %sign3A_2170 : i32
        %sign3A_2172 = arith.constant 0 : i32
        %sign3A_2173 = arith.cmpi sgt, %jit3A_2163, %sign3A_2172 : i32
        %sign3A_2174 = arith.extui %sign3A_2173 : i1 to i32
        %sign3A_2175 = arith.constant 0 : i32
        %sign3A_2176 = arith.cmpi slt, %jit3A_2163, %sign3A_2175 : i32
        %sign3A_2177 = arith.extui %sign3A_2176 : i1 to i32
        %sign3A_2178 = arith.subi %sign3A_2174, %sign3A_2177 : i32
        %ne3A_2179 = arith.cmpi ne, %sign3A_2171, %sign3A_2178 : i32
        %rem3A_2180 = arith.remsi %add3A_633, %jit3A_2163 : i32
        %ne3A_2181 = arith.constant 0 : i32
        %ne3A_2182 = arith.cmpi ne, %rem3A_2180, %ne3A_2181 : i32
        %and3A_2183 = arith.andi %ne3A_2179, %ne3A_2182 : i1
        %sub3A_2184 = arith.constant 1 : i32
        %sub3A_2185 = arith.subi %div3A_2164, %sub3A_2184 : i32
        %select_n3A_2186 = arith.select %and3A_2183, %sub3A_2185, %div3A_2164 : i32
        %mul3A_2187 = arith.constant 16 : i32
        %mul3A_2188 = arith.muli %select_n3A_2186, %mul3A_2187 : i32
        %swap3A = arith.index_cast %mul3A_2188 : i32 to index
        %swap3A_2189 = tpu.vector_load %arg11[%swap3A] {strides = array<i32>} : memref<512xf32, #tpu.memory_space<vmem>>, vector<16xf32>,
        tpu.vector_store %arg11[%swap3A], %select_n3A_827 {strides = array<i32>} : memref<512xf32, #tpu.memory_space<vmem>>, vector<16xf32>,
      } else {
      }
      %mul3A_849 = arith.constant 8 : i32
      %mul3A_850 = arith.muli %scan3A_417, %mul3A_849 : i32
      %add3A_851 = arith.constant 2 : i32
      %add3A_852 = arith.addi %mul3A_850, %add3A_851 : i32
      %add3A_853 = arith.constant 8 : i32
      %add3A_854 = arith.addi %add3A_852, %add3A_853 : i32
      %sub3A_855 = arith.constant 1 : i32
      %sub3A_856 = arith.subi %add3A_854, %sub3A_855 : i32
      %add3A_857 = arith.constant 4 : i32
      %add3A_858 = arith.addi %add3A_852, %add3A_857 : i32
      %sub3A_859 = arith.constant 1 : i32
      %sub3A_860 = arith.subi %add3A_858, %sub3A_859 : i32
      %lt3A_861 = arith.constant 512 : i32
      %lt3A_862 = arith.cmpi slt, %sub3A_856, %lt3A_861 : i32
      %convert_element_type3A_863 = arith.extui %lt3A_862 : i1 to i32
      %cond3A_864 = arith.constant 0 : i32
      %cond3A_865 = arith.cmpi ne, %convert_element_type3A_863, %cond3A_864 : i32
      scf.if %cond3A_865 {
        %get3A_2163 = arith.index_cast %sub3A_856 : i32 to index
        %get3A_2164 = tpu.vector_load %arg8[%get3A_2163] {strides = array<i32>} : memref<528xi32, #tpu.memory_space<vmem>>, vector<16xi32>,
        %slice3A_2165 = vector.extract_strided_slice %get3A_2164 {offsets = [0], sizes = [1], strides = [1]} : vector<16xi32> to vector<1xi32>
        %squeeze3A_2166 = vector.extract %slice3A_2165[0] : i32 from vector<1xi32>
        %jit3A_2167 = arith.constant 128 : i32
        %div3A_2168 = arith.divsi %squeeze3A_2166, %jit3A_2167 : i32
        %sign3A_2169 = arith.constant 0 : i32
        %sign3A_2170 = arith.cmpi sgt, %squeeze3A_2166, %sign3A_2169 : i32
        %sign3A_2171 = arith.extui %sign3A_2170 : i1 to i32
        %sign3A_2172 = arith.constant 0 : i32
        %sign3A_2173 = arith.cmpi slt, %squeeze3A_2166, %sign3A_2172 : i32
        %sign3A_2174 = arith.extui %sign3A_2173 : i1 to i32
        %sign3A_2175 = arith.subi %sign3A_2171, %sign3A_2174 : i32
        %sign3A_2176 = arith.constant 0 : i32
        %sign3A_2177 = arith.cmpi sgt, %jit3A_2167, %sign3A_2176 : i32
        %sign3A_2178 = arith.extui %sign3A_2177 : i1 to i32
        %sign3A_2179 = arith.constant 0 : i32
        %sign3A_2180 = arith.cmpi slt, %jit3A_2167, %sign3A_2179 : i32
        %sign3A_2181 = arith.extui %sign3A_2180 : i1 to i32
        %sign3A_2182 = arith.subi %sign3A_2178, %sign3A_2181 : i32
        %ne3A_2183 = arith.cmpi ne, %sign3A_2175, %sign3A_2182 : i32
        %rem3A_2184 = arith.remsi %squeeze3A_2166, %jit3A_2167 : i32
        %ne3A_2185 = arith.constant 0 : i32
        %ne3A_2186 = arith.cmpi ne, %rem3A_2184, %ne3A_2185 : i32
        %and3A_2187 = arith.andi %ne3A_2183, %ne3A_2186 : i1
        %sub3A_2188 = arith.constant 1 : i32
        %sub3A_2189 = arith.subi %div3A_2168, %sub3A_2188 : i32
        %select_n3A_2190 = arith.select %and3A_2187, %sub3A_2189, %div3A_2168 : i32
        %mul3A_2191 = arith.constant 128 : i32
        %mul3A_2192 = arith.muli %select_n3A_2190, %mul3A_2191 : i32
        %dma_start3A_2193 = arith.constant 1 : i32
        %dma_start3A_2194 = arith.constant 0 : i32
        %dma_start3A_2195 = arith.constant 0 : i32
        %dma_start3A_2196 = tpu.memref_slice %arg12[%dma_start3A_2193, %dma_start3A_2194, %dma_start3A_2195] : memref<8x64x128xf32, #tpu.memory_space<vmem>> -> memref<1x64x128xf32, #tpu.memory_space<vmem>>
        %dma_start3A_2197 = tpu.memref_squeeze %dma_start3A_2196 : memref<1x64x128xf32, #tpu.memory_space<vmem>> -> memref<64x128xf32, #tpu.memory_space<vmem>>
        %dma_start3A_2198 = arith.constant 0 : i32
        %dma_start3A_2199 = tpu.memref_slice %arg4[%dma_start3A_2198, %mul3A_2192] : memref<64x1000000xf32, #tpu.memory_space<hbm>> -> memref<64x128xf32, #tpu.memory_space<hbm>>
        %dma_start3A_2200 = arith.constant 0 : i32
        %dma_start3A_2201 = arith.constant 0 : i32
        %dma_start3A_2202 = tpu.memref_slice %arg12[%dma_start3A_2193, %dma_start3A_2200, %dma_start3A_2201] : memref<8x64x128xf32, #tpu.memory_space<vmem>> -> memref<1x64x128xf32, #tpu.memory_space<vmem>>
        %dma_start3A_2203 = tpu.memref_squeeze %dma_start3A_2202 : memref<1x64x128xf32, #tpu.memory_space<vmem>> -> memref<64x128xf32, #tpu.memory_space<vmem>>
        %dma_start3A_2204 = arith.constant 0 : i32
        %dma_start3A_2205 = tpu.memref_slice %arg4[%dma_start3A_2204, %mul3A_2192] : memref<64x1000000xf32, #tpu.memory_space<hbm>> -> memref<64x128xf32, #tpu.memory_space<hbm>>
        tpu.enqueue_dma source(%dma_start3A_2205 : memref<64x128xf32, #tpu.memory_space<hbm>>) target(%dma_start3A_2203 : memref<64x128xf32, #tpu.memory_space<vmem>>) target_semaphore(%arg16 : memref<!tpu.dma_semaphore, #tpu.memory_space<semaphore_mem>>)
      } else {
      }
      %lt3A_866 = arith.constant 512 : i32
      %lt3A_867 = arith.cmpi slt, %sub3A_860, %lt3A_866 : i32
      %convert_element_type3A_868 = arith.extui %lt3A_867 : i1 to i32
      %cond3A_869 = arith.constant 0 : i32
      %cond3A_870 = arith.cmpi ne, %convert_element_type3A_868, %cond3A_869 : i32
      scf.if %cond3A_870 {
        %get3A_2163 = arith.index_cast %sub3A_860 : i32 to index
        %get3A_2164 = tpu.vector_load %arg9[%get3A_2163] {strides = array<i32>} : memref<528xi32, #tpu.memory_space<vmem>>, vector<16xi32>,
        %slice3A_2165 = vector.extract_strided_slice %get3A_2164 {offsets = [0], sizes = [1], strides = [1]} : vector<16xi32> to vector<1xi32>
        %squeeze3A_2166 = vector.extract %slice3A_2165[0] : i32 from vector<1xi32>
        %jit3A_2167 = arith.constant 128 : i32
        %div3A_2168 = arith.divsi %squeeze3A_2166, %jit3A_2167 : i32
        %sign3A_2169 = arith.constant 0 : i32
        %sign3A_2170 = arith.cmpi sgt, %squeeze3A_2166, %sign3A_2169 : i32
        %sign3A_2171 = arith.extui %sign3A_2170 : i1 to i32
        %sign3A_2172 = arith.constant 0 : i32
        %sign3A_2173 = arith.cmpi slt, %squeeze3A_2166, %sign3A_2172 : i32
        %sign3A_2174 = arith.extui %sign3A_2173 : i1 to i32
        %sign3A_2175 = arith.subi %sign3A_2171, %sign3A_2174 : i32
        %sign3A_2176 = arith.constant 0 : i32
        %sign3A_2177 = arith.cmpi sgt, %jit3A_2167, %sign3A_2176 : i32
        %sign3A_2178 = arith.extui %sign3A_2177 : i1 to i32
        %sign3A_2179 = arith.constant 0 : i32
        %sign3A_2180 = arith.cmpi slt, %jit3A_2167, %sign3A_2179 : i32
        %sign3A_2181 = arith.extui %sign3A_2180 : i1 to i32
        %sign3A_2182 = arith.subi %sign3A_2178, %sign3A_2181 : i32
        %ne3A_2183 = arith.cmpi ne, %sign3A_2175, %sign3A_2182 : i32
        %rem3A_2184 = arith.remsi %squeeze3A_2166, %jit3A_2167 : i32
        %ne3A_2185 = arith.constant 0 : i32
        %ne3A_2186 = arith.cmpi ne, %rem3A_2184, %ne3A_2185 : i32
        %and3A_2187 = arith.andi %ne3A_2183, %ne3A_2186 : i1
        %sub3A_2188 = arith.constant 1 : i32
        %sub3A_2189 = arith.subi %div3A_2168, %sub3A_2188 : i32
        %select_n3A_2190 = arith.select %and3A_2187, %sub3A_2189, %div3A_2168 : i32
        %mul3A_2191 = arith.constant 128 : i32
        %mul3A_2192 = arith.muli %select_n3A_2190, %mul3A_2191 : i32
        %dma_start3A_2193 = arith.constant 1 : i32
        %dma_start3A_2194 = arith.constant 0 : i32
        %dma_start3A_2195 = arith.constant 0 : i32
        %dma_start3A_2196 = tpu.memref_slice %arg14[%arg1, %dma_start3A_2193, %dma_start3A_2194, %dma_start3A_2195] : memref<16x4x64x128xf32, #tpu.memory_space<vmem_shared>> -> memref<1x1x64x128xf32, #tpu.memory_space<vmem_shared>>
        %dma_start3A_2197 = tpu.memref_squeeze %dma_start3A_2196 : memref<1x1x64x128xf32, #tpu.memory_space<vmem_shared>> -> memref<64x128xf32, #tpu.memory_space<vmem_shared>>
        %dma_start3A_2198 = arith.constant 0 : i32
        %dma_start3A_2199 = tpu.memref_slice %arg5[%dma_start3A_2198, %mul3A_2192] : memref<64x1000000xf32, #tpu.memory_space<hbm>> -> memref<64x128xf32, #tpu.memory_space<hbm>>
        tpu.enqueue_dma source(%dma_start3A_2199 : memref<64x128xf32, #tpu.memory_space<hbm>>) target(%dma_start3A_2197 : memref<64x128xf32, #tpu.memory_space<vmem_shared>>) target_semaphore(%arg24 : memref<!tpu.dma_semaphore, #tpu.memory_space<semaphore_mem>>)
      } else {
      }
      %dma_wait3A_871 = arith.constant 2 : i32
      %dma_wait3A_872 = arith.constant 0 : i32
      %dma_wait3A_873 = arith.constant 0 : i32
      %dma_wait3A_874 = tpu.memref_slice %arg12[%dma_wait3A_871, %dma_wait3A_872, %dma_wait3A_873] : memref<8x64x128xf32, #tpu.memory_space<vmem>> -> memref<1x64x128xf32, #tpu.memory_space<vmem>>
      %dma_wait3A_875 = tpu.memref_squeeze %dma_wait3A_874 : memref<1x64x128xf32, #tpu.memory_space<vmem>> -> memref<64x128xf32, #tpu.memory_space<vmem>>
      %dma_wait3A_876 = arith.constant 0 : i32
      %dma_wait3A_877 = arith.constant 0 : i32
      %dma_wait3A_878 = tpu.memref_slice %arg4[%dma_wait3A_876, %dma_wait3A_877] : memref<64x1000000xf32, #tpu.memory_space<hbm>> -> memref<64x128xf32, #tpu.memory_space<hbm>>
      %dma_wait3A_879 = arith.constant 0 : i32
      %dma_wait3A_880 = arith.constant 0 : i32
      %dma_wait3A_881 = tpu.memref_slice %arg12[%dma_wait3A_871, %dma_wait3A_879, %dma_wait3A_880] : memref<8x64x128xf32, #tpu.memory_space<vmem>> -> memref<1x64x128xf32, #tpu.memory_space<vmem>>
      %dma_wait3A_882 = tpu.memref_squeeze %dma_wait3A_881 : memref<1x64x128xf32, #tpu.memory_space<vmem>> -> memref<64x128xf32, #tpu.memory_space<vmem>>
      %dma_wait3A_883 = arith.constant 0 : i32
      %dma_wait3A_884 = arith.constant 0 : i32
      %dma_wait3A_885 = tpu.memref_slice %arg4[%dma_wait3A_883, %dma_wait3A_884] : memref<64x1000000xf32, #tpu.memory_space<hbm>> -> memref<64x128xf32, #tpu.memory_space<hbm>>
      tpu.wait_dma2 semaphore(%arg17 : memref<!tpu.dma_semaphore, #tpu.memory_space<semaphore_mem>>) src(%dma_wait3A_885 : memref<64x128xf32, #tpu.memory_space<hbm>>) dst(%dma_wait3A_882 : memref<64x128xf32, #tpu.memory_space<vmem>>)
      %dma_wait3A_886 = arith.constant 2 : i32
      %dma_wait3A_887 = arith.constant 0 : i32
      %dma_wait3A_888 = arith.constant 0 : i32
      %dma_wait3A_889 = tpu.memref_slice %arg14[%arg1, %dma_wait3A_886, %dma_wait3A_887, %dma_wait3A_888] : memref<16x4x64x128xf32, #tpu.memory_space<vmem_shared>> -> memref<1x1x64x128xf32, #tpu.memory_space<vmem_shared>>
      %dma_wait3A_890 = tpu.memref_squeeze %dma_wait3A_889 : memref<1x1x64x128xf32, #tpu.memory_space<vmem_shared>> -> memref<64x128xf32, #tpu.memory_space<vmem_shared>>
      %dma_wait3A_891 = arith.constant 0 : i32
      %dma_wait3A_892 = arith.constant 0 : i32
      %dma_wait3A_893 = tpu.memref_slice %arg5[%dma_wait3A_891, %dma_wait3A_892] : memref<64x1000000xf32, #tpu.memory_space<hbm>> -> memref<64x128xf32, #tpu.memory_space<hbm>>
      tpu.wait_dma2 semaphore(%arg25 : memref<!tpu.dma_semaphore, #tpu.memory_space<semaphore_mem>>) src(%dma_wait3A_893 : memref<64x128xf32, #tpu.memory_space<hbm>>) dst(%dma_wait3A_890 : memref<64x128xf32, #tpu.memory_space<vmem_shared>>)
      %get3A_894 = arith.index_cast %add3A_852 : i32 to index
      %get3A_895 = tpu.vector_load %arg8[%get3A_894] {strides = array<i32>} : memref<528xi32, #tpu.memory_space<vmem>>, vector<16xi32>,
      %slice3A_896 = vector.extract_strided_slice %get3A_895 {offsets = [0], sizes = [1], strides = [1]} : vector<16xi32> to vector<1xi32>
      %squeeze3A_897 = vector.extract %slice3A_896[0] : i32 from vector<1xi32>
      %get3A_898 = arith.index_cast %add3A_852 : i32 to index
      %get3A_899 = tpu.vector_load %arg9[%get3A_898] {strides = array<i32>} : memref<528xi32, #tpu.memory_space<vmem>>, vector<16xi32>,
      %slice3A_900 = vector.extract_strided_slice %get3A_899 {offsets = [0], sizes = [1], strides = [1]} : vector<16xi32> to vector<1xi32>
      %squeeze3A_901 = vector.extract %slice3A_900[0] : i32 from vector<1xi32>
      %jit3A_902 = arith.constant 128 : i32
      %eq3A_903 = arith.constant 0 : i32
      %eq3A_904 = arith.cmpi eq, %jit3A_902, %eq3A_903 : i32
      %jit3A_905 = arith.constant 1 : i32
      %select_n3A_906 = arith.select %eq3A_904, %jit3A_905, %jit3A_902 : i32
      %rem3A_907 = arith.remsi %squeeze3A_901, %select_n3A_906 : i32
      %ne3A_908 = arith.constant 0 : i32
      %ne3A_909 = arith.cmpi ne, %rem3A_907, %ne3A_908 : i32
      %lt3A_910 = arith.constant 0 : i32
      %lt3A_911 = arith.cmpi slt, %rem3A_907, %lt3A_910 : i32
      %lt3A_912 = arith.constant 0 : i32
      %lt3A_913 = arith.cmpi slt, %select_n3A_906, %lt3A_912 : i32
      %ne3A_914 = arith.xori %lt3A_911, %lt3A_913 : i1
      %and3A_915 = arith.andi %ne3A_914, %ne3A_909 : i1
      %add3A_916 = arith.addi %rem3A_907, %select_n3A_906 : i32
      %select_n3A_917 = arith.select %and3A_915, %add3A_916, %rem3A_907 : i32
      %jit3A_918 = arith.constant 16 : i32
      %div3A_919 = arith.divsi %select_n3A_917, %jit3A_918 : i32
      %sign3A_920 = arith.constant 0 : i32
      %sign3A_921 = arith.cmpi sgt, %select_n3A_917, %sign3A_920 : i32
      %sign3A_922 = arith.extui %sign3A_921 : i1 to i32
      %sign3A_923 = arith.constant 0 : i32
      %sign3A_924 = arith.cmpi slt, %select_n3A_917, %sign3A_923 : i32
      %sign3A_925 = arith.extui %sign3A_924 : i1 to i32
      %sign3A_926 = arith.subi %sign3A_922, %sign3A_925 : i32
      %sign3A_927 = arith.constant 0 : i32
      %sign3A_928 = arith.cmpi sgt, %jit3A_918, %sign3A_927 : i32
      %sign3A_929 = arith.extui %sign3A_928 : i1 to i32
      %sign3A_930 = arith.constant 0 : i32
      %sign3A_931 = arith.cmpi slt, %jit3A_918, %sign3A_930 : i32
      %sign3A_932 = arith.extui %sign3A_931 : i1 to i32
      %sign3A_933 = arith.subi %sign3A_929, %sign3A_932 : i32
      %ne3A_934 = arith.cmpi ne, %sign3A_926, %sign3A_933 : i32
      %rem3A_935 = arith.remsi %select_n3A_917, %jit3A_918 : i32
      %ne3A_936 = arith.constant 0 : i32
      %ne3A_937 = arith.cmpi ne, %rem3A_935, %ne3A_936 : i32
      %and3A_938 = arith.andi %ne3A_934, %ne3A_937 : i1
      %sub3A_939 = arith.constant 1 : i32
      %sub3A_940 = arith.subi %div3A_919, %sub3A_939 : i32
      %select_n3A_941 = arith.select %and3A_938, %sub3A_940, %div3A_919 : i32
      %mul3A_942 = arith.constant 16 : i32
      %mul3A_943 = arith.muli %select_n3A_941, %mul3A_942 : i32
      %run_scoped3A_944 = arith.constant 2 : i32
      "tpu.region"() ({
        %run_scoped3A_2163 = tpu.sem_alloc : memref<!tpu.dma_semaphore, #tpu.memory_space<semaphore_mem>>
        %dma_start3A_2164 = arith.constant 0 : i32
        %dma_start3A_2165 = arith.constant 32 : i32
        %dma_start3A_2166 = tpu.memref_slice %arg13[%dma_start3A_2164, %dma_start3A_2165] : memref<64x128xf32, #tpu.memory_space<vmem>> -> memref<64x16xf32, #tpu.memory_space<vmem>>
        %dma_start3A_2167 = arith.constant 0 : i32
        %dma_start3A_2168 = tpu.memref_slice %arg14[%arg1, %run_scoped3A_944, %dma_start3A_2167, %mul3A_943] : memref<16x4x64x128xf32, #tpu.memory_space<vmem_shared>> -> memref<1x1x64x16xf32, #tpu.memory_space<vmem_shared>>
        %dma_start3A_2169 = tpu.memref_squeeze %dma_start3A_2168 : memref<1x1x64x16xf32, #tpu.memory_space<vmem_shared>> -> memref<64x16xf32, #tpu.memory_space<vmem_shared>>
        %dma_start3A_2170 = arith.constant 0 : i32
        %dma_start3A_2171 = arith.constant 32 : i32
        %dma_start3A_2172 = tpu.memref_slice %arg13[%dma_start3A_2170, %dma_start3A_2171] : memref<64x128xf32, #tpu.memory_space<vmem>> -> memref<64x16xf32, #tpu.memory_space<vmem>>
        %dma_start3A_2173 = arith.constant 0 : i32
        %dma_start3A_2174 = tpu.memref_slice %arg14[%arg1, %run_scoped3A_944, %dma_start3A_2173, %mul3A_943] : memref<16x4x64x128xf32, #tpu.memory_space<vmem_shared>> -> memref<1x1x64x16xf32, #tpu.memory_space<vmem_shared>>
        %dma_start3A_2175 = tpu.memref_squeeze %dma_start3A_2174 : memref<1x1x64x16xf32, #tpu.memory_space<vmem_shared>> -> memref<64x16xf32, #tpu.memory_space<vmem_shared>>
        tpu.enqueue_dma source(%dma_start3A_2175 : memref<64x16xf32, #tpu.memory_space<vmem_shared>>) target(%dma_start3A_2172 : memref<64x16xf32, #tpu.memory_space<vmem>>) target_semaphore(%run_scoped3A_2163 : memref<!tpu.dma_semaphore, #tpu.memory_space<semaphore_mem>>)
        %dma_wait3A_2176 = arith.constant 0 : i32
        %dma_wait3A_2177 = arith.constant 32 : i32
        %dma_wait3A_2178 = tpu.memref_slice %arg13[%dma_wait3A_2176, %dma_wait3A_2177] : memref<64x128xf32, #tpu.memory_space<vmem>> -> memref<64x16xf32, #tpu.memory_space<vmem>>
        %dma_wait3A_2179 = arith.constant 0 : i32
        %dma_wait3A_2180 = tpu.memref_slice %arg14[%arg1, %run_scoped3A_944, %dma_wait3A_2179, %mul3A_943] : memref<16x4x64x128xf32, #tpu.memory_space<vmem_shared>> -> memref<1x1x64x16xf32, #tpu.memory_space<vmem_shared>>
        %dma_wait3A_2181 = tpu.memref_squeeze %dma_wait3A_2180 : memref<1x1x64x16xf32, #tpu.memory_space<vmem_shared>> -> memref<64x16xf32, #tpu.memory_space<vmem_shared>>
        %dma_wait3A_2182 = arith.constant 0 : i32
        %dma_wait3A_2183 = arith.constant 32 : i32
        %dma_wait3A_2184 = tpu.memref_slice %arg13[%dma_wait3A_2182, %dma_wait3A_2183] : memref<64x128xf32, #tpu.memory_space<vmem>> -> memref<64x16xf32, #tpu.memory_space<vmem>>
        %dma_wait3A_2185 = arith.constant 0 : i32
        %dma_wait3A_2186 = tpu.memref_slice %arg14[%arg1, %run_scoped3A_944, %dma_wait3A_2185, %mul3A_943] : memref<16x4x64x128xf32, #tpu.memory_space<vmem_shared>> -> memref<1x1x64x16xf32, #tpu.memory_space<vmem_shared>>
        %dma_wait3A_2187 = tpu.memref_squeeze %dma_wait3A_2186 : memref<1x1x64x16xf32, #tpu.memory_space<vmem_shared>> -> memref<64x16xf32, #tpu.memory_space<vmem_shared>>
        tpu.wait_dma2 semaphore(%run_scoped3A_2163 : memref<!tpu.dma_semaphore, #tpu.memory_space<semaphore_mem>>) src(%dma_wait3A_2187 : memref<64x16xf32, #tpu.memory_space<vmem_shared>>) dst(%dma_wait3A_2184 : memref<64x16xf32, #tpu.memory_space<vmem>>)
        tpu.yield
      }) : () -> ()
      %broadcast_in_dim3A_945 = arith.constant 0 : i32
      %broadcast_in_dim3A_946 = vector.broadcast %broadcast_in_dim3A_945 : i32 to vector<16xi32>
      %jit3A_947 = arith.constant 128 : i32
      %eq3A_948 = arith.constant 0 : i32
      %eq3A_949 = arith.cmpi eq, %jit3A_947, %eq3A_948 : i32
      %jit3A_950 = arith.constant 1 : i32
      %select_n3A_951 = arith.select %eq3A_949, %jit3A_950, %jit3A_947 : i32
      %rem3A_952 = arith.remsi %squeeze3A_897, %select_n3A_951 : i32
      %ne3A_953 = arith.constant 0 : i32
      %ne3A_954 = arith.cmpi ne, %rem3A_952, %ne3A_953 : i32
      %lt3A_955 = arith.constant 0 : i32
      %lt3A_956 = arith.cmpi slt, %rem3A_952, %lt3A_955 : i32
      %lt3A_957 = arith.constant 0 : i32
      %lt3A_958 = arith.cmpi slt, %select_n3A_951, %lt3A_957 : i32
      %ne3A_959 = arith.xori %lt3A_956, %lt3A_958 : i1
      %and3A_960 = arith.andi %ne3A_959, %ne3A_954 : i1
      %add3A_961 = arith.addi %rem3A_952, %select_n3A_951 : i32
      %select_n3A_962 = arith.select %and3A_960, %add3A_961, %rem3A_952 : i32
      %add3A_963 = vector.broadcast %select_n3A_962 : i32 to vector<16xi32>
      %add3A_964 = arith.addi %broadcast_in_dim3A_946, %add3A_963 : vector<16xi32>
      %broadcast_in_dim3A_965 = arith.constant 0 : i32
      %broadcast_in_dim3A_966 = vector.broadcast %broadcast_in_dim3A_965 : i32 to vector<16xi32>
      %jit3A_967 = arith.constant 16 : i32
      %eq3A_968 = arith.constant 0 : i32
      %eq3A_969 = arith.cmpi eq, %jit3A_967, %eq3A_968 : i32
      %jit3A_970 = arith.constant 1 : i32
      %select_n3A_971 = arith.select %eq3A_969, %jit3A_970, %jit3A_967 : i32
      %rem3A_972 = arith.remsi %squeeze3A_901, %select_n3A_971 : i32
      %ne3A_973 = arith.constant 0 : i32
      %ne3A_974 = arith.cmpi ne, %rem3A_972, %ne3A_973 : i32
      %lt3A_975 = arith.constant 0 : i32
      %lt3A_976 = arith.cmpi slt, %rem3A_972, %lt3A_975 : i32
      %lt3A_977 = arith.constant 0 : i32
      %lt3A_978 = arith.cmpi slt, %select_n3A_971, %lt3A_977 : i32
      %ne3A_979 = arith.xori %lt3A_976, %lt3A_978 : i1
      %and3A_980 = arith.andi %ne3A_979, %ne3A_974 : i1
      %add3A_981 = arith.addi %rem3A_972, %select_n3A_971 : i32
      %select_n3A_982 = arith.select %and3A_980, %add3A_981, %rem3A_972 : i32
      %add3A_983 = arith.constant 32 : i32
      %add3A_984 = arith.addi %add3A_983, %select_n3A_982 : i32
      %add3A_985 = vector.broadcast %add3A_984 : i32 to vector<16xi32>
      %add3A_986 = arith.addi %broadcast_in_dim3A_966, %add3A_985 : vector<16xi32>
      %broadcast_in_dim3A_987 = arith.constant 2 : i32
      %broadcast_in_dim3A_988 = vector.broadcast %broadcast_in_dim3A_987 : i32 to vector<16xi32>
      %broadcast_in_dim3A_989 = arith.constant 0.000000e+00 : f32
      %broadcast_in_dim3A_990 = vector.broadcast %broadcast_in_dim3A_989 : f32 to vector<16xf32>
      %add3A_991 = arith.constant 0 : i32
      %add3A_992 = vector.broadcast %add3A_991 : i32 to vector<16xi32>
      %add3A_993 = arith.addi %add3A_992, %iota3A : vector<16xi32>
      %gather3A_994 = tpu.vector_load_idx %arg12[%broadcast_in_dim3A_988, %add3A_993, %add3A_964] : memref<8x64x128xf32, #tpu.memory_space<vmem>>[vector<16xi32>, vector<16xi32>, vector<16xi32>], vector<16xf32>,
      %gather3A_995 = tpu.vector_load_idx %arg13[%add3A_993, %add3A_986] : memref<64x128xf32, #tpu.memory_space<vmem>>[vector<16xi32>, vector<16xi32>], vector<16xf32>,
      %mul3A_996 = arith.mulf %gather3A_994, %gather3A_995 : vector<16xf32>
      %mul3A_997 = arith.mulf %mul3A_996, %get3A_3 : vector<16xf32>
      %add3A_998 = arith.addf %broadcast_in_dim3A_990, %mul3A_997 : vector<16xf32>
      %add3A_999 = arith.constant 16 : i32
      %add3A_1000 = vector.broadcast %add3A_999 : i32 to vector<16xi32>
      %add3A_1001 = arith.addi %add3A_1000, %iota3A : vector<16xi32>
      %gather3A_1002 = tpu.vector_load_idx %arg12[%broadcast_in_dim3A_988, %add3A_1001, %add3A_964] : memref<8x64x128xf32, #tpu.memory_space<vmem>>[vector<16xi32>, vector<16xi32>, vector<16xi32>], vector<16xf32>,
      %gather3A_1003 = tpu.vector_load_idx %arg13[%add3A_1001, %add3A_986] : memref<64x128xf32, #tpu.memory_space<vmem>>[vector<16xi32>, vector<16xi32>], vector<16xf32>,
      %mul3A_1004 = arith.mulf %gather3A_1002, %gather3A_1003 : vector<16xf32>
      %mul3A_1005 = arith.mulf %mul3A_1004, %get3A_5 : vector<16xf32>
      %add3A_1006 = arith.addf %add3A_998, %mul3A_1005 : vector<16xf32>
      %add3A_1007 = arith.constant 32 : i32
      %add3A_1008 = vector.broadcast %add3A_1007 : i32 to vector<16xi32>
      %add3A_1009 = arith.addi %add3A_1008, %iota3A : vector<16xi32>
      %gather3A_1010 = tpu.vector_load_idx %arg12[%broadcast_in_dim3A_988, %add3A_1009, %add3A_964] : memref<8x64x128xf32, #tpu.memory_space<vmem>>[vector<16xi32>, vector<16xi32>, vector<16xi32>], vector<16xf32>,
      %gather3A_1011 = tpu.vector_load_idx %arg13[%add3A_1009, %add3A_986] : memref<64x128xf32, #tpu.memory_space<vmem>>[vector<16xi32>, vector<16xi32>], vector<16xf32>,
      %mul3A_1012 = arith.mulf %gather3A_1010, %gather3A_1011 : vector<16xf32>
      %mul3A_1013 = arith.mulf %mul3A_1012, %get3A_7 : vector<16xf32>
      %add3A_1014 = arith.addf %add3A_1006, %mul3A_1013 : vector<16xf32>
      %add3A_1015 = arith.constant 48 : i32
      %add3A_1016 = vector.broadcast %add3A_1015 : i32 to vector<16xi32>
      %add3A_1017 = arith.addi %add3A_1016, %iota3A : vector<16xi32>
      %gather3A_1018 = tpu.vector_load_idx %arg12[%broadcast_in_dim3A_988, %add3A_1017, %add3A_964] : memref<8x64x128xf32, #tpu.memory_space<vmem>>[vector<16xi32>, vector<16xi32>, vector<16xi32>], vector<16xf32>,
      %gather3A_1019 = tpu.vector_load_idx %arg13[%add3A_1017, %add3A_986] : memref<64x128xf32, #tpu.memory_space<vmem>>[vector<16xi32>, vector<16xi32>], vector<16xf32>,
      %mul3A_1020 = arith.mulf %gather3A_1018, %gather3A_1019 : vector<16xf32>
      %mul3A_1021 = arith.mulf %mul3A_1020, %get3A_9 : vector<16xf32>
      %add3A_1022 = arith.addf %add3A_1014, %mul3A_1021 : vector<16xf32>
      %reduce_sum3A_1023 = arith.constant true
      %reduce_sum3A_1024 = vector.broadcast %reduce_sum3A_1023 : i1 to vector<16xi1>
      %reduce_sum3A_1025 = tpu.scan <sum>, %add3A_1022 masked %reduce_sum3A_1024 : vector<16xf32>, vector<16xi1> -> vector<16xf32>
      %reduce_sum3A_1026 = vector.extract %reduce_sum3A_1025[15] : f32 from vector<16xf32>
      %jit3A_1027 = arith.constant 16 : i32
      %eq3A_1028 = arith.constant 0 : i32
      %eq3A_1029 = arith.cmpi eq, %jit3A_1027, %eq3A_1028 : i32
      %jit3A_1030 = arith.constant 1 : i32
      %select_n3A_1031 = arith.select %eq3A_1029, %jit3A_1030, %jit3A_1027 : i32
      %rem3A_1032 = arith.remsi %add3A_852, %select_n3A_1031 : i32
      %ne3A_1033 = arith.constant 0 : i32
      %ne3A_1034 = arith.cmpi ne, %rem3A_1032, %ne3A_1033 : i32
      %lt3A_1035 = arith.constant 0 : i32
      %lt3A_1036 = arith.cmpi slt, %rem3A_1032, %lt3A_1035 : i32
      %lt3A_1037 = arith.constant 0 : i32
      %lt3A_1038 = arith.cmpi slt, %select_n3A_1031, %lt3A_1037 : i32
      %ne3A_1039 = arith.xori %lt3A_1036, %lt3A_1038 : i1
      %and3A_1040 = arith.andi %ne3A_1039, %ne3A_1034 : i1
      %add3A_1041 = arith.addi %rem3A_1032, %select_n3A_1031 : i32
      %select_n3A_1042 = arith.select %and3A_1040, %add3A_1041, %rem3A_1032 : i32
      %eq3A_1043 = vector.broadcast %select_n3A_1042 : i32 to vector<16xi32>
      %eq3A_1044 = arith.cmpi eq, %iota3A, %eq3A_1043 : vector<16xi32>
      %broadcast_in_dim3A_1045 = vector.broadcast %reduce_sum3A_1026 : f32 to vector<16xf32>
      %select_n3A_1046 = arith.select %eq3A_1044, %broadcast_in_dim3A_1045, %select_n3A_827 : vector<16xi1>, vector<16xf32>
      %jit3A_1047 = arith.constant 16 : i32
      %eq3A_1048 = arith.constant 0 : i32
      %eq3A_1049 = arith.cmpi eq, %jit3A_1047, %eq3A_1048 : i32
      %jit3A_1050 = arith.constant 1 : i32
      %select_n3A_1051 = arith.select %eq3A_1049, %jit3A_1050, %jit3A_1047 : i32
      %rem3A_1052 = arith.remsi %add3A_852, %select_n3A_1051 : i32
      %ne3A_1053 = arith.constant 0 : i32
      %ne3A_1054 = arith.cmpi ne, %rem3A_1052, %ne3A_1053 : i32
      %lt3A_1055 = arith.constant 0 : i32
      %lt3A_1056 = arith.cmpi slt, %rem3A_1052, %lt3A_1055 : i32
      %lt3A_1057 = arith.constant 0 : i32
      %lt3A_1058 = arith.cmpi slt, %select_n3A_1051, %lt3A_1057 : i32
      %ne3A_1059 = arith.xori %lt3A_1056, %lt3A_1058 : i1
      %and3A_1060 = arith.andi %ne3A_1059, %ne3A_1054 : i1
      %add3A_1061 = arith.addi %rem3A_1052, %select_n3A_1051 : i32
      %select_n3A_1062 = arith.select %and3A_1060, %add3A_1061, %rem3A_1052 : i32
      %eq3A_1063 = arith.constant 15 : i32
      %eq3A_1064 = arith.cmpi eq, %select_n3A_1062, %eq3A_1063 : i32
      %convert_element_type3A_1065 = arith.extui %eq3A_1064 : i1 to i32
      %cond3A_1066 = arith.constant 0 : i32
      %cond3A_1067 = arith.cmpi ne, %convert_element_type3A_1065, %cond3A_1066 : i32
      scf.if %cond3A_1067 {
        %jit3A_2163 = arith.constant 16 : i32
        %div3A_2164 = arith.divsi %add3A_852, %jit3A_2163 : i32
        %sign3A_2165 = arith.constant 0 : i32
        %sign3A_2166 = arith.cmpi sgt, %add3A_852, %sign3A_2165 : i32
        %sign3A_2167 = arith.extui %sign3A_2166 : i1 to i32
        %sign3A_2168 = arith.constant 0 : i32
        %sign3A_2169 = arith.cmpi slt, %add3A_852, %sign3A_2168 : i32
        %sign3A_2170 = arith.extui %sign3A_2169 : i1 to i32
        %sign3A_2171 = arith.subi %sign3A_2167, %sign3A_2170 : i32
        %sign3A_2172 = arith.constant 0 : i32
        %sign3A_2173 = arith.cmpi sgt, %jit3A_2163, %sign3A_2172 : i32
        %sign3A_2174 = arith.extui %sign3A_2173 : i1 to i32
        %sign3A_2175 = arith.constant 0 : i32
        %sign3A_2176 = arith.cmpi slt, %jit3A_2163, %sign3A_2175 : i32
        %sign3A_2177 = arith.extui %sign3A_2176 : i1 to i32
        %sign3A_2178 = arith.subi %sign3A_2174, %sign3A_2177 : i32
        %ne3A_2179 = arith.cmpi ne, %sign3A_2171, %sign3A_2178 : i32
        %rem3A_2180 = arith.remsi %add3A_852, %jit3A_2163 : i32
        %ne3A_2181 = arith.constant 0 : i32
        %ne3A_2182 = arith.cmpi ne, %rem3A_2180, %ne3A_2181 : i32
        %and3A_2183 = arith.andi %ne3A_2179, %ne3A_2182 : i1
        %sub3A_2184 = arith.constant 1 : i32
        %sub3A_2185 = arith.subi %div3A_2164, %sub3A_2184 : i32
        %select_n3A_2186 = arith.select %and3A_2183, %sub3A_2185, %div3A_2164 : i32
        %mul3A_2187 = arith.constant 16 : i32
        %mul3A_2188 = arith.muli %select_n3A_2186, %mul3A_2187 : i32
        %swap3A = arith.index_cast %mul3A_2188 : i32 to index
        %swap3A_2189 = tpu.vector_load %arg11[%swap3A] {strides = array<i32>} : memref<512xf32, #tpu.memory_space<vmem>>, vector<16xf32>,
        tpu.vector_store %arg11[%swap3A], %select_n3A_1046 {strides = array<i32>} : memref<512xf32, #tpu.memory_space<vmem>>, vector<16xf32>,
      } else {
      }
      %mul3A_1068 = arith.constant 8 : i32
      %mul3A_1069 = arith.muli %scan3A_417, %mul3A_1068 : i32
      %add3A_1070 = arith.constant 3 : i32
      %add3A_1071 = arith.addi %mul3A_1069, %add3A_1070 : i32
      %add3A_1072 = arith.constant 8 : i32
      %add3A_1073 = arith.addi %add3A_1071, %add3A_1072 : i32
      %sub3A_1074 = arith.constant 1 : i32
      %sub3A_1075 = arith.subi %add3A_1073, %sub3A_1074 : i32
      %add3A_1076 = arith.constant 4 : i32
      %add3A_1077 = arith.addi %add3A_1071, %add3A_1076 : i32
      %sub3A_1078 = arith.constant 1 : i32
      %sub3A_1079 = arith.subi %add3A_1077, %sub3A_1078 : i32
      %lt3A_1080 = arith.constant 512 : i32
      %lt3A_1081 = arith.cmpi slt, %sub3A_1075, %lt3A_1080 : i32
      %convert_element_type3A_1082 = arith.extui %lt3A_1081 : i1 to i32
      %cond3A_1083 = arith.constant 0 : i32
      %cond3A_1084 = arith.cmpi ne, %convert_element_type3A_1082, %cond3A_1083 : i32
      scf.if %cond3A_1084 {
        %get3A_2163 = arith.index_cast %sub3A_1075 : i32 to index
        %get3A_2164 = tpu.vector_load %arg8[%get3A_2163] {strides = array<i32>} : memref<528xi32, #tpu.memory_space<vmem>>, vector<16xi32>,
        %slice3A_2165 = vector.extract_strided_slice %get3A_2164 {offsets = [0], sizes = [1], strides = [1]} : vector<16xi32> to vector<1xi32>
        %squeeze3A_2166 = vector.extract %slice3A_2165[0] : i32 from vector<1xi32>
        %jit3A_2167 = arith.constant 128 : i32
        %div3A_2168 = arith.divsi %squeeze3A_2166, %jit3A_2167 : i32
        %sign3A_2169 = arith.constant 0 : i32
        %sign3A_2170 = arith.cmpi sgt, %squeeze3A_2166, %sign3A_2169 : i32
        %sign3A_2171 = arith.extui %sign3A_2170 : i1 to i32
        %sign3A_2172 = arith.constant 0 : i32
        %sign3A_2173 = arith.cmpi slt, %squeeze3A_2166, %sign3A_2172 : i32
        %sign3A_2174 = arith.extui %sign3A_2173 : i1 to i32
        %sign3A_2175 = arith.subi %sign3A_2171, %sign3A_2174 : i32
        %sign3A_2176 = arith.constant 0 : i32
        %sign3A_2177 = arith.cmpi sgt, %jit3A_2167, %sign3A_2176 : i32
        %sign3A_2178 = arith.extui %sign3A_2177 : i1 to i32
        %sign3A_2179 = arith.constant 0 : i32
        %sign3A_2180 = arith.cmpi slt, %jit3A_2167, %sign3A_2179 : i32
        %sign3A_2181 = arith.extui %sign3A_2180 : i1 to i32
        %sign3A_2182 = arith.subi %sign3A_2178, %sign3A_2181 : i32
        %ne3A_2183 = arith.cmpi ne, %sign3A_2175, %sign3A_2182 : i32
        %rem3A_2184 = arith.remsi %squeeze3A_2166, %jit3A_2167 : i32
        %ne3A_2185 = arith.constant 0 : i32
        %ne3A_2186 = arith.cmpi ne, %rem3A_2184, %ne3A_2185 : i32
        %and3A_2187 = arith.andi %ne3A_2183, %ne3A_2186 : i1
        %sub3A_2188 = arith.constant 1 : i32
        %sub3A_2189 = arith.subi %div3A_2168, %sub3A_2188 : i32
        %select_n3A_2190 = arith.select %and3A_2187, %sub3A_2189, %div3A_2168 : i32
        %mul3A_2191 = arith.constant 128 : i32
        %mul3A_2192 = arith.muli %select_n3A_2190, %mul3A_2191 : i32
        %dma_start3A_2193 = arith.constant 2 : i32
        %dma_start3A_2194 = arith.constant 0 : i32
        %dma_start3A_2195 = arith.constant 0 : i32
        %dma_start3A_2196 = tpu.memref_slice %arg12[%dma_start3A_2193, %dma_start3A_2194, %dma_start3A_2195] : memref<8x64x128xf32, #tpu.memory_space<vmem>> -> memref<1x64x128xf32, #tpu.memory_space<vmem>>
        %dma_start3A_2197 = tpu.memref_squeeze %dma_start3A_2196 : memref<1x64x128xf32, #tpu.memory_space<vmem>> -> memref<64x128xf32, #tpu.memory_space<vmem>>
        %dma_start3A_2198 = arith.constant 0 : i32
        %dma_start3A_2199 = tpu.memref_slice %arg4[%dma_start3A_2198, %mul3A_2192] : memref<64x1000000xf32, #tpu.memory_space<hbm>> -> memref<64x128xf32, #tpu.memory_space<hbm>>
        %dma_start3A_2200 = arith.constant 0 : i32
        %dma_start3A_2201 = arith.constant 0 : i32
        %dma_start3A_2202 = tpu.memref_slice %arg12[%dma_start3A_2193, %dma_start3A_2200, %dma_start3A_2201] : memref<8x64x128xf32, #tpu.memory_space<vmem>> -> memref<1x64x128xf32, #tpu.memory_space<vmem>>
        %dma_start3A_2203 = tpu.memref_squeeze %dma_start3A_2202 : memref<1x64x128xf32, #tpu.memory_space<vmem>> -> memref<64x128xf32, #tpu.memory_space<vmem>>
        %dma_start3A_2204 = arith.constant 0 : i32
        %dma_start3A_2205 = tpu.memref_slice %arg4[%dma_start3A_2204, %mul3A_2192] : memref<64x1000000xf32, #tpu.memory_space<hbm>> -> memref<64x128xf32, #tpu.memory_space<hbm>>
        tpu.enqueue_dma source(%dma_start3A_2205 : memref<64x128xf32, #tpu.memory_space<hbm>>) target(%dma_start3A_2203 : memref<64x128xf32, #tpu.memory_space<vmem>>) target_semaphore(%arg17 : memref<!tpu.dma_semaphore, #tpu.memory_space<semaphore_mem>>)
      } else {
      }
      %lt3A_1085 = arith.constant 512 : i32
      %lt3A_1086 = arith.cmpi slt, %sub3A_1079, %lt3A_1085 : i32
      %convert_element_type3A_1087 = arith.extui %lt3A_1086 : i1 to i32
      %cond3A_1088 = arith.constant 0 : i32
      %cond3A_1089 = arith.cmpi ne, %convert_element_type3A_1087, %cond3A_1088 : i32
      scf.if %cond3A_1089 {
        %get3A_2163 = arith.index_cast %sub3A_1079 : i32 to index
        %get3A_2164 = tpu.vector_load %arg9[%get3A_2163] {strides = array<i32>} : memref<528xi32, #tpu.memory_space<vmem>>, vector<16xi32>,
        %slice3A_2165 = vector.extract_strided_slice %get3A_2164 {offsets = [0], sizes = [1], strides = [1]} : vector<16xi32> to vector<1xi32>
        %squeeze3A_2166 = vector.extract %slice3A_2165[0] : i32 from vector<1xi32>
        %jit3A_2167 = arith.constant 128 : i32
        %div3A_2168 = arith.divsi %squeeze3A_2166, %jit3A_2167 : i32
        %sign3A_2169 = arith.constant 0 : i32
        %sign3A_2170 = arith.cmpi sgt, %squeeze3A_2166, %sign3A_2169 : i32
        %sign3A_2171 = arith.extui %sign3A_2170 : i1 to i32
        %sign3A_2172 = arith.constant 0 : i32
        %sign3A_2173 = arith.cmpi slt, %squeeze3A_2166, %sign3A_2172 : i32
        %sign3A_2174 = arith.extui %sign3A_2173 : i1 to i32
        %sign3A_2175 = arith.subi %sign3A_2171, %sign3A_2174 : i32
        %sign3A_2176 = arith.constant 0 : i32
        %sign3A_2177 = arith.cmpi sgt, %jit3A_2167, %sign3A_2176 : i32
        %sign3A_2178 = arith.extui %sign3A_2177 : i1 to i32
        %sign3A_2179 = arith.constant 0 : i32
        %sign3A_2180 = arith.cmpi slt, %jit3A_2167, %sign3A_2179 : i32
        %sign3A_2181 = arith.extui %sign3A_2180 : i1 to i32
        %sign3A_2182 = arith.subi %sign3A_2178, %sign3A_2181 : i32
        %ne3A_2183 = arith.cmpi ne, %sign3A_2175, %sign3A_2182 : i32
        %rem3A_2184 = arith.remsi %squeeze3A_2166, %jit3A_2167 : i32
        %ne3A_2185 = arith.constant 0 : i32
        %ne3A_2186 = arith.cmpi ne, %rem3A_2184, %ne3A_2185 : i32
        %and3A_2187 = arith.andi %ne3A_2183, %ne3A_2186 : i1
        %sub3A_2188 = arith.constant 1 : i32
        %sub3A_2189 = arith.subi %div3A_2168, %sub3A_2188 : i32
        %select_n3A_2190 = arith.select %and3A_2187, %sub3A_2189, %div3A_2168 : i32
        %mul3A_2191 = arith.constant 128 : i32
        %mul3A_2192 = arith.muli %select_n3A_2190, %mul3A_2191 : i32
        %dma_start3A_2193 = arith.constant 2 : i32
        %dma_start3A_2194 = arith.constant 0 : i32
        %dma_start3A_2195 = arith.constant 0 : i32
        %dma_start3A_2196 = tpu.memref_slice %arg14[%arg1, %dma_start3A_2193, %dma_start3A_2194, %dma_start3A_2195] : memref<16x4x64x128xf32, #tpu.memory_space<vmem_shared>> -> memref<1x1x64x128xf32, #tpu.memory_space<vmem_shared>>
        %dma_start3A_2197 = tpu.memref_squeeze %dma_start3A_2196 : memref<1x1x64x128xf32, #tpu.memory_space<vmem_shared>> -> memref<64x128xf32, #tpu.memory_space<vmem_shared>>
        %dma_start3A_2198 = arith.constant 0 : i32
        %dma_start3A_2199 = tpu.memref_slice %arg5[%dma_start3A_2198, %mul3A_2192] : memref<64x1000000xf32, #tpu.memory_space<hbm>> -> memref<64x128xf32, #tpu.memory_space<hbm>>
        tpu.enqueue_dma source(%dma_start3A_2199 : memref<64x128xf32, #tpu.memory_space<hbm>>) target(%dma_start3A_2197 : memref<64x128xf32, #tpu.memory_space<vmem_shared>>) target_semaphore(%arg25 : memref<!tpu.dma_semaphore, #tpu.memory_space<semaphore_mem>>)
      } else {
      }
      %dma_wait3A_1090 = arith.constant 3 : i32
      %dma_wait3A_1091 = arith.constant 0 : i32
      %dma_wait3A_1092 = arith.constant 0 : i32
      %dma_wait3A_1093 = tpu.memref_slice %arg12[%dma_wait3A_1090, %dma_wait3A_1091, %dma_wait3A_1092] : memref<8x64x128xf32, #tpu.memory_space<vmem>> -> memref<1x64x128xf32, #tpu.memory_space<vmem>>
      %dma_wait3A_1094 = tpu.memref_squeeze %dma_wait3A_1093 : memref<1x64x128xf32, #tpu.memory_space<vmem>> -> memref<64x128xf32, #tpu.memory_space<vmem>>
      %dma_wait3A_1095 = arith.constant 0 : i32
      %dma_wait3A_1096 = arith.constant 0 : i32
      %dma_wait3A_1097 = tpu.memref_slice %arg4[%dma_wait3A_1095, %dma_wait3A_1096] : memref<64x1000000xf32, #tpu.memory_space<hbm>> -> memref<64x128xf32, #tpu.memory_space<hbm>>
      %dma_wait3A_1098 = arith.constant 0 : i32
      %dma_wait3A_1099 = arith.constant 0 : i32
      %dma_wait3A_1100 = tpu.memref_slice %arg12[%dma_wait3A_1090, %dma_wait3A_1098, %dma_wait3A_1099] : memref<8x64x128xf32, #tpu.memory_space<vmem>> -> memref<1x64x128xf32, #tpu.memory_space<vmem>>
      %dma_wait3A_1101 = tpu.memref_squeeze %dma_wait3A_1100 : memref<1x64x128xf32, #tpu.memory_space<vmem>> -> memref<64x128xf32, #tpu.memory_space<vmem>>
      %dma_wait3A_1102 = arith.constant 0 : i32
      %dma_wait3A_1103 = arith.constant 0 : i32
      %dma_wait3A_1104 = tpu.memref_slice %arg4[%dma_wait3A_1102, %dma_wait3A_1103] : memref<64x1000000xf32, #tpu.memory_space<hbm>> -> memref<64x128xf32, #tpu.memory_space<hbm>>
      tpu.wait_dma2 semaphore(%arg18 : memref<!tpu.dma_semaphore, #tpu.memory_space<semaphore_mem>>) src(%dma_wait3A_1104 : memref<64x128xf32, #tpu.memory_space<hbm>>) dst(%dma_wait3A_1101 : memref<64x128xf32, #tpu.memory_space<vmem>>)
      %dma_wait3A_1105 = arith.constant 3 : i32
      %dma_wait3A_1106 = arith.constant 0 : i32
      %dma_wait3A_1107 = arith.constant 0 : i32
      %dma_wait3A_1108 = tpu.memref_slice %arg14[%arg1, %dma_wait3A_1105, %dma_wait3A_1106, %dma_wait3A_1107] : memref<16x4x64x128xf32, #tpu.memory_space<vmem_shared>> -> memref<1x1x64x128xf32, #tpu.memory_space<vmem_shared>>
      %dma_wait3A_1109 = tpu.memref_squeeze %dma_wait3A_1108 : memref<1x1x64x128xf32, #tpu.memory_space<vmem_shared>> -> memref<64x128xf32, #tpu.memory_space<vmem_shared>>
      %dma_wait3A_1110 = arith.constant 0 : i32
      %dma_wait3A_1111 = arith.constant 0 : i32
      %dma_wait3A_1112 = tpu.memref_slice %arg5[%dma_wait3A_1110, %dma_wait3A_1111] : memref<64x1000000xf32, #tpu.memory_space<hbm>> -> memref<64x128xf32, #tpu.memory_space<hbm>>
      tpu.wait_dma2 semaphore(%arg26 : memref<!tpu.dma_semaphore, #tpu.memory_space<semaphore_mem>>) src(%dma_wait3A_1112 : memref<64x128xf32, #tpu.memory_space<hbm>>) dst(%dma_wait3A_1109 : memref<64x128xf32, #tpu.memory_space<vmem_shared>>)
      %get3A_1113 = arith.index_cast %add3A_1071 : i32 to index
      %get3A_1114 = tpu.vector_load %arg8[%get3A_1113] {strides = array<i32>} : memref<528xi32, #tpu.memory_space<vmem>>, vector<16xi32>,
      %slice3A_1115 = vector.extract_strided_slice %get3A_1114 {offsets = [0], sizes = [1], strides = [1]} : vector<16xi32> to vector<1xi32>
      %squeeze3A_1116 = vector.extract %slice3A_1115[0] : i32 from vector<1xi32>
      %get3A_1117 = arith.index_cast %add3A_1071 : i32 to index
      %get3A_1118 = tpu.vector_load %arg9[%get3A_1117] {strides = array<i32>} : memref<528xi32, #tpu.memory_space<vmem>>, vector<16xi32>,
      %slice3A_1119 = vector.extract_strided_slice %get3A_1118 {offsets = [0], sizes = [1], strides = [1]} : vector<16xi32> to vector<1xi32>
      %squeeze3A_1120 = vector.extract %slice3A_1119[0] : i32 from vector<1xi32>
      %jit3A_1121 = arith.constant 128 : i32
      %eq3A_1122 = arith.constant 0 : i32
      %eq3A_1123 = arith.cmpi eq, %jit3A_1121, %eq3A_1122 : i32
      %jit3A_1124 = arith.constant 1 : i32
      %select_n3A_1125 = arith.select %eq3A_1123, %jit3A_1124, %jit3A_1121 : i32
      %rem3A_1126 = arith.remsi %squeeze3A_1120, %select_n3A_1125 : i32
      %ne3A_1127 = arith.constant 0 : i32
      %ne3A_1128 = arith.cmpi ne, %rem3A_1126, %ne3A_1127 : i32
      %lt3A_1129 = arith.constant 0 : i32
      %lt3A_1130 = arith.cmpi slt, %rem3A_1126, %lt3A_1129 : i32
      %lt3A_1131 = arith.constant 0 : i32
      %lt3A_1132 = arith.cmpi slt, %select_n3A_1125, %lt3A_1131 : i32
      %ne3A_1133 = arith.xori %lt3A_1130, %lt3A_1132 : i1
      %and3A_1134 = arith.andi %ne3A_1133, %ne3A_1128 : i1
      %add3A_1135 = arith.addi %rem3A_1126, %select_n3A_1125 : i32
      %select_n3A_1136 = arith.select %and3A_1134, %add3A_1135, %rem3A_1126 : i32
      %jit3A_1137 = arith.constant 16 : i32
      %div3A_1138 = arith.divsi %select_n3A_1136, %jit3A_1137 : i32
      %sign3A_1139 = arith.constant 0 : i32
      %sign3A_1140 = arith.cmpi sgt, %select_n3A_1136, %sign3A_1139 : i32
      %sign3A_1141 = arith.extui %sign3A_1140 : i1 to i32
      %sign3A_1142 = arith.constant 0 : i32
      %sign3A_1143 = arith.cmpi slt, %select_n3A_1136, %sign3A_1142 : i32
      %sign3A_1144 = arith.extui %sign3A_1143 : i1 to i32
      %sign3A_1145 = arith.subi %sign3A_1141, %sign3A_1144 : i32
      %sign3A_1146 = arith.constant 0 : i32
      %sign3A_1147 = arith.cmpi sgt, %jit3A_1137, %sign3A_1146 : i32
      %sign3A_1148 = arith.extui %sign3A_1147 : i1 to i32
      %sign3A_1149 = arith.constant 0 : i32
      %sign3A_1150 = arith.cmpi slt, %jit3A_1137, %sign3A_1149 : i32
      %sign3A_1151 = arith.extui %sign3A_1150 : i1 to i32
      %sign3A_1152 = arith.subi %sign3A_1148, %sign3A_1151 : i32
      %ne3A_1153 = arith.cmpi ne, %sign3A_1145, %sign3A_1152 : i32
      %rem3A_1154 = arith.remsi %select_n3A_1136, %jit3A_1137 : i32
      %ne3A_1155 = arith.constant 0 : i32
      %ne3A_1156 = arith.cmpi ne, %rem3A_1154, %ne3A_1155 : i32
      %and3A_1157 = arith.andi %ne3A_1153, %ne3A_1156 : i1
      %sub3A_1158 = arith.constant 1 : i32
      %sub3A_1159 = arith.subi %div3A_1138, %sub3A_1158 : i32
      %select_n3A_1160 = arith.select %and3A_1157, %sub3A_1159, %div3A_1138 : i32
      %mul3A_1161 = arith.constant 16 : i32
      %mul3A_1162 = arith.muli %select_n3A_1160, %mul3A_1161 : i32
      %run_scoped3A_1163 = arith.constant 3 : i32
      "tpu.region"() ({
        %run_scoped3A_2163 = tpu.sem_alloc : memref<!tpu.dma_semaphore, #tpu.memory_space<semaphore_mem>>
        %dma_start3A_2164 = arith.constant 0 : i32
        %dma_start3A_2165 = arith.constant 48 : i32
        %dma_start3A_2166 = tpu.memref_slice %arg13[%dma_start3A_2164, %dma_start3A_2165] : memref<64x128xf32, #tpu.memory_space<vmem>> -> memref<64x16xf32, #tpu.memory_space<vmem>>
        %dma_start3A_2167 = arith.constant 0 : i32
        %dma_start3A_2168 = tpu.memref_slice %arg14[%arg1, %run_scoped3A_1163, %dma_start3A_2167, %mul3A_1162] : memref<16x4x64x128xf32, #tpu.memory_space<vmem_shared>> -> memref<1x1x64x16xf32, #tpu.memory_space<vmem_shared>>
        %dma_start3A_2169 = tpu.memref_squeeze %dma_start3A_2168 : memref<1x1x64x16xf32, #tpu.memory_space<vmem_shared>> -> memref<64x16xf32, #tpu.memory_space<vmem_shared>>
        %dma_start3A_2170 = arith.constant 0 : i32
        %dma_start3A_2171 = arith.constant 48 : i32
        %dma_start3A_2172 = tpu.memref_slice %arg13[%dma_start3A_2170, %dma_start3A_2171] : memref<64x128xf32, #tpu.memory_space<vmem>> -> memref<64x16xf32, #tpu.memory_space<vmem>>
        %dma_start3A_2173 = arith.constant 0 : i32
        %dma_start3A_2174 = tpu.memref_slice %arg14[%arg1, %run_scoped3A_1163, %dma_start3A_2173, %mul3A_1162] : memref<16x4x64x128xf32, #tpu.memory_space<vmem_shared>> -> memref<1x1x64x16xf32, #tpu.memory_space<vmem_shared>>
        %dma_start3A_2175 = tpu.memref_squeeze %dma_start3A_2174 : memref<1x1x64x16xf32, #tpu.memory_space<vmem_shared>> -> memref<64x16xf32, #tpu.memory_space<vmem_shared>>
        tpu.enqueue_dma source(%dma_start3A_2175 : memref<64x16xf32, #tpu.memory_space<vmem_shared>>) target(%dma_start3A_2172 : memref<64x16xf32, #tpu.memory_space<vmem>>) target_semaphore(%run_scoped3A_2163 : memref<!tpu.dma_semaphore, #tpu.memory_space<semaphore_mem>>)
        %dma_wait3A_2176 = arith.constant 0 : i32
        %dma_wait3A_2177 = arith.constant 48 : i32
        %dma_wait3A_2178 = tpu.memref_slice %arg13[%dma_wait3A_2176, %dma_wait3A_2177] : memref<64x128xf32, #tpu.memory_space<vmem>> -> memref<64x16xf32, #tpu.memory_space<vmem>>
        %dma_wait3A_2179 = arith.constant 0 : i32
        %dma_wait3A_2180 = tpu.memref_slice %arg14[%arg1, %run_scoped3A_1163, %dma_wait3A_2179, %mul3A_1162] : memref<16x4x64x128xf32, #tpu.memory_space<vmem_shared>> -> memref<1x1x64x16xf32, #tpu.memory_space<vmem_shared>>
        %dma_wait3A_2181 = tpu.memref_squeeze %dma_wait3A_2180 : memref<1x1x64x16xf32, #tpu.memory_space<vmem_shared>> -> memref<64x16xf32, #tpu.memory_space<vmem_shared>>
        %dma_wait3A_2182 = arith.constant 0 : i32
        %dma_wait3A_2183 = arith.constant 48 : i32
        %dma_wait3A_2184 = tpu.memref_slice %arg13[%dma_wait3A_2182, %dma_wait3A_2183] : memref<64x128xf32, #tpu.memory_space<vmem>> -> memref<64x16xf32, #tpu.memory_space<vmem>>
        %dma_wait3A_2185 = arith.constant 0 : i32
        %dma_wait3A_2186 = tpu.memref_slice %arg14[%arg1, %run_scoped3A_1163, %dma_wait3A_2185, %mul3A_1162] : memref<16x4x64x128xf32, #tpu.memory_space<vmem_shared>> -> memref<1x1x64x16xf32, #tpu.memory_space<vmem_shared>>
        %dma_wait3A_2187 = tpu.memref_squeeze %dma_wait3A_2186 : memref<1x1x64x16xf32, #tpu.memory_space<vmem_shared>> -> memref<64x16xf32, #tpu.memory_space<vmem_shared>>
        tpu.wait_dma2 semaphore(%run_scoped3A_2163 : memref<!tpu.dma_semaphore, #tpu.memory_space<semaphore_mem>>) src(%dma_wait3A_2187 : memref<64x16xf32, #tpu.memory_space<vmem_shared>>) dst(%dma_wait3A_2184 : memref<64x16xf32, #tpu.memory_space<vmem>>)
        tpu.yield
      }) : () -> ()
      %broadcast_in_dim3A_1164 = arith.constant 0 : i32
      %broadcast_in_dim3A_1165 = vector.broadcast %broadcast_in_dim3A_1164 : i32 to vector<16xi32>
      %jit3A_1166 = arith.constant 128 : i32
      %eq3A_1167 = arith.constant 0 : i32
      %eq3A_1168 = arith.cmpi eq, %jit3A_1166, %eq3A_1167 : i32
      %jit3A_1169 = arith.constant 1 : i32
      %select_n3A_1170 = arith.select %eq3A_1168, %jit3A_1169, %jit3A_1166 : i32
      %rem3A_1171 = arith.remsi %squeeze3A_1116, %select_n3A_1170 : i32
      %ne3A_1172 = arith.constant 0 : i32
      %ne3A_1173 = arith.cmpi ne, %rem3A_1171, %ne3A_1172 : i32
      %lt3A_1174 = arith.constant 0 : i32
      %lt3A_1175 = arith.cmpi slt, %rem3A_1171, %lt3A_1174 : i32
      %lt3A_1176 = arith.constant 0 : i32
      %lt3A_1177 = arith.cmpi slt, %select_n3A_1170, %lt3A_1176 : i32
      %ne3A_1178 = arith.xori %lt3A_1175, %lt3A_1177 : i1
      %and3A_1179 = arith.andi %ne3A_1178, %ne3A_1173 : i1
      %add3A_1180 = arith.addi %rem3A_1171, %select_n3A_1170 : i32
      %select_n3A_1181 = arith.select %and3A_1179, %add3A_1180, %rem3A_1171 : i32
      %add3A_1182 = vector.broadcast %select_n3A_1181 : i32 to vector<16xi32>
      %add3A_1183 = arith.addi %broadcast_in_dim3A_1165, %add3A_1182 : vector<16xi32>
      %broadcast_in_dim3A_1184 = arith.constant 0 : i32
      %broadcast_in_dim3A_1185 = vector.broadcast %broadcast_in_dim3A_1184 : i32 to vector<16xi32>
      %jit3A_1186 = arith.constant 16 : i32
      %eq3A_1187 = arith.constant 0 : i32
      %eq3A_1188 = arith.cmpi eq, %jit3A_1186, %eq3A_1187 : i32
      %jit3A_1189 = arith.constant 1 : i32
      %select_n3A_1190 = arith.select %eq3A_1188, %jit3A_1189, %jit3A_1186 : i32
      %rem3A_1191 = arith.remsi %squeeze3A_1120, %select_n3A_1190 : i32
      %ne3A_1192 = arith.constant 0 : i32
      %ne3A_1193 = arith.cmpi ne, %rem3A_1191, %ne3A_1192 : i32
      %lt3A_1194 = arith.constant 0 : i32
      %lt3A_1195 = arith.cmpi slt, %rem3A_1191, %lt3A_1194 : i32
      %lt3A_1196 = arith.constant 0 : i32
      %lt3A_1197 = arith.cmpi slt, %select_n3A_1190, %lt3A_1196 : i32
      %ne3A_1198 = arith.xori %lt3A_1195, %lt3A_1197 : i1
      %and3A_1199 = arith.andi %ne3A_1198, %ne3A_1193 : i1
      %add3A_1200 = arith.addi %rem3A_1191, %select_n3A_1190 : i32
      %select_n3A_1201 = arith.select %and3A_1199, %add3A_1200, %rem3A_1191 : i32
      %add3A_1202 = arith.constant 48 : i32
      %add3A_1203 = arith.addi %add3A_1202, %select_n3A_1201 : i32
      %add3A_1204 = vector.broadcast %add3A_1203 : i32 to vector<16xi32>
      %add3A_1205 = arith.addi %broadcast_in_dim3A_1185, %add3A_1204 : vector<16xi32>
      %broadcast_in_dim3A_1206 = arith.constant 3 : i32
      %broadcast_in_dim3A_1207 = vector.broadcast %broadcast_in_dim3A_1206 : i32 to vector<16xi32>
      %broadcast_in_dim3A_1208 = arith.constant 0.000000e+00 : f32
      %broadcast_in_dim3A_1209 = vector.broadcast %broadcast_in_dim3A_1208 : f32 to vector<16xf32>
      %add3A_1210 = arith.constant 0 : i32
      %add3A_1211 = vector.broadcast %add3A_1210 : i32 to vector<16xi32>
      %add3A_1212 = arith.addi %add3A_1211, %iota3A : vector<16xi32>
      %gather3A_1213 = tpu.vector_load_idx %arg12[%broadcast_in_dim3A_1207, %add3A_1212, %add3A_1183] : memref<8x64x128xf32, #tpu.memory_space<vmem>>[vector<16xi32>, vector<16xi32>, vector<16xi32>], vector<16xf32>,
      %gather3A_1214 = tpu.vector_load_idx %arg13[%add3A_1212, %add3A_1205] : memref<64x128xf32, #tpu.memory_space<vmem>>[vector<16xi32>, vector<16xi32>], vector<16xf32>,
      %mul3A_1215 = arith.mulf %gather3A_1213, %gather3A_1214 : vector<16xf32>
      %mul3A_1216 = arith.mulf %mul3A_1215, %get3A_3 : vector<16xf32>
      %add3A_1217 = arith.addf %broadcast_in_dim3A_1209, %mul3A_1216 : vector<16xf32>
      %add3A_1218 = arith.constant 16 : i32
      %add3A_1219 = vector.broadcast %add3A_1218 : i32 to vector<16xi32>
      %add3A_1220 = arith.addi %add3A_1219, %iota3A : vector<16xi32>
      %gather3A_1221 = tpu.vector_load_idx %arg12[%broadcast_in_dim3A_1207, %add3A_1220, %add3A_1183] : memref<8x64x128xf32, #tpu.memory_space<vmem>>[vector<16xi32>, vector<16xi32>, vector<16xi32>], vector<16xf32>,
      %gather3A_1222 = tpu.vector_load_idx %arg13[%add3A_1220, %add3A_1205] : memref<64x128xf32, #tpu.memory_space<vmem>>[vector<16xi32>, vector<16xi32>], vector<16xf32>,
      %mul3A_1223 = arith.mulf %gather3A_1221, %gather3A_1222 : vector<16xf32>
      %mul3A_1224 = arith.mulf %mul3A_1223, %get3A_5 : vector<16xf32>
      %add3A_1225 = arith.addf %add3A_1217, %mul3A_1224 : vector<16xf32>
      %add3A_1226 = arith.constant 32 : i32
      %add3A_1227 = vector.broadcast %add3A_1226 : i32 to vector<16xi32>
      %add3A_1228 = arith.addi %add3A_1227, %iota3A : vector<16xi32>
      %gather3A_1229 = tpu.vector_load_idx %arg12[%broadcast_in_dim3A_1207, %add3A_1228, %add3A_1183] : memref<8x64x128xf32, #tpu.memory_space<vmem>>[vector<16xi32>, vector<16xi32>, vector<16xi32>], vector<16xf32>,
      %gather3A_1230 = tpu.vector_load_idx %arg13[%add3A_1228, %add3A_1205] : memref<64x128xf32, #tpu.memory_space<vmem>>[vector<16xi32>, vector<16xi32>], vector<16xf32>,
      %mul3A_1231 = arith.mulf %gather3A_1229, %gather3A_1230 : vector<16xf32>
      %mul3A_1232 = arith.mulf %mul3A_1231, %get3A_7 : vector<16xf32>
      %add3A_1233 = arith.addf %add3A_1225, %mul3A_1232 : vector<16xf32>
      %add3A_1234 = arith.constant 48 : i32
      %add3A_1235 = vector.broadcast %add3A_1234 : i32 to vector<16xi32>
      %add3A_1236 = arith.addi %add3A_1235, %iota3A : vector<16xi32>
      %gather3A_1237 = tpu.vector_load_idx %arg12[%broadcast_in_dim3A_1207, %add3A_1236, %add3A_1183] : memref<8x64x128xf32, #tpu.memory_space<vmem>>[vector<16xi32>, vector<16xi32>, vector<16xi32>], vector<16xf32>,
      %gather3A_1238 = tpu.vector_load_idx %arg13[%add3A_1236, %add3A_1205] : memref<64x128xf32, #tpu.memory_space<vmem>>[vector<16xi32>, vector<16xi32>], vector<16xf32>,
      %mul3A_1239 = arith.mulf %gather3A_1237, %gather3A_1238 : vector<16xf32>
      %mul3A_1240 = arith.mulf %mul3A_1239, %get3A_9 : vector<16xf32>
      %add3A_1241 = arith.addf %add3A_1233, %mul3A_1240 : vector<16xf32>
      %reduce_sum3A_1242 = arith.constant true
      %reduce_sum3A_1243 = vector.broadcast %reduce_sum3A_1242 : i1 to vector<16xi1>
      %reduce_sum3A_1244 = tpu.scan <sum>, %add3A_1241 masked %reduce_sum3A_1243 : vector<16xf32>, vector<16xi1> -> vector<16xf32>
      %reduce_sum3A_1245 = vector.extract %reduce_sum3A_1244[15] : f32 from vector<16xf32>
      %jit3A_1246 = arith.constant 16 : i32
      %eq3A_1247 = arith.constant 0 : i32
      %eq3A_1248 = arith.cmpi eq, %jit3A_1246, %eq3A_1247 : i32
      %jit3A_1249 = arith.constant 1 : i32
      %select_n3A_1250 = arith.select %eq3A_1248, %jit3A_1249, %jit3A_1246 : i32
      %rem3A_1251 = arith.remsi %add3A_1071, %select_n3A_1250 : i32
      %ne3A_1252 = arith.constant 0 : i32
      %ne3A_1253 = arith.cmpi ne, %rem3A_1251, %ne3A_1252 : i32
      %lt3A_1254 = arith.constant 0 : i32
      %lt3A_1255 = arith.cmpi slt, %rem3A_1251, %lt3A_1254 : i32
      %lt3A_1256 = arith.constant 0 : i32
      %lt3A_1257 = arith.cmpi slt, %select_n3A_1250, %lt3A_1256 : i32
      %ne3A_1258 = arith.xori %lt3A_1255, %lt3A_1257 : i1
      %and3A_1259 = arith.andi %ne3A_1258, %ne3A_1253 : i1
      %add3A_1260 = arith.addi %rem3A_1251, %select_n3A_1250 : i32
      %select_n3A_1261 = arith.select %and3A_1259, %add3A_1260, %rem3A_1251 : i32
      %eq3A_1262 = vector.broadcast %select_n3A_1261 : i32 to vector<16xi32>
      %eq3A_1263 = arith.cmpi eq, %iota3A, %eq3A_1262 : vector<16xi32>
      %broadcast_in_dim3A_1264 = vector.broadcast %reduce_sum3A_1245 : f32 to vector<16xf32>
      %select_n3A_1265 = arith.select %eq3A_1263, %broadcast_in_dim3A_1264, %select_n3A_1046 : vector<16xi1>, vector<16xf32>
      %jit3A_1266 = arith.constant 16 : i32
      %eq3A_1267 = arith.constant 0 : i32
      %eq3A_1268 = arith.cmpi eq, %jit3A_1266, %eq3A_1267 : i32
      %jit3A_1269 = arith.constant 1 : i32
      %select_n3A_1270 = arith.select %eq3A_1268, %jit3A_1269, %jit3A_1266 : i32
      %rem3A_1271 = arith.remsi %add3A_1071, %select_n3A_1270 : i32
      %ne3A_1272 = arith.constant 0 : i32
      %ne3A_1273 = arith.cmpi ne, %rem3A_1271, %ne3A_1272 : i32
      %lt3A_1274 = arith.constant 0 : i32
      %lt3A_1275 = arith.cmpi slt, %rem3A_1271, %lt3A_1274 : i32
      %lt3A_1276 = arith.constant 0 : i32
      %lt3A_1277 = arith.cmpi slt, %select_n3A_1270, %lt3A_1276 : i32
      %ne3A_1278 = arith.xori %lt3A_1275, %lt3A_1277 : i1
      %and3A_1279 = arith.andi %ne3A_1278, %ne3A_1273 : i1
      %add3A_1280 = arith.addi %rem3A_1271, %select_n3A_1270 : i32
      %select_n3A_1281 = arith.select %and3A_1279, %add3A_1280, %rem3A_1271 : i32
      %eq3A_1282 = arith.constant 15 : i32
      %eq3A_1283 = arith.cmpi eq, %select_n3A_1281, %eq3A_1282 : i32
      %convert_element_type3A_1284 = arith.extui %eq3A_1283 : i1 to i32
      %cond3A_1285 = arith.constant 0 : i32
      %cond3A_1286 = arith.cmpi ne, %convert_element_type3A_1284, %cond3A_1285 : i32
      scf.if %cond3A_1286 {
        %jit3A_2163 = arith.constant 16 : i32
        %div3A_2164 = arith.divsi %add3A_1071, %jit3A_2163 : i32
        %sign3A_2165 = arith.constant 0 : i32
        %sign3A_2166 = arith.cmpi sgt, %add3A_1071, %sign3A_2165 : i32
        %sign3A_2167 = arith.extui %sign3A_2166 : i1 to i32
        %sign3A_2168 = arith.constant 0 : i32
        %sign3A_2169 = arith.cmpi slt, %add3A_1071, %sign3A_2168 : i32
        %sign3A_2170 = arith.extui %sign3A_2169 : i1 to i32
        %sign3A_2171 = arith.subi %sign3A_2167, %sign3A_2170 : i32
        %sign3A_2172 = arith.constant 0 : i32
        %sign3A_2173 = arith.cmpi sgt, %jit3A_2163, %sign3A_2172 : i32
        %sign3A_2174 = arith.extui %sign3A_2173 : i1 to i32
        %sign3A_2175 = arith.constant 0 : i32
        %sign3A_2176 = arith.cmpi slt, %jit3A_2163, %sign3A_2175 : i32
        %sign3A_2177 = arith.extui %sign3A_2176 : i1 to i32
        %sign3A_2178 = arith.subi %sign3A_2174, %sign3A_2177 : i32
        %ne3A_2179 = arith.cmpi ne, %sign3A_2171, %sign3A_2178 : i32
        %rem3A_2180 = arith.remsi %add3A_1071, %jit3A_2163 : i32
        %ne3A_2181 = arith.constant 0 : i32
        %ne3A_2182 = arith.cmpi ne, %rem3A_2180, %ne3A_2181 : i32
        %and3A_2183 = arith.andi %ne3A_2179, %ne3A_2182 : i1
        %sub3A_2184 = arith.constant 1 : i32
        %sub3A_2185 = arith.subi %div3A_2164, %sub3A_2184 : i32
        %select_n3A_2186 = arith.select %and3A_2183, %sub3A_2185, %div3A_2164 : i32
        %mul3A_2187 = arith.constant 16 : i32
        %mul3A_2188 = arith.muli %select_n3A_2186, %mul3A_2187 : i32
        %swap3A = arith.index_cast %mul3A_2188 : i32 to index
        %swap3A_2189 = tpu.vector_load %arg11[%swap3A] {strides = array<i32>} : memref<512xf32, #tpu.memory_space<vmem>>, vector<16xf32>,
        tpu.vector_store %arg11[%swap3A], %select_n3A_1265 {strides = array<i32>} : memref<512xf32, #tpu.memory_space<vmem>>, vector<16xf32>,
      } else {
      }
      %mul3A_1287 = arith.constant 8 : i32
      %mul3A_1288 = arith.muli %scan3A_417, %mul3A_1287 : i32
      %add3A_1289 = arith.constant 4 : i32
      %add3A_1290 = arith.addi %mul3A_1288, %add3A_1289 : i32
      %add3A_1291 = arith.constant 8 : i32
      %add3A_1292 = arith.addi %add3A_1290, %add3A_1291 : i32
      %sub3A_1293 = arith.constant 1 : i32
      %sub3A_1294 = arith.subi %add3A_1292, %sub3A_1293 : i32
      %add3A_1295 = arith.constant 4 : i32
      %add3A_1296 = arith.addi %add3A_1290, %add3A_1295 : i32
      %sub3A_1297 = arith.constant 1 : i32
      %sub3A_1298 = arith.subi %add3A_1296, %sub3A_1297 : i32
      %lt3A_1299 = arith.constant 512 : i32
      %lt3A_1300 = arith.cmpi slt, %sub3A_1294, %lt3A_1299 : i32
      %convert_element_type3A_1301 = arith.extui %lt3A_1300 : i1 to i32
      %cond3A_1302 = arith.constant 0 : i32
      %cond3A_1303 = arith.cmpi ne, %convert_element_type3A_1301, %cond3A_1302 : i32
      scf.if %cond3A_1303 {
        %get3A_2163 = arith.index_cast %sub3A_1294 : i32 to index
        %get3A_2164 = tpu.vector_load %arg8[%get3A_2163] {strides = array<i32>} : memref<528xi32, #tpu.memory_space<vmem>>, vector<16xi32>,
        %slice3A_2165 = vector.extract_strided_slice %get3A_2164 {offsets = [0], sizes = [1], strides = [1]} : vector<16xi32> to vector<1xi32>
        %squeeze3A_2166 = vector.extract %slice3A_2165[0] : i32 from vector<1xi32>
        %jit3A_2167 = arith.constant 128 : i32
        %div3A_2168 = arith.divsi %squeeze3A_2166, %jit3A_2167 : i32
        %sign3A_2169 = arith.constant 0 : i32
        %sign3A_2170 = arith.cmpi sgt, %squeeze3A_2166, %sign3A_2169 : i32
        %sign3A_2171 = arith.extui %sign3A_2170 : i1 to i32
        %sign3A_2172 = arith.constant 0 : i32
        %sign3A_2173 = arith.cmpi slt, %squeeze3A_2166, %sign3A_2172 : i32
        %sign3A_2174 = arith.extui %sign3A_2173 : i1 to i32
        %sign3A_2175 = arith.subi %sign3A_2171, %sign3A_2174 : i32
        %sign3A_2176 = arith.constant 0 : i32
        %sign3A_2177 = arith.cmpi sgt, %jit3A_2167, %sign3A_2176 : i32
        %sign3A_2178 = arith.extui %sign3A_2177 : i1 to i32
        %sign3A_2179 = arith.constant 0 : i32
        %sign3A_2180 = arith.cmpi slt, %jit3A_2167, %sign3A_2179 : i32
        %sign3A_2181 = arith.extui %sign3A_2180 : i1 to i32
        %sign3A_2182 = arith.subi %sign3A_2178, %sign3A_2181 : i32
        %ne3A_2183 = arith.cmpi ne, %sign3A_2175, %sign3A_2182 : i32
        %rem3A_2184 = arith.remsi %squeeze3A_2166, %jit3A_2167 : i32
        %ne3A_2185 = arith.constant 0 : i32
        %ne3A_2186 = arith.cmpi ne, %rem3A_2184, %ne3A_2185 : i32
        %and3A_2187 = arith.andi %ne3A_2183, %ne3A_2186 : i1
        %sub3A_2188 = arith.constant 1 : i32
        %sub3A_2189 = arith.subi %div3A_2168, %sub3A_2188 : i32
        %select_n3A_2190 = arith.select %and3A_2187, %sub3A_2189, %div3A_2168 : i32
        %mul3A_2191 = arith.constant 128 : i32
        %mul3A_2192 = arith.muli %select_n3A_2190, %mul3A_2191 : i32
        %dma_start3A_2193 = arith.constant 3 : i32
        %dma_start3A_2194 = arith.constant 0 : i32
        %dma_start3A_2195 = arith.constant 0 : i32
        %dma_start3A_2196 = tpu.memref_slice %arg12[%dma_start3A_2193, %dma_start3A_2194, %dma_start3A_2195] : memref<8x64x128xf32, #tpu.memory_space<vmem>> -> memref<1x64x128xf32, #tpu.memory_space<vmem>>
        %dma_start3A_2197 = tpu.memref_squeeze %dma_start3A_2196 : memref<1x64x128xf32, #tpu.memory_space<vmem>> -> memref<64x128xf32, #tpu.memory_space<vmem>>
        %dma_start3A_2198 = arith.constant 0 : i32
        %dma_start3A_2199 = tpu.memref_slice %arg4[%dma_start3A_2198, %mul3A_2192] : memref<64x1000000xf32, #tpu.memory_space<hbm>> -> memref<64x128xf32, #tpu.memory_space<hbm>>
        %dma_start3A_2200 = arith.constant 0 : i32
        %dma_start3A_2201 = arith.constant 0 : i32
        %dma_start3A_2202 = tpu.memref_slice %arg12[%dma_start3A_2193, %dma_start3A_2200, %dma_start3A_2201] : memref<8x64x128xf32, #tpu.memory_space<vmem>> -> memref<1x64x128xf32, #tpu.memory_space<vmem>>
        %dma_start3A_2203 = tpu.memref_squeeze %dma_start3A_2202 : memref<1x64x128xf32, #tpu.memory_space<vmem>> -> memref<64x128xf32, #tpu.memory_space<vmem>>
        %dma_start3A_2204 = arith.constant 0 : i32
        %dma_start3A_2205 = tpu.memref_slice %arg4[%dma_start3A_2204, %mul3A_2192] : memref<64x1000000xf32, #tpu.memory_space<hbm>> -> memref<64x128xf32, #tpu.memory_space<hbm>>
        tpu.enqueue_dma source(%dma_start3A_2205 : memref<64x128xf32, #tpu.memory_space<hbm>>) target(%dma_start3A_2203 : memref<64x128xf32, #tpu.memory_space<vmem>>) target_semaphore(%arg18 : memref<!tpu.dma_semaphore, #tpu.memory_space<semaphore_mem>>)
      } else {
      }
      %lt3A_1304 = arith.constant 512 : i32
      %lt3A_1305 = arith.cmpi slt, %sub3A_1298, %lt3A_1304 : i32
      %convert_element_type3A_1306 = arith.extui %lt3A_1305 : i1 to i32
      %cond3A_1307 = arith.constant 0 : i32
      %cond3A_1308 = arith.cmpi ne, %convert_element_type3A_1306, %cond3A_1307 : i32
      scf.if %cond3A_1308 {
        %get3A_2163 = arith.index_cast %sub3A_1298 : i32 to index
        %get3A_2164 = tpu.vector_load %arg9[%get3A_2163] {strides = array<i32>} : memref<528xi32, #tpu.memory_space<vmem>>, vector<16xi32>,
        %slice3A_2165 = vector.extract_strided_slice %get3A_2164 {offsets = [0], sizes = [1], strides = [1]} : vector<16xi32> to vector<1xi32>
        %squeeze3A_2166 = vector.extract %slice3A_2165[0] : i32 from vector<1xi32>
        %jit3A_2167 = arith.constant 128 : i32
        %div3A_2168 = arith.divsi %squeeze3A_2166, %jit3A_2167 : i32
        %sign3A_2169 = arith.constant 0 : i32
        %sign3A_2170 = arith.cmpi sgt, %squeeze3A_2166, %sign3A_2169 : i32
        %sign3A_2171 = arith.extui %sign3A_2170 : i1 to i32
        %sign3A_2172 = arith.constant 0 : i32
        %sign3A_2173 = arith.cmpi slt, %squeeze3A_2166, %sign3A_2172 : i32
        %sign3A_2174 = arith.extui %sign3A_2173 : i1 to i32
        %sign3A_2175 = arith.subi %sign3A_2171, %sign3A_2174 : i32
        %sign3A_2176 = arith.constant 0 : i32
        %sign3A_2177 = arith.cmpi sgt, %jit3A_2167, %sign3A_2176 : i32
        %sign3A_2178 = arith.extui %sign3A_2177 : i1 to i32
        %sign3A_2179 = arith.constant 0 : i32
        %sign3A_2180 = arith.cmpi slt, %jit3A_2167, %sign3A_2179 : i32
        %sign3A_2181 = arith.extui %sign3A_2180 : i1 to i32
        %sign3A_2182 = arith.subi %sign3A_2178, %sign3A_2181 : i32
        %ne3A_2183 = arith.cmpi ne, %sign3A_2175, %sign3A_2182 : i32
        %rem3A_2184 = arith.remsi %squeeze3A_2166, %jit3A_2167 : i32
        %ne3A_2185 = arith.constant 0 : i32
        %ne3A_2186 = arith.cmpi ne, %rem3A_2184, %ne3A_2185 : i32
        %and3A_2187 = arith.andi %ne3A_2183, %ne3A_2186 : i1
        %sub3A_2188 = arith.constant 1 : i32
        %sub3A_2189 = arith.subi %div3A_2168, %sub3A_2188 : i32
        %select_n3A_2190 = arith.select %and3A_2187, %sub3A_2189, %div3A_2168 : i32
        %mul3A_2191 = arith.constant 128 : i32
        %mul3A_2192 = arith.muli %select_n3A_2190, %mul3A_2191 : i32
        %dma_start3A_2193 = arith.constant 3 : i32
        %dma_start3A_2194 = arith.constant 0 : i32
        %dma_start3A_2195 = arith.constant 0 : i32
        %dma_start3A_2196 = tpu.memref_slice %arg14[%arg1, %dma_start3A_2193, %dma_start3A_2194, %dma_start3A_2195] : memref<16x4x64x128xf32, #tpu.memory_space<vmem_shared>> -> memref<1x1x64x128xf32, #tpu.memory_space<vmem_shared>>
        %dma_start3A_2197 = tpu.memref_squeeze %dma_start3A_2196 : memref<1x1x64x128xf32, #tpu.memory_space<vmem_shared>> -> memref<64x128xf32, #tpu.memory_space<vmem_shared>>
        %dma_start3A_2198 = arith.constant 0 : i32
        %dma_start3A_2199 = tpu.memref_slice %arg5[%dma_start3A_2198, %mul3A_2192] : memref<64x1000000xf32, #tpu.memory_space<hbm>> -> memref<64x128xf32, #tpu.memory_space<hbm>>
        tpu.enqueue_dma source(%dma_start3A_2199 : memref<64x128xf32, #tpu.memory_space<hbm>>) target(%dma_start3A_2197 : memref<64x128xf32, #tpu.memory_space<vmem_shared>>) target_semaphore(%arg26 : memref<!tpu.dma_semaphore, #tpu.memory_space<semaphore_mem>>)
      } else {
      }
      %dma_wait3A_1309 = arith.constant 4 : i32
      %dma_wait3A_1310 = arith.constant 0 : i32
      %dma_wait3A_1311 = arith.constant 0 : i32
      %dma_wait3A_1312 = tpu.memref_slice %arg12[%dma_wait3A_1309, %dma_wait3A_1310, %dma_wait3A_1311] : memref<8x64x128xf32, #tpu.memory_space<vmem>> -> memref<1x64x128xf32, #tpu.memory_space<vmem>>
      %dma_wait3A_1313 = tpu.memref_squeeze %dma_wait3A_1312 : memref<1x64x128xf32, #tpu.memory_space<vmem>> -> memref<64x128xf32, #tpu.memory_space<vmem>>
      %dma_wait3A_1314 = arith.constant 0 : i32
      %dma_wait3A_1315 = arith.constant 0 : i32
      %dma_wait3A_1316 = tpu.memref_slice %arg4[%dma_wait3A_1314, %dma_wait3A_1315] : memref<64x1000000xf32, #tpu.memory_space<hbm>> -> memref<64x128xf32, #tpu.memory_space<hbm>>
      %dma_wait3A_1317 = arith.constant 0 : i32
      %dma_wait3A_1318 = arith.constant 0 : i32
      %dma_wait3A_1319 = tpu.memref_slice %arg12[%dma_wait3A_1309, %dma_wait3A_1317, %dma_wait3A_1318] : memref<8x64x128xf32, #tpu.memory_space<vmem>> -> memref<1x64x128xf32, #tpu.memory_space<vmem>>
      %dma_wait3A_1320 = tpu.memref_squeeze %dma_wait3A_1319 : memref<1x64x128xf32, #tpu.memory_space<vmem>> -> memref<64x128xf32, #tpu.memory_space<vmem>>
      %dma_wait3A_1321 = arith.constant 0 : i32
      %dma_wait3A_1322 = arith.constant 0 : i32
      %dma_wait3A_1323 = tpu.memref_slice %arg4[%dma_wait3A_1321, %dma_wait3A_1322] : memref<64x1000000xf32, #tpu.memory_space<hbm>> -> memref<64x128xf32, #tpu.memory_space<hbm>>
      tpu.wait_dma2 semaphore(%arg19 : memref<!tpu.dma_semaphore, #tpu.memory_space<semaphore_mem>>) src(%dma_wait3A_1323 : memref<64x128xf32, #tpu.memory_space<hbm>>) dst(%dma_wait3A_1320 : memref<64x128xf32, #tpu.memory_space<vmem>>)
      %dma_wait3A_1324 = arith.constant 0 : i32
      %dma_wait3A_1325 = arith.constant 0 : i32
      %dma_wait3A_1326 = arith.constant 0 : i32
      %dma_wait3A_1327 = tpu.memref_slice %arg14[%arg1, %dma_wait3A_1324, %dma_wait3A_1325, %dma_wait3A_1326] : memref<16x4x64x128xf32, #tpu.memory_space<vmem_shared>> -> memref<1x1x64x128xf32, #tpu.memory_space<vmem_shared>>
      %dma_wait3A_1328 = tpu.memref_squeeze %dma_wait3A_1327 : memref<1x1x64x128xf32, #tpu.memory_space<vmem_shared>> -> memref<64x128xf32, #tpu.memory_space<vmem_shared>>
      %dma_wait3A_1329 = arith.constant 0 : i32
      %dma_wait3A_1330 = arith.constant 0 : i32
      %dma_wait3A_1331 = tpu.memref_slice %arg5[%dma_wait3A_1329, %dma_wait3A_1330] : memref<64x1000000xf32, #tpu.memory_space<hbm>> -> memref<64x128xf32, #tpu.memory_space<hbm>>
      tpu.wait_dma2 semaphore(%arg23 : memref<!tpu.dma_semaphore, #tpu.memory_space<semaphore_mem>>) src(%dma_wait3A_1331 : memref<64x128xf32, #tpu.memory_space<hbm>>) dst(%dma_wait3A_1328 : memref<64x128xf32, #tpu.memory_space<vmem_shared>>)
      %get3A_1332 = arith.index_cast %add3A_1290 : i32 to index
      %get3A_1333 = tpu.vector_load %arg8[%get3A_1332] {strides = array<i32>} : memref<528xi32, #tpu.memory_space<vmem>>, vector<16xi32>,
      %slice3A_1334 = vector.extract_strided_slice %get3A_1333 {offsets = [0], sizes = [1], strides = [1]} : vector<16xi32> to vector<1xi32>
      %squeeze3A_1335 = vector.extract %slice3A_1334[0] : i32 from vector<1xi32>
      %get3A_1336 = arith.index_cast %add3A_1290 : i32 to index
      %get3A_1337 = tpu.vector_load %arg9[%get3A_1336] {strides = array<i32>} : memref<528xi32, #tpu.memory_space<vmem>>, vector<16xi32>,
      %slice3A_1338 = vector.extract_strided_slice %get3A_1337 {offsets = [0], sizes = [1], strides = [1]} : vector<16xi32> to vector<1xi32>
      %squeeze3A_1339 = vector.extract %slice3A_1338[0] : i32 from vector<1xi32>
      %jit3A_1340 = arith.constant 128 : i32
      %eq3A_1341 = arith.constant 0 : i32
      %eq3A_1342 = arith.cmpi eq, %jit3A_1340, %eq3A_1341 : i32
      %jit3A_1343 = arith.constant 1 : i32
      %select_n3A_1344 = arith.select %eq3A_1342, %jit3A_1343, %jit3A_1340 : i32
      %rem3A_1345 = arith.remsi %squeeze3A_1339, %select_n3A_1344 : i32
      %ne3A_1346 = arith.constant 0 : i32
      %ne3A_1347 = arith.cmpi ne, %rem3A_1345, %ne3A_1346 : i32
      %lt3A_1348 = arith.constant 0 : i32
      %lt3A_1349 = arith.cmpi slt, %rem3A_1345, %lt3A_1348 : i32
      %lt3A_1350 = arith.constant 0 : i32
      %lt3A_1351 = arith.cmpi slt, %select_n3A_1344, %lt3A_1350 : i32
      %ne3A_1352 = arith.xori %lt3A_1349, %lt3A_1351 : i1
      %and3A_1353 = arith.andi %ne3A_1352, %ne3A_1347 : i1
      %add3A_1354 = arith.addi %rem3A_1345, %select_n3A_1344 : i32
      %select_n3A_1355 = arith.select %and3A_1353, %add3A_1354, %rem3A_1345 : i32
      %jit3A_1356 = arith.constant 16 : i32
      %div3A_1357 = arith.divsi %select_n3A_1355, %jit3A_1356 : i32
      %sign3A_1358 = arith.constant 0 : i32
      %sign3A_1359 = arith.cmpi sgt, %select_n3A_1355, %sign3A_1358 : i32
      %sign3A_1360 = arith.extui %sign3A_1359 : i1 to i32
      %sign3A_1361 = arith.constant 0 : i32
      %sign3A_1362 = arith.cmpi slt, %select_n3A_1355, %sign3A_1361 : i32
      %sign3A_1363 = arith.extui %sign3A_1362 : i1 to i32
      %sign3A_1364 = arith.subi %sign3A_1360, %sign3A_1363 : i32
      %sign3A_1365 = arith.constant 0 : i32
      %sign3A_1366 = arith.cmpi sgt, %jit3A_1356, %sign3A_1365 : i32
      %sign3A_1367 = arith.extui %sign3A_1366 : i1 to i32
      %sign3A_1368 = arith.constant 0 : i32
      %sign3A_1369 = arith.cmpi slt, %jit3A_1356, %sign3A_1368 : i32
      %sign3A_1370 = arith.extui %sign3A_1369 : i1 to i32
      %sign3A_1371 = arith.subi %sign3A_1367, %sign3A_1370 : i32
      %ne3A_1372 = arith.cmpi ne, %sign3A_1364, %sign3A_1371 : i32
      %rem3A_1373 = arith.remsi %select_n3A_1355, %jit3A_1356 : i32
      %ne3A_1374 = arith.constant 0 : i32
      %ne3A_1375 = arith.cmpi ne, %rem3A_1373, %ne3A_1374 : i32
      %and3A_1376 = arith.andi %ne3A_1372, %ne3A_1375 : i1
      %sub3A_1377 = arith.constant 1 : i32
      %sub3A_1378 = arith.subi %div3A_1357, %sub3A_1377 : i32
      %select_n3A_1379 = arith.select %and3A_1376, %sub3A_1378, %div3A_1357 : i32
      %mul3A_1380 = arith.constant 16 : i32
      %mul3A_1381 = arith.muli %select_n3A_1379, %mul3A_1380 : i32
      %run_scoped3A_1382 = arith.constant 0 : i32
      "tpu.region"() ({
        %run_scoped3A_2163 = tpu.sem_alloc : memref<!tpu.dma_semaphore, #tpu.memory_space<semaphore_mem>>
        %dma_start3A_2164 = arith.constant 0 : i32
        %dma_start3A_2165 = arith.constant 64 : i32
        %dma_start3A_2166 = tpu.memref_slice %arg13[%dma_start3A_2164, %dma_start3A_2165] : memref<64x128xf32, #tpu.memory_space<vmem>> -> memref<64x16xf32, #tpu.memory_space<vmem>>
        %dma_start3A_2167 = arith.constant 0 : i32
        %dma_start3A_2168 = tpu.memref_slice %arg14[%arg1, %run_scoped3A_1382, %dma_start3A_2167, %mul3A_1381] : memref<16x4x64x128xf32, #tpu.memory_space<vmem_shared>> -> memref<1x1x64x16xf32, #tpu.memory_space<vmem_shared>>
        %dma_start3A_2169 = tpu.memref_squeeze %dma_start3A_2168 : memref<1x1x64x16xf32, #tpu.memory_space<vmem_shared>> -> memref<64x16xf32, #tpu.memory_space<vmem_shared>>
        %dma_start3A_2170 = arith.constant 0 : i32
        %dma_start3A_2171 = arith.constant 64 : i32
        %dma_start3A_2172 = tpu.memref_slice %arg13[%dma_start3A_2170, %dma_start3A_2171] : memref<64x128xf32, #tpu.memory_space<vmem>> -> memref<64x16xf32, #tpu.memory_space<vmem>>
        %dma_start3A_2173 = arith.constant 0 : i32
        %dma_start3A_2174 = tpu.memref_slice %arg14[%arg1, %run_scoped3A_1382, %dma_start3A_2173, %mul3A_1381] : memref<16x4x64x128xf32, #tpu.memory_space<vmem_shared>> -> memref<1x1x64x16xf32, #tpu.memory_space<vmem_shared>>
        %dma_start3A_2175 = tpu.memref_squeeze %dma_start3A_2174 : memref<1x1x64x16xf32, #tpu.memory_space<vmem_shared>> -> memref<64x16xf32, #tpu.memory_space<vmem_shared>>
        tpu.enqueue_dma source(%dma_start3A_2175 : memref<64x16xf32, #tpu.memory_space<vmem_shared>>) target(%dma_start3A_2172 : memref<64x16xf32, #tpu.memory_space<vmem>>) target_semaphore(%run_scoped3A_2163 : memref<!tpu.dma_semaphore, #tpu.memory_space<semaphore_mem>>)
        %dma_wait3A_2176 = arith.constant 0 : i32
        %dma_wait3A_2177 = arith.constant 64 : i32
        %dma_wait3A_2178 = tpu.memref_slice %arg13[%dma_wait3A_2176, %dma_wait3A_2177] : memref<64x128xf32, #tpu.memory_space<vmem>> -> memref<64x16xf32, #tpu.memory_space<vmem>>
        %dma_wait3A_2179 = arith.constant 0 : i32
        %dma_wait3A_2180 = tpu.memref_slice %arg14[%arg1, %run_scoped3A_1382, %dma_wait3A_2179, %mul3A_1381] : memref<16x4x64x128xf32, #tpu.memory_space<vmem_shared>> -> memref<1x1x64x16xf32, #tpu.memory_space<vmem_shared>>
        %dma_wait3A_2181 = tpu.memref_squeeze %dma_wait3A_2180 : memref<1x1x64x16xf32, #tpu.memory_space<vmem_shared>> -> memref<64x16xf32, #tpu.memory_space<vmem_shared>>
        %dma_wait3A_2182 = arith.constant 0 : i32
        %dma_wait3A_2183 = arith.constant 64 : i32
        %dma_wait3A_2184 = tpu.memref_slice %arg13[%dma_wait3A_2182, %dma_wait3A_2183] : memref<64x128xf32, #tpu.memory_space<vmem>> -> memref<64x16xf32, #tpu.memory_space<vmem>>
        %dma_wait3A_2185 = arith.constant 0 : i32
        %dma_wait3A_2186 = tpu.memref_slice %arg14[%arg1, %run_scoped3A_1382, %dma_wait3A_2185, %mul3A_1381] : memref<16x4x64x128xf32, #tpu.memory_space<vmem_shared>> -> memref<1x1x64x16xf32, #tpu.memory_space<vmem_shared>>
        %dma_wait3A_2187 = tpu.memref_squeeze %dma_wait3A_2186 : memref<1x1x64x16xf32, #tpu.memory_space<vmem_shared>> -> memref<64x16xf32, #tpu.memory_space<vmem_shared>>
        tpu.wait_dma2 semaphore(%run_scoped3A_2163 : memref<!tpu.dma_semaphore, #tpu.memory_space<semaphore_mem>>) src(%dma_wait3A_2187 : memref<64x16xf32, #tpu.memory_space<vmem_shared>>) dst(%dma_wait3A_2184 : memref<64x16xf32, #tpu.memory_space<vmem>>)
        tpu.yield
      }) : () -> ()
      %broadcast_in_dim3A_1383 = arith.constant 0 : i32
      %broadcast_in_dim3A_1384 = vector.broadcast %broadcast_in_dim3A_1383 : i32 to vector<16xi32>
      %jit3A_1385 = arith.constant 128 : i32
      %eq3A_1386 = arith.constant 0 : i32
      %eq3A_1387 = arith.cmpi eq, %jit3A_1385, %eq3A_1386 : i32
      %jit3A_1388 = arith.constant 1 : i32
      %select_n3A_1389 = arith.select %eq3A_1387, %jit3A_1388, %jit3A_1385 : i32
      %rem3A_1390 = arith.remsi %squeeze3A_1335, %select_n3A_1389 : i32
      %ne3A_1391 = arith.constant 0 : i32
      %ne3A_1392 = arith.cmpi ne, %rem3A_1390, %ne3A_1391 : i32
      %lt3A_1393 = arith.constant 0 : i32
      %lt3A_1394 = arith.cmpi slt, %rem3A_1390, %lt3A_1393 : i32
      %lt3A_1395 = arith.constant 0 : i32
      %lt3A_1396 = arith.cmpi slt, %select_n3A_1389, %lt3A_1395 : i32
      %ne3A_1397 = arith.xori %lt3A_1394, %lt3A_1396 : i1
      %and3A_1398 = arith.andi %ne3A_1397, %ne3A_1392 : i1
      %add3A_1399 = arith.addi %rem3A_1390, %select_n3A_1389 : i32
      %select_n3A_1400 = arith.select %and3A_1398, %add3A_1399, %rem3A_1390 : i32
      %add3A_1401 = vector.broadcast %select_n3A_1400 : i32 to vector<16xi32>
      %add3A_1402 = arith.addi %broadcast_in_dim3A_1384, %add3A_1401 : vector<16xi32>
      %broadcast_in_dim3A_1403 = arith.constant 0 : i32
      %broadcast_in_dim3A_1404 = vector.broadcast %broadcast_in_dim3A_1403 : i32 to vector<16xi32>
      %jit3A_1405 = arith.constant 16 : i32
      %eq3A_1406 = arith.constant 0 : i32
      %eq3A_1407 = arith.cmpi eq, %jit3A_1405, %eq3A_1406 : i32
      %jit3A_1408 = arith.constant 1 : i32
      %select_n3A_1409 = arith.select %eq3A_1407, %jit3A_1408, %jit3A_1405 : i32
      %rem3A_1410 = arith.remsi %squeeze3A_1339, %select_n3A_1409 : i32
      %ne3A_1411 = arith.constant 0 : i32
      %ne3A_1412 = arith.cmpi ne, %rem3A_1410, %ne3A_1411 : i32
      %lt3A_1413 = arith.constant 0 : i32
      %lt3A_1414 = arith.cmpi slt, %rem3A_1410, %lt3A_1413 : i32
      %lt3A_1415 = arith.constant 0 : i32
      %lt3A_1416 = arith.cmpi slt, %select_n3A_1409, %lt3A_1415 : i32
      %ne3A_1417 = arith.xori %lt3A_1414, %lt3A_1416 : i1
      %and3A_1418 = arith.andi %ne3A_1417, %ne3A_1412 : i1
      %add3A_1419 = arith.addi %rem3A_1410, %select_n3A_1409 : i32
      %select_n3A_1420 = arith.select %and3A_1418, %add3A_1419, %rem3A_1410 : i32
      %add3A_1421 = arith.constant 64 : i32
      %add3A_1422 = arith.addi %add3A_1421, %select_n3A_1420 : i32
      %add3A_1423 = vector.broadcast %add3A_1422 : i32 to vector<16xi32>
      %add3A_1424 = arith.addi %broadcast_in_dim3A_1404, %add3A_1423 : vector<16xi32>
      %broadcast_in_dim3A_1425 = arith.constant 4 : i32
      %broadcast_in_dim3A_1426 = vector.broadcast %broadcast_in_dim3A_1425 : i32 to vector<16xi32>
      %broadcast_in_dim3A_1427 = arith.constant 0.000000e+00 : f32
      %broadcast_in_dim3A_1428 = vector.broadcast %broadcast_in_dim3A_1427 : f32 to vector<16xf32>
      %add3A_1429 = arith.constant 0 : i32
      %add3A_1430 = vector.broadcast %add3A_1429 : i32 to vector<16xi32>
      %add3A_1431 = arith.addi %add3A_1430, %iota3A : vector<16xi32>
      %gather3A_1432 = tpu.vector_load_idx %arg12[%broadcast_in_dim3A_1426, %add3A_1431, %add3A_1402] : memref<8x64x128xf32, #tpu.memory_space<vmem>>[vector<16xi32>, vector<16xi32>, vector<16xi32>], vector<16xf32>,
      %gather3A_1433 = tpu.vector_load_idx %arg13[%add3A_1431, %add3A_1424] : memref<64x128xf32, #tpu.memory_space<vmem>>[vector<16xi32>, vector<16xi32>], vector<16xf32>,
      %mul3A_1434 = arith.mulf %gather3A_1432, %gather3A_1433 : vector<16xf32>
      %mul3A_1435 = arith.mulf %mul3A_1434, %get3A_3 : vector<16xf32>
      %add3A_1436 = arith.addf %broadcast_in_dim3A_1428, %mul3A_1435 : vector<16xf32>
      %add3A_1437 = arith.constant 16 : i32
      %add3A_1438 = vector.broadcast %add3A_1437 : i32 to vector<16xi32>
      %add3A_1439 = arith.addi %add3A_1438, %iota3A : vector<16xi32>
      %gather3A_1440 = tpu.vector_load_idx %arg12[%broadcast_in_dim3A_1426, %add3A_1439, %add3A_1402] : memref<8x64x128xf32, #tpu.memory_space<vmem>>[vector<16xi32>, vector<16xi32>, vector<16xi32>], vector<16xf32>,
      %gather3A_1441 = tpu.vector_load_idx %arg13[%add3A_1439, %add3A_1424] : memref<64x128xf32, #tpu.memory_space<vmem>>[vector<16xi32>, vector<16xi32>], vector<16xf32>,
      %mul3A_1442 = arith.mulf %gather3A_1440, %gather3A_1441 : vector<16xf32>
      %mul3A_1443 = arith.mulf %mul3A_1442, %get3A_5 : vector<16xf32>
      %add3A_1444 = arith.addf %add3A_1436, %mul3A_1443 : vector<16xf32>
      %add3A_1445 = arith.constant 32 : i32
      %add3A_1446 = vector.broadcast %add3A_1445 : i32 to vector<16xi32>
      %add3A_1447 = arith.addi %add3A_1446, %iota3A : vector<16xi32>
      %gather3A_1448 = tpu.vector_load_idx %arg12[%broadcast_in_dim3A_1426, %add3A_1447, %add3A_1402] : memref<8x64x128xf32, #tpu.memory_space<vmem>>[vector<16xi32>, vector<16xi32>, vector<16xi32>], vector<16xf32>,
      %gather3A_1449 = tpu.vector_load_idx %arg13[%add3A_1447, %add3A_1424] : memref<64x128xf32, #tpu.memory_space<vmem>>[vector<16xi32>, vector<16xi32>], vector<16xf32>,
      %mul3A_1450 = arith.mulf %gather3A_1448, %gather3A_1449 : vector<16xf32>
      %mul3A_1451 = arith.mulf %mul3A_1450, %get3A_7 : vector<16xf32>
      %add3A_1452 = arith.addf %add3A_1444, %mul3A_1451 : vector<16xf32>
      %add3A_1453 = arith.constant 48 : i32
      %add3A_1454 = vector.broadcast %add3A_1453 : i32 to vector<16xi32>
      %add3A_1455 = arith.addi %add3A_1454, %iota3A : vector<16xi32>
      %gather3A_1456 = tpu.vector_load_idx %arg12[%broadcast_in_dim3A_1426, %add3A_1455, %add3A_1402] : memref<8x64x128xf32, #tpu.memory_space<vmem>>[vector<16xi32>, vector<16xi32>, vector<16xi32>], vector<16xf32>,
      %gather3A_1457 = tpu.vector_load_idx %arg13[%add3A_1455, %add3A_1424] : memref<64x128xf32, #tpu.memory_space<vmem>>[vector<16xi32>, vector<16xi32>], vector<16xf32>,
      %mul3A_1458 = arith.mulf %gather3A_1456, %gather3A_1457 : vector<16xf32>
      %mul3A_1459 = arith.mulf %mul3A_1458, %get3A_9 : vector<16xf32>
      %add3A_1460 = arith.addf %add3A_1452, %mul3A_1459 : vector<16xf32>
      %reduce_sum3A_1461 = arith.constant true
      %reduce_sum3A_1462 = vector.broadcast %reduce_sum3A_1461 : i1 to vector<16xi1>
      %reduce_sum3A_1463 = tpu.scan <sum>, %add3A_1460 masked %reduce_sum3A_1462 : vector<16xf32>, vector<16xi1> -> vector<16xf32>
      %reduce_sum3A_1464 = vector.extract %reduce_sum3A_1463[15] : f32 from vector<16xf32>
      %jit3A_1465 = arith.constant 16 : i32
      %eq3A_1466 = arith.constant 0 : i32
      %eq3A_1467 = arith.cmpi eq, %jit3A_1465, %eq3A_1466 : i32
      %jit3A_1468 = arith.constant 1 : i32
      %select_n3A_1469 = arith.select %eq3A_1467, %jit3A_1468, %jit3A_1465 : i32
      %rem3A_1470 = arith.remsi %add3A_1290, %select_n3A_1469 : i32
      %ne3A_1471 = arith.constant 0 : i32
      %ne3A_1472 = arith.cmpi ne, %rem3A_1470, %ne3A_1471 : i32
      %lt3A_1473 = arith.constant 0 : i32
      %lt3A_1474 = arith.cmpi slt, %rem3A_1470, %lt3A_1473 : i32
      %lt3A_1475 = arith.constant 0 : i32
      %lt3A_1476 = arith.cmpi slt, %select_n3A_1469, %lt3A_1475 : i32
      %ne3A_1477 = arith.xori %lt3A_1474, %lt3A_1476 : i1
      %and3A_1478 = arith.andi %ne3A_1477, %ne3A_1472 : i1
      %add3A_1479 = arith.addi %rem3A_1470, %select_n3A_1469 : i32
      %select_n3A_1480 = arith.select %and3A_1478, %add3A_1479, %rem3A_1470 : i32
      %eq3A_1481 = vector.broadcast %select_n3A_1480 : i32 to vector<16xi32>
      %eq3A_1482 = arith.cmpi eq, %iota3A, %eq3A_1481 : vector<16xi32>
      %broadcast_in_dim3A_1483 = vector.broadcast %reduce_sum3A_1464 : f32 to vector<16xf32>
      %select_n3A_1484 = arith.select %eq3A_1482, %broadcast_in_dim3A_1483, %select_n3A_1265 : vector<16xi1>, vector<16xf32>
      %jit3A_1485 = arith.constant 16 : i32
      %eq3A_1486 = arith.constant 0 : i32
      %eq3A_1487 = arith.cmpi eq, %jit3A_1485, %eq3A_1486 : i32
      %jit3A_1488 = arith.constant 1 : i32
      %select_n3A_1489 = arith.select %eq3A_1487, %jit3A_1488, %jit3A_1485 : i32
      %rem3A_1490 = arith.remsi %add3A_1290, %select_n3A_1489 : i32
      %ne3A_1491 = arith.constant 0 : i32
      %ne3A_1492 = arith.cmpi ne, %rem3A_1490, %ne3A_1491 : i32
      %lt3A_1493 = arith.constant 0 : i32
      %lt3A_1494 = arith.cmpi slt, %rem3A_1490, %lt3A_1493 : i32
      %lt3A_1495 = arith.constant 0 : i32
      %lt3A_1496 = arith.cmpi slt, %select_n3A_1489, %lt3A_1495 : i32
      %ne3A_1497 = arith.xori %lt3A_1494, %lt3A_1496 : i1
      %and3A_1498 = arith.andi %ne3A_1497, %ne3A_1492 : i1
      %add3A_1499 = arith.addi %rem3A_1490, %select_n3A_1489 : i32
      %select_n3A_1500 = arith.select %and3A_1498, %add3A_1499, %rem3A_1490 : i32
      %eq3A_1501 = arith.constant 15 : i32
      %eq3A_1502 = arith.cmpi eq, %select_n3A_1500, %eq3A_1501 : i32
      %convert_element_type3A_1503 = arith.extui %eq3A_1502 : i1 to i32
      %cond3A_1504 = arith.constant 0 : i32
      %cond3A_1505 = arith.cmpi ne, %convert_element_type3A_1503, %cond3A_1504 : i32
      scf.if %cond3A_1505 {
        %jit3A_2163 = arith.constant 16 : i32
        %div3A_2164 = arith.divsi %add3A_1290, %jit3A_2163 : i32
        %sign3A_2165 = arith.constant 0 : i32
        %sign3A_2166 = arith.cmpi sgt, %add3A_1290, %sign3A_2165 : i32
        %sign3A_2167 = arith.extui %sign3A_2166 : i1 to i32
        %sign3A_2168 = arith.constant 0 : i32
        %sign3A_2169 = arith.cmpi slt, %add3A_1290, %sign3A_2168 : i32
        %sign3A_2170 = arith.extui %sign3A_2169 : i1 to i32
        %sign3A_2171 = arith.subi %sign3A_2167, %sign3A_2170 : i32
        %sign3A_2172 = arith.constant 0 : i32
        %sign3A_2173 = arith.cmpi sgt, %jit3A_2163, %sign3A_2172 : i32
        %sign3A_2174 = arith.extui %sign3A_2173 : i1 to i32
        %sign3A_2175 = arith.constant 0 : i32
        %sign3A_2176 = arith.cmpi slt, %jit3A_2163, %sign3A_2175 : i32
        %sign3A_2177 = arith.extui %sign3A_2176 : i1 to i32
        %sign3A_2178 = arith.subi %sign3A_2174, %sign3A_2177 : i32
        %ne3A_2179 = arith.cmpi ne, %sign3A_2171, %sign3A_2178 : i32
        %rem3A_2180 = arith.remsi %add3A_1290, %jit3A_2163 : i32
        %ne3A_2181 = arith.constant 0 : i32
        %ne3A_2182 = arith.cmpi ne, %rem3A_2180, %ne3A_2181 : i32
        %and3A_2183 = arith.andi %ne3A_2179, %ne3A_2182 : i1
        %sub3A_2184 = arith.constant 1 : i32
        %sub3A_2185 = arith.subi %div3A_2164, %sub3A_2184 : i32
        %select_n3A_2186 = arith.select %and3A_2183, %sub3A_2185, %div3A_2164 : i32
        %mul3A_2187 = arith.constant 16 : i32
        %mul3A_2188 = arith.muli %select_n3A_2186, %mul3A_2187 : i32
        %swap3A = arith.index_cast %mul3A_2188 : i32 to index
        %swap3A_2189 = tpu.vector_load %arg11[%swap3A] {strides = array<i32>} : memref<512xf32, #tpu.memory_space<vmem>>, vector<16xf32>,
        tpu.vector_store %arg11[%swap3A], %select_n3A_1484 {strides = array<i32>} : memref<512xf32, #tpu.memory_space<vmem>>, vector<16xf32>,
      } else {
      }
      %mul3A_1506 = arith.constant 8 : i32
      %mul3A_1507 = arith.muli %scan3A_417, %mul3A_1506 : i32
      %add3A_1508 = arith.constant 5 : i32
      %add3A_1509 = arith.addi %mul3A_1507, %add3A_1508 : i32
      %add3A_1510 = arith.constant 8 : i32
      %add3A_1511 = arith.addi %add3A_1509, %add3A_1510 : i32
      %sub3A_1512 = arith.constant 1 : i32
      %sub3A_1513 = arith.subi %add3A_1511, %sub3A_1512 : i32
      %add3A_1514 = arith.constant 4 : i32
      %add3A_1515 = arith.addi %add3A_1509, %add3A_1514 : i32
      %sub3A_1516 = arith.constant 1 : i32
      %sub3A_1517 = arith.subi %add3A_1515, %sub3A_1516 : i32
      %lt3A_1518 = arith.constant 512 : i32
      %lt3A_1519 = arith.cmpi slt, %sub3A_1513, %lt3A_1518 : i32
      %convert_element_type3A_1520 = arith.extui %lt3A_1519 : i1 to i32
      %cond3A_1521 = arith.constant 0 : i32
      %cond3A_1522 = arith.cmpi ne, %convert_element_type3A_1520, %cond3A_1521 : i32
      scf.if %cond3A_1522 {
        %get3A_2163 = arith.index_cast %sub3A_1513 : i32 to index
        %get3A_2164 = tpu.vector_load %arg8[%get3A_2163] {strides = array<i32>} : memref<528xi32, #tpu.memory_space<vmem>>, vector<16xi32>,
        %slice3A_2165 = vector.extract_strided_slice %get3A_2164 {offsets = [0], sizes = [1], strides = [1]} : vector<16xi32> to vector<1xi32>
        %squeeze3A_2166 = vector.extract %slice3A_2165[0] : i32 from vector<1xi32>
        %jit3A_2167 = arith.constant 128 : i32
        %div3A_2168 = arith.divsi %squeeze3A_2166, %jit3A_2167 : i32
        %sign3A_2169 = arith.constant 0 : i32
        %sign3A_2170 = arith.cmpi sgt, %squeeze3A_2166, %sign3A_2169 : i32
        %sign3A_2171 = arith.extui %sign3A_2170 : i1 to i32
        %sign3A_2172 = arith.constant 0 : i32
        %sign3A_2173 = arith.cmpi slt, %squeeze3A_2166, %sign3A_2172 : i32
        %sign3A_2174 = arith.extui %sign3A_2173 : i1 to i32
        %sign3A_2175 = arith.subi %sign3A_2171, %sign3A_2174 : i32
        %sign3A_2176 = arith.constant 0 : i32
        %sign3A_2177 = arith.cmpi sgt, %jit3A_2167, %sign3A_2176 : i32
        %sign3A_2178 = arith.extui %sign3A_2177 : i1 to i32
        %sign3A_2179 = arith.constant 0 : i32
        %sign3A_2180 = arith.cmpi slt, %jit3A_2167, %sign3A_2179 : i32
        %sign3A_2181 = arith.extui %sign3A_2180 : i1 to i32
        %sign3A_2182 = arith.subi %sign3A_2178, %sign3A_2181 : i32
        %ne3A_2183 = arith.cmpi ne, %sign3A_2175, %sign3A_2182 : i32
        %rem3A_2184 = arith.remsi %squeeze3A_2166, %jit3A_2167 : i32
        %ne3A_2185 = arith.constant 0 : i32
        %ne3A_2186 = arith.cmpi ne, %rem3A_2184, %ne3A_2185 : i32
        %and3A_2187 = arith.andi %ne3A_2183, %ne3A_2186 : i1
        %sub3A_2188 = arith.constant 1 : i32
        %sub3A_2189 = arith.subi %div3A_2168, %sub3A_2188 : i32
        %select_n3A_2190 = arith.select %and3A_2187, %sub3A_2189, %div3A_2168 : i32
        %mul3A_2191 = arith.constant 128 : i32
        %mul3A_2192 = arith.muli %select_n3A_2190, %mul3A_2191 : i32
        %dma_start3A_2193 = arith.constant 4 : i32
        %dma_start3A_2194 = arith.constant 0 : i32
        %dma_start3A_2195 = arith.constant 0 : i32
        %dma_start3A_2196 = tpu.memref_slice %arg12[%dma_start3A_2193, %dma_start3A_2194, %dma_start3A_2195] : memref<8x64x128xf32, #tpu.memory_space<vmem>> -> memref<1x64x128xf32, #tpu.memory_space<vmem>>
        %dma_start3A_2197 = tpu.memref_squeeze %dma_start3A_2196 : memref<1x64x128xf32, #tpu.memory_space<vmem>> -> memref<64x128xf32, #tpu.memory_space<vmem>>
        %dma_start3A_2198 = arith.constant 0 : i32
        %dma_start3A_2199 = tpu.memref_slice %arg4[%dma_start3A_2198, %mul3A_2192] : memref<64x1000000xf32, #tpu.memory_space<hbm>> -> memref<64x128xf32, #tpu.memory_space<hbm>>
        %dma_start3A_2200 = arith.constant 0 : i32
        %dma_start3A_2201 = arith.constant 0 : i32
        %dma_start3A_2202 = tpu.memref_slice %arg12[%dma_start3A_2193, %dma_start3A_2200, %dma_start3A_2201] : memref<8x64x128xf32, #tpu.memory_space<vmem>> -> memref<1x64x128xf32, #tpu.memory_space<vmem>>
        %dma_start3A_2203 = tpu.memref_squeeze %dma_start3A_2202 : memref<1x64x128xf32, #tpu.memory_space<vmem>> -> memref<64x128xf32, #tpu.memory_space<vmem>>
        %dma_start3A_2204 = arith.constant 0 : i32
        %dma_start3A_2205 = tpu.memref_slice %arg4[%dma_start3A_2204, %mul3A_2192] : memref<64x1000000xf32, #tpu.memory_space<hbm>> -> memref<64x128xf32, #tpu.memory_space<hbm>>
        tpu.enqueue_dma source(%dma_start3A_2205 : memref<64x128xf32, #tpu.memory_space<hbm>>) target(%dma_start3A_2203 : memref<64x128xf32, #tpu.memory_space<vmem>>) target_semaphore(%arg19 : memref<!tpu.dma_semaphore, #tpu.memory_space<semaphore_mem>>)
      } else {
      }
      %lt3A_1523 = arith.constant 512 : i32
      %lt3A_1524 = arith.cmpi slt, %sub3A_1517, %lt3A_1523 : i32
      %convert_element_type3A_1525 = arith.extui %lt3A_1524 : i1 to i32
      %cond3A_1526 = arith.constant 0 : i32
      %cond3A_1527 = arith.cmpi ne, %convert_element_type3A_1525, %cond3A_1526 : i32
      scf.if %cond3A_1527 {
        %get3A_2163 = arith.index_cast %sub3A_1517 : i32 to index
        %get3A_2164 = tpu.vector_load %arg9[%get3A_2163] {strides = array<i32>} : memref<528xi32, #tpu.memory_space<vmem>>, vector<16xi32>,
        %slice3A_2165 = vector.extract_strided_slice %get3A_2164 {offsets = [0], sizes = [1], strides = [1]} : vector<16xi32> to vector<1xi32>
        %squeeze3A_2166 = vector.extract %slice3A_2165[0] : i32 from vector<1xi32>
        %jit3A_2167 = arith.constant 128 : i32
        %div3A_2168 = arith.divsi %squeeze3A_2166, %jit3A_2167 : i32
        %sign3A_2169 = arith.constant 0 : i32
        %sign3A_2170 = arith.cmpi sgt, %squeeze3A_2166, %sign3A_2169 : i32
        %sign3A_2171 = arith.extui %sign3A_2170 : i1 to i32
        %sign3A_2172 = arith.constant 0 : i32
        %sign3A_2173 = arith.cmpi slt, %squeeze3A_2166, %sign3A_2172 : i32
        %sign3A_2174 = arith.extui %sign3A_2173 : i1 to i32
        %sign3A_2175 = arith.subi %sign3A_2171, %sign3A_2174 : i32
        %sign3A_2176 = arith.constant 0 : i32
        %sign3A_2177 = arith.cmpi sgt, %jit3A_2167, %sign3A_2176 : i32
        %sign3A_2178 = arith.extui %sign3A_2177 : i1 to i32
        %sign3A_2179 = arith.constant 0 : i32
        %sign3A_2180 = arith.cmpi slt, %jit3A_2167, %sign3A_2179 : i32
        %sign3A_2181 = arith.extui %sign3A_2180 : i1 to i32
        %sign3A_2182 = arith.subi %sign3A_2178, %sign3A_2181 : i32
        %ne3A_2183 = arith.cmpi ne, %sign3A_2175, %sign3A_2182 : i32
        %rem3A_2184 = arith.remsi %squeeze3A_2166, %jit3A_2167 : i32
        %ne3A_2185 = arith.constant 0 : i32
        %ne3A_2186 = arith.cmpi ne, %rem3A_2184, %ne3A_2185 : i32
        %and3A_2187 = arith.andi %ne3A_2183, %ne3A_2186 : i1
        %sub3A_2188 = arith.constant 1 : i32
        %sub3A_2189 = arith.subi %div3A_2168, %sub3A_2188 : i32
        %select_n3A_2190 = arith.select %and3A_2187, %sub3A_2189, %div3A_2168 : i32
        %mul3A_2191 = arith.constant 128 : i32
        %mul3A_2192 = arith.muli %select_n3A_2190, %mul3A_2191 : i32
        %dma_start3A_2193 = arith.constant 0 : i32
        %dma_start3A_2194 = arith.constant 0 : i32
        %dma_start3A_2195 = arith.constant 0 : i32
        %dma_start3A_2196 = tpu.memref_slice %arg14[%arg1, %dma_start3A_2193, %dma_start3A_2194, %dma_start3A_2195] : memref<16x4x64x128xf32, #tpu.memory_space<vmem_shared>> -> memref<1x1x64x128xf32, #tpu.memory_space<vmem_shared>>
        %dma_start3A_2197 = tpu.memref_squeeze %dma_start3A_2196 : memref<1x1x64x128xf32, #tpu.memory_space<vmem_shared>> -> memref<64x128xf32, #tpu.memory_space<vmem_shared>>
        %dma_start3A_2198 = arith.constant 0 : i32
        %dma_start3A_2199 = tpu.memref_slice %arg5[%dma_start3A_2198, %mul3A_2192] : memref<64x1000000xf32, #tpu.memory_space<hbm>> -> memref<64x128xf32, #tpu.memory_space<hbm>>
        tpu.enqueue_dma source(%dma_start3A_2199 : memref<64x128xf32, #tpu.memory_space<hbm>>) target(%dma_start3A_2197 : memref<64x128xf32, #tpu.memory_space<vmem_shared>>) target_semaphore(%arg23 : memref<!tpu.dma_semaphore, #tpu.memory_space<semaphore_mem>>)
      } else {
      }
      %dma_wait3A_1528 = arith.constant 5 : i32
      %dma_wait3A_1529 = arith.constant 0 : i32
      %dma_wait3A_1530 = arith.constant 0 : i32
      %dma_wait3A_1531 = tpu.memref_slice %arg12[%dma_wait3A_1528, %dma_wait3A_1529, %dma_wait3A_1530] : memref<8x64x128xf32, #tpu.memory_space<vmem>> -> memref<1x64x128xf32, #tpu.memory_space<vmem>>
      %dma_wait3A_1532 = tpu.memref_squeeze %dma_wait3A_1531 : memref<1x64x128xf32, #tpu.memory_space<vmem>> -> memref<64x128xf32, #tpu.memory_space<vmem>>
      %dma_wait3A_1533 = arith.constant 0 : i32
      %dma_wait3A_1534 = arith.constant 0 : i32
      %dma_wait3A_1535 = tpu.memref_slice %arg4[%dma_wait3A_1533, %dma_wait3A_1534] : memref<64x1000000xf32, #tpu.memory_space<hbm>> -> memref<64x128xf32, #tpu.memory_space<hbm>>
      %dma_wait3A_1536 = arith.constant 0 : i32
      %dma_wait3A_1537 = arith.constant 0 : i32
      %dma_wait3A_1538 = tpu.memref_slice %arg12[%dma_wait3A_1528, %dma_wait3A_1536, %dma_wait3A_1537] : memref<8x64x128xf32, #tpu.memory_space<vmem>> -> memref<1x64x128xf32, #tpu.memory_space<vmem>>
      %dma_wait3A_1539 = tpu.memref_squeeze %dma_wait3A_1538 : memref<1x64x128xf32, #tpu.memory_space<vmem>> -> memref<64x128xf32, #tpu.memory_space<vmem>>
      %dma_wait3A_1540 = arith.constant 0 : i32
      %dma_wait3A_1541 = arith.constant 0 : i32
      %dma_wait3A_1542 = tpu.memref_slice %arg4[%dma_wait3A_1540, %dma_wait3A_1541] : memref<64x1000000xf32, #tpu.memory_space<hbm>> -> memref<64x128xf32, #tpu.memory_space<hbm>>
      tpu.wait_dma2 semaphore(%arg20 : memref<!tpu.dma_semaphore, #tpu.memory_space<semaphore_mem>>) src(%dma_wait3A_1542 : memref<64x128xf32, #tpu.memory_space<hbm>>) dst(%dma_wait3A_1539 : memref<64x128xf32, #tpu.memory_space<vmem>>)
      %dma_wait3A_1543 = arith.constant 1 : i32
      %dma_wait3A_1544 = arith.constant 0 : i32
      %dma_wait3A_1545 = arith.constant 0 : i32
      %dma_wait3A_1546 = tpu.memref_slice %arg14[%arg1, %dma_wait3A_1543, %dma_wait3A_1544, %dma_wait3A_1545] : memref<16x4x64x128xf32, #tpu.memory_space<vmem_shared>> -> memref<1x1x64x128xf32, #tpu.memory_space<vmem_shared>>
      %dma_wait3A_1547 = tpu.memref_squeeze %dma_wait3A_1546 : memref<1x1x64x128xf32, #tpu.memory_space<vmem_shared>> -> memref<64x128xf32, #tpu.memory_space<vmem_shared>>
      %dma_wait3A_1548 = arith.constant 0 : i32
      %dma_wait3A_1549 = arith.constant 0 : i32
      %dma_wait3A_1550 = tpu.memref_slice %arg5[%dma_wait3A_1548, %dma_wait3A_1549] : memref<64x1000000xf32, #tpu.memory_space<hbm>> -> memref<64x128xf32, #tpu.memory_space<hbm>>
      tpu.wait_dma2 semaphore(%arg24 : memref<!tpu.dma_semaphore, #tpu.memory_space<semaphore_mem>>) src(%dma_wait3A_1550 : memref<64x128xf32, #tpu.memory_space<hbm>>) dst(%dma_wait3A_1547 : memref<64x128xf32, #tpu.memory_space<vmem_shared>>)
      %get3A_1551 = arith.index_cast %add3A_1509 : i32 to index
      %get3A_1552 = tpu.vector_load %arg8[%get3A_1551] {strides = array<i32>} : memref<528xi32, #tpu.memory_space<vmem>>, vector<16xi32>,
      %slice3A_1553 = vector.extract_strided_slice %get3A_1552 {offsets = [0], sizes = [1], strides = [1]} : vector<16xi32> to vector<1xi32>
      %squeeze3A_1554 = vector.extract %slice3A_1553[0] : i32 from vector<1xi32>
      %get3A_1555 = arith.index_cast %add3A_1509 : i32 to index
      %get3A_1556 = tpu.vector_load %arg9[%get3A_1555] {strides = array<i32>} : memref<528xi32, #tpu.memory_space<vmem>>, vector<16xi32>,
      %slice3A_1557 = vector.extract_strided_slice %get3A_1556 {offsets = [0], sizes = [1], strides = [1]} : vector<16xi32> to vector<1xi32>
      %squeeze3A_1558 = vector.extract %slice3A_1557[0] : i32 from vector<1xi32>
      %jit3A_1559 = arith.constant 128 : i32
      %eq3A_1560 = arith.constant 0 : i32
      %eq3A_1561 = arith.cmpi eq, %jit3A_1559, %eq3A_1560 : i32
      %jit3A_1562 = arith.constant 1 : i32
      %select_n3A_1563 = arith.select %eq3A_1561, %jit3A_1562, %jit3A_1559 : i32
      %rem3A_1564 = arith.remsi %squeeze3A_1558, %select_n3A_1563 : i32
      %ne3A_1565 = arith.constant 0 : i32
      %ne3A_1566 = arith.cmpi ne, %rem3A_1564, %ne3A_1565 : i32
      %lt3A_1567 = arith.constant 0 : i32
      %lt3A_1568 = arith.cmpi slt, %rem3A_1564, %lt3A_1567 : i32
      %lt3A_1569 = arith.constant 0 : i32
      %lt3A_1570 = arith.cmpi slt, %select_n3A_1563, %lt3A_1569 : i32
      %ne3A_1571 = arith.xori %lt3A_1568, %lt3A_1570 : i1
      %and3A_1572 = arith.andi %ne3A_1571, %ne3A_1566 : i1
      %add3A_1573 = arith.addi %rem3A_1564, %select_n3A_1563 : i32
      %select_n3A_1574 = arith.select %and3A_1572, %add3A_1573, %rem3A_1564 : i32
      %jit3A_1575 = arith.constant 16 : i32
      %div3A_1576 = arith.divsi %select_n3A_1574, %jit3A_1575 : i32
      %sign3A_1577 = arith.constant 0 : i32
      %sign3A_1578 = arith.cmpi sgt, %select_n3A_1574, %sign3A_1577 : i32
      %sign3A_1579 = arith.extui %sign3A_1578 : i1 to i32
      %sign3A_1580 = arith.constant 0 : i32
      %sign3A_1581 = arith.cmpi slt, %select_n3A_1574, %sign3A_1580 : i32
      %sign3A_1582 = arith.extui %sign3A_1581 : i1 to i32
      %sign3A_1583 = arith.subi %sign3A_1579, %sign3A_1582 : i32
      %sign3A_1584 = arith.constant 0 : i32
      %sign3A_1585 = arith.cmpi sgt, %jit3A_1575, %sign3A_1584 : i32
      %sign3A_1586 = arith.extui %sign3A_1585 : i1 to i32
      %sign3A_1587 = arith.constant 0 : i32
      %sign3A_1588 = arith.cmpi slt, %jit3A_1575, %sign3A_1587 : i32
      %sign3A_1589 = arith.extui %sign3A_1588 : i1 to i32
      %sign3A_1590 = arith.subi %sign3A_1586, %sign3A_1589 : i32
      %ne3A_1591 = arith.cmpi ne, %sign3A_1583, %sign3A_1590 : i32
      %rem3A_1592 = arith.remsi %select_n3A_1574, %jit3A_1575 : i32
      %ne3A_1593 = arith.constant 0 : i32
      %ne3A_1594 = arith.cmpi ne, %rem3A_1592, %ne3A_1593 : i32
      %and3A_1595 = arith.andi %ne3A_1591, %ne3A_1594 : i1
      %sub3A_1596 = arith.constant 1 : i32
      %sub3A_1597 = arith.subi %div3A_1576, %sub3A_1596 : i32
      %select_n3A_1598 = arith.select %and3A_1595, %sub3A_1597, %div3A_1576 : i32
      %mul3A_1599 = arith.constant 16 : i32
      %mul3A_1600 = arith.muli %select_n3A_1598, %mul3A_1599 : i32
      %run_scoped3A_1601 = arith.constant 1 : i32
      "tpu.region"() ({
        %run_scoped3A_2163 = tpu.sem_alloc : memref<!tpu.dma_semaphore, #tpu.memory_space<semaphore_mem>>
        %dma_start3A_2164 = arith.constant 0 : i32
        %dma_start3A_2165 = arith.constant 80 : i32
        %dma_start3A_2166 = tpu.memref_slice %arg13[%dma_start3A_2164, %dma_start3A_2165] : memref<64x128xf32, #tpu.memory_space<vmem>> -> memref<64x16xf32, #tpu.memory_space<vmem>>
        %dma_start3A_2167 = arith.constant 0 : i32
        %dma_start3A_2168 = tpu.memref_slice %arg14[%arg1, %run_scoped3A_1601, %dma_start3A_2167, %mul3A_1600] : memref<16x4x64x128xf32, #tpu.memory_space<vmem_shared>> -> memref<1x1x64x16xf32, #tpu.memory_space<vmem_shared>>
        %dma_start3A_2169 = tpu.memref_squeeze %dma_start3A_2168 : memref<1x1x64x16xf32, #tpu.memory_space<vmem_shared>> -> memref<64x16xf32, #tpu.memory_space<vmem_shared>>
        %dma_start3A_2170 = arith.constant 0 : i32
        %dma_start3A_2171 = arith.constant 80 : i32
        %dma_start3A_2172 = tpu.memref_slice %arg13[%dma_start3A_2170, %dma_start3A_2171] : memref<64x128xf32, #tpu.memory_space<vmem>> -> memref<64x16xf32, #tpu.memory_space<vmem>>
        %dma_start3A_2173 = arith.constant 0 : i32
        %dma_start3A_2174 = tpu.memref_slice %arg14[%arg1, %run_scoped3A_1601, %dma_start3A_2173, %mul3A_1600] : memref<16x4x64x128xf32, #tpu.memory_space<vmem_shared>> -> memref<1x1x64x16xf32, #tpu.memory_space<vmem_shared>>
        %dma_start3A_2175 = tpu.memref_squeeze %dma_start3A_2174 : memref<1x1x64x16xf32, #tpu.memory_space<vmem_shared>> -> memref<64x16xf32, #tpu.memory_space<vmem_shared>>
        tpu.enqueue_dma source(%dma_start3A_2175 : memref<64x16xf32, #tpu.memory_space<vmem_shared>>) target(%dma_start3A_2172 : memref<64x16xf32, #tpu.memory_space<vmem>>) target_semaphore(%run_scoped3A_2163 : memref<!tpu.dma_semaphore, #tpu.memory_space<semaphore_mem>>)
        %dma_wait3A_2176 = arith.constant 0 : i32
        %dma_wait3A_2177 = arith.constant 80 : i32
        %dma_wait3A_2178 = tpu.memref_slice %arg13[%dma_wait3A_2176, %dma_wait3A_2177] : memref<64x128xf32, #tpu.memory_space<vmem>> -> memref<64x16xf32, #tpu.memory_space<vmem>>
        %dma_wait3A_2179 = arith.constant 0 : i32
        %dma_wait3A_2180 = tpu.memref_slice %arg14[%arg1, %run_scoped3A_1601, %dma_wait3A_2179, %mul3A_1600] : memref<16x4x64x128xf32, #tpu.memory_space<vmem_shared>> -> memref<1x1x64x16xf32, #tpu.memory_space<vmem_shared>>
        %dma_wait3A_2181 = tpu.memref_squeeze %dma_wait3A_2180 : memref<1x1x64x16xf32, #tpu.memory_space<vmem_shared>> -> memref<64x16xf32, #tpu.memory_space<vmem_shared>>
        %dma_wait3A_2182 = arith.constant 0 : i32
        %dma_wait3A_2183 = arith.constant 80 : i32
        %dma_wait3A_2184 = tpu.memref_slice %arg13[%dma_wait3A_2182, %dma_wait3A_2183] : memref<64x128xf32, #tpu.memory_space<vmem>> -> memref<64x16xf32, #tpu.memory_space<vmem>>
        %dma_wait3A_2185 = arith.constant 0 : i32
        %dma_wait3A_2186 = tpu.memref_slice %arg14[%arg1, %run_scoped3A_1601, %dma_wait3A_2185, %mul3A_1600] : memref<16x4x64x128xf32, #tpu.memory_space<vmem_shared>> -> memref<1x1x64x16xf32, #tpu.memory_space<vmem_shared>>
        %dma_wait3A_2187 = tpu.memref_squeeze %dma_wait3A_2186 : memref<1x1x64x16xf32, #tpu.memory_space<vmem_shared>> -> memref<64x16xf32, #tpu.memory_space<vmem_shared>>
        tpu.wait_dma2 semaphore(%run_scoped3A_2163 : memref<!tpu.dma_semaphore, #tpu.memory_space<semaphore_mem>>) src(%dma_wait3A_2187 : memref<64x16xf32, #tpu.memory_space<vmem_shared>>) dst(%dma_wait3A_2184 : memref<64x16xf32, #tpu.memory_space<vmem>>)
        tpu.yield
      }) : () -> ()
      %broadcast_in_dim3A_1602 = arith.constant 0 : i32
      %broadcast_in_dim3A_1603 = vector.broadcast %broadcast_in_dim3A_1602 : i32 to vector<16xi32>
      %jit3A_1604 = arith.constant 128 : i32
      %eq3A_1605 = arith.constant 0 : i32
      %eq3A_1606 = arith.cmpi eq, %jit3A_1604, %eq3A_1605 : i32
      %jit3A_1607 = arith.constant 1 : i32
      %select_n3A_1608 = arith.select %eq3A_1606, %jit3A_1607, %jit3A_1604 : i32
      %rem3A_1609 = arith.remsi %squeeze3A_1554, %select_n3A_1608 : i32
      %ne3A_1610 = arith.constant 0 : i32
      %ne3A_1611 = arith.cmpi ne, %rem3A_1609, %ne3A_1610 : i32
      %lt3A_1612 = arith.constant 0 : i32
      %lt3A_1613 = arith.cmpi slt, %rem3A_1609, %lt3A_1612 : i32
      %lt3A_1614 = arith.constant 0 : i32
      %lt3A_1615 = arith.cmpi slt, %select_n3A_1608, %lt3A_1614 : i32
      %ne3A_1616 = arith.xori %lt3A_1613, %lt3A_1615 : i1
      %and3A_1617 = arith.andi %ne3A_1616, %ne3A_1611 : i1
      %add3A_1618 = arith.addi %rem3A_1609, %select_n3A_1608 : i32
      %select_n3A_1619 = arith.select %and3A_1617, %add3A_1618, %rem3A_1609 : i32
      %add3A_1620 = vector.broadcast %select_n3A_1619 : i32 to vector<16xi32>
      %add3A_1621 = arith.addi %broadcast_in_dim3A_1603, %add3A_1620 : vector<16xi32>
      %broadcast_in_dim3A_1622 = arith.constant 0 : i32
      %broadcast_in_dim3A_1623 = vector.broadcast %broadcast_in_dim3A_1622 : i32 to vector<16xi32>
      %jit3A_1624 = arith.constant 16 : i32
      %eq3A_1625 = arith.constant 0 : i32
      %eq3A_1626 = arith.cmpi eq, %jit3A_1624, %eq3A_1625 : i32
      %jit3A_1627 = arith.constant 1 : i32
      %select_n3A_1628 = arith.select %eq3A_1626, %jit3A_1627, %jit3A_1624 : i32
      %rem3A_1629 = arith.remsi %squeeze3A_1558, %select_n3A_1628 : i32
      %ne3A_1630 = arith.constant 0 : i32
      %ne3A_1631 = arith.cmpi ne, %rem3A_1629, %ne3A_1630 : i32
      %lt3A_1632 = arith.constant 0 : i32
      %lt3A_1633 = arith.cmpi slt, %rem3A_1629, %lt3A_1632 : i32
      %lt3A_1634 = arith.constant 0 : i32
      %lt3A_1635 = arith.cmpi slt, %select_n3A_1628, %lt3A_1634 : i32
      %ne3A_1636 = arith.xori %lt3A_1633, %lt3A_1635 : i1
      %and3A_1637 = arith.andi %ne3A_1636, %ne3A_1631 : i1
      %add3A_1638 = arith.addi %rem3A_1629, %select_n3A_1628 : i32
      %select_n3A_1639 = arith.select %and3A_1637, %add3A_1638, %rem3A_1629 : i32
      %add3A_1640 = arith.constant 80 : i32
      %add3A_1641 = arith.addi %add3A_1640, %select_n3A_1639 : i32
      %add3A_1642 = vector.broadcast %add3A_1641 : i32 to vector<16xi32>
      %add3A_1643 = arith.addi %broadcast_in_dim3A_1623, %add3A_1642 : vector<16xi32>
      %broadcast_in_dim3A_1644 = arith.constant 5 : i32
      %broadcast_in_dim3A_1645 = vector.broadcast %broadcast_in_dim3A_1644 : i32 to vector<16xi32>
      %broadcast_in_dim3A_1646 = arith.constant 0.000000e+00 : f32
      %broadcast_in_dim3A_1647 = vector.broadcast %broadcast_in_dim3A_1646 : f32 to vector<16xf32>
      %add3A_1648 = arith.constant 0 : i32
      %add3A_1649 = vector.broadcast %add3A_1648 : i32 to vector<16xi32>
      %add3A_1650 = arith.addi %add3A_1649, %iota3A : vector<16xi32>
      %gather3A_1651 = tpu.vector_load_idx %arg12[%broadcast_in_dim3A_1645, %add3A_1650, %add3A_1621] : memref<8x64x128xf32, #tpu.memory_space<vmem>>[vector<16xi32>, vector<16xi32>, vector<16xi32>], vector<16xf32>,
      %gather3A_1652 = tpu.vector_load_idx %arg13[%add3A_1650, %add3A_1643] : memref<64x128xf32, #tpu.memory_space<vmem>>[vector<16xi32>, vector<16xi32>], vector<16xf32>,
      %mul3A_1653 = arith.mulf %gather3A_1651, %gather3A_1652 : vector<16xf32>
      %mul3A_1654 = arith.mulf %mul3A_1653, %get3A_3 : vector<16xf32>
      %add3A_1655 = arith.addf %broadcast_in_dim3A_1647, %mul3A_1654 : vector<16xf32>
      %add3A_1656 = arith.constant 16 : i32
      %add3A_1657 = vector.broadcast %add3A_1656 : i32 to vector<16xi32>
      %add3A_1658 = arith.addi %add3A_1657, %iota3A : vector<16xi32>
      %gather3A_1659 = tpu.vector_load_idx %arg12[%broadcast_in_dim3A_1645, %add3A_1658, %add3A_1621] : memref<8x64x128xf32, #tpu.memory_space<vmem>>[vector<16xi32>, vector<16xi32>, vector<16xi32>], vector<16xf32>,
      %gather3A_1660 = tpu.vector_load_idx %arg13[%add3A_1658, %add3A_1643] : memref<64x128xf32, #tpu.memory_space<vmem>>[vector<16xi32>, vector<16xi32>], vector<16xf32>,
      %mul3A_1661 = arith.mulf %gather3A_1659, %gather3A_1660 : vector<16xf32>
      %mul3A_1662 = arith.mulf %mul3A_1661, %get3A_5 : vector<16xf32>
      %add3A_1663 = arith.addf %add3A_1655, %mul3A_1662 : vector<16xf32>
      %add3A_1664 = arith.constant 32 : i32
      %add3A_1665 = vector.broadcast %add3A_1664 : i32 to vector<16xi32>
      %add3A_1666 = arith.addi %add3A_1665, %iota3A : vector<16xi32>
      %gather3A_1667 = tpu.vector_load_idx %arg12[%broadcast_in_dim3A_1645, %add3A_1666, %add3A_1621] : memref<8x64x128xf32, #tpu.memory_space<vmem>>[vector<16xi32>, vector<16xi32>, vector<16xi32>], vector<16xf32>,
      %gather3A_1668 = tpu.vector_load_idx %arg13[%add3A_1666, %add3A_1643] : memref<64x128xf32, #tpu.memory_space<vmem>>[vector<16xi32>, vector<16xi32>], vector<16xf32>,
      %mul3A_1669 = arith.mulf %gather3A_1667, %gather3A_1668 : vector<16xf32>
      %mul3A_1670 = arith.mulf %mul3A_1669, %get3A_7 : vector<16xf32>
      %add3A_1671 = arith.addf %add3A_1663, %mul3A_1670 : vector<16xf32>
      %add3A_1672 = arith.constant 48 : i32
      %add3A_1673 = vector.broadcast %add3A_1672 : i32 to vector<16xi32>
      %add3A_1674 = arith.addi %add3A_1673, %iota3A : vector<16xi32>
      %gather3A_1675 = tpu.vector_load_idx %arg12[%broadcast_in_dim3A_1645, %add3A_1674, %add3A_1621] : memref<8x64x128xf32, #tpu.memory_space<vmem>>[vector<16xi32>, vector<16xi32>, vector<16xi32>], vector<16xf32>,
      %gather3A_1676 = tpu.vector_load_idx %arg13[%add3A_1674, %add3A_1643] : memref<64x128xf32, #tpu.memory_space<vmem>>[vector<16xi32>, vector<16xi32>], vector<16xf32>,
      %mul3A_1677 = arith.mulf %gather3A_1675, %gather3A_1676 : vector<16xf32>
      %mul3A_1678 = arith.mulf %mul3A_1677, %get3A_9 : vector<16xf32>
      %add3A_1679 = arith.addf %add3A_1671, %mul3A_1678 : vector<16xf32>
      %reduce_sum3A_1680 = arith.constant true
      %reduce_sum3A_1681 = vector.broadcast %reduce_sum3A_1680 : i1 to vector<16xi1>
      %reduce_sum3A_1682 = tpu.scan <sum>, %add3A_1679 masked %reduce_sum3A_1681 : vector<16xf32>, vector<16xi1> -> vector<16xf32>
      %reduce_sum3A_1683 = vector.extract %reduce_sum3A_1682[15] : f32 from vector<16xf32>
      %jit3A_1684 = arith.constant 16 : i32
      %eq3A_1685 = arith.constant 0 : i32
      %eq3A_1686 = arith.cmpi eq, %jit3A_1684, %eq3A_1685 : i32
      %jit3A_1687 = arith.constant 1 : i32
      %select_n3A_1688 = arith.select %eq3A_1686, %jit3A_1687, %jit3A_1684 : i32
      %rem3A_1689 = arith.remsi %add3A_1509, %select_n3A_1688 : i32
      %ne3A_1690 = arith.constant 0 : i32
      %ne3A_1691 = arith.cmpi ne, %rem3A_1689, %ne3A_1690 : i32
      %lt3A_1692 = arith.constant 0 : i32
      %lt3A_1693 = arith.cmpi slt, %rem3A_1689, %lt3A_1692 : i32
      %lt3A_1694 = arith.constant 0 : i32
      %lt3A_1695 = arith.cmpi slt, %select_n3A_1688, %lt3A_1694 : i32
      %ne3A_1696 = arith.xori %lt3A_1693, %lt3A_1695 : i1
      %and3A_1697 = arith.andi %ne3A_1696, %ne3A_1691 : i1
      %add3A_1698 = arith.addi %rem3A_1689, %select_n3A_1688 : i32
      %select_n3A_1699 = arith.select %and3A_1697, %add3A_1698, %rem3A_1689 : i32
      %eq3A_1700 = vector.broadcast %select_n3A_1699 : i32 to vector<16xi32>
      %eq3A_1701 = arith.cmpi eq, %iota3A, %eq3A_1700 : vector<16xi32>
      %broadcast_in_dim3A_1702 = vector.broadcast %reduce_sum3A_1683 : f32 to vector<16xf32>
      %select_n3A_1703 = arith.select %eq3A_1701, %broadcast_in_dim3A_1702, %select_n3A_1484 : vector<16xi1>, vector<16xf32>
      %jit3A_1704 = arith.constant 16 : i32
      %eq3A_1705 = arith.constant 0 : i32
      %eq3A_1706 = arith.cmpi eq, %jit3A_1704, %eq3A_1705 : i32
      %jit3A_1707 = arith.constant 1 : i32
      %select_n3A_1708 = arith.select %eq3A_1706, %jit3A_1707, %jit3A_1704 : i32
      %rem3A_1709 = arith.remsi %add3A_1509, %select_n3A_1708 : i32
      %ne3A_1710 = arith.constant 0 : i32
      %ne3A_1711 = arith.cmpi ne, %rem3A_1709, %ne3A_1710 : i32
      %lt3A_1712 = arith.constant 0 : i32
      %lt3A_1713 = arith.cmpi slt, %rem3A_1709, %lt3A_1712 : i32
      %lt3A_1714 = arith.constant 0 : i32
      %lt3A_1715 = arith.cmpi slt, %select_n3A_1708, %lt3A_1714 : i32
      %ne3A_1716 = arith.xori %lt3A_1713, %lt3A_1715 : i1
      %and3A_1717 = arith.andi %ne3A_1716, %ne3A_1711 : i1
      %add3A_1718 = arith.addi %rem3A_1709, %select_n3A_1708 : i32
      %select_n3A_1719 = arith.select %and3A_1717, %add3A_1718, %rem3A_1709 : i32
      %eq3A_1720 = arith.constant 15 : i32
      %eq3A_1721 = arith.cmpi eq, %select_n3A_1719, %eq3A_1720 : i32
      %convert_element_type3A_1722 = arith.extui %eq3A_1721 : i1 to i32
      %cond3A_1723 = arith.constant 0 : i32
      %cond3A_1724 = arith.cmpi ne, %convert_element_type3A_1722, %cond3A_1723 : i32
      scf.if %cond3A_1724 {
        %jit3A_2163 = arith.constant 16 : i32
        %div3A_2164 = arith.divsi %add3A_1509, %jit3A_2163 : i32
        %sign3A_2165 = arith.constant 0 : i32
        %sign3A_2166 = arith.cmpi sgt, %add3A_1509, %sign3A_2165 : i32
        %sign3A_2167 = arith.extui %sign3A_2166 : i1 to i32
        %sign3A_2168 = arith.constant 0 : i32
        %sign3A_2169 = arith.cmpi slt, %add3A_1509, %sign3A_2168 : i32
        %sign3A_2170 = arith.extui %sign3A_2169 : i1 to i32
        %sign3A_2171 = arith.subi %sign3A_2167, %sign3A_2170 : i32
        %sign3A_2172 = arith.constant 0 : i32
        %sign3A_2173 = arith.cmpi sgt, %jit3A_2163, %sign3A_2172 : i32
        %sign3A_2174 = arith.extui %sign3A_2173 : i1 to i32
        %sign3A_2175 = arith.constant 0 : i32
        %sign3A_2176 = arith.cmpi slt, %jit3A_2163, %sign3A_2175 : i32
        %sign3A_2177 = arith.extui %sign3A_2176 : i1 to i32
        %sign3A_2178 = arith.subi %sign3A_2174, %sign3A_2177 : i32
        %ne3A_2179 = arith.cmpi ne, %sign3A_2171, %sign3A_2178 : i32
        %rem3A_2180 = arith.remsi %add3A_1509, %jit3A_2163 : i32
        %ne3A_2181 = arith.constant 0 : i32
        %ne3A_2182 = arith.cmpi ne, %rem3A_2180, %ne3A_2181 : i32
        %and3A_2183 = arith.andi %ne3A_2179, %ne3A_2182 : i1
        %sub3A_2184 = arith.constant 1 : i32
        %sub3A_2185 = arith.subi %div3A_2164, %sub3A_2184 : i32
        %select_n3A_2186 = arith.select %and3A_2183, %sub3A_2185, %div3A_2164 : i32
        %mul3A_2187 = arith.constant 16 : i32
        %mul3A_2188 = arith.muli %select_n3A_2186, %mul3A_2187 : i32
        %swap3A = arith.index_cast %mul3A_2188 : i32 to index
        %swap3A_2189 = tpu.vector_load %arg11[%swap3A] {strides = array<i32>} : memref<512xf32, #tpu.memory_space<vmem>>, vector<16xf32>,
        tpu.vector_store %arg11[%swap3A], %select_n3A_1703 {strides = array<i32>} : memref<512xf32, #tpu.memory_space<vmem>>, vector<16xf32>,
      } else {
      }
      %mul3A_1725 = arith.constant 8 : i32
      %mul3A_1726 = arith.muli %scan3A_417, %mul3A_1725 : i32
      %add3A_1727 = arith.constant 6 : i32
      %add3A_1728 = arith.addi %mul3A_1726, %add3A_1727 : i32
      %add3A_1729 = arith.constant 8 : i32
      %add3A_1730 = arith.addi %add3A_1728, %add3A_1729 : i32
      %sub3A_1731 = arith.constant 1 : i32
      %sub3A_1732 = arith.subi %add3A_1730, %sub3A_1731 : i32
      %add3A_1733 = arith.constant 4 : i32
      %add3A_1734 = arith.addi %add3A_1728, %add3A_1733 : i32
      %sub3A_1735 = arith.constant 1 : i32
      %sub3A_1736 = arith.subi %add3A_1734, %sub3A_1735 : i32
      %lt3A_1737 = arith.constant 512 : i32
      %lt3A_1738 = arith.cmpi slt, %sub3A_1732, %lt3A_1737 : i32
      %convert_element_type3A_1739 = arith.extui %lt3A_1738 : i1 to i32
      %cond3A_1740 = arith.constant 0 : i32
      %cond3A_1741 = arith.cmpi ne, %convert_element_type3A_1739, %cond3A_1740 : i32
      scf.if %cond3A_1741 {
        %get3A_2163 = arith.index_cast %sub3A_1732 : i32 to index
        %get3A_2164 = tpu.vector_load %arg8[%get3A_2163] {strides = array<i32>} : memref<528xi32, #tpu.memory_space<vmem>>, vector<16xi32>,
        %slice3A_2165 = vector.extract_strided_slice %get3A_2164 {offsets = [0], sizes = [1], strides = [1]} : vector<16xi32> to vector<1xi32>
        %squeeze3A_2166 = vector.extract %slice3A_2165[0] : i32 from vector<1xi32>
        %jit3A_2167 = arith.constant 128 : i32
        %div3A_2168 = arith.divsi %squeeze3A_2166, %jit3A_2167 : i32
        %sign3A_2169 = arith.constant 0 : i32
        %sign3A_2170 = arith.cmpi sgt, %squeeze3A_2166, %sign3A_2169 : i32
        %sign3A_2171 = arith.extui %sign3A_2170 : i1 to i32
        %sign3A_2172 = arith.constant 0 : i32
        %sign3A_2173 = arith.cmpi slt, %squeeze3A_2166, %sign3A_2172 : i32
        %sign3A_2174 = arith.extui %sign3A_2173 : i1 to i32
        %sign3A_2175 = arith.subi %sign3A_2171, %sign3A_2174 : i32
        %sign3A_2176 = arith.constant 0 : i32
        %sign3A_2177 = arith.cmpi sgt, %jit3A_2167, %sign3A_2176 : i32
        %sign3A_2178 = arith.extui %sign3A_2177 : i1 to i32
        %sign3A_2179 = arith.constant 0 : i32
        %sign3A_2180 = arith.cmpi slt, %jit3A_2167, %sign3A_2179 : i32
        %sign3A_2181 = arith.extui %sign3A_2180 : i1 to i32
        %sign3A_2182 = arith.subi %sign3A_2178, %sign3A_2181 : i32
        %ne3A_2183 = arith.cmpi ne, %sign3A_2175, %sign3A_2182 : i32
        %rem3A_2184 = arith.remsi %squeeze3A_2166, %jit3A_2167 : i32
        %ne3A_2185 = arith.constant 0 : i32
        %ne3A_2186 = arith.cmpi ne, %rem3A_2184, %ne3A_2185 : i32
        %and3A_2187 = arith.andi %ne3A_2183, %ne3A_2186 : i1
        %sub3A_2188 = arith.constant 1 : i32
        %sub3A_2189 = arith.subi %div3A_2168, %sub3A_2188 : i32
        %select_n3A_2190 = arith.select %and3A_2187, %sub3A_2189, %div3A_2168 : i32
        %mul3A_2191 = arith.constant 128 : i32
        %mul3A_2192 = arith.muli %select_n3A_2190, %mul3A_2191 : i32
        %dma_start3A_2193 = arith.constant 5 : i32
        %dma_start3A_2194 = arith.constant 0 : i32
        %dma_start3A_2195 = arith.constant 0 : i32
        %dma_start3A_2196 = tpu.memref_slice %arg12[%dma_start3A_2193, %dma_start3A_2194, %dma_start3A_2195] : memref<8x64x128xf32, #tpu.memory_space<vmem>> -> memref<1x64x128xf32, #tpu.memory_space<vmem>>
        %dma_start3A_2197 = tpu.memref_squeeze %dma_start3A_2196 : memref<1x64x128xf32, #tpu.memory_space<vmem>> -> memref<64x128xf32, #tpu.memory_space<vmem>>
        %dma_start3A_2198 = arith.constant 0 : i32
        %dma_start3A_2199 = tpu.memref_slice %arg4[%dma_start3A_2198, %mul3A_2192] : memref<64x1000000xf32, #tpu.memory_space<hbm>> -> memref<64x128xf32, #tpu.memory_space<hbm>>
        %dma_start3A_2200 = arith.constant 0 : i32
        %dma_start3A_2201 = arith.constant 0 : i32
        %dma_start3A_2202 = tpu.memref_slice %arg12[%dma_start3A_2193, %dma_start3A_2200, %dma_start3A_2201] : memref<8x64x128xf32, #tpu.memory_space<vmem>> -> memref<1x64x128xf32, #tpu.memory_space<vmem>>
        %dma_start3A_2203 = tpu.memref_squeeze %dma_start3A_2202 : memref<1x64x128xf32, #tpu.memory_space<vmem>> -> memref<64x128xf32, #tpu.memory_space<vmem>>
        %dma_start3A_2204 = arith.constant 0 : i32
        %dma_start3A_2205 = tpu.memref_slice %arg4[%dma_start3A_2204, %mul3A_2192] : memref<64x1000000xf32, #tpu.memory_space<hbm>> -> memref<64x128xf32, #tpu.memory_space<hbm>>
        tpu.enqueue_dma source(%dma_start3A_2205 : memref<64x128xf32, #tpu.memory_space<hbm>>) target(%dma_start3A_2203 : memref<64x128xf32, #tpu.memory_space<vmem>>) target_semaphore(%arg20 : memref<!tpu.dma_semaphore, #tpu.memory_space<semaphore_mem>>)
      } else {
      }
      %lt3A_1742 = arith.constant 512 : i32
      %lt3A_1743 = arith.cmpi slt, %sub3A_1736, %lt3A_1742 : i32
      %convert_element_type3A_1744 = arith.extui %lt3A_1743 : i1 to i32
      %cond3A_1745 = arith.constant 0 : i32
      %cond3A_1746 = arith.cmpi ne, %convert_element_type3A_1744, %cond3A_1745 : i32
      scf.if %cond3A_1746 {
        %get3A_2163 = arith.index_cast %sub3A_1736 : i32 to index
        %get3A_2164 = tpu.vector_load %arg9[%get3A_2163] {strides = array<i32>} : memref<528xi32, #tpu.memory_space<vmem>>, vector<16xi32>,
        %slice3A_2165 = vector.extract_strided_slice %get3A_2164 {offsets = [0], sizes = [1], strides = [1]} : vector<16xi32> to vector<1xi32>
        %squeeze3A_2166 = vector.extract %slice3A_2165[0] : i32 from vector<1xi32>
        %jit3A_2167 = arith.constant 128 : i32
        %div3A_2168 = arith.divsi %squeeze3A_2166, %jit3A_2167 : i32
        %sign3A_2169 = arith.constant 0 : i32
        %sign3A_2170 = arith.cmpi sgt, %squeeze3A_2166, %sign3A_2169 : i32
        %sign3A_2171 = arith.extui %sign3A_2170 : i1 to i32
        %sign3A_2172 = arith.constant 0 : i32
        %sign3A_2173 = arith.cmpi slt, %squeeze3A_2166, %sign3A_2172 : i32
        %sign3A_2174 = arith.extui %sign3A_2173 : i1 to i32
        %sign3A_2175 = arith.subi %sign3A_2171, %sign3A_2174 : i32
        %sign3A_2176 = arith.constant 0 : i32
        %sign3A_2177 = arith.cmpi sgt, %jit3A_2167, %sign3A_2176 : i32
        %sign3A_2178 = arith.extui %sign3A_2177 : i1 to i32
        %sign3A_2179 = arith.constant 0 : i32
        %sign3A_2180 = arith.cmpi slt, %jit3A_2167, %sign3A_2179 : i32
        %sign3A_2181 = arith.extui %sign3A_2180 : i1 to i32
        %sign3A_2182 = arith.subi %sign3A_2178, %sign3A_2181 : i32
        %ne3A_2183 = arith.cmpi ne, %sign3A_2175, %sign3A_2182 : i32
        %rem3A_2184 = arith.remsi %squeeze3A_2166, %jit3A_2167 : i32
        %ne3A_2185 = arith.constant 0 : i32
        %ne3A_2186 = arith.cmpi ne, %rem3A_2184, %ne3A_2185 : i32
        %and3A_2187 = arith.andi %ne3A_2183, %ne3A_2186 : i1
        %sub3A_2188 = arith.constant 1 : i32
        %sub3A_2189 = arith.subi %div3A_2168, %sub3A_2188 : i32
        %select_n3A_2190 = arith.select %and3A_2187, %sub3A_2189, %div3A_2168 : i32
        %mul3A_2191 = arith.constant 128 : i32
        %mul3A_2192 = arith.muli %select_n3A_2190, %mul3A_2191 : i32
        %dma_start3A_2193 = arith.constant 1 : i32
        %dma_start3A_2194 = arith.constant 0 : i32
        %dma_start3A_2195 = arith.constant 0 : i32
        %dma_start3A_2196 = tpu.memref_slice %arg14[%arg1, %dma_start3A_2193, %dma_start3A_2194, %dma_start3A_2195] : memref<16x4x64x128xf32, #tpu.memory_space<vmem_shared>> -> memref<1x1x64x128xf32, #tpu.memory_space<vmem_shared>>
        %dma_start3A_2197 = tpu.memref_squeeze %dma_start3A_2196 : memref<1x1x64x128xf32, #tpu.memory_space<vmem_shared>> -> memref<64x128xf32, #tpu.memory_space<vmem_shared>>
        %dma_start3A_2198 = arith.constant 0 : i32
        %dma_start3A_2199 = tpu.memref_slice %arg5[%dma_start3A_2198, %mul3A_2192] : memref<64x1000000xf32, #tpu.memory_space<hbm>> -> memref<64x128xf32, #tpu.memory_space<hbm>>
        tpu.enqueue_dma source(%dma_start3A_2199 : memref<64x128xf32, #tpu.memory_space<hbm>>) target(%dma_start3A_2197 : memref<64x128xf32, #tpu.memory_space<vmem_shared>>) target_semaphore(%arg24 : memref<!tpu.dma_semaphore, #tpu.memory_space<semaphore_mem>>)
      } else {
      }
      %dma_wait3A_1747 = arith.constant 6 : i32
      %dma_wait3A_1748 = arith.constant 0 : i32
      %dma_wait3A_1749 = arith.constant 0 : i32
      %dma_wait3A_1750 = tpu.memref_slice %arg12[%dma_wait3A_1747, %dma_wait3A_1748, %dma_wait3A_1749] : memref<8x64x128xf32, #tpu.memory_space<vmem>> -> memref<1x64x128xf32, #tpu.memory_space<vmem>>
      %dma_wait3A_1751 = tpu.memref_squeeze %dma_wait3A_1750 : memref<1x64x128xf32, #tpu.memory_space<vmem>> -> memref<64x128xf32, #tpu.memory_space<vmem>>
      %dma_wait3A_1752 = arith.constant 0 : i32
      %dma_wait3A_1753 = arith.constant 0 : i32
      %dma_wait3A_1754 = tpu.memref_slice %arg4[%dma_wait3A_1752, %dma_wait3A_1753] : memref<64x1000000xf32, #tpu.memory_space<hbm>> -> memref<64x128xf32, #tpu.memory_space<hbm>>
      %dma_wait3A_1755 = arith.constant 0 : i32
      %dma_wait3A_1756 = arith.constant 0 : i32
      %dma_wait3A_1757 = tpu.memref_slice %arg12[%dma_wait3A_1747, %dma_wait3A_1755, %dma_wait3A_1756] : memref<8x64x128xf32, #tpu.memory_space<vmem>> -> memref<1x64x128xf32, #tpu.memory_space<vmem>>
      %dma_wait3A_1758 = tpu.memref_squeeze %dma_wait3A_1757 : memref<1x64x128xf32, #tpu.memory_space<vmem>> -> memref<64x128xf32, #tpu.memory_space<vmem>>
      %dma_wait3A_1759 = arith.constant 0 : i32
      %dma_wait3A_1760 = arith.constant 0 : i32
      %dma_wait3A_1761 = tpu.memref_slice %arg4[%dma_wait3A_1759, %dma_wait3A_1760] : memref<64x1000000xf32, #tpu.memory_space<hbm>> -> memref<64x128xf32, #tpu.memory_space<hbm>>
      tpu.wait_dma2 semaphore(%arg21 : memref<!tpu.dma_semaphore, #tpu.memory_space<semaphore_mem>>) src(%dma_wait3A_1761 : memref<64x128xf32, #tpu.memory_space<hbm>>) dst(%dma_wait3A_1758 : memref<64x128xf32, #tpu.memory_space<vmem>>)
      %dma_wait3A_1762 = arith.constant 2 : i32
      %dma_wait3A_1763 = arith.constant 0 : i32
      %dma_wait3A_1764 = arith.constant 0 : i32
      %dma_wait3A_1765 = tpu.memref_slice %arg14[%arg1, %dma_wait3A_1762, %dma_wait3A_1763, %dma_wait3A_1764] : memref<16x4x64x128xf32, #tpu.memory_space<vmem_shared>> -> memref<1x1x64x128xf32, #tpu.memory_space<vmem_shared>>
      %dma_wait3A_1766 = tpu.memref_squeeze %dma_wait3A_1765 : memref<1x1x64x128xf32, #tpu.memory_space<vmem_shared>> -> memref<64x128xf32, #tpu.memory_space<vmem_shared>>
      %dma_wait3A_1767 = arith.constant 0 : i32
      %dma_wait3A_1768 = arith.constant 0 : i32
      %dma_wait3A_1769 = tpu.memref_slice %arg5[%dma_wait3A_1767, %dma_wait3A_1768] : memref<64x1000000xf32, #tpu.memory_space<hbm>> -> memref<64x128xf32, #tpu.memory_space<hbm>>
      tpu.wait_dma2 semaphore(%arg25 : memref<!tpu.dma_semaphore, #tpu.memory_space<semaphore_mem>>) src(%dma_wait3A_1769 : memref<64x128xf32, #tpu.memory_space<hbm>>) dst(%dma_wait3A_1766 : memref<64x128xf32, #tpu.memory_space<vmem_shared>>)
      %get3A_1770 = arith.index_cast %add3A_1728 : i32 to index
      %get3A_1771 = tpu.vector_load %arg8[%get3A_1770] {strides = array<i32>} : memref<528xi32, #tpu.memory_space<vmem>>, vector<16xi32>,
      %slice3A_1772 = vector.extract_strided_slice %get3A_1771 {offsets = [0], sizes = [1], strides = [1]} : vector<16xi32> to vector<1xi32>
      %squeeze3A_1773 = vector.extract %slice3A_1772[0] : i32 from vector<1xi32>
      %get3A_1774 = arith.index_cast %add3A_1728 : i32 to index
      %get3A_1775 = tpu.vector_load %arg9[%get3A_1774] {strides = array<i32>} : memref<528xi32, #tpu.memory_space<vmem>>, vector<16xi32>,
      %slice3A_1776 = vector.extract_strided_slice %get3A_1775 {offsets = [0], sizes = [1], strides = [1]} : vector<16xi32> to vector<1xi32>
      %squeeze3A_1777 = vector.extract %slice3A_1776[0] : i32 from vector<1xi32>
      %jit3A_1778 = arith.constant 128 : i32
      %eq3A_1779 = arith.constant 0 : i32
      %eq3A_1780 = arith.cmpi eq, %jit3A_1778, %eq3A_1779 : i32
      %jit3A_1781 = arith.constant 1 : i32
      %select_n3A_1782 = arith.select %eq3A_1780, %jit3A_1781, %jit3A_1778 : i32
      %rem3A_1783 = arith.remsi %squeeze3A_1777, %select_n3A_1782 : i32
      %ne3A_1784 = arith.constant 0 : i32
      %ne3A_1785 = arith.cmpi ne, %rem3A_1783, %ne3A_1784 : i32
      %lt3A_1786 = arith.constant 0 : i32
      %lt3A_1787 = arith.cmpi slt, %rem3A_1783, %lt3A_1786 : i32
      %lt3A_1788 = arith.constant 0 : i32
      %lt3A_1789 = arith.cmpi slt, %select_n3A_1782, %lt3A_1788 : i32
      %ne3A_1790 = arith.xori %lt3A_1787, %lt3A_1789 : i1
      %and3A_1791 = arith.andi %ne3A_1790, %ne3A_1785 : i1
      %add3A_1792 = arith.addi %rem3A_1783, %select_n3A_1782 : i32
      %select_n3A_1793 = arith.select %and3A_1791, %add3A_1792, %rem3A_1783 : i32
      %jit3A_1794 = arith.constant 16 : i32
      %div3A_1795 = arith.divsi %select_n3A_1793, %jit3A_1794 : i32
      %sign3A_1796 = arith.constant 0 : i32
      %sign3A_1797 = arith.cmpi sgt, %select_n3A_1793, %sign3A_1796 : i32
      %sign3A_1798 = arith.extui %sign3A_1797 : i1 to i32
      %sign3A_1799 = arith.constant 0 : i32
      %sign3A_1800 = arith.cmpi slt, %select_n3A_1793, %sign3A_1799 : i32
      %sign3A_1801 = arith.extui %sign3A_1800 : i1 to i32
      %sign3A_1802 = arith.subi %sign3A_1798, %sign3A_1801 : i32
      %sign3A_1803 = arith.constant 0 : i32
      %sign3A_1804 = arith.cmpi sgt, %jit3A_1794, %sign3A_1803 : i32
      %sign3A_1805 = arith.extui %sign3A_1804 : i1 to i32
      %sign3A_1806 = arith.constant 0 : i32
      %sign3A_1807 = arith.cmpi slt, %jit3A_1794, %sign3A_1806 : i32
      %sign3A_1808 = arith.extui %sign3A_1807 : i1 to i32
      %sign3A_1809 = arith.subi %sign3A_1805, %sign3A_1808 : i32
      %ne3A_1810 = arith.cmpi ne, %sign3A_1802, %sign3A_1809 : i32
      %rem3A_1811 = arith.remsi %select_n3A_1793, %jit3A_1794 : i32
      %ne3A_1812 = arith.constant 0 : i32
      %ne3A_1813 = arith.cmpi ne, %rem3A_1811, %ne3A_1812 : i32
      %and3A_1814 = arith.andi %ne3A_1810, %ne3A_1813 : i1
      %sub3A_1815 = arith.constant 1 : i32
      %sub3A_1816 = arith.subi %div3A_1795, %sub3A_1815 : i32
      %select_n3A_1817 = arith.select %and3A_1814, %sub3A_1816, %div3A_1795 : i32
      %mul3A_1818 = arith.constant 16 : i32
      %mul3A_1819 = arith.muli %select_n3A_1817, %mul3A_1818 : i32
      %run_scoped3A_1820 = arith.constant 2 : i32
      "tpu.region"() ({
        %run_scoped3A_2163 = tpu.sem_alloc : memref<!tpu.dma_semaphore, #tpu.memory_space<semaphore_mem>>
        %dma_start3A_2164 = arith.constant 0 : i32
        %dma_start3A_2165 = arith.constant 96 : i32
        %dma_start3A_2166 = tpu.memref_slice %arg13[%dma_start3A_2164, %dma_start3A_2165] : memref<64x128xf32, #tpu.memory_space<vmem>> -> memref<64x16xf32, #tpu.memory_space<vmem>>
        %dma_start3A_2167 = arith.constant 0 : i32
        %dma_start3A_2168 = tpu.memref_slice %arg14[%arg1, %run_scoped3A_1820, %dma_start3A_2167, %mul3A_1819] : memref<16x4x64x128xf32, #tpu.memory_space<vmem_shared>> -> memref<1x1x64x16xf32, #tpu.memory_space<vmem_shared>>
        %dma_start3A_2169 = tpu.memref_squeeze %dma_start3A_2168 : memref<1x1x64x16xf32, #tpu.memory_space<vmem_shared>> -> memref<64x16xf32, #tpu.memory_space<vmem_shared>>
        %dma_start3A_2170 = arith.constant 0 : i32
        %dma_start3A_2171 = arith.constant 96 : i32
        %dma_start3A_2172 = tpu.memref_slice %arg13[%dma_start3A_2170, %dma_start3A_2171] : memref<64x128xf32, #tpu.memory_space<vmem>> -> memref<64x16xf32, #tpu.memory_space<vmem>>
        %dma_start3A_2173 = arith.constant 0 : i32
        %dma_start3A_2174 = tpu.memref_slice %arg14[%arg1, %run_scoped3A_1820, %dma_start3A_2173, %mul3A_1819] : memref<16x4x64x128xf32, #tpu.memory_space<vmem_shared>> -> memref<1x1x64x16xf32, #tpu.memory_space<vmem_shared>>
        %dma_start3A_2175 = tpu.memref_squeeze %dma_start3A_2174 : memref<1x1x64x16xf32, #tpu.memory_space<vmem_shared>> -> memref<64x16xf32, #tpu.memory_space<vmem_shared>>
        tpu.enqueue_dma source(%dma_start3A_2175 : memref<64x16xf32, #tpu.memory_space<vmem_shared>>) target(%dma_start3A_2172 : memref<64x16xf32, #tpu.memory_space<vmem>>) target_semaphore(%run_scoped3A_2163 : memref<!tpu.dma_semaphore, #tpu.memory_space<semaphore_mem>>)
        %dma_wait3A_2176 = arith.constant 0 : i32
        %dma_wait3A_2177 = arith.constant 96 : i32
        %dma_wait3A_2178 = tpu.memref_slice %arg13[%dma_wait3A_2176, %dma_wait3A_2177] : memref<64x128xf32, #tpu.memory_space<vmem>> -> memref<64x16xf32, #tpu.memory_space<vmem>>
        %dma_wait3A_2179 = arith.constant 0 : i32
        %dma_wait3A_2180 = tpu.memref_slice %arg14[%arg1, %run_scoped3A_1820, %dma_wait3A_2179, %mul3A_1819] : memref<16x4x64x128xf32, #tpu.memory_space<vmem_shared>> -> memref<1x1x64x16xf32, #tpu.memory_space<vmem_shared>>
        %dma_wait3A_2181 = tpu.memref_squeeze %dma_wait3A_2180 : memref<1x1x64x16xf32, #tpu.memory_space<vmem_shared>> -> memref<64x16xf32, #tpu.memory_space<vmem_shared>>
        %dma_wait3A_2182 = arith.constant 0 : i32
        %dma_wait3A_2183 = arith.constant 96 : i32
        %dma_wait3A_2184 = tpu.memref_slice %arg13[%dma_wait3A_2182, %dma_wait3A_2183] : memref<64x128xf32, #tpu.memory_space<vmem>> -> memref<64x16xf32, #tpu.memory_space<vmem>>
        %dma_wait3A_2185 = arith.constant 0 : i32
        %dma_wait3A_2186 = tpu.memref_slice %arg14[%arg1, %run_scoped3A_1820, %dma_wait3A_2185, %mul3A_1819] : memref<16x4x64x128xf32, #tpu.memory_space<vmem_shared>> -> memref<1x1x64x16xf32, #tpu.memory_space<vmem_shared>>
        %dma_wait3A_2187 = tpu.memref_squeeze %dma_wait3A_2186 : memref<1x1x64x16xf32, #tpu.memory_space<vmem_shared>> -> memref<64x16xf32, #tpu.memory_space<vmem_shared>>
        tpu.wait_dma2 semaphore(%run_scoped3A_2163 : memref<!tpu.dma_semaphore, #tpu.memory_space<semaphore_mem>>) src(%dma_wait3A_2187 : memref<64x16xf32, #tpu.memory_space<vmem_shared>>) dst(%dma_wait3A_2184 : memref<64x16xf32, #tpu.memory_space<vmem>>)
        tpu.yield
      }) : () -> ()
      %broadcast_in_dim3A_1821 = arith.constant 0 : i32
      %broadcast_in_dim3A_1822 = vector.broadcast %broadcast_in_dim3A_1821 : i32 to vector<16xi32>
      %jit3A_1823 = arith.constant 128 : i32
      %eq3A_1824 = arith.constant 0 : i32
      %eq3A_1825 = arith.cmpi eq, %jit3A_1823, %eq3A_1824 : i32
      %jit3A_1826 = arith.constant 1 : i32
      %select_n3A_1827 = arith.select %eq3A_1825, %jit3A_1826, %jit3A_1823 : i32
      %rem3A_1828 = arith.remsi %squeeze3A_1773, %select_n3A_1827 : i32
      %ne3A_1829 = arith.constant 0 : i32
      %ne3A_1830 = arith.cmpi ne, %rem3A_1828, %ne3A_1829 : i32
      %lt3A_1831 = arith.constant 0 : i32
      %lt3A_1832 = arith.cmpi slt, %rem3A_1828, %lt3A_1831 : i32
      %lt3A_1833 = arith.constant 0 : i32
      %lt3A_1834 = arith.cmpi slt, %select_n3A_1827, %lt3A_1833 : i32
      %ne3A_1835 = arith.xori %lt3A_1832, %lt3A_1834 : i1
      %and3A_1836 = arith.andi %ne3A_1835, %ne3A_1830 : i1
      %add3A_1837 = arith.addi %rem3A_1828, %select_n3A_1827 : i32
      %select_n3A_1838 = arith.select %and3A_1836, %add3A_1837, %rem3A_1828 : i32
      %add3A_1839 = vector.broadcast %select_n3A_1838 : i32 to vector<16xi32>
      %add3A_1840 = arith.addi %broadcast_in_dim3A_1822, %add3A_1839 : vector<16xi32>
      %broadcast_in_dim3A_1841 = arith.constant 0 : i32
      %broadcast_in_dim3A_1842 = vector.broadcast %broadcast_in_dim3A_1841 : i32 to vector<16xi32>
      %jit3A_1843 = arith.constant 16 : i32
      %eq3A_1844 = arith.constant 0 : i32
      %eq3A_1845 = arith.cmpi eq, %jit3A_1843, %eq3A_1844 : i32
      %jit3A_1846 = arith.constant 1 : i32
      %select_n3A_1847 = arith.select %eq3A_1845, %jit3A_1846, %jit3A_1843 : i32
      %rem3A_1848 = arith.remsi %squeeze3A_1777, %select_n3A_1847 : i32
      %ne3A_1849 = arith.constant 0 : i32
      %ne3A_1850 = arith.cmpi ne, %rem3A_1848, %ne3A_1849 : i32
      %lt3A_1851 = arith.constant 0 : i32
      %lt3A_1852 = arith.cmpi slt, %rem3A_1848, %lt3A_1851 : i32
      %lt3A_1853 = arith.constant 0 : i32
      %lt3A_1854 = arith.cmpi slt, %select_n3A_1847, %lt3A_1853 : i32
      %ne3A_1855 = arith.xori %lt3A_1852, %lt3A_1854 : i1
      %and3A_1856 = arith.andi %ne3A_1855, %ne3A_1850 : i1
      %add3A_1857 = arith.addi %rem3A_1848, %select_n3A_1847 : i32
      %select_n3A_1858 = arith.select %and3A_1856, %add3A_1857, %rem3A_1848 : i32
      %add3A_1859 = arith.constant 96 : i32
      %add3A_1860 = arith.addi %add3A_1859, %select_n3A_1858 : i32
      %add3A_1861 = vector.broadcast %add3A_1860 : i32 to vector<16xi32>
      %add3A_1862 = arith.addi %broadcast_in_dim3A_1842, %add3A_1861 : vector<16xi32>
      %broadcast_in_dim3A_1863 = arith.constant 6 : i32
      %broadcast_in_dim3A_1864 = vector.broadcast %broadcast_in_dim3A_1863 : i32 to vector<16xi32>
      %broadcast_in_dim3A_1865 = arith.constant 0.000000e+00 : f32
      %broadcast_in_dim3A_1866 = vector.broadcast %broadcast_in_dim3A_1865 : f32 to vector<16xf32>
      %add3A_1867 = arith.constant 0 : i32
      %add3A_1868 = vector.broadcast %add3A_1867 : i32 to vector<16xi32>
      %add3A_1869 = arith.addi %add3A_1868, %iota3A : vector<16xi32>
      %gather3A_1870 = tpu.vector_load_idx %arg12[%broadcast_in_dim3A_1864, %add3A_1869, %add3A_1840] : memref<8x64x128xf32, #tpu.memory_space<vmem>>[vector<16xi32>, vector<16xi32>, vector<16xi32>], vector<16xf32>,
      %gather3A_1871 = tpu.vector_load_idx %arg13[%add3A_1869, %add3A_1862] : memref<64x128xf32, #tpu.memory_space<vmem>>[vector<16xi32>, vector<16xi32>], vector<16xf32>,
      %mul3A_1872 = arith.mulf %gather3A_1870, %gather3A_1871 : vector<16xf32>
      %mul3A_1873 = arith.mulf %mul3A_1872, %get3A_3 : vector<16xf32>
      %add3A_1874 = arith.addf %broadcast_in_dim3A_1866, %mul3A_1873 : vector<16xf32>
      %add3A_1875 = arith.constant 16 : i32
      %add3A_1876 = vector.broadcast %add3A_1875 : i32 to vector<16xi32>
      %add3A_1877 = arith.addi %add3A_1876, %iota3A : vector<16xi32>
      %gather3A_1878 = tpu.vector_load_idx %arg12[%broadcast_in_dim3A_1864, %add3A_1877, %add3A_1840] : memref<8x64x128xf32, #tpu.memory_space<vmem>>[vector<16xi32>, vector<16xi32>, vector<16xi32>], vector<16xf32>,
      %gather3A_1879 = tpu.vector_load_idx %arg13[%add3A_1877, %add3A_1862] : memref<64x128xf32, #tpu.memory_space<vmem>>[vector<16xi32>, vector<16xi32>], vector<16xf32>,
      %mul3A_1880 = arith.mulf %gather3A_1878, %gather3A_1879 : vector<16xf32>
      %mul3A_1881 = arith.mulf %mul3A_1880, %get3A_5 : vector<16xf32>
      %add3A_1882 = arith.addf %add3A_1874, %mul3A_1881 : vector<16xf32>
      %add3A_1883 = arith.constant 32 : i32
      %add3A_1884 = vector.broadcast %add3A_1883 : i32 to vector<16xi32>
      %add3A_1885 = arith.addi %add3A_1884, %iota3A : vector<16xi32>
      %gather3A_1886 = tpu.vector_load_idx %arg12[%broadcast_in_dim3A_1864, %add3A_1885, %add3A_1840] : memref<8x64x128xf32, #tpu.memory_space<vmem>>[vector<16xi32>, vector<16xi32>, vector<16xi32>], vector<16xf32>,
      %gather3A_1887 = tpu.vector_load_idx %arg13[%add3A_1885, %add3A_1862] : memref<64x128xf32, #tpu.memory_space<vmem>>[vector<16xi32>, vector<16xi32>], vector<16xf32>,
      %mul3A_1888 = arith.mulf %gather3A_1886, %gather3A_1887 : vector<16xf32>
      %mul3A_1889 = arith.mulf %mul3A_1888, %get3A_7 : vector<16xf32>
      %add3A_1890 = arith.addf %add3A_1882, %mul3A_1889 : vector<16xf32>
      %add3A_1891 = arith.constant 48 : i32
      %add3A_1892 = vector.broadcast %add3A_1891 : i32 to vector<16xi32>
      %add3A_1893 = arith.addi %add3A_1892, %iota3A : vector<16xi32>
      %gather3A_1894 = tpu.vector_load_idx %arg12[%broadcast_in_dim3A_1864, %add3A_1893, %add3A_1840] : memref<8x64x128xf32, #tpu.memory_space<vmem>>[vector<16xi32>, vector<16xi32>, vector<16xi32>], vector<16xf32>,
      %gather3A_1895 = tpu.vector_load_idx %arg13[%add3A_1893, %add3A_1862] : memref<64x128xf32, #tpu.memory_space<vmem>>[vector<16xi32>, vector<16xi32>], vector<16xf32>,
      %mul3A_1896 = arith.mulf %gather3A_1894, %gather3A_1895 : vector<16xf32>
      %mul3A_1897 = arith.mulf %mul3A_1896, %get3A_9 : vector<16xf32>
      %add3A_1898 = arith.addf %add3A_1890, %mul3A_1897 : vector<16xf32>
      %reduce_sum3A_1899 = arith.constant true
      %reduce_sum3A_1900 = vector.broadcast %reduce_sum3A_1899 : i1 to vector<16xi1>
      %reduce_sum3A_1901 = tpu.scan <sum>, %add3A_1898 masked %reduce_sum3A_1900 : vector<16xf32>, vector<16xi1> -> vector<16xf32>
      %reduce_sum3A_1902 = vector.extract %reduce_sum3A_1901[15] : f32 from vector<16xf32>
      %jit3A_1903 = arith.constant 16 : i32
      %eq3A_1904 = arith.constant 0 : i32
      %eq3A_1905 = arith.cmpi eq, %jit3A_1903, %eq3A_1904 : i32
      %jit3A_1906 = arith.constant 1 : i32
      %select_n3A_1907 = arith.select %eq3A_1905, %jit3A_1906, %jit3A_1903 : i32
      %rem3A_1908 = arith.remsi %add3A_1728, %select_n3A_1907 : i32
      %ne3A_1909 = arith.constant 0 : i32
      %ne3A_1910 = arith.cmpi ne, %rem3A_1908, %ne3A_1909 : i32
      %lt3A_1911 = arith.constant 0 : i32
      %lt3A_1912 = arith.cmpi slt, %rem3A_1908, %lt3A_1911 : i32
      %lt3A_1913 = arith.constant 0 : i32
      %lt3A_1914 = arith.cmpi slt, %select_n3A_1907, %lt3A_1913 : i32
      %ne3A_1915 = arith.xori %lt3A_1912, %lt3A_1914 : i1
      %and3A_1916 = arith.andi %ne3A_1915, %ne3A_1910 : i1
      %add3A_1917 = arith.addi %rem3A_1908, %select_n3A_1907 : i32
      %select_n3A_1918 = arith.select %and3A_1916, %add3A_1917, %rem3A_1908 : i32
      %eq3A_1919 = vector.broadcast %select_n3A_1918 : i32 to vector<16xi32>
      %eq3A_1920 = arith.cmpi eq, %iota3A, %eq3A_1919 : vector<16xi32>
      %broadcast_in_dim3A_1921 = vector.broadcast %reduce_sum3A_1902 : f32 to vector<16xf32>
      %select_n3A_1922 = arith.select %eq3A_1920, %broadcast_in_dim3A_1921, %select_n3A_1703 : vector<16xi1>, vector<16xf32>
      %jit3A_1923 = arith.constant 16 : i32
      %eq3A_1924 = arith.constant 0 : i32
      %eq3A_1925 = arith.cmpi eq, %jit3A_1923, %eq3A_1924 : i32
      %jit3A_1926 = arith.constant 1 : i32
      %select_n3A_1927 = arith.select %eq3A_1925, %jit3A_1926, %jit3A_1923 : i32
      %rem3A_1928 = arith.remsi %add3A_1728, %select_n3A_1927 : i32
      %ne3A_1929 = arith.constant 0 : i32
      %ne3A_1930 = arith.cmpi ne, %rem3A_1928, %ne3A_1929 : i32
      %lt3A_1931 = arith.constant 0 : i32
      %lt3A_1932 = arith.cmpi slt, %rem3A_1928, %lt3A_1931 : i32
      %lt3A_1933 = arith.constant 0 : i32
      %lt3A_1934 = arith.cmpi slt, %select_n3A_1927, %lt3A_1933 : i32
      %ne3A_1935 = arith.xori %lt3A_1932, %lt3A_1934 : i1
      %and3A_1936 = arith.andi %ne3A_1935, %ne3A_1930 : i1
      %add3A_1937 = arith.addi %rem3A_1928, %select_n3A_1927 : i32
      %select_n3A_1938 = arith.select %and3A_1936, %add3A_1937, %rem3A_1928 : i32
      %eq3A_1939 = arith.constant 15 : i32
      %eq3A_1940 = arith.cmpi eq, %select_n3A_1938, %eq3A_1939 : i32
      %convert_element_type3A_1941 = arith.extui %eq3A_1940 : i1 to i32
      %cond3A_1942 = arith.constant 0 : i32
      %cond3A_1943 = arith.cmpi ne, %convert_element_type3A_1941, %cond3A_1942 : i32
      scf.if %cond3A_1943 {
        %jit3A_2163 = arith.constant 16 : i32
        %div3A_2164 = arith.divsi %add3A_1728, %jit3A_2163 : i32
        %sign3A_2165 = arith.constant 0 : i32
        %sign3A_2166 = arith.cmpi sgt, %add3A_1728, %sign3A_2165 : i32
        %sign3A_2167 = arith.extui %sign3A_2166 : i1 to i32
        %sign3A_2168 = arith.constant 0 : i32
        %sign3A_2169 = arith.cmpi slt, %add3A_1728, %sign3A_2168 : i32
        %sign3A_2170 = arith.extui %sign3A_2169 : i1 to i32
        %sign3A_2171 = arith.subi %sign3A_2167, %sign3A_2170 : i32
        %sign3A_2172 = arith.constant 0 : i32
        %sign3A_2173 = arith.cmpi sgt, %jit3A_2163, %sign3A_2172 : i32
        %sign3A_2174 = arith.extui %sign3A_2173 : i1 to i32
        %sign3A_2175 = arith.constant 0 : i32
        %sign3A_2176 = arith.cmpi slt, %jit3A_2163, %sign3A_2175 : i32
        %sign3A_2177 = arith.extui %sign3A_2176 : i1 to i32
        %sign3A_2178 = arith.subi %sign3A_2174, %sign3A_2177 : i32
        %ne3A_2179 = arith.cmpi ne, %sign3A_2171, %sign3A_2178 : i32
        %rem3A_2180 = arith.remsi %add3A_1728, %jit3A_2163 : i32
        %ne3A_2181 = arith.constant 0 : i32
        %ne3A_2182 = arith.cmpi ne, %rem3A_2180, %ne3A_2181 : i32
        %and3A_2183 = arith.andi %ne3A_2179, %ne3A_2182 : i1
        %sub3A_2184 = arith.constant 1 : i32
        %sub3A_2185 = arith.subi %div3A_2164, %sub3A_2184 : i32
        %select_n3A_2186 = arith.select %and3A_2183, %sub3A_2185, %div3A_2164 : i32
        %mul3A_2187 = arith.constant 16 : i32
        %mul3A_2188 = arith.muli %select_n3A_2186, %mul3A_2187 : i32
        %swap3A = arith.index_cast %mul3A_2188 : i32 to index
        %swap3A_2189 = tpu.vector_load %arg11[%swap3A] {strides = array<i32>} : memref<512xf32, #tpu.memory_space<vmem>>, vector<16xf32>,
        tpu.vector_store %arg11[%swap3A], %select_n3A_1922 {strides = array<i32>} : memref<512xf32, #tpu.memory_space<vmem>>, vector<16xf32>,
      } else {
      }
      %mul3A_1944 = arith.constant 8 : i32
      %mul3A_1945 = arith.muli %scan3A_417, %mul3A_1944 : i32
      %add3A_1946 = arith.constant 7 : i32
      %add3A_1947 = arith.addi %mul3A_1945, %add3A_1946 : i32
      %add3A_1948 = arith.constant 8 : i32
      %add3A_1949 = arith.addi %add3A_1947, %add3A_1948 : i32
      %sub3A_1950 = arith.constant 1 : i32
      %sub3A_1951 = arith.subi %add3A_1949, %sub3A_1950 : i32
      %add3A_1952 = arith.constant 4 : i32
      %add3A_1953 = arith.addi %add3A_1947, %add3A_1952 : i32
      %sub3A_1954 = arith.constant 1 : i32
      %sub3A_1955 = arith.subi %add3A_1953, %sub3A_1954 : i32
      %lt3A_1956 = arith.constant 512 : i32
      %lt3A_1957 = arith.cmpi slt, %sub3A_1951, %lt3A_1956 : i32
      %convert_element_type3A_1958 = arith.extui %lt3A_1957 : i1 to i32
      %cond3A_1959 = arith.constant 0 : i32
      %cond3A_1960 = arith.cmpi ne, %convert_element_type3A_1958, %cond3A_1959 : i32
      scf.if %cond3A_1960 {
        %get3A_2163 = arith.index_cast %sub3A_1951 : i32 to index
        %get3A_2164 = tpu.vector_load %arg8[%get3A_2163] {strides = array<i32>} : memref<528xi32, #tpu.memory_space<vmem>>, vector<16xi32>,
        %slice3A_2165 = vector.extract_strided_slice %get3A_2164 {offsets = [0], sizes = [1], strides = [1]} : vector<16xi32> to vector<1xi32>
        %squeeze3A_2166 = vector.extract %slice3A_2165[0] : i32 from vector<1xi32>
        %jit3A_2167 = arith.constant 128 : i32
        %div3A_2168 = arith.divsi %squeeze3A_2166, %jit3A_2167 : i32
        %sign3A_2169 = arith.constant 0 : i32
        %sign3A_2170 = arith.cmpi sgt, %squeeze3A_2166, %sign3A_2169 : i32
        %sign3A_2171 = arith.extui %sign3A_2170 : i1 to i32
        %sign3A_2172 = arith.constant 0 : i32
        %sign3A_2173 = arith.cmpi slt, %squeeze3A_2166, %sign3A_2172 : i32
        %sign3A_2174 = arith.extui %sign3A_2173 : i1 to i32
        %sign3A_2175 = arith.subi %sign3A_2171, %sign3A_2174 : i32
        %sign3A_2176 = arith.constant 0 : i32
        %sign3A_2177 = arith.cmpi sgt, %jit3A_2167, %sign3A_2176 : i32
        %sign3A_2178 = arith.extui %sign3A_2177 : i1 to i32
        %sign3A_2179 = arith.constant 0 : i32
        %sign3A_2180 = arith.cmpi slt, %jit3A_2167, %sign3A_2179 : i32
        %sign3A_2181 = arith.extui %sign3A_2180 : i1 to i32
        %sign3A_2182 = arith.subi %sign3A_2178, %sign3A_2181 : i32
        %ne3A_2183 = arith.cmpi ne, %sign3A_2175, %sign3A_2182 : i32
        %rem3A_2184 = arith.remsi %squeeze3A_2166, %jit3A_2167 : i32
        %ne3A_2185 = arith.constant 0 : i32
        %ne3A_2186 = arith.cmpi ne, %rem3A_2184, %ne3A_2185 : i32
        %and3A_2187 = arith.andi %ne3A_2183, %ne3A_2186 : i1
        %sub3A_2188 = arith.constant 1 : i32
        %sub3A_2189 = arith.subi %div3A_2168, %sub3A_2188 : i32
        %select_n3A_2190 = arith.select %and3A_2187, %sub3A_2189, %div3A_2168 : i32
        %mul3A_2191 = arith.constant 128 : i32
        %mul3A_2192 = arith.muli %select_n3A_2190, %mul3A_2191 : i32
        %dma_start3A_2193 = arith.constant 6 : i32
        %dma_start3A_2194 = arith.constant 0 : i32
        %dma_start3A_2195 = arith.constant 0 : i32
        %dma_start3A_2196 = tpu.memref_slice %arg12[%dma_start3A_2193, %dma_start3A_2194, %dma_start3A_2195] : memref<8x64x128xf32, #tpu.memory_space<vmem>> -> memref<1x64x128xf32, #tpu.memory_space<vmem>>
        %dma_start3A_2197 = tpu.memref_squeeze %dma_start3A_2196 : memref<1x64x128xf32, #tpu.memory_space<vmem>> -> memref<64x128xf32, #tpu.memory_space<vmem>>
        %dma_start3A_2198 = arith.constant 0 : i32
        %dma_start3A_2199 = tpu.memref_slice %arg4[%dma_start3A_2198, %mul3A_2192] : memref<64x1000000xf32, #tpu.memory_space<hbm>> -> memref<64x128xf32, #tpu.memory_space<hbm>>
        %dma_start3A_2200 = arith.constant 0 : i32
        %dma_start3A_2201 = arith.constant 0 : i32
        %dma_start3A_2202 = tpu.memref_slice %arg12[%dma_start3A_2193, %dma_start3A_2200, %dma_start3A_2201] : memref<8x64x128xf32, #tpu.memory_space<vmem>> -> memref<1x64x128xf32, #tpu.memory_space<vmem>>
        %dma_start3A_2203 = tpu.memref_squeeze %dma_start3A_2202 : memref<1x64x128xf32, #tpu.memory_space<vmem>> -> memref<64x128xf32, #tpu.memory_space<vmem>>
        %dma_start3A_2204 = arith.constant 0 : i32
        %dma_start3A_2205 = tpu.memref_slice %arg4[%dma_start3A_2204, %mul3A_2192] : memref<64x1000000xf32, #tpu.memory_space<hbm>> -> memref<64x128xf32, #tpu.memory_space<hbm>>
        tpu.enqueue_dma source(%dma_start3A_2205 : memref<64x128xf32, #tpu.memory_space<hbm>>) target(%dma_start3A_2203 : memref<64x128xf32, #tpu.memory_space<vmem>>) target_semaphore(%arg21 : memref<!tpu.dma_semaphore, #tpu.memory_space<semaphore_mem>>)
      } else {
      }
      %lt3A_1961 = arith.constant 512 : i32
      %lt3A_1962 = arith.cmpi slt, %sub3A_1955, %lt3A_1961 : i32
      %convert_element_type3A_1963 = arith.extui %lt3A_1962 : i1 to i32
      %cond3A_1964 = arith.constant 0 : i32
      %cond3A_1965 = arith.cmpi ne, %convert_element_type3A_1963, %cond3A_1964 : i32
      scf.if %cond3A_1965 {
        %get3A_2163 = arith.index_cast %sub3A_1955 : i32 to index
        %get3A_2164 = tpu.vector_load %arg9[%get3A_2163] {strides = array<i32>} : memref<528xi32, #tpu.memory_space<vmem>>, vector<16xi32>,
        %slice3A_2165 = vector.extract_strided_slice %get3A_2164 {offsets = [0], sizes = [1], strides = [1]} : vector<16xi32> to vector<1xi32>
        %squeeze3A_2166 = vector.extract %slice3A_2165[0] : i32 from vector<1xi32>
        %jit3A_2167 = arith.constant 128 : i32
        %div3A_2168 = arith.divsi %squeeze3A_2166, %jit3A_2167 : i32
        %sign3A_2169 = arith.constant 0 : i32
        %sign3A_2170 = arith.cmpi sgt, %squeeze3A_2166, %sign3A_2169 : i32
        %sign3A_2171 = arith.extui %sign3A_2170 : i1 to i32
        %sign3A_2172 = arith.constant 0 : i32
        %sign3A_2173 = arith.cmpi slt, %squeeze3A_2166, %sign3A_2172 : i32
        %sign3A_2174 = arith.extui %sign3A_2173 : i1 to i32
        %sign3A_2175 = arith.subi %sign3A_2171, %sign3A_2174 : i32
        %sign3A_2176 = arith.constant 0 : i32
        %sign3A_2177 = arith.cmpi sgt, %jit3A_2167, %sign3A_2176 : i32
        %sign3A_2178 = arith.extui %sign3A_2177 : i1 to i32
        %sign3A_2179 = arith.constant 0 : i32
        %sign3A_2180 = arith.cmpi slt, %jit3A_2167, %sign3A_2179 : i32
        %sign3A_2181 = arith.extui %sign3A_2180 : i1 to i32
        %sign3A_2182 = arith.subi %sign3A_2178, %sign3A_2181 : i32
        %ne3A_2183 = arith.cmpi ne, %sign3A_2175, %sign3A_2182 : i32
        %rem3A_2184 = arith.remsi %squeeze3A_2166, %jit3A_2167 : i32
        %ne3A_2185 = arith.constant 0 : i32
        %ne3A_2186 = arith.cmpi ne, %rem3A_2184, %ne3A_2185 : i32
        %and3A_2187 = arith.andi %ne3A_2183, %ne3A_2186 : i1
        %sub3A_2188 = arith.constant 1 : i32
        %sub3A_2189 = arith.subi %div3A_2168, %sub3A_2188 : i32
        %select_n3A_2190 = arith.select %and3A_2187, %sub3A_2189, %div3A_2168 : i32
        %mul3A_2191 = arith.constant 128 : i32
        %mul3A_2192 = arith.muli %select_n3A_2190, %mul3A_2191 : i32
        %dma_start3A_2193 = arith.constant 2 : i32
        %dma_start3A_2194 = arith.constant 0 : i32
        %dma_start3A_2195 = arith.constant 0 : i32
        %dma_start3A_2196 = tpu.memref_slice %arg14[%arg1, %dma_start3A_2193, %dma_start3A_2194, %dma_start3A_2195] : memref<16x4x64x128xf32, #tpu.memory_space<vmem_shared>> -> memref<1x1x64x128xf32, #tpu.memory_space<vmem_shared>>
        %dma_start3A_2197 = tpu.memref_squeeze %dma_start3A_2196 : memref<1x1x64x128xf32, #tpu.memory_space<vmem_shared>> -> memref<64x128xf32, #tpu.memory_space<vmem_shared>>
        %dma_start3A_2198 = arith.constant 0 : i32
        %dma_start3A_2199 = tpu.memref_slice %arg5[%dma_start3A_2198, %mul3A_2192] : memref<64x1000000xf32, #tpu.memory_space<hbm>> -> memref<64x128xf32, #tpu.memory_space<hbm>>
        tpu.enqueue_dma source(%dma_start3A_2199 : memref<64x128xf32, #tpu.memory_space<hbm>>) target(%dma_start3A_2197 : memref<64x128xf32, #tpu.memory_space<vmem_shared>>) target_semaphore(%arg25 : memref<!tpu.dma_semaphore, #tpu.memory_space<semaphore_mem>>)
      } else {
      }
      %dma_wait3A_1966 = arith.constant 7 : i32
      %dma_wait3A_1967 = arith.constant 0 : i32
      %dma_wait3A_1968 = arith.constant 0 : i32
      %dma_wait3A_1969 = tpu.memref_slice %arg12[%dma_wait3A_1966, %dma_wait3A_1967, %dma_wait3A_1968] : memref<8x64x128xf32, #tpu.memory_space<vmem>> -> memref<1x64x128xf32, #tpu.memory_space<vmem>>
      %dma_wait3A_1970 = tpu.memref_squeeze %dma_wait3A_1969 : memref<1x64x128xf32, #tpu.memory_space<vmem>> -> memref<64x128xf32, #tpu.memory_space<vmem>>
      %dma_wait3A_1971 = arith.constant 0 : i32
      %dma_wait3A_1972 = arith.constant 0 : i32
      %dma_wait3A_1973 = tpu.memref_slice %arg4[%dma_wait3A_1971, %dma_wait3A_1972] : memref<64x1000000xf32, #tpu.memory_space<hbm>> -> memref<64x128xf32, #tpu.memory_space<hbm>>
      %dma_wait3A_1974 = arith.constant 0 : i32
      %dma_wait3A_1975 = arith.constant 0 : i32
      %dma_wait3A_1976 = tpu.memref_slice %arg12[%dma_wait3A_1966, %dma_wait3A_1974, %dma_wait3A_1975] : memref<8x64x128xf32, #tpu.memory_space<vmem>> -> memref<1x64x128xf32, #tpu.memory_space<vmem>>
      %dma_wait3A_1977 = tpu.memref_squeeze %dma_wait3A_1976 : memref<1x64x128xf32, #tpu.memory_space<vmem>> -> memref<64x128xf32, #tpu.memory_space<vmem>>
      %dma_wait3A_1978 = arith.constant 0 : i32
      %dma_wait3A_1979 = arith.constant 0 : i32
      %dma_wait3A_1980 = tpu.memref_slice %arg4[%dma_wait3A_1978, %dma_wait3A_1979] : memref<64x1000000xf32, #tpu.memory_space<hbm>> -> memref<64x128xf32, #tpu.memory_space<hbm>>
      tpu.wait_dma2 semaphore(%arg22 : memref<!tpu.dma_semaphore, #tpu.memory_space<semaphore_mem>>) src(%dma_wait3A_1980 : memref<64x128xf32, #tpu.memory_space<hbm>>) dst(%dma_wait3A_1977 : memref<64x128xf32, #tpu.memory_space<vmem>>)
      %dma_wait3A_1981 = arith.constant 3 : i32
      %dma_wait3A_1982 = arith.constant 0 : i32
      %dma_wait3A_1983 = arith.constant 0 : i32
      %dma_wait3A_1984 = tpu.memref_slice %arg14[%arg1, %dma_wait3A_1981, %dma_wait3A_1982, %dma_wait3A_1983] : memref<16x4x64x128xf32, #tpu.memory_space<vmem_shared>> -> memref<1x1x64x128xf32, #tpu.memory_space<vmem_shared>>
      %dma_wait3A_1985 = tpu.memref_squeeze %dma_wait3A_1984 : memref<1x1x64x128xf32, #tpu.memory_space<vmem_shared>> -> memref<64x128xf32, #tpu.memory_space<vmem_shared>>
      %dma_wait3A_1986 = arith.constant 0 : i32
      %dma_wait3A_1987 = arith.constant 0 : i32
      %dma_wait3A_1988 = tpu.memref_slice %arg5[%dma_wait3A_1986, %dma_wait3A_1987] : memref<64x1000000xf32, #tpu.memory_space<hbm>> -> memref<64x128xf32, #tpu.memory_space<hbm>>
      tpu.wait_dma2 semaphore(%arg26 : memref<!tpu.dma_semaphore, #tpu.memory_space<semaphore_mem>>) src(%dma_wait3A_1988 : memref<64x128xf32, #tpu.memory_space<hbm>>) dst(%dma_wait3A_1985 : memref<64x128xf32, #tpu.memory_space<vmem_shared>>)
      %get3A_1989 = arith.index_cast %add3A_1947 : i32 to index
      %get3A_1990 = tpu.vector_load %arg8[%get3A_1989] {strides = array<i32>} : memref<528xi32, #tpu.memory_space<vmem>>, vector<16xi32>,
      %slice3A_1991 = vector.extract_strided_slice %get3A_1990 {offsets = [0], sizes = [1], strides = [1]} : vector<16xi32> to vector<1xi32>
      %squeeze3A_1992 = vector.extract %slice3A_1991[0] : i32 from vector<1xi32>
      %get3A_1993 = arith.index_cast %add3A_1947 : i32 to index
      %get3A_1994 = tpu.vector_load %arg9[%get3A_1993] {strides = array<i32>} : memref<528xi32, #tpu.memory_space<vmem>>, vector<16xi32>,
      %slice3A_1995 = vector.extract_strided_slice %get3A_1994 {offsets = [0], sizes = [1], strides = [1]} : vector<16xi32> to vector<1xi32>
      %squeeze3A_1996 = vector.extract %slice3A_1995[0] : i32 from vector<1xi32>
      %jit3A_1997 = arith.constant 128 : i32
      %eq3A_1998 = arith.constant 0 : i32
      %eq3A_1999 = arith.cmpi eq, %jit3A_1997, %eq3A_1998 : i32
      %jit3A_2000 = arith.constant 1 : i32
      %select_n3A_2001 = arith.select %eq3A_1999, %jit3A_2000, %jit3A_1997 : i32
      %rem3A_2002 = arith.remsi %squeeze3A_1996, %select_n3A_2001 : i32
      %ne3A_2003 = arith.constant 0 : i32
      %ne3A_2004 = arith.cmpi ne, %rem3A_2002, %ne3A_2003 : i32
      %lt3A_2005 = arith.constant 0 : i32
      %lt3A_2006 = arith.cmpi slt, %rem3A_2002, %lt3A_2005 : i32
      %lt3A_2007 = arith.constant 0 : i32
      %lt3A_2008 = arith.cmpi slt, %select_n3A_2001, %lt3A_2007 : i32
      %ne3A_2009 = arith.xori %lt3A_2006, %lt3A_2008 : i1
      %and3A_2010 = arith.andi %ne3A_2009, %ne3A_2004 : i1
      %add3A_2011 = arith.addi %rem3A_2002, %select_n3A_2001 : i32
      %select_n3A_2012 = arith.select %and3A_2010, %add3A_2011, %rem3A_2002 : i32
      %jit3A_2013 = arith.constant 16 : i32
      %div3A_2014 = arith.divsi %select_n3A_2012, %jit3A_2013 : i32
      %sign3A_2015 = arith.constant 0 : i32
      %sign3A_2016 = arith.cmpi sgt, %select_n3A_2012, %sign3A_2015 : i32
      %sign3A_2017 = arith.extui %sign3A_2016 : i1 to i32
      %sign3A_2018 = arith.constant 0 : i32
      %sign3A_2019 = arith.cmpi slt, %select_n3A_2012, %sign3A_2018 : i32
      %sign3A_2020 = arith.extui %sign3A_2019 : i1 to i32
      %sign3A_2021 = arith.subi %sign3A_2017, %sign3A_2020 : i32
      %sign3A_2022 = arith.constant 0 : i32
      %sign3A_2023 = arith.cmpi sgt, %jit3A_2013, %sign3A_2022 : i32
      %sign3A_2024 = arith.extui %sign3A_2023 : i1 to i32
      %sign3A_2025 = arith.constant 0 : i32
      %sign3A_2026 = arith.cmpi slt, %jit3A_2013, %sign3A_2025 : i32
      %sign3A_2027 = arith.extui %sign3A_2026 : i1 to i32
      %sign3A_2028 = arith.subi %sign3A_2024, %sign3A_2027 : i32
      %ne3A_2029 = arith.cmpi ne, %sign3A_2021, %sign3A_2028 : i32
      %rem3A_2030 = arith.remsi %select_n3A_2012, %jit3A_2013 : i32
      %ne3A_2031 = arith.constant 0 : i32
      %ne3A_2032 = arith.cmpi ne, %rem3A_2030, %ne3A_2031 : i32
      %and3A_2033 = arith.andi %ne3A_2029, %ne3A_2032 : i1
      %sub3A_2034 = arith.constant 1 : i32
      %sub3A_2035 = arith.subi %div3A_2014, %sub3A_2034 : i32
      %select_n3A_2036 = arith.select %and3A_2033, %sub3A_2035, %div3A_2014 : i32
      %mul3A_2037 = arith.constant 16 : i32
      %mul3A_2038 = arith.muli %select_n3A_2036, %mul3A_2037 : i32
      %run_scoped3A_2039 = arith.constant 3 : i32
      "tpu.region"() ({
        %run_scoped3A_2163 = tpu.sem_alloc : memref<!tpu.dma_semaphore, #tpu.memory_space<semaphore_mem>>
        %dma_start3A_2164 = arith.constant 0 : i32
        %dma_start3A_2165 = arith.constant 112 : i32
        %dma_start3A_2166 = tpu.memref_slice %arg13[%dma_start3A_2164, %dma_start3A_2165] : memref<64x128xf32, #tpu.memory_space<vmem>> -> memref<64x16xf32, #tpu.memory_space<vmem>>
        %dma_start3A_2167 = arith.constant 0 : i32
        %dma_start3A_2168 = tpu.memref_slice %arg14[%arg1, %run_scoped3A_2039, %dma_start3A_2167, %mul3A_2038] : memref<16x4x64x128xf32, #tpu.memory_space<vmem_shared>> -> memref<1x1x64x16xf32, #tpu.memory_space<vmem_shared>>
        %dma_start3A_2169 = tpu.memref_squeeze %dma_start3A_2168 : memref<1x1x64x16xf32, #tpu.memory_space<vmem_shared>> -> memref<64x16xf32, #tpu.memory_space<vmem_shared>>
        %dma_start3A_2170 = arith.constant 0 : i32
        %dma_start3A_2171 = arith.constant 112 : i32
        %dma_start3A_2172 = tpu.memref_slice %arg13[%dma_start3A_2170, %dma_start3A_2171] : memref<64x128xf32, #tpu.memory_space<vmem>> -> memref<64x16xf32, #tpu.memory_space<vmem>>
        %dma_start3A_2173 = arith.constant 0 : i32
        %dma_start3A_2174 = tpu.memref_slice %arg14[%arg1, %run_scoped3A_2039, %dma_start3A_2173, %mul3A_2038] : memref<16x4x64x128xf32, #tpu.memory_space<vmem_shared>> -> memref<1x1x64x16xf32, #tpu.memory_space<vmem_shared>>
        %dma_start3A_2175 = tpu.memref_squeeze %dma_start3A_2174 : memref<1x1x64x16xf32, #tpu.memory_space<vmem_shared>> -> memref<64x16xf32, #tpu.memory_space<vmem_shared>>
        tpu.enqueue_dma source(%dma_start3A_2175 : memref<64x16xf32, #tpu.memory_space<vmem_shared>>) target(%dma_start3A_2172 : memref<64x16xf32, #tpu.memory_space<vmem>>) target_semaphore(%run_scoped3A_2163 : memref<!tpu.dma_semaphore, #tpu.memory_space<semaphore_mem>>)
        %dma_wait3A_2176 = arith.constant 0 : i32
        %dma_wait3A_2177 = arith.constant 112 : i32
        %dma_wait3A_2178 = tpu.memref_slice %arg13[%dma_wait3A_2176, %dma_wait3A_2177] : memref<64x128xf32, #tpu.memory_space<vmem>> -> memref<64x16xf32, #tpu.memory_space<vmem>>
        %dma_wait3A_2179 = arith.constant 0 : i32
        %dma_wait3A_2180 = tpu.memref_slice %arg14[%arg1, %run_scoped3A_2039, %dma_wait3A_2179, %mul3A_2038] : memref<16x4x64x128xf32, #tpu.memory_space<vmem_shared>> -> memref<1x1x64x16xf32, #tpu.memory_space<vmem_shared>>
        %dma_wait3A_2181 = tpu.memref_squeeze %dma_wait3A_2180 : memref<1x1x64x16xf32, #tpu.memory_space<vmem_shared>> -> memref<64x16xf32, #tpu.memory_space<vmem_shared>>
        %dma_wait3A_2182 = arith.constant 0 : i32
        %dma_wait3A_2183 = arith.constant 112 : i32
        %dma_wait3A_2184 = tpu.memref_slice %arg13[%dma_wait3A_2182, %dma_wait3A_2183] : memref<64x128xf32, #tpu.memory_space<vmem>> -> memref<64x16xf32, #tpu.memory_space<vmem>>
        %dma_wait3A_2185 = arith.constant 0 : i32
        %dma_wait3A_2186 = tpu.memref_slice %arg14[%arg1, %run_scoped3A_2039, %dma_wait3A_2185, %mul3A_2038] : memref<16x4x64x128xf32, #tpu.memory_space<vmem_shared>> -> memref<1x1x64x16xf32, #tpu.memory_space<vmem_shared>>
        %dma_wait3A_2187 = tpu.memref_squeeze %dma_wait3A_2186 : memref<1x1x64x16xf32, #tpu.memory_space<vmem_shared>> -> memref<64x16xf32, #tpu.memory_space<vmem_shared>>
        tpu.wait_dma2 semaphore(%run_scoped3A_2163 : memref<!tpu.dma_semaphore, #tpu.memory_space<semaphore_mem>>) src(%dma_wait3A_2187 : memref<64x16xf32, #tpu.memory_space<vmem_shared>>) dst(%dma_wait3A_2184 : memref<64x16xf32, #tpu.memory_space<vmem>>)
        tpu.yield
      }) : () -> ()
      %broadcast_in_dim3A_2040 = arith.constant 0 : i32
      %broadcast_in_dim3A_2041 = vector.broadcast %broadcast_in_dim3A_2040 : i32 to vector<16xi32>
      %jit3A_2042 = arith.constant 128 : i32
      %eq3A_2043 = arith.constant 0 : i32
      %eq3A_2044 = arith.cmpi eq, %jit3A_2042, %eq3A_2043 : i32
      %jit3A_2045 = arith.constant 1 : i32
      %select_n3A_2046 = arith.select %eq3A_2044, %jit3A_2045, %jit3A_2042 : i32
      %rem3A_2047 = arith.remsi %squeeze3A_1992, %select_n3A_2046 : i32
      %ne3A_2048 = arith.constant 0 : i32
      %ne3A_2049 = arith.cmpi ne, %rem3A_2047, %ne3A_2048 : i32
      %lt3A_2050 = arith.constant 0 : i32
      %lt3A_2051 = arith.cmpi slt, %rem3A_2047, %lt3A_2050 : i32
      %lt3A_2052 = arith.constant 0 : i32
      %lt3A_2053 = arith.cmpi slt, %select_n3A_2046, %lt3A_2052 : i32
      %ne3A_2054 = arith.xori %lt3A_2051, %lt3A_2053 : i1
      %and3A_2055 = arith.andi %ne3A_2054, %ne3A_2049 : i1
      %add3A_2056 = arith.addi %rem3A_2047, %select_n3A_2046 : i32
      %select_n3A_2057 = arith.select %and3A_2055, %add3A_2056, %rem3A_2047 : i32
      %add3A_2058 = vector.broadcast %select_n3A_2057 : i32 to vector<16xi32>
      %add3A_2059 = arith.addi %broadcast_in_dim3A_2041, %add3A_2058 : vector<16xi32>
      %broadcast_in_dim3A_2060 = arith.constant 0 : i32
      %broadcast_in_dim3A_2061 = vector.broadcast %broadcast_in_dim3A_2060 : i32 to vector<16xi32>
      %jit3A_2062 = arith.constant 16 : i32
      %eq3A_2063 = arith.constant 0 : i32
      %eq3A_2064 = arith.cmpi eq, %jit3A_2062, %eq3A_2063 : i32
      %jit3A_2065 = arith.constant 1 : i32
      %select_n3A_2066 = arith.select %eq3A_2064, %jit3A_2065, %jit3A_2062 : i32
      %rem3A_2067 = arith.remsi %squeeze3A_1996, %select_n3A_2066 : i32
      %ne3A_2068 = arith.constant 0 : i32
      %ne3A_2069 = arith.cmpi ne, %rem3A_2067, %ne3A_2068 : i32
      %lt3A_2070 = arith.constant 0 : i32
      %lt3A_2071 = arith.cmpi slt, %rem3A_2067, %lt3A_2070 : i32
      %lt3A_2072 = arith.constant 0 : i32
      %lt3A_2073 = arith.cmpi slt, %select_n3A_2066, %lt3A_2072 : i32
      %ne3A_2074 = arith.xori %lt3A_2071, %lt3A_2073 : i1
      %and3A_2075 = arith.andi %ne3A_2074, %ne3A_2069 : i1
      %add3A_2076 = arith.addi %rem3A_2067, %select_n3A_2066 : i32
      %select_n3A_2077 = arith.select %and3A_2075, %add3A_2076, %rem3A_2067 : i32
      %add3A_2078 = arith.constant 112 : i32
      %add3A_2079 = arith.addi %add3A_2078, %select_n3A_2077 : i32
      %add3A_2080 = vector.broadcast %add3A_2079 : i32 to vector<16xi32>
      %add3A_2081 = arith.addi %broadcast_in_dim3A_2061, %add3A_2080 : vector<16xi32>
      %broadcast_in_dim3A_2082 = arith.constant 7 : i32
      %broadcast_in_dim3A_2083 = vector.broadcast %broadcast_in_dim3A_2082 : i32 to vector<16xi32>
      %broadcast_in_dim3A_2084 = arith.constant 0.000000e+00 : f32
      %broadcast_in_dim3A_2085 = vector.broadcast %broadcast_in_dim3A_2084 : f32 to vector<16xf32>
      %add3A_2086 = arith.constant 0 : i32
      %add3A_2087 = vector.broadcast %add3A_2086 : i32 to vector<16xi32>
      %add3A_2088 = arith.addi %add3A_2087, %iota3A : vector<16xi32>
      %gather3A_2089 = tpu.vector_load_idx %arg12[%broadcast_in_dim3A_2083, %add3A_2088, %add3A_2059] : memref<8x64x128xf32, #tpu.memory_space<vmem>>[vector<16xi32>, vector<16xi32>, vector<16xi32>], vector<16xf32>,
      %gather3A_2090 = tpu.vector_load_idx %arg13[%add3A_2088, %add3A_2081] : memref<64x128xf32, #tpu.memory_space<vmem>>[vector<16xi32>, vector<16xi32>], vector<16xf32>,
      %mul3A_2091 = arith.mulf %gather3A_2089, %gather3A_2090 : vector<16xf32>
      %mul3A_2092 = arith.mulf %mul3A_2091, %get3A_3 : vector<16xf32>
      %add3A_2093 = arith.addf %broadcast_in_dim3A_2085, %mul3A_2092 : vector<16xf32>
      %add3A_2094 = arith.constant 16 : i32
      %add3A_2095 = vector.broadcast %add3A_2094 : i32 to vector<16xi32>
      %add3A_2096 = arith.addi %add3A_2095, %iota3A : vector<16xi32>
      %gather3A_2097 = tpu.vector_load_idx %arg12[%broadcast_in_dim3A_2083, %add3A_2096, %add3A_2059] : memref<8x64x128xf32, #tpu.memory_space<vmem>>[vector<16xi32>, vector<16xi32>, vector<16xi32>], vector<16xf32>,
      %gather3A_2098 = tpu.vector_load_idx %arg13[%add3A_2096, %add3A_2081] : memref<64x128xf32, #tpu.memory_space<vmem>>[vector<16xi32>, vector<16xi32>], vector<16xf32>,
      %mul3A_2099 = arith.mulf %gather3A_2097, %gather3A_2098 : vector<16xf32>
      %mul3A_2100 = arith.mulf %mul3A_2099, %get3A_5 : vector<16xf32>
      %add3A_2101 = arith.addf %add3A_2093, %mul3A_2100 : vector<16xf32>
      %add3A_2102 = arith.constant 32 : i32
      %add3A_2103 = vector.broadcast %add3A_2102 : i32 to vector<16xi32>
      %add3A_2104 = arith.addi %add3A_2103, %iota3A : vector<16xi32>
      %gather3A_2105 = tpu.vector_load_idx %arg12[%broadcast_in_dim3A_2083, %add3A_2104, %add3A_2059] : memref<8x64x128xf32, #tpu.memory_space<vmem>>[vector<16xi32>, vector<16xi32>, vector<16xi32>], vector<16xf32>,
      %gather3A_2106 = tpu.vector_load_idx %arg13[%add3A_2104, %add3A_2081] : memref<64x128xf32, #tpu.memory_space<vmem>>[vector<16xi32>, vector<16xi32>], vector<16xf32>,
      %mul3A_2107 = arith.mulf %gather3A_2105, %gather3A_2106 : vector<16xf32>
      %mul3A_2108 = arith.mulf %mul3A_2107, %get3A_7 : vector<16xf32>
      %add3A_2109 = arith.addf %add3A_2101, %mul3A_2108 : vector<16xf32>
      %add3A_2110 = arith.constant 48 : i32
      %add3A_2111 = vector.broadcast %add3A_2110 : i32 to vector<16xi32>
      %add3A_2112 = arith.addi %add3A_2111, %iota3A : vector<16xi32>
      %gather3A_2113 = tpu.vector_load_idx %arg12[%broadcast_in_dim3A_2083, %add3A_2112, %add3A_2059] : memref<8x64x128xf32, #tpu.memory_space<vmem>>[vector<16xi32>, vector<16xi32>, vector<16xi32>], vector<16xf32>,
      %gather3A_2114 = tpu.vector_load_idx %arg13[%add3A_2112, %add3A_2081] : memref<64x128xf32, #tpu.memory_space<vmem>>[vector<16xi32>, vector<16xi32>], vector<16xf32>,
      %mul3A_2115 = arith.mulf %gather3A_2113, %gather3A_2114 : vector<16xf32>
      %mul3A_2116 = arith.mulf %mul3A_2115, %get3A_9 : vector<16xf32>
      %add3A_2117 = arith.addf %add3A_2109, %mul3A_2116 : vector<16xf32>
      %reduce_sum3A_2118 = arith.constant true
      %reduce_sum3A_2119 = vector.broadcast %reduce_sum3A_2118 : i1 to vector<16xi1>
      %reduce_sum3A_2120 = tpu.scan <sum>, %add3A_2117 masked %reduce_sum3A_2119 : vector<16xf32>, vector<16xi1> -> vector<16xf32>
      %reduce_sum3A_2121 = vector.extract %reduce_sum3A_2120[15] : f32 from vector<16xf32>
      %jit3A_2122 = arith.constant 16 : i32
      %eq3A_2123 = arith.constant 0 : i32
      %eq3A_2124 = arith.cmpi eq, %jit3A_2122, %eq3A_2123 : i32
      %jit3A_2125 = arith.constant 1 : i32
      %select_n3A_2126 = arith.select %eq3A_2124, %jit3A_2125, %jit3A_2122 : i32
      %rem3A_2127 = arith.remsi %add3A_1947, %select_n3A_2126 : i32
      %ne3A_2128 = arith.constant 0 : i32
      %ne3A_2129 = arith.cmpi ne, %rem3A_2127, %ne3A_2128 : i32
      %lt3A_2130 = arith.constant 0 : i32
      %lt3A_2131 = arith.cmpi slt, %rem3A_2127, %lt3A_2130 : i32
      %lt3A_2132 = arith.constant 0 : i32
      %lt3A_2133 = arith.cmpi slt, %select_n3A_2126, %lt3A_2132 : i32
      %ne3A_2134 = arith.xori %lt3A_2131, %lt3A_2133 : i1
      %and3A_2135 = arith.andi %ne3A_2134, %ne3A_2129 : i1
      %add3A_2136 = arith.addi %rem3A_2127, %select_n3A_2126 : i32
      %select_n3A_2137 = arith.select %and3A_2135, %add3A_2136, %rem3A_2127 : i32
      %eq3A_2138 = vector.broadcast %select_n3A_2137 : i32 to vector<16xi32>
      %eq3A_2139 = arith.cmpi eq, %iota3A, %eq3A_2138 : vector<16xi32>
      %broadcast_in_dim3A_2140 = vector.broadcast %reduce_sum3A_2121 : f32 to vector<16xf32>
      %select_n3A_2141 = arith.select %eq3A_2139, %broadcast_in_dim3A_2140, %select_n3A_1922 : vector<16xi1>, vector<16xf32>
      %jit3A_2142 = arith.constant 16 : i32
      %eq3A_2143 = arith.constant 0 : i32
      %eq3A_2144 = arith.cmpi eq, %jit3A_2142, %eq3A_2143 : i32
      %jit3A_2145 = arith.constant 1 : i32
      %select_n3A_2146 = arith.select %eq3A_2144, %jit3A_2145, %jit3A_2142 : i32
      %rem3A_2147 = arith.remsi %add3A_1947, %select_n3A_2146 : i32
      %ne3A_2148 = arith.constant 0 : i32
      %ne3A_2149 = arith.cmpi ne, %rem3A_2147, %ne3A_2148 : i32
      %lt3A_2150 = arith.constant 0 : i32
      %lt3A_2151 = arith.cmpi slt, %rem3A_2147, %lt3A_2150 : i32
      %lt3A_2152 = arith.constant 0 : i32
      %lt3A_2153 = arith.cmpi slt, %select_n3A_2146, %lt3A_2152 : i32
      %ne3A_2154 = arith.xori %lt3A_2151, %lt3A_2153 : i1
      %and3A_2155 = arith.andi %ne3A_2154, %ne3A_2149 : i1
      %add3A_2156 = arith.addi %rem3A_2147, %select_n3A_2146 : i32
      %select_n3A_2157 = arith.select %and3A_2155, %add3A_2156, %rem3A_2147 : i32
      %eq3A_2158 = arith.constant 15 : i32
      %eq3A_2159 = arith.cmpi eq, %select_n3A_2157, %eq3A_2158 : i32
      %convert_element_type3A_2160 = arith.extui %eq3A_2159 : i1 to i32
      %cond3A_2161 = arith.constant 0 : i32
      %cond3A_2162 = arith.cmpi ne, %convert_element_type3A_2160, %cond3A_2161 : i32
      scf.if %cond3A_2162 {
        %jit3A_2163 = arith.constant 16 : i32
        %div3A_2164 = arith.divsi %add3A_1947, %jit3A_2163 : i32
        %sign3A_2165 = arith.constant 0 : i32
        %sign3A_2166 = arith.cmpi sgt, %add3A_1947, %sign3A_2165 : i32
        %sign3A_2167 = arith.extui %sign3A_2166 : i1 to i32
        %sign3A_2168 = arith.constant 0 : i32
        %sign3A_2169 = arith.cmpi slt, %add3A_1947, %sign3A_2168 : i32
        %sign3A_2170 = arith.extui %sign3A_2169 : i1 to i32
        %sign3A_2171 = arith.subi %sign3A_2167, %sign3A_2170 : i32
        %sign3A_2172 = arith.constant 0 : i32
        %sign3A_2173 = arith.cmpi sgt, %jit3A_2163, %sign3A_2172 : i32
        %sign3A_2174 = arith.extui %sign3A_2173 : i1 to i32
        %sign3A_2175 = arith.constant 0 : i32
        %sign3A_2176 = arith.cmpi slt, %jit3A_2163, %sign3A_2175 : i32
        %sign3A_2177 = arith.extui %sign3A_2176 : i1 to i32
        %sign3A_2178 = arith.subi %sign3A_2174, %sign3A_2177 : i32
        %ne3A_2179 = arith.cmpi ne, %sign3A_2171, %sign3A_2178 : i32
        %rem3A_2180 = arith.remsi %add3A_1947, %jit3A_2163 : i32
        %ne3A_2181 = arith.constant 0 : i32
        %ne3A_2182 = arith.cmpi ne, %rem3A_2180, %ne3A_2181 : i32
        %and3A_2183 = arith.andi %ne3A_2179, %ne3A_2182 : i1
        %sub3A_2184 = arith.constant 1 : i32
        %sub3A_2185 = arith.subi %div3A_2164, %sub3A_2184 : i32
        %select_n3A_2186 = arith.select %and3A_2183, %sub3A_2185, %div3A_2164 : i32
        %mul3A_2187 = arith.constant 16 : i32
        %mul3A_2188 = arith.muli %select_n3A_2186, %mul3A_2187 : i32
        %swap3A = arith.index_cast %mul3A_2188 : i32 to index
        %swap3A_2189 = tpu.vector_load %arg11[%swap3A] {strides = array<i32>} : memref<512xf32, #tpu.memory_space<vmem>>, vector<16xf32>,
        tpu.vector_store %arg11[%swap3A], %select_n3A_2141 {strides = array<i32>} : memref<512xf32, #tpu.memory_space<vmem>>, vector<16xf32>,
      } else {
      }
      scf.yield %select_n3A_2141 : vector<16xf32>
    }
    %scan3A_416 = arith.constant 64 : i32
    "tpu.region"() ({
      %run_scoped3A = tpu.sem_alloc : memref<!tpu.dma_semaphore, #tpu.memory_space<semaphore_mem>>
      %dma_start3A_417 = tpu.memref_slice %arg7[%mul3A_2] : memref<16384xf32, #tpu.memory_space<hbm>> -> memref<512xf32, #tpu.memory_space<hbm>>
      %dma_start3A_418 = tpu.memref_slice %arg7[%mul3A_2] : memref<16384xf32, #tpu.memory_space<hbm>> -> memref<512xf32, #tpu.memory_space<hbm>>
      tpu.enqueue_dma source(%arg11 : memref<512xf32, #tpu.memory_space<vmem>>) target(%dma_start3A_418 : memref<512xf32, #tpu.memory_space<hbm>>) target_semaphore(%run_scoped3A : memref<!tpu.dma_semaphore, #tpu.memory_space<semaphore_mem>>)
      %dma_wait3A = tpu.memref_slice %arg7[%mul3A_2] : memref<16384xf32, #tpu.memory_space<hbm>> -> memref<512xf32, #tpu.memory_space<hbm>>
      %dma_wait3A_419 = tpu.memref_slice %arg7[%mul3A_2] : memref<16384xf32, #tpu.memory_space<hbm>> -> memref<512xf32, #tpu.memory_space<hbm>>
      tpu.wait_dma2 semaphore(%run_scoped3A : memref<!tpu.dma_semaphore, #tpu.memory_space<semaphore_mem>>) src(%arg11 : memref<512xf32, #tpu.memory_space<vmem>>) dst(%dma_wait3A_419 : memref<512xf32, #tpu.memory_space<hbm>>)
      tpu.yield
    }) : () -> ()
    return
  }
}

</mosaic_0001>

<sc_bundles>
// kernel: _run.3.cloned.1.call-start
scs
__scs_entry_jumppad:
0x0: {  	(pc) =	sbr.rel $0x88, $3  }
0x1: {  	(tag) =	ssettag $0x0;
	lr =	simm.s32 $0x1  }
0x2: {  	[smem:$0x3F9C] =	sst lr;
	_ =	strace $0xD0000000  }
0x3: {  	_ = 	snop  }
0x4: {  	_ = 	snop  }
0x5: {  	_ = 	snop  }
0x6: {  	_ = 	snop  }
0x7: {  	_ = 	snop  }
__scs_overlays_trampoline_lowered:
0x8: {  	[smem:$0x3FAB] =	sst s0  }
0x9: {  	[smem:$0x3FAC] =	sst s1  }
0xa: {  	[smem:$0x3FAD] =	sst s2  }
0xb: {  	[smem:$0x3FAE] =	sst s3  }
0xc: {  	[smem:$0x3FAF] =	sst s4  }
0xd: {  	[smem:$0x3FB0] =	sst s5  }
0xe: {  	[smem:$0x3FB1] =	sst s6  }
0xf: {  	[smem:$0x3FB2] =	sst s7  }
0x10: {  	[smem:$0x3FB3] =	sst s8  }
0x11: {  	[smem:$0x3FB4] =	sst s9;
	s0 =	simm.s32 @!p0 $0x0  }
0x12: {  	s1 =	sld [smem:$0x3F9A];
	s0 =	simm.s32 @p0 $0x1  }
0x13: {  	[smem:$0x3FB5] =	sst s0;
	s0 =	simm.s32 @!p1 $0x0  }
0x14: {  	s2 =	sld [smem:$0x3F99];
	s0 =	simm.s32 @p1 $0x1  }
0x15: {  	[smem:$0x3FB6] =	sst s0;
	s0 =	simm.s32 @!p2 $0x0  }
0x16: {  	s3 =	sld [smem:$0x3FDB];
	s0 =	simm.s32 @p2 $0x1  }
0x17: {  	s4 =	simm.s32 $0x1BF5;
	[smem:$0x3FB8] =	sst s0  }
0x18: {  	s0 =	sld [smem:$0x3F9B];
	_ =	swait.ge [sflag:s4], $0x0  }
0x19: {  	s7 =	sld [smem:$0x3F9C]  }
0x1a: {  	s8 =	sadd.s32 $0xFFFFE003, lr  }
0x1b: {  	s9 =	sadd.s32 $0xFFFFFEF7, lr;
	s5 =	simm.s32 $0xFFFFFFFF;
	p2 =	slt.u32 s8, $0xFFFFF086  }
0x1c: {  	p1 =	slt.u32 s9, $0xF7A;
	s5 =	simm.s32 @!p2 $0x0  }
0x1d: {  	s5 =	simm.s32 @p1 $0x1;
	p0 =	seq.s32 s7, s2  }
0x1e: {  	s7 =	smul.u32 @!p0 $0xF7A, s2;
	p2 =	seq.s32 @!p0 s5, $0x0  }
0x1f: {  	s9 =	smul.u32 $0xF7A, s1;
	s8 =	simm.s32 @!p0 $0x1BF5;
	p2 =	por !p2, p0  }
0x20: {  	[sflag:s8] =	ssyncset.s32 @!p0 $0xFFFFF086;
	s6 =	sadd.s32 @!p0 s3, s7;
	s7 =	simm.s32 @!p0 $0x108  }
0x21: {  	s3 =	sadd.s32 s3, s9;
	s6 =	sadd.s32 @!p0 $0x88, s6;
	s7 =	simm.s32 @p2 $0x1082  }
0x22: {  	[simem:s7], [sflag:s8] =	dma.local @!p0 [hbm:s6], $0xF7A  }
0x23: {  	s9 =	sor.u32 $0xD0000000, s2;
	s6 =	simm.s32 $0x108;
	_ =	swait.ge @!p0 [sflag:s8], $0x0  }
0x24: {  	s3 =	sadd.s32 $0x88, s3;
	s6 =	simm.s32 @!p1 $0x1082;
	[sflag:s4] =	ssyncset.s32 $0xFFFFF086  }
0x25: {  	[simem:s6], [sflag:s4] =	dma.local [hbm:s3], $0xF7A  }
0x26: {  	[smem:$0x3F9C] =	sst s1;
	(tag) =	ssettag s2;
	_ =	strace s9  }
0x27: {  	s1 =	sld [smem:$0x3FAC]  }
0x28: {  	s2 =	sld [smem:$0x3FAD]  }
0x29: {  	s4 =	sld [smem:$0x3FAF]  }
0x2a: {  	p0 =	seq.s32 s5, $0x0;
	s5 =	sld [smem:$0x3FB0]  }
0x2b: {  	s6 =	sld [smem:$0x3FB1]  }
0x2c: {  	s7 =	sld [smem:$0x3FB2]  }
0x2d: {  	s3 =	simm.s32 $0x108;
	s8 =	sld [smem:$0x3FB3]  }
0x2e: {  	s3 =	simm.s32 @!p0 $0x1082;
	s9 =	sld [smem:$0x3FB4]  }
0x2f: {  	lr =	sadd.s32 s0, s3;
	s0 =	sld [smem:$0x3FAB]  }
0x30: {  	s3 =	sld [smem:$0x3FAE]  }
0x31: {  	[smem:$0x3FB7] =	sst s10  }
0x32: {  	s10 =	sld [smem:$0x3FB5];
	_ =	sdelay $0x3  }
0x33: {  	p0 =	seq.s32 s10, $0x1;
	s10 =	sld [smem:$0x3FB7];
	_ =	sdelay $0x3  }
0x34: {  	[smem:$0x3FB7] =	sst s10  }
0x35: {  	s10 =	sld [smem:$0x3FB6];
	_ =	sdelay $0x3  }
0x36: {  	p1 =	seq.s32 s10, $0x1;
	s10 =	sld [smem:$0x3FB7];
	_ =	sdelay $0x3  }
0x37: {  	[smem:$0x3FB7] =	sst s10  }
0x38: {  	s10 =	sld [smem:$0x3FB8]  }
0x39: {  	_ = 	snop;
	(pc) =	sbr.ind lr, $3  }
0x3a: {  	_ = 	snop  }
0x3b: {  	_ = 	snop  }
0x3c: {  	p2 =	seq.s32 s10, $0x1;
	s10 =	sld [smem:$0x3FB7]  }
0x3d: {  	_ =	shalt  }
0x3e: {  	_ =	shalt  }
0x3f: {  	_ =	shalt  }
0x40: {  	_ =	shalt  }
0x41: {  	_ =	shalt  }
0x42: {  	_ =	shalt  }
0x43: {  	_ =	shalt  }
0x44: {  	_ =	shalt  }
0x45: {  	_ =	shalt  }
0x46: {  	_ =	shalt  }
0x47: {  	_ =	shalt  }
0x48: {  	_ =	shalt  }
0x49: {  	_ =	shalt  }
0x4a: {  	_ =	shalt  }
0x4b: {  	_ =	shalt  }
0x4c: {  	_ =	shalt  }
0x4d: {  	_ =	shalt  }
0x4e: {  	_ =	shalt  }
0x4f: {  	_ =	shalt  }
0x50: {  	_ =	shalt  }
0x51: {  	_ =	shalt  }
0x52: {  	_ =	shalt  }
0x53: {  	_ =	shalt  }
0x54: {  	_ =	shalt  }
0x55: {  	_ =	shalt  }
0x56: {  	_ =	shalt  }
0x57: {  	_ =	shalt  }
0x58: {  	_ =	shalt  }
0x59: {  	_ =	shalt  }
0x5a: {  	_ =	shalt  }
0x5b: {  	_ =	shalt  }
0x5c: {  	_ =	shalt  }
0x5d: {  	_ =	shalt  }
0x5e: {  	_ =	shalt  }
0x5f: {  	_ =	shalt  }
0x60: {  	_ =	shalt  }
0x61: {  	_ =	shalt  }
0x62: {  	_ =	shalt  }
0x63: {  	_ =	shalt  }
0x64: {  	_ =	shalt  }
0x65: {  	_ =	shalt  }
0x66: {  	_ =	shalt  }
0x67: {  	_ =	shalt  }
0x68: {  	_ =	shalt  }
0x69: {  	_ =	shalt  }
0x6a: {  	_ =	shalt  }
0x6b: {  	_ =	shalt  }
0x6c: {  	_ =	shalt  }
0x6d: {  	_ =	shalt  }
0x6e: {  	_ =	shalt  }
0x6f: {  	_ =	shalt  }
0x70: {  	_ =	shalt  }
0x71: {  	_ =	shalt  }
0x72: {  	_ =	shalt  }
0x73: {  	_ =	shalt  }
0x74: {  	_ =	shalt  }
0x75: {  	_ =	shalt  }
0x76: {  	_ =	shalt  }
0x77: {  	_ =	shalt  }
0x78: {  	_ =	shalt  }
0x79: {  	_ =	shalt  }
0x7a: {  	_ =	shalt  }
0x7b: {  	_ =	shalt  }
0x7c: {  	_ =	shalt  }
0x7d: {  	_ =	shalt  }
0x7e: {  	_ =	shalt  }
0x7f: {  	_ =	shalt  }
0x80: {  	_ =	shalt  }
0x81: {  	_ =	shalt  }
0x82: {  	_ =	shalt  }
0x83: {  	_ =	shalt  }
0x84: {  	_ =	shalt  }
0x85: {  	_ =	shalt  }
0x86: {  	_ =	shalt  }
0x87: {  	_ =	shalt  }
.Lfunc_end0:
.L_simem_size_0:
called_computation_lowered:
.L_overlay_start_0:
0x88: {  	s2 =	sld [smem:$0x3FD9]  }
0x89: {  	s3 =	sld [smem:$0x3FFE];
	_ =	sdelay $0x1  }
0x8a: {  	s1 =	srdreg.scid  }
0x8b: {  	s0 =	sand.u32 $0x1, s1  }
0x8c: {  	s18 =	sshll.u32 s0, $0xA;
	s2 =	sadd.s32 s3, s2  }
0x8d: {  	s2 =	sadd.s32 s2, s18  }
0x8e: {  	[smem:$0x3FC3] =	sst s2  }
0x8f: {  	_ = 	snop  }
0x90: {  	s2 =	sld [smem:$0x3FC9]  }
0x91: {  	s19 =	sld [smem:$0x3FC8]  }
0x92: {  	s4 =	sld [smem:$0x3FC7]  }
0x93: {  	s5 =	sld [smem:$0x3FC6]  }
0x94: {  	s6 =	sld [smem:$0x3FC5]  }
0x95: {  	s7 =	sld [smem:$0x3FD0];
	(tm) =	ssettm $0x1  }
0x96: {  	s8 =	sld [smem:$0x3FFB];
	_ =	sdelay $0x3  }
0x97: {  	_ =	strace s8  }
0x98: {  	s8 =	sld [smem:$0x3FFC];
	_ =	sdelay $0x3  }
0x99: {  	_ =	strace s8  }
0x9a: {  	s8 =	sld [smem:$0x3FFD];
	_ =	sdelay $0x3  }
0x9b: {  	_ =	strace s8  }
0x9c: {  	_ =	strace $0x8FFFFFFF  }
0x9d: {  	s20 =	sld [smem:$0x3FDB];
	_ =	sdelay $0x1  }
0x9e: {  	s9 =	simm.s32 $_scs_section_size  }
0x9f: {  	s10 =	simm.s32 $_size__tile_overlayer_lowered;
	s11 =	simm.s32 $_tile_overlayer_lowered  }
0xa0: {  	s23 =	simm.s32 $0x1BFF;
	s22 =	sshll.u32 s11, $0x1;
	s8 =	sadd.s32 s9, s20  }
0xa1: {  	s12 =	simm.s32 $0x0;
	s21 =	sshll.u32 s10, $0x1;
	s10 =	sadd.s32 s22, s8  }
0xa2: {  	[timem:s12], [sflag:s23] =	dma.local [hbm:s10], s21  }
0xa3: {  	_ =	swait.ge [sflag:s23], s21  }
0xa4: {  	s9 =	ssub.s32 $0x0, s21;
	[sflag:s23] =	ssyncset.done $0x0  }
0xa5: {  	[sflag:s23] =	ssyncadd.s32 s9;
	_ =	sdelay $0x1  }
0xa6: {  	s24 =	simm.s32 $0x1B8B  }
0xa7: {  	_ =	swait.ge [sflag:s24], $0x1  }
0xa8: {  	[sflag:s24] =	ssyncset.done $0x0  }
0xa9: {  	s25 =	simm.s32 $0x1B8E;
	[sflag:s24] =	ssyncadd.s32 $0xFFFFFFFF  }
0xaa: {  	s26 =	simm.s32 $execute0_lowered;
	[smem:$0x3FD2] =	sst s25  }
0xab: {  	s9 =	sshll.u32 s26, $0x1;
	_ =	strace $0x80000046;
	[dreg:$0x1] =	wrdreg $0xFFFFFFFF  }
0xac: {  	s28 =	simm.s32 $_size_execute0_lowered;
	s8 =	sadd.s32 s8, s9;
	[dreg:$0x0] =	wrdreg $0x0  }
0xad: {  	s9 =	sshll.u32 s28, $0x1;
	[dreg:$0x2] =	wrdreg s8  }
0xae: {  	[dreg:$0x3] =	wrdreg s9  }
0xaf: {  	[dreg:$0x4] =	wrdreg $0xC0  }
0xb0: {  	_ =	task [dreg:s12], $0x5FFFF  }
0xb1: {  	[dreg:$0x1] =	wrdreg $0xFFFFFFFF  }
0xb2: {  	[dreg:$0x0] =	wrdreg $0x60  }
0xb3: {  	[dreg:$0x2] =	wrdreg s2  }
0xb4: {  	[dreg:$0x3] =	wrdreg s19  }
0xb5: {  	[dreg:$0x4] =	wrdreg s4  }
0xb6: {  	[dreg:$0x5] =	wrdreg s5  }
0xb7: {  	[dreg:$0x6] =	wrdreg s6  }
0xb8: {  	[dreg:$0x7] =	wrdreg s7  }
0xb9: {  	[dreg:$0x8] =	wrdreg $0x127800  }
0xba: {  	[dreg:$0x9] =	wrdreg $0x9  }
0xbb: {  	_ =	task.clear_ibuf [dreg:s12], $0xAFFFF;
	_ =	strace $0x90000046  }
0xbc: {  	s29 =	simm.s32 $0x9;
	_ =	strace $0x80000048  }
0xbd: {  	_ =	swait.ge [sflag:s29], $0x1  }
0xbe: {  	[sflag:s29] =	ssyncadd.s32 $0xFFFFFFFF  }
0xbf: {  	_ =	strace $0x90000048  }
0xc0: {  	_ =	sfence  }
0xc1: {  	s30 =	sld [smem:$0x0];
	_ =	sdelay $0x2  }
0xc2: {  	s31 =	sshll.u32 s1, $0xD;
	s1 =	sshrl.u32 s1, $0x2  }
0xc3: {  	s3 =	sand.u32 $0x4000, s31;
	s1 =	sadd.s32 s1, s30  }
0xc4: {  	s0 =	sor.u32 s3, s0;
	s1 =	sshll.u32 s1, $0x11  }
0xc5: {  	s0 =	sor.u32 s1, s0  }
0xc6: {  	s0 =	sadd.s32 $0x8F2B, s0  }
0xc7: {  	[sflag:s0] =	ssyncadd.remote.s32 $0x1  }
0xc8: {  	_ =	sfence.sel $0xFFFF  }
0xc9: {  	[dreg:$0x0] =	wrdreg $0xFFFFFFFF;
	(pc) =	sbr.abs _section_cstart, $3  }
0xca: {  	[dreg:$0x1] =	wrdreg $0xFFFFFFFF  }
0xcb: {  	_ =	task.clear_ibuf [dreg:s12], $0x2FFFF;
	_ =	strace $0x9FFFFFFF  }
0xcc: {  	(tm) =	ssettm $0x7FFFFFFF  }
0xcd: {  	_ =	shalt  }
tec
execute0_lowered:
.L_overlay_start_1:
0x0: {  	(tag) =	ssettag $0x1  }
0x1: {  	s0 =	rddreg [dreg:$0x0]  }
0x2: {  	s3 =	rddreg [dreg:$0x1]  }
0x3: {  	s1 =	rddreg [dreg:$0x2]  }
0x4: {  	s2 =	rddreg [dreg:$0x3]  }
0x5: {  	s4 =	rddreg [dreg:$0x5];
	v0 =	vlaneseq.u32  }
0x6: {  	s5 =	rddreg [dreg:$0x6];
	s12 =	simm.s32 $0x0;
	v1 =	vmul.u32 $0x80, v0  }
0x7: {  	s6 =	srdreg.scid;
	s13 =	stileid.u32;
	s14 =	simm.s32 $0xD  }
0x8: {  	s20 =	simm.s32 $0x780;
	s29 =	simm.s32 $0x8;
	s30 =	simm.s32 $0x80;
	v2 =	vor.u32 $0x800, v1  }
0x9: {  	s16 =	simm.s32 $0xA;
	[smem:$0x7FF] =	sst s12;
	s6 =	sand.u32 $0x1, s6;
	v3 =	vor.u32 $0x1000, v1;
	v4 =	vor.u32 $0x1800, v1;
	v5 =	vor.u32 $0x2000, v1  }
0xa: {  	s9 =	sshll.u32 s13, $0x7;
	s22 =	sshll.u32 s13, $0xF;
	s28 =	sshll.u32 s13, $0x6;
	v6 =	vor.u32 $0x2800, v1;
	v7 =	vor.u32 $0x3000, v1;
	v8 =	vor.u32 $0x3800, v1  }
0xb: {  	_ =	strace $0x80000047;
	s7 =	ssub.s32 $0x2, s6;
	s6 =	sshll.u32 s6, $0x6;
	v9 =	vor.u32 $0x4000, v1;
	v10 =	vor.u32 $0x4800, v1;
	v11 =	vor.u32 $0x5000, v1  }
0xc: {  	[dreg:$0xc] =	wrdreg s28;
	s8 =	sshrl.u32 s7, $0x1;
	s6 =	sor.u32 s6, s9;
	v12 =	vor.u32 $0x5800, v1;
	v13 =	vor.u32 $0x6000, v1;
	v14 =	vor.u32 $0x6800, v1  }
0xd: {  	v15 =	vor.u32 $0x7000, v1;
	v16 =	vor.u32 $0x7800, v1;
	v17 =	vor.u32 $0x8000, v1;
	s7 =	ssub.s32 s7, s8;
	s0 =	sadd.s32 s0, s6;
	s23 =	sadd.s32 s3, s6  }
0xe: {  	v18 =	vor.u32 $0x8800, v1;
	v19 =	vor.u32 $0x9000, v1;
	v20 =	vor.u32 $0x9800, v1;
	s8 =	sadd.s32 s22, s5;
	s25 =	sadd.s32 s4, s6;
	[dreg:$0x8] =	wrdreg s0  }
0xf: {  	v21 =	vor.u32 $0xA000, v1;
	v22 =	vor.u32 $0xA800, v1;
	v23 =	vor.u32 $0xB000, v1;
	s3 =	simm.s32 $0x10780;
	s22 =	simm.s32 $0xB;
	[dreg:$0x9] =	wrdreg s23  }
0x10: {  	v24 =	vor.u32 $0xB800, v1;
	v25 =	vor.u32 $0xC000, v1;
	v26 =	vor.u32 $0xC800, v1;
	s4 =	simm.s32 $0x0;
	s24 =	sadd.s32 $0x4000, s8;
	[dreg:$0xa] =	wrdreg s25  }
0x11: {  	v27 =	vor.u32 $0xD000, v1;
	v28 =	vor.u32 $0xD800, v1;
	v29 =	vor.u32 $0xE000, v1;
	s31 =	sadd.s32 $0x2000, s8;
	s26 =	smax.u32 s7, $0x1;
	[dreg:$0xd] =	wrdreg s24  }
0x12: {  	v30 =	vor.u32 $0xE800, v1;
	v31 =	vor.u32 $0xF000, v1;
	v32 =	vor.u32 $0xF800, v1;
	s11 =	sadd.s32 $0x6000, s8;
	[dreg:$0xb] =	wrdreg s26;
	s24 =	simm.s32 $0xC  }
.LBB2_1:
0x13: {  	[dreg:$0xe] =	wrdreg s4  }
0x14: {  	s0 =	rddreg [dreg:$0x8]  }
0x15: {  	[tilespmem:s12], [sflag:$0xD] =	stream.linear.gather [hbm4b:s0+s12], $0x200, $0x38;
	[tilespmem:$0x1A780] =	vst v63  }
0x16: {  	_ =	swait.ge [sflag:s14], $0x200  }
0x17: {  	[sflag:s14] =	ssyncset.done $0x0  }
0x18: {  	s15 =	simm.s32 $0x280;
	s13 =	rddreg [dreg:$0x9];
	[sflag:s14] =	ssyncadd.s32 $0xFFFFFE00  }
0x19: {  	[tilespmem:s15], [sflag:$0xD] =	stream.linear.gather [hbm4b:s13+s12], $0x200, $0x38;
	[tilespmem:$0x1A780] =	vst v63  }
0x1a: {  	_ =	swait.ge [sflag:s14], $0x200  }
0x1b: {  	[sflag:s14] =	ssyncset.done $0x0  }
0x1c: {  	[sflag:s14] =	ssyncadd.s32 $0xFFFFFE00  }
0x1d: {  	s18 =	simm.s32 $0x500;
	s17 =	rddreg [dreg:$0x4]  }
0x1e: {  	[tilespmem:s18], [sflag:$0xD] =	stream.linear.gather [hbm4b:s17+s12], $0x80, $0x38;
	[tilespmem:$0x1A780] =	vst v63  }
0x1f: {  	_ =	swait.ge [sflag:s14], $0x80  }
0x20: {  	[sflag:s14] =	ssyncset.done $0x0  }
0x21: {  	[sflag:s14] =	ssyncadd.s32 $0xFFFFFF80  }
0x22: {  	v33 =	vld [tilespmem:$0x0];
	_ =	sdelay $0x4  }
0x23: {  	(v2sf) =	vpush v33, $0x0;
	_ =	sdelay $0xe  }
0x24: {  	s19 =	spop (v2sf)  }
0x25: {  	s21 =	sand.u32 $0x7F, s19  }
0x26: {  	s6 =	sshra.s32 s19, $0x1F;
	p0 =	slt.s32 s19, $0x1;
	p1 =	sne.s32 s21, $0x0  }
0x27: {  	s23 =	sshrl.u32 s6, $0x19;
	p0 =	por !p0, !p1  }
0x28: {  	s4 =	simm.s32 $0x1;
	s0 =	sadd.s32 s23, s19;
	p0 =	por !p0, !p0  }
0x29: {  	s0 =	sshrl.u32 s0, $0x7;
	s4 =	simm.s32 @!p0 $0x0  }
0x2a: {  	s0 =	ssub.s32 s0, s4  }
0x2b: {  	v34 =	vld [tilespmem:$0x510];
	s0 =	sshll.u32 s0, $0x7  }
0x2c: {  	v35 =	vld [tilespmem:$0x520];
	s0 =	sand.u32 $0x1FFFFF80, s0  }
0x2d: {  	s7 =	simm.s32 $0x400;
	s12 =	simm.s32 $0x7A1400;
	v36 =	vld [tilespmem:$0x530];
	s0 =	sadd.s32 s1, s0  }
0x2e: {  	v33 =	vld [tilespmem:$0x500];
	[tilespmem:s20], [sflag:$0x1] =	stream.strided.gather [hbm4b:s0+s7], $0x2000, s12, s7, $0x38  }
0x2f: {  	v37 =	vld [tilespmem:$0x1];
	_ =	sdelay $0x4  }
0x30: {  	(v2sf) =	vpush v37, $0x0;
	_ =	sdelay $0xe  }
0x31: {  	s25 =	spop (v2sf)  }
0x32: {  	s26 =	sand.u32 $0x7F, s25  }
0x33: {  	s28 =	sshra.s32 s25, $0x1F;
	p1 =	slt.s32 s25, $0x1;
	p2 =	sne.s32 s26, $0x0  }
0x34: {  	s5 =	sshrl.u32 s28, $0x19;
	p0 =	por !p1, !p2  }
0x35: {  	s4 =	simm.s32 $0x1;
	s0 =	sadd.s32 s5, s25;
	p0 =	por !p0, !p0  }
0x36: {  	s0 =	sshrl.u32 s0, $0x7;
	s4 =	simm.s32 @!p0 $0x0  }
0x37: {  	s0 =	ssub.s32 s0, s4  }
0x38: {  	s0 =	sshll.u32 s0, $0x7  }
0x39: {  	s0 =	sand.u32 $0x1FFFFF80, s0  }
0x3a: {  	s6 =	simm.s32 $0x2780;
	s0 =	sadd.s32 s1, s0  }
0x3b: {  	[tilespmem:s6], [sflag:$0x2] =	stream.strided.gather [hbm4b:s0+s7], $0x2000, s12, s7, $0x38;
	[tilespmem:$0x1A780] =	vst v63  }
0x3c: {  	v56 =	vld [tilespmem:$0x2];
	_ =	sdelay $0x4  }
0x3d: {  	(v2sf) =	vpush v56, $0x0;
	_ =	sdelay $0xe  }
0x3e: {  	s9 =	spop (v2sf)  }
0x3f: {  	s10 =	sand.u32 $0x7F, s9  }
0x40: {  	s13 =	sshra.s32 s9, $0x1F;
	p3 =	slt.s32 s9, $0x1;
	p4 =	sne.s32 s10, $0x0  }
0x41: {  	s15 =	sshrl.u32 s13, $0x19;
	p0 =	por !p3, !p4  }
0x42: {  	s4 =	simm.s32 $0x1;
	s0 =	sadd.s32 s15, s9;
	p0 =	por !p0, !p0  }
0x43: {  	s0 =	sshrl.u32 s0, $0x7;
	s4 =	simm.s32 @!p0 $0x0  }
0x44: {  	s0 =	ssub.s32 s0, s4  }
0x45: {  	s0 =	sshll.u32 s0, $0x7  }
0x46: {  	s0 =	sand.u32 $0x1FFFFF80, s0  }
0x47: {  	s17 =	simm.s32 $0x4780;
	s0 =	sadd.s32 s1, s0  }
0x48: {  	[tilespmem:s17], [sflag:$0x3] =	stream.strided.gather [hbm4b:s0+s7], $0x2000, s12, s7, $0x38;
	[tilespmem:$0x1A780] =	vst v63  }
0x49: {  	v57 =	vld [tilespmem:$0x3];
	_ =	sdelay $0x4  }
0x4a: {  	(v2sf) =	vpush v57, $0x0;
	_ =	sdelay $0xe  }
0x4b: {  	s18 =	spop (v2sf)  }
0x4c: {  	s19 =	sand.u32 $0x7F, s18  }
0x4d: {  	s21 =	sshra.s32 s18, $0x1F;
	p5 =	slt.s32 s18, $0x1;
	p6 =	sne.s32 s19, $0x0  }
0x4e: {  	s23 =	sshrl.u32 s21, $0x19;
	p0 =	por !p5, !p6  }
0x4f: {  	s4 =	simm.s32 $0x1;
	s0 =	sadd.s32 s23, s18;
	p0 =	por !p0, !p0  }
0x50: {  	s0 =	sshrl.u32 s0, $0x7;
	s4 =	simm.s32 @!p0 $0x0  }
0x51: {  	s0 =	ssub.s32 s0, s4  }
0x52: {  	s0 =	sshll.u32 s0, $0x7  }
0x53: {  	s0 =	sand.u32 $0x1FFFFF80, s0  }
0x54: {  	s25 =	simm.s32 $0x6780;
	s0 =	sadd.s32 s1, s0  }
0x55: {  	[tilespmem:s25], [sflag:$0x4] =	stream.strided.gather [hbm4b:s0+s7], $0x2000, s12, s7, $0x38;
	[tilespmem:$0x1A780] =	vst v63  }
0x56: {  	v58 =	vld [tilespmem:$0x4];
	_ =	sdelay $0x4  }
0x57: {  	(v2sf) =	vpush v58, $0x0;
	_ =	sdelay $0xe  }
0x58: {  	s26 =	spop (v2sf)  }
0x59: {  	s28 =	sand.u32 $0x7F, s26  }
0x5a: {  	s5 =	sshra.s32 s26, $0x1F;
	p1 =	slt.s32 s26, $0x1;
	p2 =	sne.s32 s28, $0x0  }
0x5b: {  	s9 =	sshrl.u32 s5, $0x19;
	p0 =	por !p1, !p2  }
0x5c: {  	s4 =	simm.s32 $0x1;
	s0 =	sadd.s32 s9, s26;
	p0 =	por !p0, !p0  }
0x5d: {  	s0 =	sshrl.u32 s0, $0x7;
	s4 =	simm.s32 @!p0 $0x0  }
0x5e: {  	s0 =	ssub.s32 s0, s4  }
0x5f: {  	s0 =	sshll.u32 s0, $0x7  }
0x60: {  	s0 =	sand.u32 $0x1FFFFF80, s0  }
0x61: {  	s10 =	simm.s32 $0x8780;
	s0 =	sadd.s32 s1, s0  }
0x62: {  	[tilespmem:s10], [sflag:$0x5] =	stream.strided.gather [hbm4b:s0+s7], $0x2000, s12, s7, $0x38;
	[tilespmem:$0x1A780] =	vst v63  }
0x63: {  	v59 =	vld [tilespmem:$0x5];
	_ =	sdelay $0x4  }
0x64: {  	(v2sf) =	vpush v59, $0x0;
	_ =	sdelay $0xe  }
0x65: {  	s13 =	spop (v2sf)  }
0x66: {  	s15 =	sand.u32 $0x7F, s13  }
0x67: {  	s17 =	sshra.s32 s13, $0x1F;
	p3 =	slt.s32 s13, $0x1;
	p4 =	sne.s32 s15, $0x0  }
0x68: {  	s18 =	sshrl.u32 s17, $0x19;
	p0 =	por !p3, !p4  }
0x69: {  	s4 =	simm.s32 $0x1;
	s0 =	sadd.s32 s18, s13;
	p0 =	por !p0, !p0  }
0x6a: {  	s0 =	sshrl.u32 s0, $0x7;
	s4 =	simm.s32 @!p0 $0x0  }
0x6b: {  	s0 =	ssub.s32 s0, s4  }
0x6c: {  	s0 =	sshll.u32 s0, $0x7  }
0x6d: {  	s0 =	sand.u32 $0x1FFFFF80, s0  }
0x6e: {  	s19 =	simm.s32 $0xA780;
	s0 =	sadd.s32 s1, s0  }
0x6f: {  	[tilespmem:s19], [sflag:$0x6] =	stream.strided.gather [hbm4b:s0+s7], $0x2000, s12, s7, $0x38;
	[tilespmem:$0x1A780] =	vst v63  }
0x70: {  	v60 =	vld [tilespmem:$0x6];
	_ =	sdelay $0x4  }
0x71: {  	(v2sf) =	vpush v60, $0x0;
	_ =	sdelay $0xe  }
0x72: {  	s21 =	spop (v2sf)  }
0x73: {  	s23 =	sand.u32 $0x7F, s21  }
0x74: {  	s25 =	sshra.s32 s21, $0x1F;
	p5 =	slt.s32 s21, $0x1;
	p6 =	sne.s32 s23, $0x0  }
0x75: {  	s26 =	sshrl.u32 s25, $0x19;
	p0 =	por !p5, !p6  }
0x76: {  	s4 =	simm.s32 $0x1;
	s0 =	sadd.s32 s26, s21;
	p0 =	por !p0, !p0  }
0x77: {  	s0 =	sshrl.u32 s0, $0x7;
	s4 =	simm.s32 @!p0 $0x0  }
0x78: {  	s0 =	ssub.s32 s0, s4  }
0x79: {  	s0 =	sshll.u32 s0, $0x7  }
0x7a: {  	s0 =	sand.u32 $0x1FFFFF80, s0  }
0x7b: {  	s28 =	simm.s32 $0xC780;
	s0 =	sadd.s32 s1, s0  }
0x7c: {  	[tilespmem:s28], [sflag:$0x7] =	stream.strided.gather [hbm4b:s0+s7], $0x2000, s12, s7, $0x38;
	[tilespmem:$0x1A780] =	vst v63  }
0x7d: {  	v61 =	vld [tilespmem:$0x280];
	_ =	sdelay $0x4  }
0x7e: {  	(v2sf) =	vpush v61, $0x0;
	_ =	sdelay $0xe  }
0x7f: {  	s5 =	spop (v2sf)  }
0x80: {  	s6 =	sand.u32 $0x7F, s5  }
0x81: {  	s7 =	sshra.s32 s5, $0x1F;
	p1 =	slt.s32 s5, $0x1;
	p2 =	sne.s32 s6, $0x0  }
0x82: {  	s9 =	sshrl.u32 s7, $0x19;
	p0 =	por !p1, !p2  }
0x83: {  	s4 =	simm.s32 $0x1;
	s0 =	sadd.s32 s9, s5;
	p0 =	por !p0, !p0  }
0x84: {  	s0 =	sshrl.u32 s0, $0x7;
	s4 =	simm.s32 @!p0 $0x0  }
0x85: {  	s10 =	rddreg [dreg:$0xc];
	s0 =	ssub.s32 s0, s4  }
0x86: {  	s12 =	sor.u32 $0x1C09, s10;
	s0 =	sshll.u32 s0, $0x7  }
0x87: {  	[dreg:$0xf] =	wrdreg s12;
	s5 =	sshrl.u32 s8, $0x3;
	s0 =	sand.u32 $0x1FFFFF80, s0  }
0x88: {  	s9 =	simm.s32 $0xF4280;
	[dreg:$0x10] =	wrdreg s5;
	s0 =	sadd.s32 s2, s0  }
0x89: {  	[spmem:s5@s30], [sflag:s12] =	dma.strided [hbm:s0@s9], $0x400, s29, $0x10   }
0x8a: {  	v62 =	vld [tilespmem:$0x281];
	_ =	sdelay $0x4  }
0x8b: {  	(v2sf) =	vpush v62, $0x0;
	_ =	sdelay $0xe  }
0x8c: {  	s0 =	spop (v2sf)  }
0x8d: {  	s13 =	sand.u32 $0x7F, s0  }
0x8e: {  	s15 =	sshra.s32 s0, $0x1F;
	p3 =	slt.s32 s0, $0x1;
	p4 =	sne.s32 s13, $0x0  }
0x8f: {  	s17 =	sshrl.u32 s15, $0x19;
	p0 =	por !p3, !p4  }
0x90: {  	s4 =	simm.s32 $0x1;
	s0 =	sadd.s32 s17, s0;
	p0 =	por !p0, !p0  }
0x91: {  	s0 =	sshrl.u32 s0, $0x7;
	s4 =	simm.s32 @!p0 $0x0  }
0x92: {  	s0 =	ssub.s32 s0, s4  }
0x93: {  	s18 =	sor.u32 $0x1C0A, s10;
	s0 =	sshll.u32 s0, $0x7  }
0x94: {  	s19 =	sshrl.u32 s31, $0x3;
	[dreg:$0x11] =	wrdreg s18;
	s0 =	sand.u32 $0x1FFFFF80, s0  }
0x95: {  	[dreg:$0x12] =	wrdreg s19;
	s0 =	sadd.s32 s2, s0  }
0x96: {  	[spmem:s19@s30], [sflag:s18] =	dma.strided [hbm:s0@s9], $0x400, s29, $0x10   }
0x97: {  	v63 =	vld [tilespmem:$0x282];
	_ =	sdelay $0x4  }
0x98: {  	(v2sf) =	vpush v63, $0x0;
	_ =	sdelay $0xe  }
0x99: {  	s0 =	spop (v2sf)  }
0x9a: {  	s21 =	sand.u32 $0x7F, s0  }
0x9b: {  	s23 =	sshra.s32 s0, $0x1F;
	p5 =	slt.s32 s0, $0x1;
	p6 =	sne.s32 s21, $0x0  }
0x9c: {  	s25 =	sshrl.u32 s23, $0x19;
	p0 =	por !p5, !p6  }
0x9d: {  	s4 =	simm.s32 $0x1;
	s0 =	sadd.s32 s25, s0;
	p0 =	por !p0, !p0  }
0x9e: {  	s0 =	sshrl.u32 s0, $0x7;
	s4 =	simm.s32 @!p0 $0x0  }
0x9f: {  	s26 =	sor.u32 $0x1C0B, s10;
	s0 =	ssub.s32 s0, s4  }
0xa0: {  	s5 =	simm.s32 $0xF4280;
	s28 =	rddreg [dreg:$0xd];
	s0 =	sshll.u32 s0, $0x7  }
0xa1: {  	[dreg:$0x13] =	wrdreg s26;
	s4 =	sshrl.u32 s28, $0x3;
	s0 =	sand.u32 $0x1FFFFF80, s0  }
0xa2: {  	s19 =	simm.s32 $0x0;
	[dreg:$0x14] =	wrdreg s4;
	s0 =	sadd.s32 s2, s0  }
0xa3: {  	v37 =	vimm.f32 $0.0e+00;
	[spmem:s4@s30], [sflag:s26] =	dma.strided [hbm:s0@s9], $0x400, s29, $0x10   }
.LBB2_2:
0xa4: {  	s28 =	sshll.u32 s19, $0x3  }
0xa5: {  	v38 =	vld [tilespmem:s28+$0x7];
	_ =	sdelay $0x4  }
0xa6: {  	(v2sf) =	vpush v38, $0x0;
	_ =	sdelay $0xe  }
0xa7: {  	s0 =	spop (v2sf)  }
0xa8: {  	s4 =	sand.u32 $0x7F, s0  }
0xa9: {  	s6 =	sshra.s32 s0, $0x1F;
	p0 =	slt.s32 s0, $0x1;
	p1 =	sne.s32 s4, $0x0  }
0xaa: {  	s9 =	sshrl.u32 s6, $0x19;
	p0 =	por !p0, !p1  }
0xab: {  	s4 =	simm.s32 $0x1;
	s0 =	sadd.s32 s9, s0;
	p0 =	por !p0, !p0  }
0xac: {  	s0 =	sshrl.u32 s0, $0x7;
	s4 =	simm.s32 @!p0 $0x0  }
0xad: {  	s0 =	ssub.s32 s0, s4  }
0xae: {  	s0 =	sshll.u32 s0, $0x7  }
0xaf: {  	s10 =	simm.s32 $0x400;
	s0 =	sand.u32 $0x1FFFFF80, s0  }
0xb0: {  	s12 =	simm.s32 $0x7A1400;
	s7 =	simm.s32 $0xE780;
	s0 =	sadd.s32 s1, s0  }
0xb1: {  	[tilespmem:s7], [sflag:$0x8] =	stream.strided.gather [hbm4b:s0+s10], $0x2000, s12, s10, $0x38;
	[tilespmem:$0x1A780] =	vst v63  }
0xb2: {  	v62 =	vld [tilespmem:s28+$0x283];
	_ =	sdelay $0x4  }
0xb3: {  	(v2sf) =	vpush v62, $0x0;
	_ =	sdelay $0xe  }
0xb4: {  	s13 =	spop (v2sf)  }
0xb5: {  	s15 =	sand.u32 $0x7F, s13  }
0xb6: {  	s17 =	sshra.s32 s13, $0x1F;
	p5 =	slt.s32 s13, $0x1;
	p6 =	sne.s32 s15, $0x0  }
0xb7: {  	s18 =	sshrl.u32 s17, $0x19;
	p0 =	por !p5, !p6  }
0xb8: {  	s4 =	simm.s32 $0x1;
	s0 =	sadd.s32 s18, s13;
	p0 =	por !p0, !p0  }
0xb9: {  	s0 =	sshrl.u32 s0, $0x7;
	s4 =	simm.s32 @!p0 $0x0  }
0xba: {  	s0 =	ssub.s32 s0, s4  }
0xbb: {  	s0 =	sshll.u32 s0, $0x7  }
0xbc: {  	s21 =	rddreg [dreg:$0xc];
	s23 =	simm.s32 $0x1;
	s0 =	sand.u32 $0x1FFFFF80, s0  }
0xbd: {  	s15 =	sor.u32 $0x1C0C, s21;
	s21 =	sshrl.u32 s11, $0x3;
	s0 =	sadd.s32 s2, s0  }
0xbe: {  	[spmem:s21@s30], [sflag:s15] =	dma.strided [hbm:s0@s5], $0x400, s29, $0x10   }
0xbf: {  	_ =	swait.ge [sflag:s23], $0x2000  }
0xc0: {  	[sflag:s23] =	ssyncset.done $0x0  }
0xc1: {  	s25 =	simm.s32 $0x9;
	[sflag:s23] =	ssyncadd.s32 $0xFFFFE000  }
0xc2: {  	_ =	swait.ge [sflag:s25], $0x400  }
0xc3: {  	[sflag:s25] =	ssyncset.done $0x0  }
0xc4: {  	[sflag:s25] =	ssyncadd.s32 $0xFFFFFC00  }
0xc5: {  	v63 =	vld [tilespmem:s28+$0x280];
	_ =	sdelay $0x4  }
0xc6: {  	(v2sf) =	vpush v63, $0x0;
	_ =	sdelay $0xe  }
0xc7: {  	s6 =	spop (v2sf)  }
0xc8: {  	s26 =	sand.u32 $0x70, s6  }
0xc9: {  	s9 =	smov.u32 s8;
	s7 =	simm.s32 $0x200;
	s4 =	sadd.s32 s26, s8  }
0xca: {  	s13 =	simm.s32 $0x10780;
	s23 =	sor.u32 $0x3, s28;
	v38 =	vld [tilespmem:s28+$0x0];
	s12 =	sadd.s32 $0x0, s4  }
.LBB2_3:
0xcb: {  	[tilespmem:s13], [sflag:$0xD] =	stream.linear.gather [spmem:s12], $0x10, $0x38;
	[tilespmem:$0x1A780] =	vst v63  }
0xcc: {  	s0 =	smov.u32 s7;
	p0 =	sne.s32 s7, $0x7E00  }
.Ltmp0:
0xcd: {  	s7 =	sadd.s32 $0x200, s7;
	(pc) =	sbr.rel @p0 .LBB2_3-.Ltmp0, $3  }
0xce: {  	_ =	sdelay $0x1  }
0xcf: {  	s0 =	sshra.s32 s0, $0x2  }
0xd0: {  	s12 =	sadd.s32 s0, s4;
	s13 =	sadd.s32 $0x10780, s0  }
0xd1: {  	(v2sf) =	vpush v38, $0x0;
	_ =	sdelay $0xd  }
0xd2: {  	[tilespmem:s13], [sflag:$0xD] =	stream.linear.gather [spmem:s12], $0x10, $0x38;
	[tilespmem:$0x1A780] =	vst v63  }
0xd3: {  	s0 =	spop (v2sf)  }
0xd4: {  	_ =	swait.ge [sflag:s14], $0x400  }
0xd5: {  	[sflag:s14] =	ssyncset.done $0x0  }
0xd6: {  	p0 =	seq.s32 s19, $0x3F;
	[sflag:s14] =	ssyncadd.s32 $0xFFFFFC00  }
0xd7: {  	v38 =	vld @!p0 [tilespmem:s28+$0x8];
	_ =	sdelay $0x4  }
0xd8: {  	(v2sf) =	vpush @!p0 v38, $0x0;
	_ =	sdelay $0xc  }
0xd9: {  	s4 =	sand.u32 $0xF, s6  }
0xda: {  	v39 =	vor.u32 s4, v1  }
0xdb: {  	v41 =	vor.u32 s4, v2;
	s6 =	spop @!p0 (v2sf)  }
0xdc: {  	v43 =	vor.u32 s4, v3;
	s7 =	sand.u32 @!p0 $0x7F, s6  }
0xdd: {  	v45 =	vor.u32 s4, v4;
	s0 =	sand.u32 $0x7F, s0;
	p1 =	slt.s32 @!p0 s6, $0x1;
	p2 =	sne.s32 @!p0 s7, $0x0  }
0xde: {  	v40 =	vor.u32 s0, v2;
	s7 =	sshra.s32 @!p0 s6, $0x1F;
	p1 =	por @!p0 !p1, !p2  }
0xdf: {  	v42 =	vor.u32 s0, v3;
	v39 =	vld.idx.msk [tilespmem:v39+s3+$0x0], $0xffff;
	s7 =	sshrl.u32 @!p0 s7, $0x19;
	p1 =	por @!p0 !p1, !p1  }
0xe0: {  	v58 =	vor.u32 s0, v1;
	v44 =	vor.u32 s0, v4;
	v41 =	vld.idx.msk [tilespmem:v41+s3+$0x0], $0xffff;
	s0 =	sadd.s32 @!p0 s7, s6;
	s6 =	simm.s32 @!p0 $0x1;
	p1 =	por !p1, p0  }
0xe1: {  	v43 =	vld.idx.msk [tilespmem:v43+s3+$0x0], $0xffff;
	s0 =	sshrl.u32 @!p0 s0, $0x7;
	s6 =	simm.s32 @p1 $0x0  }
0xe2: {  	v45 =	vld.idx.msk [tilespmem:v45+s3+$0x0], $0xffff;
	s0 =	ssub.s32 @!p0 s0, s6  }
0xe3: {  	v40 =	vld.idx.msk [tilespmem:v40+s20+$0x0], $0xffff;
	s0 =	sshll.u32 @!p0 s0, $0x7  }
0xe4: {  	s18 =	sor.u32 $0x4, s28;
	s4 =	simm.s32 @!p0 $0x400;
	v42 =	vld.idx.msk [tilespmem:v42+s20+$0x0], $0xffff;
	s0 =	sand.u32 @!p0 $0x1FFFFF80, s0  }
0xe5: {  	v44 =	vld.idx.msk [tilespmem:v44+s20+$0x0], $0xffff;
	s7 =	simm.s32 @!p0 $0x780;
	s6 =	simm.s32 @!p0 $0x7A1400;
	s0 =	sadd.s32 @!p0 s1, s0  }
0xe6: {  	v38 =	vld.idx.msk [tilespmem:v58+s20+$0x0], $0xffff;
	[tilespmem:s7], [sflag:$0x1] =	stream.strided.gather @!p0 [hbm4b:s0+s4], $0x2000, s6, s4, $0x38  }
0xe7: {  	v46 =	vld [tilespmem:s18+$0x280];
	_ =	sdelay $0x4  }
0xe8: {  	(v2sf) =	vpush v46, $0x0;
	_ =	sdelay $0x1  }
0xe9: {  	v38 =	vmul.f32 v39, v38;
	_ =	sdelay $0x1  }
0xea: {  	v59 =	vmul.f32 v41, v40;
	v38 =	vmul.f32 v38, v33;
	_ =	sdelay $0x1  }
0xeb: {  	v60 =	vmul.f32 v43, v42;
	v39 =	vmul.f32 v59, v34;
	v38 =	vadd.f32 $0.0e+00, v38;
	_ =	sdelay $0x1  }
0xec: {  	v61 =	vmul.f32 v45, v44;
	v40 =	vmul.f32 v60, v35;
	v38 =	vadd.f32 v39, v38;
	_ =	sdelay $0x1  }
0xed: {  	v39 =	vmul.f32 v61, v36;
	v38 =	vadd.f32 v40, v38;
	_ =	sdelay $0x1  }
0xee: {  	v38 =	vadd.f32 v39, v38;
	_ =	sdelay $0x1  }
0xef: {  	(xrf2) =	vadd.scan.msk.f32 $0xffff, v38  }
0xf0: {  	s7 =	spop (v2sf)  }
0xf1: {  	s8 =	smov.u32 s11;
	s10 =	sand.u32 $0x7F, s7  }
0xf2: {  	s11 =	sshra.s32 s7, $0x1F;
	p5 =	slt.s32 s7, $0x1;
	p6 =	sne.s32 s10, $0x0  }
0xf3: {  	s12 =	sshrl.u32 s11, $0x19;
	p1 =	por !p5, !p6  }
0xf4: {  	s4 =	simm.s32 $0x1;
	s0 =	sadd.s32 s12, s7;
	p1 =	por !p1, !p1  }
0xf5: {  	s0 =	sshrl.u32 s0, $0x7;
	s4 =	simm.s32 @!p1 $0x0  }
0xf6: {  	s0 =	ssub.s32 s0, s4  }
0xf7: {  	s0 =	sshll.u32 s0, $0x7  }
0xf8: {  	s13 =	rddreg [dreg:$0xf];
	s0 =	sand.u32 $0x1FFFFF80, s0  }
0xf9: {  	s25 =	simm.s32 $0x2;
	s17 =	rddreg [dreg:$0x10];
	v38, _, _ =	vpop (xrf2);
	s0 =	sadd.s32 s2, s0  }
0xfa: {  	[spmem:s17@s30], [sflag:s13] =	dma.strided [hbm:s0@s5], $0x400, s29, $0x10   }
0xfb: {  	_ =	swait.ge [sflag:s25], $0x2000  }
0xfc: {  	[sflag:s25] =	ssyncset.done $0x0  }
0xfd: {  	[sflag:s25] =	ssyncadd.s32 $0xFFFFE000  }
0xfe: {  	_ =	swait.ge [sflag:s16], $0x400  }
0xff: {  	[sflag:s16] =	ssyncset.done $0x0  }
0x100: {  	s7 =	sor.u32 $0x1, s28;
	[sflag:s16] =	ssyncadd.s32 $0xFFFFFC00  }
0x101: {  	v62 =	vld [tilespmem:s7+$0x280];
	_ =	sdelay $0x4  }
0x102: {  	(v2sf) =	vpush v62, $0x0;
	_ =	sdelay $0xe  }
0x103: {  	s13 =	sand.u32 $0x8, s28;
	s17 =	spop (v2sf)  }
0x104: {  	v38 =	vbroadcast v38, $0xF;
	v63 =	vmov s13;
	s26 =	sand.u32 $0x70, s17  }
0x105: {  	s6 =	sadd.s32 $0x8, s28;
	s10 =	smov.u32 s31;
	vm0 =	veq.s32 v63, v0;
	s12 =	sadd.s32 s26, s31  }
0x106: {  	s4 =	simm.s32 $0x200;
	v37 =	vsel vm0, v38, v37;
	v38 =	vld [tilespmem:s7+$0x0];
	s26 =	simm.s32 $0x10790;
	s25 =	sadd.s32 $0x0, s12  }
.LBB2_5:
0x107: {  	[tilespmem:s26], [sflag:$0xD] =	stream.linear.gather [spmem:s25], $0x10, $0x38;
	[tilespmem:$0x1A780] =	vst v63  }
0x108: {  	s0 =	smov.u32 s4;
	p1 =	sne.s32 s4, $0x7E00  }
.Ltmp1:
0x109: {  	s4 =	sadd.s32 $0x200, s4;
	(pc) =	sbr.rel @p1 .LBB2_5-.Ltmp1, $3  }
0x10a: {  	_ =	sdelay $0x1  }
0x10b: {  	s0 =	sshra.s32 s0, $0x2  }
0x10c: {  	s25 =	sadd.s32 s0, s12;
	s26 =	sadd.s32 $0x10790, s0  }
0x10d: {  	(v2sf) =	vpush v38, $0x0;
	_ =	sdelay $0xd  }
0x10e: {  	[tilespmem:s26], [sflag:$0xD] =	stream.linear.gather [spmem:s25], $0x10, $0x38;
	[tilespmem:$0x1A780] =	vst v63  }
0x10f: {  	s0 =	spop (v2sf)  }
0x110: {  	_ =	swait.ge [sflag:s14], $0x400  }
0x111: {  	[sflag:s14] =	ssyncset.done $0x0  }
0x112: {  	[sflag:s14] =	ssyncadd.s32 $0xFFFFFC00  }
0x113: {  	v38 =	vld @!p0 [tilespmem:s28+$0x9];
	_ =	sdelay $0x4  }
0x114: {  	(v2sf) =	vpush @!p0 v38, $0x0;
	_ =	sdelay $0xb  }
0x115: {  	s4 =	sand.u32 $0xF, s17  }
0x116: {  	s4 =	sor.u32 $0x10, s4  }
0x117: {  	v39 =	vor.u32 s4, v1  }
0x118: {  	v41 =	vor.u32 s4, v2;
	s12 =	spop @!p0 (v2sf)  }
0x119: {  	v43 =	vor.u32 s4, v3;
	s17 =	sand.u32 @!p0 $0x7F, s12  }
0x11a: {  	v45 =	vor.u32 s4, v4;
	s0 =	sand.u32 $0x7F, s0;
	p1 =	slt.s32 @!p0 s12, $0x1;
	p2 =	sne.s32 @!p0 s17, $0x0  }
0x11b: {  	v40 =	vor.u32 s0, v6;
	s17 =	sshra.s32 @!p0 s12, $0x1F;
	p1 =	por @!p0 !p1, !p2  }
0x11c: {  	v42 =	vor.u32 s0, v7;
	v39 =	vld.idx.msk [tilespmem:v39+s3+$0x0], $0xffff;
	s17 =	sshrl.u32 @!p0 s17, $0x19;
	p1 =	por @!p0 !p1, !p1  }
0x11d: {  	v58 =	vor.u32 s0, v5;
	v44 =	vor.u32 s0, v8;
	v41 =	vld.idx.msk [tilespmem:v41+s3+$0x0], $0xffff;
	s0 =	sadd.s32 @!p0 s17, s12;
	s12 =	simm.s32 @!p0 $0x1;
	p1 =	por !p1, p0  }
0x11e: {  	v43 =	vld.idx.msk [tilespmem:v43+s3+$0x0], $0xffff;
	s0 =	sshrl.u32 @!p0 s0, $0x7;
	s12 =	simm.s32 @p1 $0x0  }
0x11f: {  	v45 =	vld.idx.msk [tilespmem:v45+s3+$0x0], $0xffff;
	s0 =	ssub.s32 @!p0 s0, s12  }
0x120: {  	v40 =	vld.idx.msk [tilespmem:v40+s20+$0x0], $0xffff;
	s0 =	sshll.u32 @!p0 s0, $0x7  }
0x121: {  	s25 =	simm.s32 @!p0 $0x2780;
	s4 =	simm.s32 @!p0 $0x400;
	v42 =	vld.idx.msk [tilespmem:v42+s20+$0x0], $0xffff;
	s0 =	sand.u32 @!p0 $0x1FFFFF80, s0  }
0x122: {  	v44 =	vld.idx.msk [tilespmem:v44+s20+$0x0], $0xffff;
	s17 =	sor.u32 $0x5, s28;
	s12 =	simm.s32 @!p0 $0x7A1400;
	s0 =	sadd.s32 @!p0 s1, s0  }
0x123: {  	v38 =	vld.idx.msk [tilespmem:v58+s20+$0x0], $0xffff;
	[tilespmem:s25], [sflag:$0x2] =	stream.strided.gather @!p0 [hbm4b:s0+s4], $0x2000, s12, s4, $0x38  }
0x124: {  	v46 =	vld [tilespmem:s17+$0x280];
	_ =	sdelay $0x4  }
0x125: {  	(v2sf) =	vpush v46, $0x0;
	_ =	sdelay $0x1  }
0x126: {  	v38 =	vmul.f32 v39, v38;
	_ =	sdelay $0x1  }
0x127: {  	v59 =	vmul.f32 v41, v40;
	v38 =	vmul.f32 v38, v33;
	_ =	sdelay $0x1  }
0x128: {  	v60 =	vmul.f32 v43, v42;
	v39 =	vmul.f32 v59, v34;
	v38 =	vadd.f32 $0.0e+00, v38;
	_ =	sdelay $0x1  }
0x129: {  	v61 =	vmul.f32 v45, v44;
	v40 =	vmul.f32 v60, v35;
	v38 =	vadd.f32 v39, v38;
	_ =	sdelay $0x1  }
0x12a: {  	v39 =	vmul.f32 v61, v36;
	v38 =	vadd.f32 v40, v38;
	_ =	sdelay $0x1  }
0x12b: {  	v38 =	vadd.f32 v39, v38;
	_ =	sdelay $0x1  }
0x12c: {  	(xrf2) =	vadd.scan.msk.f32 $0xffff, v38  }
0x12d: {  	s25 =	spop (v2sf)  }
0x12e: {  	s26 =	sand.u32 $0x7F, s25  }
0x12f: {  	s11 =	sshra.s32 s25, $0x1F;
	p5 =	slt.s32 s25, $0x1;
	p6 =	sne.s32 s26, $0x0  }
0x130: {  	s12 =	sshrl.u32 s11, $0x19;
	p1 =	por !p5, !p6  }
0x131: {  	s4 =	simm.s32 $0x1;
	s0 =	sadd.s32 s12, s25;
	p1 =	por !p1, !p1  }
0x132: {  	s0 =	sshrl.u32 s0, $0x7;
	s4 =	simm.s32 @!p1 $0x0  }
0x133: {  	s0 =	ssub.s32 s0, s4  }
0x134: {  	s0 =	sshll.u32 s0, $0x7  }
0x135: {  	s26 =	rddreg [dreg:$0x12];
	s0 =	sand.u32 $0x1FFFFF80, s0  }
0x136: {  	v38, _, _ =	vpop (xrf2);
	s25 =	rddreg [dreg:$0x11];
	s0 =	sadd.s32 s2, s0  }
0x137: {  	[spmem:s26@s30], [sflag:s25] =	dma.strided [hbm:s0@s5], $0x400, s29, $0x10   }
0x138: {  	s25 =	simm.s32 $0x3  }
0x139: {  	_ =	swait.ge [sflag:s25], $0x2000  }
0x13a: {  	[sflag:s25] =	ssyncset.done $0x0  }
0x13b: {  	[sflag:s25] =	ssyncadd.s32 $0xFFFFE000  }
0x13c: {  	_ =	swait.ge [sflag:s22], $0x400  }
0x13d: {  	[sflag:s22] =	ssyncset.done $0x0  }
0x13e: {  	s25 =	sor.u32 $0x2, s28;
	[sflag:s22] =	ssyncadd.s32 $0xFFFFFC00  }
0x13f: {  	v62 =	vld [tilespmem:s25+$0x280];
	_ =	sdelay $0x4  }
0x140: {  	(v2sf) =	vpush v62, $0x0;
	_ =	sdelay $0xe  }
0x141: {  	s26 =	sand.u32 $0x9, s7;
	s7 =	spop (v2sf)  }
0x142: {  	v38 =	vbroadcast v38, $0xF;
	v63 =	vmov s26;
	s12 =	rddreg [dreg:$0xd];
	s4 =	sand.u32 $0x70, s7  }
0x143: {  	s31 =	simm.s32 $0x107A0;
	s11 =	simm.s32 $0x80;
	vm0 =	veq.s32 v63, v0;
	s12 =	sadd.s32 s4, s12  }
0x144: {  	s26 =	sadd.s32 $0x9, s28;
	v37 =	vsel vm0, v38, v37;
	v38 =	vld [tilespmem:s25+$0x0];
	s4 =	simm.s32 $0x200;
	s30 =	sadd.s32 $0x0, s12  }
.LBB2_7:
0x145: {  	[tilespmem:s31], [sflag:$0xD] =	stream.linear.gather [spmem:s30], $0x10, $0x38;
	[tilespmem:$0x1A780] =	vst v63  }
0x146: {  	s0 =	smov.u32 s4;
	p1 =	sne.s32 s4, $0x7E00  }
.Ltmp2:
0x147: {  	s4 =	sadd.s32 $0x200, s4;
	(pc) =	sbr.rel @p1 .LBB2_7-.Ltmp2, $3  }
0x148: {  	_ =	sdelay $0x1  }
0x149: {  	s0 =	sshra.s32 s0, $0x2  }
0x14a: {  	s30 =	sadd.s32 s0, s12;
	s31 =	sadd.s32 $0x107A0, s0  }
0x14b: {  	(v2sf) =	vpush v38, $0x0;
	_ =	sdelay $0xd  }
0x14c: {  	[tilespmem:s31], [sflag:$0xD] =	stream.linear.gather [spmem:s30], $0x10, $0x38;
	[tilespmem:$0x1A780] =	vst v63  }
0x14d: {  	s0 =	spop (v2sf)  }
0x14e: {  	_ =	swait.ge [sflag:s14], $0x400  }
0x14f: {  	[sflag:s14] =	ssyncset.done $0x0  }
0x150: {  	[sflag:s14] =	ssyncadd.s32 $0xFFFFFC00  }
0x151: {  	v38 =	vld @!p0 [tilespmem:s28+$0xA];
	_ =	sdelay $0x4  }
0x152: {  	(v2sf) =	vpush @!p0 v38, $0x0;
	_ =	sdelay $0xb  }
0x153: {  	s4 =	sand.u32 $0xF, s7  }
0x154: {  	s4 =	sor.u32 $0x20, s4  }
0x155: {  	v39 =	vor.u32 s4, v1  }
0x156: {  	v41 =	vor.u32 s4, v2;
	s7 =	spop @!p0 (v2sf)  }
0x157: {  	v43 =	vor.u32 s4, v3;
	s12 =	sand.u32 @!p0 $0x7F, s7  }
0x158: {  	v45 =	vor.u32 s4, v4;
	s0 =	sand.u32 $0x7F, s0;
	p1 =	slt.s32 @!p0 s7, $0x1;
	p2 =	sne.s32 @!p0 s12, $0x0  }
0x159: {  	v40 =	vor.u32 s0, v10;
	s12 =	sshra.s32 @!p0 s7, $0x1F;
	p1 =	por @!p0 !p1, !p2  }
0x15a: {  	v42 =	vor.u32 s0, v11;
	v39 =	vld.idx.msk [tilespmem:v39+s3+$0x0], $0xffff;
	s12 =	sshrl.u32 @!p0 s12, $0x19;
	p1 =	por @!p0 !p1, !p1  }
0x15b: {  	v58 =	vor.u32 s0, v9;
	v44 =	vor.u32 s0, v12;
	v41 =	vld.idx.msk [tilespmem:v41+s3+$0x0], $0xffff;
	s0 =	sadd.s32 @!p0 s12, s7;
	s7 =	simm.s32 @!p0 $0x1;
	p1 =	por !p1, p0  }
0x15c: {  	v43 =	vld.idx.msk [tilespmem:v43+s3+$0x0], $0xffff;
	s0 =	sshrl.u32 @!p0 s0, $0x7;
	s7 =	simm.s32 @p1 $0x0  }
0x15d: {  	v45 =	vld.idx.msk [tilespmem:v45+s3+$0x0], $0xffff;
	s0 =	ssub.s32 @!p0 s0, s7  }
0x15e: {  	v40 =	vld.idx.msk [tilespmem:v40+s20+$0x0], $0xffff;
	s0 =	sshll.u32 @!p0 s0, $0x7  }
0x15f: {  	s30 =	simm.s32 @!p0 $0x4780;
	s4 =	simm.s32 @!p0 $0x400;
	v42 =	vld.idx.msk [tilespmem:v42+s20+$0x0], $0xffff;
	s0 =	sand.u32 @!p0 $0x1FFFFF80, s0  }
0x160: {  	v44 =	vld.idx.msk [tilespmem:v44+s20+$0x0], $0xffff;
	s12 =	simm.s32 @!p0 $0x7A1400;
	s7 =	sor.u32 $0x6, s28;
	s0 =	sadd.s32 @!p0 s1, s0  }
0x161: {  	v38 =	vld.idx.msk [tilespmem:v58+s20+$0x0], $0xffff;
	[tilespmem:s30], [sflag:$0x3] =	stream.strided.gather @!p0 [hbm4b:s0+s4], $0x2000, s12, s4, $0x38  }
0x162: {  	v46 =	vld [tilespmem:s7+$0x280];
	_ =	sdelay $0x4  }
0x163: {  	(v2sf) =	vpush v46, $0x0;
	_ =	sdelay $0x1  }
0x164: {  	v38 =	vmul.f32 v39, v38;
	_ =	sdelay $0x1  }
0x165: {  	v59 =	vmul.f32 v41, v40;
	v38 =	vmul.f32 v38, v33;
	_ =	sdelay $0x1  }
0x166: {  	v60 =	vmul.f32 v43, v42;
	v39 =	vmul.f32 v59, v34;
	v38 =	vadd.f32 $0.0e+00, v38;
	_ =	sdelay $0x1  }
0x167: {  	v61 =	vmul.f32 v45, v44;
	v40 =	vmul.f32 v60, v35;
	v38 =	vadd.f32 v39, v38;
	_ =	sdelay $0x1  }
0x168: {  	v39 =	vmul.f32 v61, v36;
	v38 =	vadd.f32 v40, v38;
	_ =	sdelay $0x1  }
0x169: {  	v38 =	vadd.f32 v39, v38;
	_ =	sdelay $0x1  }
0x16a: {  	(xrf2) =	vadd.scan.msk.f32 $0xffff, v38  }
0x16b: {  	s0 =	spop (v2sf)  }
0x16c: {  	s4 =	sand.u32 $0x7F, s0  }
0x16d: {  	s12 =	sshra.s32 s0, $0x1F;
	p5 =	slt.s32 s0, $0x1;
	p6 =	sne.s32 s4, $0x0  }
0x16e: {  	s12 =	sshrl.u32 s12, $0x19;
	p1 =	por !p5, !p6  }
0x16f: {  	s4 =	simm.s32 $0x1;
	s0 =	sadd.s32 s12, s0;
	p1 =	por !p1, !p1  }
0x170: {  	s0 =	sshrl.u32 s0, $0x7;
	s4 =	simm.s32 @!p1 $0x0  }
0x171: {  	s0 =	ssub.s32 s0, s4  }
0x172: {  	s0 =	sshll.u32 s0, $0x7  }
0x173: {  	s12 =	rddreg [dreg:$0x14];
	s0 =	sand.u32 $0x1FFFFF80, s0  }
0x174: {  	v38, _, _ =	vpop (xrf2);
	s4 =	rddreg [dreg:$0x13];
	s0 =	sadd.s32 s2, s0  }
0x175: {  	[spmem:s12@s11], [sflag:s4] =	dma.strided [hbm:s0@s5], $0x400, s29, $0x10   }
0x176: {  	s12 =	simm.s32 $0x4  }
0x177: {  	_ =	swait.ge [sflag:s12], $0x2000  }
0x178: {  	[sflag:s12] =	ssyncset.done $0x0  }
0x179: {  	[sflag:s12] =	ssyncadd.s32 $0xFFFFE000  }
0x17a: {  	_ =	swait.ge [sflag:s24], $0x400  }
0x17b: {  	[sflag:s24] =	ssyncset.done $0x0  }
0x17c: {  	[sflag:s24] =	ssyncadd.s32 $0xFFFFFC00  }
0x17d: {  	v62 =	vld [tilespmem:s23+$0x280];
	_ =	sdelay $0x4  }
0x17e: {  	(v2sf) =	vpush v62, $0x0;
	_ =	sdelay $0xe  }
0x17f: {  	s25 =	sand.u32 $0xA, s25;
	s12 =	spop (v2sf)  }
0x180: {  	v63 =	vmov s25;
	v38 =	vbroadcast v38, $0xF;
	s4 =	sand.u32 $0x70, s12  }
0x181: {  	s25 =	sadd.s32 $0xA, s28;
	vm0 =	veq.s32 v63, v0;
	s30 =	simm.s32 $0x200;
	s4 =	sadd.s32 s4, s8  }
0x182: {  	v37 =	vsel vm0, v38, v37;
	s11 =	smov.u32 s8;
	s0 =	simm.s32 $0x107B0;
	v38 =	vld [tilespmem:s23+$0x0];
	s31 =	sadd.s32 $0x0, s4  }
.LBB2_9:
0x183: {  	[tilespmem:s0], [sflag:$0xD] =	stream.linear.gather [spmem:s31], $0x10, $0x38;
	[tilespmem:$0x1A780] =	vst v63  }
0x184: {  	s0 =	smov.u32 s30;
	p1 =	sne.s32 s30, $0x7E00  }
.Ltmp3:
0x185: {  	s30 =	sadd.s32 $0x200, s30;
	(pc) =	sbr.rel @p1 .LBB2_9-.Ltmp3, $3  }
0x186: {  	_ =	sdelay $0x1  }
0x187: {  	s0 =	sshra.s32 s0, $0x2  }
0x188: {  	s31 =	sadd.s32 s0, s4;
	s0 =	sadd.s32 $0x107B0, s0  }
0x189: {  	(v2sf) =	vpush v38, $0x0;
	_ =	sdelay $0xd  }
0x18a: {  	[tilespmem:s0], [sflag:$0xD] =	stream.linear.gather [spmem:s31], $0x10, $0x38;
	[tilespmem:$0x1A780] =	vst v63  }
0x18b: {  	s8 =	spop (v2sf)  }
0x18c: {  	_ =	swait.ge [sflag:s14], $0x400  }
0x18d: {  	[sflag:s14] =	ssyncset.done $0x0  }
0x18e: {  	[sflag:s14] =	ssyncadd.s32 $0xFFFFFC00  }
0x18f: {  	v38 =	vld @!p0 [tilespmem:s28+$0xB];
	_ =	sdelay $0x4  }
0x190: {  	(v2sf) =	vpush @!p0 v38, $0x0;
	_ =	sdelay $0xb  }
0x191: {  	s4 =	sand.u32 $0xF, s12  }
0x192: {  	s4 =	sor.u32 $0x30, s4  }
0x193: {  	v39 =	vor.u32 s4, v1  }
0x194: {  	v41 =	vor.u32 s4, v2;
	s12 =	spop @!p0 (v2sf)  }
0x195: {  	v43 =	vor.u32 s4, v3;
	s30 =	sand.u32 @!p0 $0x7F, s12  }
0x196: {  	v45 =	vor.u32 s4, v4;
	s0 =	sand.u32 $0x7F, s8;
	p1 =	slt.s32 @!p0 s12, $0x1;
	p2 =	sne.s32 @!p0 s30, $0x0  }
0x197: {  	v40 =	vor.u32 s0, v14;
	s30 =	sshra.s32 @!p0 s12, $0x1F;
	p1 =	por @!p0 !p1, !p2  }
0x198: {  	v42 =	vor.u32 s0, v15;
	v39 =	vld.idx.msk [tilespmem:v39+s3+$0x0], $0xffff;
	s30 =	sshrl.u32 @!p0 s30, $0x19;
	p1 =	por @!p0 !p1, !p1  }
0x199: {  	v58 =	vor.u32 s0, v13;
	v44 =	vor.u32 s0, v16;
	v41 =	vld.idx.msk [tilespmem:v41+s3+$0x0], $0xffff;
	s0 =	sadd.s32 @!p0 s30, s12;
	s12 =	simm.s32 @!p0 $0x1;
	p1 =	por !p1, p0  }
0x19a: {  	v43 =	vld.idx.msk [tilespmem:v43+s3+$0x0], $0xffff;
	s0 =	sshrl.u32 @!p0 s0, $0x7;
	s12 =	simm.s32 @p1 $0x0  }
0x19b: {  	v45 =	vld.idx.msk [tilespmem:v45+s3+$0x0], $0xffff;
	s0 =	ssub.s32 @!p0 s0, s12  }
0x19c: {  	v40 =	vld.idx.msk [tilespmem:v40+s20+$0x0], $0xffff;
	s0 =	sshll.u32 @!p0 s0, $0x7  }
0x19d: {  	s4 =	simm.s32 @!p0 $0x400;
	v42 =	vld.idx.msk [tilespmem:v42+s20+$0x0], $0xffff;
	s0 =	sand.u32 @!p0 $0x1FFFFF80, s0  }
0x19e: {  	v44 =	vld.idx.msk [tilespmem:v44+s20+$0x0], $0xffff;
	s30 =	simm.s32 @!p0 $0x6780;
	s12 =	simm.s32 @!p0 $0x7A1400;
	s0 =	sadd.s32 @!p0 s1, s0  }
0x19f: {  	v38 =	vld.idx.msk [tilespmem:v58+s20+$0x0], $0xffff;
	[tilespmem:s30], [sflag:$0x4] =	stream.strided.gather @!p0 [hbm4b:s0+s4], $0x2000, s12, s4, $0x38  }
0x1a0: {  	v46 =	vld [tilespmem:s28+$0x287];
	_ =	sdelay $0x4  }
0x1a1: {  	(v2sf) =	vpush v46, $0x0;
	_ =	sdelay $0x1  }
0x1a2: {  	v38 =	vmul.f32 v39, v38;
	_ =	sdelay $0x1  }
0x1a3: {  	v59 =	vmul.f32 v41, v40;
	v38 =	vmul.f32 v38, v33;
	_ =	sdelay $0x1  }
0x1a4: {  	v60 =	vmul.f32 v43, v42;
	v39 =	vmul.f32 v59, v34;
	v38 =	vadd.f32 $0.0e+00, v38;
	_ =	sdelay $0x1  }
0x1a5: {  	v61 =	vmul.f32 v45, v44;
	v40 =	vmul.f32 v60, v35;
	v38 =	vadd.f32 v39, v38;
	_ =	sdelay $0x1  }
0x1a6: {  	v39 =	vmul.f32 v61, v36;
	v38 =	vadd.f32 v40, v38;
	_ =	sdelay $0x1  }
0x1a7: {  	v38 =	vadd.f32 v39, v38;
	_ =	sdelay $0x1  }
0x1a8: {  	(xrf2) =	vadd.scan.msk.f32 $0xffff, v38  }
0x1a9: {  	s0 =	spop (v2sf)  }
0x1aa: {  	s31 =	sand.u32 $0x7F, s0  }
0x1ab: {  	s8 =	sshra.s32 s0, $0x1F;
	p5 =	slt.s32 s0, $0x1;
	p6 =	sne.s32 s31, $0x0  }
0x1ac: {  	s12 =	sshrl.u32 s8, $0x19;
	p1 =	por !p5, !p6  }
0x1ad: {  	s4 =	simm.s32 $0x1;
	s0 =	sadd.s32 s12, s0;
	p1 =	por !p1, !p1  }
0x1ae: {  	s0 =	sshrl.u32 s0, $0x7;
	s4 =	simm.s32 @!p1 $0x0  }
0x1af: {  	s0 =	ssub.s32 s0, s4  }
0x1b0: {  	s0 =	sshll.u32 s0, $0x7  }
0x1b1: {  	s0 =	sand.u32 $0x1FFFFF80, s0  }
0x1b2: {  	s30 =	simm.s32 $0x80;
	v38, _, _ =	vpop (xrf2);
	s0 =	sadd.s32 s2, s0  }
0x1b3: {  	[spmem:s21@s30], [sflag:s15] =	dma.strided [hbm:s0@s5], $0x400, s29, $0x10   }
0x1b4: {  	s15 =	simm.s32 $0x5  }
0x1b5: {  	_ =	swait.ge [sflag:s15], $0x2000  }
0x1b6: {  	[sflag:s15] =	ssyncset.done $0x0  }
0x1b7: {  	s21 =	simm.s32 $0x9;
	[sflag:s15] =	ssyncadd.s32 $0xFFFFE000  }
0x1b8: {  	_ =	swait.ge [sflag:s21], $0x400  }
0x1b9: {  	[sflag:s21] =	ssyncset.done $0x0  }
0x1ba: {  	[sflag:s21] =	ssyncadd.s32 $0xFFFFFC00  }
0x1bb: {  	v62 =	vld [tilespmem:s18+$0x280];
	_ =	sdelay $0x4  }
0x1bc: {  	(v2sf) =	vpush v62, $0x0;
	_ =	sdelay $0xe  }
0x1bd: {  	s23 =	sand.u32 $0xB, s23;
	s12 =	spop (v2sf)  }
0x1be: {  	v63 =	vmov s23;
	v38 =	vbroadcast v38, $0xF;
	s31 =	sand.u32 $0x70, s12  }
0x1bf: {  	vm0 =	veq.s32 v63, v0;
	s8 =	smov.u32 s9;
	s4 =	sadd.s32 s31, s9  }
0x1c0: {  	v37 =	vsel vm0, v38, v37;
	s0 =	simm.s32 $0x107C0;
	s15 =	simm.s32 $0x200;
	v38 =	vld [tilespmem:s18+$0x0];
	s21 =	sadd.s32 $0x0, s4  }
.LBB2_11:
0x1c1: {  	[tilespmem:s0], [sflag:$0xD] =	stream.linear.gather [spmem:s21], $0x10, $0x38;
	[tilespmem:$0x1A780] =	vst v63  }
0x1c2: {  	s0 =	smov.u32 s15;
	p1 =	sne.s32 s15, $0x7E00  }
.Ltmp4:
0x1c3: {  	s15 =	sadd.s32 $0x200, s15;
	(pc) =	sbr.rel @p1 .LBB2_11-.Ltmp4, $3  }
0x1c4: {  	_ =	sdelay $0x1  }
0x1c5: {  	s0 =	sshra.s32 s0, $0x2  }
0x1c6: {  	s21 =	sadd.s32 s0, s4;
	s0 =	sadd.s32 $0x107C0, s0  }
0x1c7: {  	(v2sf) =	vpush v38, $0x0;
	_ =	sdelay $0xd  }
0x1c8: {  	[tilespmem:s0], [sflag:$0xD] =	stream.linear.gather [spmem:s21], $0x10, $0x38;
	[tilespmem:$0x1A780] =	vst v63  }
0x1c9: {  	s9 =	spop (v2sf)  }
0x1ca: {  	_ =	swait.ge [sflag:s14], $0x400  }
0x1cb: {  	[sflag:s14] =	ssyncset.done $0x0  }
0x1cc: {  	[sflag:s14] =	ssyncadd.s32 $0xFFFFFC00  }
0x1cd: {  	v38 =	vld @!p0 [tilespmem:s28+$0xC];
	_ =	sdelay $0x4  }
0x1ce: {  	(v2sf) =	vpush @!p0 v38, $0x0;
	_ =	sdelay $0xb  }
0x1cf: {  	s4 =	sand.u32 $0xF, s12  }
0x1d0: {  	s4 =	sor.u32 $0x40, s4  }
0x1d1: {  	v39 =	vor.u32 s4, v1  }
0x1d2: {  	v41 =	vor.u32 s4, v2;
	s12 =	spop @!p0 (v2sf)  }
0x1d3: {  	v43 =	vor.u32 s4, v3;
	s15 =	sand.u32 @!p0 $0x7F, s12  }
0x1d4: {  	v45 =	vor.u32 s4, v4;
	s0 =	sand.u32 $0x7F, s9;
	p1 =	slt.s32 @!p0 s12, $0x1;
	p2 =	sne.s32 @!p0 s15, $0x0  }
0x1d5: {  	v40 =	vor.u32 s0, v18;
	s15 =	sshra.s32 @!p0 s12, $0x1F;
	p1 =	por @!p0 !p1, !p2  }
0x1d6: {  	v42 =	vor.u32 s0, v19;
	v39 =	vld.idx.msk [tilespmem:v39+s3+$0x0], $0xffff;
	s15 =	sshrl.u32 @!p0 s15, $0x19;
	p1 =	por @!p0 !p1, !p1  }
0x1d7: {  	v58 =	vor.u32 s0, v17;
	v44 =	vor.u32 s0, v20;
	v41 =	vld.idx.msk [tilespmem:v41+s3+$0x0], $0xffff;
	s0 =	sadd.s32 @!p0 s15, s12;
	s12 =	simm.s32 @!p0 $0x1;
	p1 =	por !p1, p0  }
0x1d8: {  	v43 =	vld.idx.msk [tilespmem:v43+s3+$0x0], $0xffff;
	s0 =	sshrl.u32 @!p0 s0, $0x7;
	s12 =	simm.s32 @p1 $0x0  }
0x1d9: {  	v45 =	vld.idx.msk [tilespmem:v45+s3+$0x0], $0xffff;
	s0 =	ssub.s32 @!p0 s0, s12  }
0x1da: {  	v40 =	vld.idx.msk [tilespmem:v40+s20+$0x0], $0xffff;
	s0 =	sshll.u32 @!p0 s0, $0x7  }
0x1db: {  	s4 =	simm.s32 @!p0 $0x400;
	v42 =	vld.idx.msk [tilespmem:v42+s20+$0x0], $0xffff;
	s0 =	sand.u32 @!p0 $0x1FFFFF80, s0  }
0x1dc: {  	v44 =	vld.idx.msk [tilespmem:v44+s20+$0x0], $0xffff;
	s15 =	simm.s32 @!p0 $0x8780;
	s12 =	simm.s32 @!p0 $0x7A1400;
	s0 =	sadd.s32 @!p0 s1, s0  }
0x1dd: {  	v38 =	vld.idx.msk [tilespmem:v58+s20+$0x0], $0xffff;
	[tilespmem:s15], [sflag:$0x5] =	stream.strided.gather @!p0 [hbm4b:s0+s4], $0x2000, s12, s4, $0x38  }
0x1de: {  	v46 =	vld @!p0 [tilespmem:s6+$0x280];
	_ =	sdelay $0x4  }
0x1df: {  	(v2sf) =	vpush @!p0 v46, $0x0;
	_ =	sdelay $0x2  }
0x1e0: {  	v38 =	vmul.f32 v39, v38;
	_ =	sdelay $0x1  }
0x1e1: {  	v59 =	vmul.f32 v41, v40;
	v38 =	vmul.f32 v38, v33;
	_ =	sdelay $0x1  }
0x1e2: {  	v60 =	vmul.f32 v43, v42;
	v39 =	vmul.f32 v59, v34;
	v38 =	vadd.f32 $0.0e+00, v38;
	_ =	sdelay $0x1  }
0x1e3: {  	v61 =	vmul.f32 v45, v44;
	v40 =	vmul.f32 v60, v35;
	v38 =	vadd.f32 v39, v38;
	_ =	sdelay $0x1  }
0x1e4: {  	v39 =	vmul.f32 v61, v36;
	v38 =	vadd.f32 v40, v38;
	_ =	sdelay $0x1  }
0x1e5: {  	v38 =	vadd.f32 v39, v38;
	_ =	sdelay $0x1  }
0x1e6: {  	(xrf2) =	vadd.scan.msk.f32 $0xffff, v38;
	s0 =	spop @!p0 (v2sf)  }
0x1e7: {  	s4 =	sand.u32 @!p0 $0x7F, s0  }
0x1e8: {  	p1 =	slt.s32 @!p0 s0, $0x1;
	p2 =	sne.s32 @!p0 s4, $0x0  }
0x1e9: {  	s4 =	sshra.s32 @!p0 s0, $0x1F;
	p1 =	por @!p0 !p1, !p2  }
0x1ea: {  	s4 =	sshrl.u32 @!p0 s4, $0x19;
	p1 =	por @!p0 !p1, !p1  }
0x1eb: {  	s6 =	simm.s32 @!p0 $0x1;
	s0 =	sadd.s32 @!p0 s4, s0;
	p1 =	por !p1, p0  }
0x1ec: {  	s0 =	sshrl.u32 @!p0 s0, $0x7;
	s6 =	simm.s32 @p1 $0x0  }
0x1ed: {  	s0 =	ssub.s32 @!p0 s0, s6  }
0x1ee: {  	s9 =	rddreg [dreg:$0xf];
	s0 =	sshll.u32 @!p0 s0, $0x7  }
0x1ef: {  	s12 =	simm.s32 @!p0 $0x80;
	s15 =	simm.s32 @!p0 $0xF4280;
	s0 =	sand.u32 @!p0 $0x1FFFFF80, s0  }
0x1f0: {  	v38, _, _ =	vpop (xrf2);
	s4 =	sshrl.u32 @!p0 s8, $0x3;
	s6 =	simm.s32 @!p0 $0x8;
	s0 =	sadd.s32 @!p0 s2, s0  }
0x1f1: {  	[spmem:s4@s12], [sflag:s9] =	dma.strided @!p0 [hbm:s0@s15], $0x400, s6, $0x10   }
0x1f2: {  	s15 =	simm.s32 $0x6  }
0x1f3: {  	_ =	swait.ge [sflag:s15], $0x2000  }
0x1f4: {  	[sflag:s15] =	ssyncset.done $0x0  }
0x1f5: {  	[sflag:s15] =	ssyncadd.s32 $0xFFFFE000  }
0x1f6: {  	_ =	swait.ge [sflag:s16], $0x400  }
0x1f7: {  	[sflag:s16] =	ssyncset.done $0x0  }
0x1f8: {  	[sflag:s16] =	ssyncadd.s32 $0xFFFFFC00  }
0x1f9: {  	v62 =	vld [tilespmem:s17+$0x280];
	_ =	sdelay $0x4  }
0x1fa: {  	(v2sf) =	vpush v62, $0x0;
	_ =	sdelay $0xe  }
0x1fb: {  	s21 =	sand.u32 $0xC, s18;
	s6 =	spop (v2sf)  }
0x1fc: {  	v63 =	vmov s21;
	v38 =	vbroadcast v38, $0xF;
	s23 =	sand.u32 $0x70, s6  }
0x1fd: {  	s31 =	smov.u32 s10;
	vm0 =	veq.s32 v63, v0;
	s4 =	sadd.s32 s23, s10  }
0x1fe: {  	v37 =	vsel vm0, v38, v37;
	s12 =	simm.s32 $0x200;
	s0 =	simm.s32 $0x107D0;
	v38 =	vld [tilespmem:s17+$0x0];
	s15 =	sadd.s32 $0x0, s4  }
.LBB2_13:
0x1ff: {  	[tilespmem:s0], [sflag:$0xD] =	stream.linear.gather [spmem:s15], $0x10, $0x38;
	[tilespmem:$0x1A780] =	vst v63  }
0x200: {  	s0 =	smov.u32 s12;
	p1 =	sne.s32 s12, $0x7E00  }
.Ltmp5:
0x201: {  	s12 =	sadd.s32 $0x200, s12;
	(pc) =	sbr.rel @p1 .LBB2_13-.Ltmp5, $3  }
0x202: {  	_ =	sdelay $0x1  }
0x203: {  	s0 =	sshra.s32 s0, $0x2  }
0x204: {  	s15 =	sadd.s32 s0, s4;
	s0 =	sadd.s32 $0x107D0, s0  }
0x205: {  	(v2sf) =	vpush v38, $0x0;
	_ =	sdelay $0xd  }
0x206: {  	[tilespmem:s0], [sflag:$0xD] =	stream.linear.gather [spmem:s15], $0x10, $0x38;
	[tilespmem:$0x1A780] =	vst v63  }
0x207: {  	s15 =	spop (v2sf)  }
0x208: {  	_ =	swait.ge [sflag:s14], $0x400  }
0x209: {  	[sflag:s14] =	ssyncset.done $0x0  }
0x20a: {  	[sflag:s14] =	ssyncadd.s32 $0xFFFFFC00  }
0x20b: {  	v38 =	vld @!p0 [tilespmem:s28+$0xD];
	_ =	sdelay $0x4  }
0x20c: {  	(v2sf) =	vpush @!p0 v38, $0x0;
	_ =	sdelay $0xb  }
0x20d: {  	s4 =	sand.u32 $0xF, s6  }
0x20e: {  	s4 =	sor.u32 $0x50, s4  }
0x20f: {  	v39 =	vor.u32 s4, v1  }
0x210: {  	v41 =	vor.u32 s4, v2;
	s6 =	spop @!p0 (v2sf)  }
0x211: {  	v43 =	vor.u32 s4, v3;
	s12 =	sand.u32 @!p0 $0x7F, s6  }
0x212: {  	v45 =	vor.u32 s4, v4;
	s0 =	sand.u32 $0x7F, s15;
	p1 =	slt.s32 @!p0 s6, $0x1;
	p2 =	sne.s32 @!p0 s12, $0x0  }
0x213: {  	v40 =	vor.u32 s0, v22;
	s12 =	sshra.s32 @!p0 s6, $0x1F;
	p1 =	por @!p0 !p1, !p2  }
0x214: {  	v42 =	vor.u32 s0, v23;
	v39 =	vld.idx.msk [tilespmem:v39+s3+$0x0], $0xffff;
	s12 =	sshrl.u32 @!p0 s12, $0x19;
	p1 =	por @!p0 !p1, !p1  }
0x215: {  	v58 =	vor.u32 s0, v21;
	v44 =	vor.u32 s0, v24;
	v41 =	vld.idx.msk [tilespmem:v41+s3+$0x0], $0xffff;
	s0 =	sadd.s32 @!p0 s12, s6;
	s6 =	simm.s32 @!p0 $0x1;
	p1 =	por !p1, p0  }
0x216: {  	v43 =	vld.idx.msk [tilespmem:v43+s3+$0x0], $0xffff;
	s0 =	sshrl.u32 @!p0 s0, $0x7;
	s6 =	simm.s32 @p1 $0x0  }
0x217: {  	v45 =	vld.idx.msk [tilespmem:v45+s3+$0x0], $0xffff;
	s0 =	ssub.s32 @!p0 s0, s6  }
0x218: {  	v40 =	vld.idx.msk [tilespmem:v40+s20+$0x0], $0xffff;
	s0 =	sshll.u32 @!p0 s0, $0x7  }
0x219: {  	s4 =	simm.s32 @!p0 $0x400;
	v42 =	vld.idx.msk [tilespmem:v42+s20+$0x0], $0xffff;
	s0 =	sand.u32 @!p0 $0x1FFFFF80, s0  }
0x21a: {  	v44 =	vld.idx.msk [tilespmem:v44+s20+$0x0], $0xffff;
	s12 =	simm.s32 @!p0 $0xA780;
	s6 =	simm.s32 @!p0 $0x7A1400;
	s0 =	sadd.s32 @!p0 s1, s0  }
0x21b: {  	v38 =	vld.idx.msk [tilespmem:v58+s20+$0x0], $0xffff;
	[tilespmem:s12], [sflag:$0x6] =	stream.strided.gather @!p0 [hbm4b:s0+s4], $0x2000, s6, s4, $0x38  }
0x21c: {  	v46 =	vld @!p0 [tilespmem:s26+$0x280];
	_ =	sdelay $0x4  }
0x21d: {  	(v2sf) =	vpush @!p0 v46, $0x0;
	_ =	sdelay $0x2  }
0x21e: {  	v38 =	vmul.f32 v39, v38;
	_ =	sdelay $0x1  }
0x21f: {  	v59 =	vmul.f32 v41, v40;
	v38 =	vmul.f32 v38, v33;
	_ =	sdelay $0x1  }
0x220: {  	v60 =	vmul.f32 v43, v42;
	v39 =	vmul.f32 v59, v34;
	v38 =	vadd.f32 $0.0e+00, v38;
	_ =	sdelay $0x1  }
0x221: {  	v61 =	vmul.f32 v45, v44;
	v40 =	vmul.f32 v60, v35;
	v38 =	vadd.f32 v39, v38;
	_ =	sdelay $0x1  }
0x222: {  	v39 =	vmul.f32 v61, v36;
	v38 =	vadd.f32 v40, v38;
	_ =	sdelay $0x1  }
0x223: {  	v38 =	vadd.f32 v39, v38;
	_ =	sdelay $0x1  }
0x224: {  	(xrf2) =	vadd.scan.msk.f32 $0xffff, v38;
	s0 =	spop @!p0 (v2sf)  }
0x225: {  	s4 =	sand.u32 @!p0 $0x7F, s0  }
0x226: {  	p1 =	slt.s32 @!p0 s0, $0x1;
	p2 =	sne.s32 @!p0 s4, $0x0  }
0x227: {  	s4 =	sshra.s32 @!p0 s0, $0x1F;
	p1 =	por @!p0 !p1, !p2  }
0x228: {  	s4 =	sshrl.u32 @!p0 s4, $0x19;
	p1 =	por @!p0 !p1, !p1  }
0x229: {  	s6 =	simm.s32 @!p0 $0x1;
	s0 =	sadd.s32 @!p0 s4, s0;
	p1 =	por !p1, p0  }
0x22a: {  	s0 =	sshrl.u32 @!p0 s0, $0x7;
	s6 =	simm.s32 @p1 $0x0  }
0x22b: {  	s0 =	ssub.s32 @!p0 s0, s6  }
0x22c: {  	s18 =	simm.s32 $0x7;
	s15 =	simm.s32 @!p0 $0xF4280;
	s0 =	sshll.u32 @!p0 s0, $0x7  }
0x22d: {  	s9 =	rddreg [dreg:$0x11];
	s12 =	simm.s32 @!p0 $0x80;
	s0 =	sand.u32 @!p0 $0x1FFFFF80, s0  }
0x22e: {  	v38, _, _ =	vpop (xrf2);
	s4 =	sshrl.u32 @!p0 s31, $0x3;
	s6 =	simm.s32 @!p0 $0x8;
	s0 =	sadd.s32 @!p0 s2, s0  }
0x22f: {  	[spmem:s4@s12], [sflag:s9] =	dma.strided @!p0 [hbm:s0@s15], $0x400, s6, $0x10   }
0x230: {  	_ =	swait.ge [sflag:s18], $0x2000  }
0x231: {  	[sflag:s18] =	ssyncset.done $0x0  }
0x232: {  	[sflag:s18] =	ssyncadd.s32 $0xFFFFE000  }
0x233: {  	_ =	swait.ge [sflag:s22], $0x400  }
0x234: {  	[sflag:s22] =	ssyncset.done $0x0  }
0x235: {  	[sflag:s22] =	ssyncadd.s32 $0xFFFFFC00  }
0x236: {  	v62 =	vld [tilespmem:s7+$0x280];
	_ =	sdelay $0x4  }
0x237: {  	(v2sf) =	vpush v62, $0x0;
	_ =	sdelay $0xe  }
0x238: {  	s21 =	sand.u32 $0xD, s17;
	s6 =	spop (v2sf)  }
0x239: {  	v63 =	vmov s21;
	v38 =	vbroadcast v38, $0xF;
	s26 =	rddreg [dreg:$0xd];
	s23 =	sand.u32 $0x70, s6  }
0x23a: {  	vm0 =	veq.s32 v63, v0;
	s4 =	sadd.s32 s23, s26  }
0x23b: {  	v37 =	vsel vm0, v38, v37;
	s12 =	simm.s32 $0x200;
	s0 =	simm.s32 $0x107E0;
	v38 =	vld [tilespmem:s7+$0x0];
	s15 =	sadd.s32 $0x0, s4  }
.LBB2_15:
0x23c: {  	[tilespmem:s0], [sflag:$0xD] =	stream.linear.gather [spmem:s15], $0x10, $0x38;
	[tilespmem:$0x1A780] =	vst v63  }
0x23d: {  	s0 =	smov.u32 s12;
	p1 =	sne.s32 s12, $0x7E00  }
.Ltmp6:
0x23e: {  	s12 =	sadd.s32 $0x200, s12;
	(pc) =	sbr.rel @p1 .LBB2_15-.Ltmp6, $3  }
0x23f: {  	_ =	sdelay $0x1  }
0x240: {  	s0 =	sshra.s32 s0, $0x2  }
0x241: {  	s15 =	sadd.s32 s0, s4;
	s0 =	sadd.s32 $0x107E0, s0  }
0x242: {  	(v2sf) =	vpush v38, $0x0;
	_ =	sdelay $0xd  }
0x243: {  	[tilespmem:s0], [sflag:$0xD] =	stream.linear.gather [spmem:s15], $0x10, $0x38;
	[tilespmem:$0x1A780] =	vst v63  }
0x244: {  	s23 =	spop (v2sf)  }
0x245: {  	_ =	swait.ge [sflag:s14], $0x400  }
0x246: {  	[sflag:s14] =	ssyncset.done $0x0  }
0x247: {  	[sflag:s14] =	ssyncadd.s32 $0xFFFFFC00  }
0x248: {  	v38 =	vld @!p0 [tilespmem:s28+$0xE];
	_ =	sdelay $0x4  }
0x249: {  	(v2sf) =	vpush @!p0 v38, $0x0;
	_ =	sdelay $0xb  }
0x24a: {  	s4 =	sand.u32 $0xF, s6  }
0x24b: {  	s4 =	sor.u32 $0x60, s4  }
0x24c: {  	v39 =	vor.u32 s4, v1  }
0x24d: {  	v41 =	vor.u32 s4, v2;
	s6 =	spop @!p0 (v2sf)  }
0x24e: {  	v43 =	vor.u32 s4, v3;
	s12 =	sand.u32 @!p0 $0x7F, s6  }
0x24f: {  	v45 =	vor.u32 s4, v4;
	s0 =	sand.u32 $0x7F, s23;
	p1 =	slt.s32 @!p0 s6, $0x1;
	p2 =	sne.s32 @!p0 s12, $0x0  }
0x250: {  	v40 =	vor.u32 s0, v26;
	s12 =	sshra.s32 @!p0 s6, $0x1F;
	p1 =	por @!p0 !p1, !p2  }
0x251: {  	v42 =	vor.u32 s0, v27;
	v39 =	vld.idx.msk [tilespmem:v39+s3+$0x0], $0xffff;
	s12 =	sshrl.u32 @!p0 s12, $0x19;
	p1 =	por @!p0 !p1, !p1  }
0x252: {  	v58 =	vor.u32 s0, v25;
	v44 =	vor.u32 s0, v28;
	v41 =	vld.idx.msk [tilespmem:v41+s3+$0x0], $0xffff;
	s0 =	sadd.s32 @!p0 s12, s6;
	s6 =	simm.s32 @!p0 $0x1;
	p1 =	por !p1, p0  }
0x253: {  	v43 =	vld.idx.msk [tilespmem:v43+s3+$0x0], $0xffff;
	s0 =	sshrl.u32 @!p0 s0, $0x7;
	s6 =	simm.s32 @p1 $0x0  }
0x254: {  	v45 =	vld.idx.msk [tilespmem:v45+s3+$0x0], $0xffff;
	s0 =	ssub.s32 @!p0 s0, s6  }
0x255: {  	v40 =	vld.idx.msk [tilespmem:v40+s20+$0x0], $0xffff;
	s0 =	sshll.u32 @!p0 s0, $0x7  }
0x256: {  	s4 =	simm.s32 @!p0 $0x400;
	v42 =	vld.idx.msk [tilespmem:v42+s20+$0x0], $0xffff;
	s0 =	sand.u32 @!p0 $0x1FFFFF80, s0  }
0x257: {  	v44 =	vld.idx.msk [tilespmem:v44+s20+$0x0], $0xffff;
	s12 =	simm.s32 @!p0 $0xC780;
	s6 =	simm.s32 @!p0 $0x7A1400;
	s0 =	sadd.s32 @!p0 s1, s0  }
0x258: {  	v38 =	vld.idx.msk [tilespmem:v58+s20+$0x0], $0xffff;
	[tilespmem:s12], [sflag:$0x7] =	stream.strided.gather @!p0 [hbm4b:s0+s4], $0x2000, s6, s4, $0x38  }
0x259: {  	v46 =	vld @!p0 [tilespmem:s25+$0x280];
	_ =	sdelay $0x4  }
0x25a: {  	(v2sf) =	vpush @!p0 v46, $0x0;
	_ =	sdelay $0x2  }
0x25b: {  	v38 =	vmul.f32 v39, v38;
	_ =	sdelay $0x1  }
0x25c: {  	v59 =	vmul.f32 v41, v40;
	v38 =	vmul.f32 v38, v33;
	_ =	sdelay $0x1  }
0x25d: {  	v60 =	vmul.f32 v43, v42;
	v39 =	vmul.f32 v59, v34;
	v38 =	vadd.f32 $0.0e+00, v38;
	_ =	sdelay $0x1  }
0x25e: {  	v61 =	vmul.f32 v45, v44;
	v40 =	vmul.f32 v60, v35;
	v38 =	vadd.f32 v39, v38;
	_ =	sdelay $0x1  }
0x25f: {  	v39 =	vmul.f32 v61, v36;
	v38 =	vadd.f32 v40, v38;
	_ =	sdelay $0x1  }
0x260: {  	v38 =	vadd.f32 v39, v38;
	_ =	sdelay $0x1  }
0x261: {  	(xrf2) =	vadd.scan.msk.f32 $0xffff, v38;
	s0 =	spop @!p0 (v2sf)  }
0x262: {  	s4 =	sand.u32 @!p0 $0x7F, s0  }
0x263: {  	p1 =	slt.s32 @!p0 s0, $0x1;
	p2 =	sne.s32 @!p0 s4, $0x0  }
0x264: {  	s4 =	sshra.s32 @!p0 s0, $0x1F;
	p1 =	por @!p0 !p1, !p2  }
0x265: {  	s4 =	sshrl.u32 @!p0 s4, $0x19;
	p1 =	por @!p0 !p1, !p1  }
0x266: {  	s6 =	simm.s32 @!p0 $0x1;
	s0 =	sadd.s32 @!p0 s4, s0;
	p1 =	por !p1, p0  }
0x267: {  	s0 =	sshrl.u32 @!p0 s0, $0x7;
	s6 =	simm.s32 @p1 $0x0  }
0x268: {  	s0 =	ssub.s32 @!p0 s0, s6  }
0x269: {  	s15 =	simm.s32 @!p0 $0xF4280;
	s9 =	rddreg [dreg:$0x13];
	s0 =	sshll.u32 @!p0 s0, $0x7  }
0x26a: {  	s12 =	simm.s32 @!p0 $0x80;
	s4 =	rddreg [dreg:$0xd];
	s0 =	sand.u32 @!p0 $0x1FFFFF80, s0  }
0x26b: {  	v38, _, _ =	vpop (xrf2);
	s4 =	sshrl.u32 @!p0 s4, $0x3;
	s6 =	simm.s32 @!p0 $0x8;
	s0 =	sadd.s32 @!p0 s2, s0  }
0x26c: {  	[spmem:s4@s12], [sflag:s9] =	dma.strided @!p0 [hbm:s0@s15], $0x400, s6, $0x10   }
0x26d: {  	_ =	swait.ge [sflag:s29], $0x2000  }
0x26e: {  	[sflag:s29] =	ssyncset.done $0x0  }
0x26f: {  	[sflag:s29] =	ssyncadd.s32 $0xFFFFE000  }
0x270: {  	_ =	swait.ge [sflag:s24], $0x400  }
0x271: {  	[sflag:s24] =	ssyncset.done $0x0  }
0x272: {  	[sflag:s24] =	ssyncadd.s32 $0xFFFFFC00  }
0x273: {  	v62 =	vld [tilespmem:s28+$0x287];
	_ =	sdelay $0x4  }
0x274: {  	(v2sf) =	vpush v62, $0x0;
	_ =	sdelay $0xe  }
0x275: {  	s25 =	sand.u32 $0xE, s7;
	s6 =	spop (v2sf)  }
0x276: {  	v63 =	vmov s25;
	v38 =	vbroadcast v38, $0xF;
	s26 =	sand.u32 $0x70, s6  }
0x277: {  	vm0 =	veq.s32 v63, v0;
	s28 =	sor.u32 $0x7, s28;
	s4 =	sadd.s32 s26, s11  }
0x278: {  	s7 =	simm.s32 $0x200;
	v37 =	vsel vm0, v38, v37;
	s15 =	simm.s32 $0x107F0;
	v38 =	vld [tilespmem:s28+$0x0];
	s12 =	sadd.s32 $0x0, s4  }
.LBB2_17:
0x279: {  	[tilespmem:s15], [sflag:$0xD] =	stream.linear.gather [spmem:s12], $0x10, $0x38;
	[tilespmem:$0x1A780] =	vst v63  }
0x27a: {  	s0 =	smov.u32 s7;
	p0 =	sne.s32 s7, $0x7E00  }
.Ltmp7:
0x27b: {  	s7 =	sadd.s32 $0x200, s7;
	(pc) =	sbr.rel @p0 .LBB2_17-.Ltmp7, $3  }
0x27c: {  	_ =	sdelay $0x1  }
0x27d: {  	s0 =	sshra.s32 s0, $0x2  }
0x27e: {  	s12 =	sadd.s32 s0, s4;
	s15 =	sadd.s32 $0x107F0, s0  }
0x27f: {  	(v2sf) =	vpush v38, $0x0;
	_ =	sdelay $0xd  }
0x280: {  	s4 =	sand.u32 $0xF, s6  }
0x281: {  	s4 =	sor.u32 $0x70, s4;
	s0 =	spop (v2sf)  }
0x282: {  	v39 =	vor.u32 s4, v1;
	s0 =	sand.u32 $0x7F, s0  }
0x283: {  	[tilespmem:s15], [sflag:$0xD] =	stream.linear.gather [spmem:s12], $0x10, $0x38;
	v58 =	vor.u32 s0, v29;
	[tilespmem:$0x1A780] =	vst v63  }
0x284: {  	v41 =	vor.u32 s4, v2;
	_ =	swait.ge [sflag:s14], $0x400  }
0x285: {  	v40 =	vor.u32 s0, v30;
	[sflag:s14] =	ssyncset.done $0x0  }
0x286: {  	v43 =	vor.u32 s4, v3;
	[sflag:s14] =	ssyncadd.s32 $0xFFFFFC00  }
0x287: {  	v42 =	vor.u32 s0, v31;
	v39 =	vld.idx.msk [tilespmem:v39+s3+$0x0], $0xffff  }
0x288: {  	v45 =	vor.u32 s4, v4;
	v38 =	vld.idx.msk [tilespmem:v58+s20+$0x0], $0xffff  }
0x289: {  	v44 =	vor.u32 s0, v32;
	v41 =	vld.idx.msk [tilespmem:v41+s3+$0x0], $0xffff  }
0x28a: {  	v40 =	vld.idx.msk [tilespmem:v40+s20+$0x0], $0xffff  }
0x28b: {  	v43 =	vld.idx.msk [tilespmem:v43+s3+$0x0], $0xffff  }
0x28c: {  	v42 =	vld.idx.msk [tilespmem:v42+s20+$0x0], $0xffff  }
0x28d: {  	v60 =	vld.idx.msk [tilespmem:v45+s3+$0x0], $0xffff;
	v38 =	vmul.f32 v39, v38  }
0x28e: {  	v59 =	vld.idx.msk [tilespmem:v44+s20+$0x0], $0xffff  }
0x28f: {  	v40 =	vmul.f32 v41, v40;
	v38 =	vmul.f32 v38, v33;
	_ =	sdelay $0x1  }
0x290: {  	v61 =	vmul.f32 v43, v42;
	v40 =	vmul.f32 v40, v34;
	v38 =	vadd.f32 $0.0e+00, v38;
	_ =	sdelay $0x1  }
0x291: {  	v39 =	vmul.f32 v60, v59;
	v62 =	vmul.f32 v61, v35;
	v38 =	vadd.f32 v40, v38;
	_ =	sdelay $0x1  }
0x292: {  	v39 =	vmul.f32 v39, v36;
	v38 =	vadd.f32 v62, v38;
	_ =	sdelay $0x1  }
0x293: {  	v38 =	vadd.f32 v39, v38;
	_ =	sdelay $0x1  }
0x294: {  	(xrf2) =	vadd.scan.msk.f32 $0xffff, v38;
	_ =	sdelay $0x6  }
0x295: {  	p0 =	seq.s32 s13, $0x0  }
0x296: {  	s0 =	sshll.u32 @!p0 s19, $0x3;
	s19 =	sadd.s32 $0x1, s19  }
0x297: {  	p1 =	sne.s32 s19, $0x40  }
.Ltmp8:
0x298: {  	s28 =	sor.u32 $0x7, s13;
	v38, _, _ =	vpop (xrf2);
	(pc) =	sbr.rel @p1 .LBB2_2-.Ltmp8, $4  }
0x299: {  	v63 =	vmov s28;
	v38 =	vbroadcast v38, $0xF  }
0x29a: {  	vm0 =	veq.s32 v63, v0  }
0x29b: {  	s0 =	sand.u32 @!p0 $0x1F0, s0;
	v37 =	vsel vm0, v38, v37  }
0x29c: {  	[tilespmem:s0+$0x580] =	vst @!p0 v37  }
0x29d: {  	s12 =	simm.s32 $0x0;
	s0 =	rddreg [dreg:$0xa];
	s4 =	simm.s32 $0x580  }
0x29e: {  	[hbm4b:s0+s12] =	stream.linear.scatter [tilespmem:s4], [sflag:$0xD], $0x200, $0x38;
	[tilespmem:$0x1A780] =	vst v63  }
0x29f: {  	_ =	swait.ge [sflag:s14], $0x200  }
0x2a0: {  	s26 =	rddreg [dreg:$0xe]  }
0x2a1: {  	s28 =	rddreg [dreg:$0xb];
	s4 =	sadd.s32 $0x1, s26  }
0x2a2: {  	p0 =	sne.s32 s4, s28  }
.Ltmp9:
0x2a3: {  	_ = 	snop;
	(pc) =	sbr.rel @p0 .LBB2_1-.Ltmp9, $3  }
0x2a4: {  	_ =	sdelay $0x1  }
0x2a5: {  	[sflag:s14] =	ssyncset.done $0x0  }
0x2a6: {  	[sflag:s14] =	ssyncadd.s32 $0xFFFFFE00  }
0x2a7: {  	_ =	sfence.sel $0x180000  }
0x2a8: {  	[bflag:$0x0] =	sbarrier.arrive $0xFFFF  }
0x2a9: {  	_ =	strace $0x90000047  }
0x2aa: {  	s0 =	stileid.u32;
	[bflag:$0x2] =	sbarrier.arrive $0xFFFF  }
0x2ab: {  	p0 =	sne.s32 s0, $0x0;
	s0 =	rddreg [dreg:$0x7]  }
0x2ac: {  	s0 =	sadd.s32 @!p0 $0x100000, s0  }
0x2ad: {  	[sflag:s0] =	ssyncadd.tile.s32 @!p0 $0x1;
	_ =	shalt  }
.Lfunc_end2:
_tile_overlayer_lowered:
.L_overlay_start_2:
0x2ae: {  	(tag) =	ssettag $0x2  }
0x2af: {  	s0 =	rddreg [dreg:$0x0];
	s2 =	stileid.u32  }
0x2b0: {  	s1 =	rddreg [dreg:$0x1];
	p0 =	sne.s32 s2, $0x0  }
0x2b1: {  	s3 =	rddreg [dreg:$0x2];
	[bflag:$0x3] =	sbarrier.arrive $0xFFFF;
	s2 =	simm.s32 @!p0 $0x1C0D  }
0x2b2: {  	[timem:s3], [sflag:s2] =	dma.local @!p0 [hbm:s0], s1  }
0x2b3: {  	s0 =	simm.s32 @!p0 $0xD  }
0x2b4: {  	_ =	swait.ge @!p0 [sflag:s0], s1  }
0x2b5: {  	s1 =	ssub.s32 @!p0 $0x0, s1;
	[sflag:s0] =	ssyncset.done @!p0 $0x0  }
0x2b6: {  	[sflag:s0] =	ssyncadd.s32 @!p0 s1  }
0x2b7: {  	[bflag:$0x3] =	sbarrier.arrive $0xFFFF  }
0x2b8: {  	_ =	shalt  }

</sc_bundles>
